<compile_context>
chip_gen: v7x
topology: tpu7x:2x2x1
jax: 0.10.2.dev20260603
libtpu: 0.0.44.dev20260713+nightly
codegen_flags: <defaults>
</compile_context>

<pallas_src>
import functools

import jax
import jax.numpy as jnp
from jax import lax
from jax.experimental import pallas as pl
from jax.experimental.pallas import tpu as pltpu
from jax.experimental.pallas import tpu_sc as plsc

_TL = 0.6
_L = 2.0

_B = 4
_HW = 576
_C = 384
_NC = 2
_NS = 16
_LANES = 16
_NW = _NC * _NS
_NGRP = _B * _HW // _LANES
_GRP_PER_W = -(-_NGRP // _NW)
_CBLK = _HW // _LANES


def _dist_body(x_ref, d_ref):
    fm = x_ref[0]
    sq = jnp.sum(fm * fm, axis=1, keepdims=True)
    gram = lax.dot_general(
        fm, fm,
        dimension_numbers=(((1,), (1,)), ((), ())),
        preferred_element_type=jnp.float32,
    )
    d2 = sq + sq.T - 2.0 * gram
    d_ref[0] = jnp.sqrt(jnp.maximum(d2, 1e-12))


_sc_mesh = plsc.VectorSubcoreMesh(
    core_axis_name="c", subcore_axis_name="s",
    num_cores=_NC, num_subcores=_NS,
)


def _insert3(m1, m2, m3, v):
    t1 = jnp.minimum(m1, v)
    h1 = jnp.maximum(m1, v)
    t2 = jnp.minimum(m2, h1)
    h2 = jnp.maximum(m2, h1)
    t3 = jnp.minimum(m3, h2)
    return t1, t2, t3


@functools.partial(
    pl.kernel,
    out_type=jax.ShapeDtypeStruct((_NGRP, _LANES), jnp.float32),
    mesh=_sc_mesh,
    compiler_params=pltpu.CompilerParams(needs_layout_passes=False),
    scratch_types=[
        pltpu.VMEM((2, _LANES, _HW), jnp.float32),
        pltpu.VMEM((_GRP_PER_W, _LANES), jnp.float32),
        pltpu.SemaphoreType.DMA,
        pltpu.SemaphoreType.DMA,
        pltpu.SemaphoreType.DMA,
    ],
)
def _sc_select(d_hbm, out_hbm, slabs, obuf, sem0, sem1, osem):
    wid = lax.axis_index("s") * _NC + lax.axis_index("c")
    iot = lax.iota(jnp.int32, _LANES)
    inf = jnp.full((_LANES,), jnp.inf, jnp.float32)
    zero = jnp.zeros((_LANES,), jnp.float32)
    rot_idx = [(iot + sh) & (_LANES - 1) for sh in (8, 4, 2, 1)]
    sems = (sem0, sem1)

    def group_of(k):
        if k == _GRP_PER_W - 1:
            return _NGRP - _NW + wid
        return wid + _NW * k

    def _rot(v, idx):
        return v.at[idx].get(mode="promise_in_bounds")

    in_flight = [pltpu.async_copy(d_hbm.at[group_of(0)], slabs.at[0], sem0)]
    out_handles = []

    for k in range(_GRP_PER_W):
        g = group_of(k)
        in_flight[0].wait()
        if k + 1 < _GRP_PER_W:
            in_flight[0] = pltpu.async_copy(
                d_hbm.at[group_of(k + 1)], slabs.at[(k + 1) % 2],
                sems[(k + 1) % 2])

        slab = slabs.at[k % 2]

        def row_body(r, resvec):
            m1, m2, m3, mx = inf, inf, inf, zero
            for t in range(_CBLK):
                v = slab[r, pl.ds(t * _LANES, _LANES)]
                m1, m2, m3 = _insert3(m1, m2, m3, v)
                mx = jnp.maximum(mx, v)
            for idx in rot_idx:
                r1, r2, r3 = _rot(m1, idx), _rot(m2, idx), _rot(m3, idx)
                rx = _rot(mx, idx)
                m1, m2, m3 = _insert3(m1, m2, m3, r1)
                m1, m2, m3 = _insert3(m1, m2, m3, r2)
                m1, m2, m3 = _insert3(m1, m2, m3, r3)
                mx = jnp.maximum(mx, rx)
            pred = jnp.where(
                m2 / m3 < _TL,
                2.0 / (1.0 + jnp.exp(m2)),
                2.0 / (1.0 + _L * jnp.exp(mx)),
            )
            return jnp.where(iot == r, pred, resvec)

        res = lax.fori_loop(0, _LANES, row_body, zero)
        obuf[k, :] = res
        out_handles.append(
            pltpu.async_copy(obuf.at[k], out_hbm.at[g], osem))

    for h in out_handles:
        h.wait()


def kernel(x):
    b, h, w, c = x.shape
    hw = h * w
    fm = x.reshape(b, hw, c)
    d = pl.pallas_call(
        _dist_body,
        grid=(b,),
        in_specs=[pl.BlockSpec((1, hw, c), lambda i: (i, 0, 0))],
        out_specs=pl.BlockSpec((1, hw, hw), lambda i: (i, 0, 0)),
        out_shape=jax.ShapeDtypeStruct((b, hw, hw), jnp.float32),
    )(fm)
    pred = _sc_select(d.reshape(_NGRP, _LANES, hw))
    return pred.reshape(b, h, w)

# --- scband reference (transcript-rebuilt; emitter-appended) ---
"""Pipeline reference for scband-feature-correlation-matching-29953101922623 (READ-ONLY COPY).

The authoritative reference and input builder live on the scoring server;
editing this copy changes nothing except your own understanding.
"""

import jax, jax.numpy as jnp
import numpy as np

TL = 0.6
L = 2.0


def setup_inputs(seed: int = 0) -> dict:
    key = jax.random.key(seed)
    x = jax.random.normal(key, (4, 24, 24, 384), dtype=jnp.float32)
    return {"x": x}


def _fcm(feature_map, Tl=TL, l=L):
    # Faithful translation of Feature_Correlation_Matching for one feature map.
    # Original: for each spatial position i, compute L2 distance from position i
    # to every other position, sort ascending, stack -> [b, hw, hw].
    # Vectorized equivalently via the pairwise-distance identity
    # ||a-b||^2 = ||a||^2 + ||b||^2 - 2 a.b (same math, no per-row python loop).
    b, h, w, c = feature_map.shape
    fm = feature_map.reshape(b, h * w, c)
    sq = jnp.sum(fm * fm, axis=-1)                      # [b, hw]
    gram = jnp.einsum('bic,bjc->bij', fm, fm)           # [b, hw, hw]
    d2 = sq[:, :, None] + sq[:, None, :] - 2.0 * gram
    d = jnp.sqrt(jnp.maximum(d2, 1e-12))                # [b, hw, hw]
    ds = jnp.sort(d, axis=-1)                           # row i = sorted dists from pos i
    pred = jnp.where(
        ds[:, :, 1] / ds[:, :, 2] < Tl,
        2.0 / (1.0 + jnp.exp(ds[:, :, 1])),
        2.0 / (1.0 + l * jnp.exp(ds[:, :, -1])),
    )
    return pred.reshape(b, h, w)


def reference(x):
    # The original call() iterates over a list of feature maps and returns a
    # list of predictions; we pass a single feature map (one-element list).
    return _fcm(x)

if __name__ == "__main__":
    import jax
    _d = setup_inputs()
    print(jax.jit(kernel)(*tuple(_d.values())))

</pallas_src>

<mosaic_0001>
#map = affine_map<(d0, d1) -> (0, 0, 0)>
#map1 = affine_map<(d0, d1) -> (0, 0)>
module attributes {stable_mosaic.version = 14 : i64} {
  func.func @_sc_select(%arg0: i32, %arg1: i32, %arg2: memref<144x16x576xf32, #tpu.memory_space<hbm>>, %arg3: memref<144x16xf32, #tpu.memory_space<hbm>>, %arg4: memref<2x16x576xf32, #tpu.memory_space<vmem>>, %arg5: memref<5x16xf32, #tpu.memory_space<vmem>>, %arg6: memref<!tpu.dma_semaphore, #tpu.memory_space<semaphore_mem>>, %arg7: memref<!tpu.dma_semaphore, #tpu.memory_space<semaphore_mem>>, %arg8: memref<!tpu.dma_semaphore, #tpu.memory_space<semaphore_mem>>) attributes {dimension_semantics = [#tpu.dimension_semantics<core_parallel>, #tpu.dimension_semantics<subcore_parallel>], iteration_bounds = array<i64: 2, 16>, scalar_prefetch = 0 : i64, scratch_operands = 5 : i64, tpu.core_type = #tpu.core_type<sc_vector_subcore>, window_params = [{transform_indices = #map}, {transform_indices = #map1}]} {
    %mul3A = arith.constant 2 : i32
    %mul3A_0 = arith.muli %arg1, %mul3A : i32
    %add3A = arith.addi %mul3A_0, %arg0 : i32
    %iota3A = tpu.iota {dimensions = array<i32: 0>} : vector<16xi32>
    %broadcast_in_dim3A = arith.constant 0x7F800000 : f32
    %broadcast_in_dim3A_1 = vector.broadcast %broadcast_in_dim3A : f32 to vector<16xf32>
    %broadcast_in_dim3A_2 = arith.constant 0.000000e+00 : f32
    %broadcast_in_dim3A_3 = vector.broadcast %broadcast_in_dim3A_2 : f32 to vector<16xf32>
    %add3A_4 = arith.constant 8 : i32
    %add3A_5 = vector.broadcast %add3A_4 : i32 to vector<16xi32>
    %add3A_6 = arith.addi %iota3A, %add3A_5 : vector<16xi32>
    %and3A = arith.constant 15 : i32
    %and3A_7 = vector.broadcast %and3A : i32 to vector<16xi32>
    %and3A_8 = arith.andi %add3A_6, %and3A_7 : vector<16xi32>
    %add3A_9 = arith.constant 4 : i32
    %add3A_10 = vector.broadcast %add3A_9 : i32 to vector<16xi32>
    %add3A_11 = arith.addi %iota3A, %add3A_10 : vector<16xi32>
    %and3A_12 = arith.constant 15 : i32
    %and3A_13 = vector.broadcast %and3A_12 : i32 to vector<16xi32>
    %and3A_14 = arith.andi %add3A_11, %and3A_13 : vector<16xi32>
    %add3A_15 = arith.constant 2 : i32
    %add3A_16 = vector.broadcast %add3A_15 : i32 to vector<16xi32>
    %add3A_17 = arith.addi %iota3A, %add3A_16 : vector<16xi32>
    %and3A_18 = arith.constant 15 : i32
    %and3A_19 = vector.broadcast %and3A_18 : i32 to vector<16xi32>
    %and3A_20 = arith.andi %add3A_17, %and3A_19 : vector<16xi32>
    %add3A_21 = arith.constant 1 : i32
    %add3A_22 = vector.broadcast %add3A_21 : i32 to vector<16xi32>
    %add3A_23 = arith.addi %iota3A, %add3A_22 : vector<16xi32>
    %and3A_24 = arith.constant 15 : i32
    %and3A_25 = vector.broadcast %and3A_24 : i32 to vector<16xi32>
    %and3A_26 = arith.andi %add3A_23, %and3A_25 : vector<16xi32>
    %add3A_27 = arith.constant 0 : i32
    %add3A_28 = arith.addi %add3A, %add3A_27 : i32
    %dma_start3A = arith.constant 0 : i32
    %dma_start3A_29 = arith.constant 0 : i32
    %dma_start3A_30 = arith.constant 0 : i32
    %dma_start3A_31 = tpu.memref_slice %arg4[%dma_start3A, %dma_start3A_29, %dma_start3A_30] : memref<2x16x576xf32, #tpu.memory_space<vmem>> -> memref<1x16x576xf32, #tpu.memory_space<vmem>>
    %dma_start3A_32 = tpu.memref_squeeze %dma_start3A_31 : memref<1x16x576xf32, #tpu.memory_space<vmem>> -> memref<16x576xf32, #tpu.memory_space<vmem>>
    %dma_start3A_33 = arith.constant 0 : i32
    %dma_start3A_34 = arith.constant 0 : i32
    %dma_start3A_35 = tpu.memref_slice %arg2[%add3A_28, %dma_start3A_33, %dma_start3A_34] : memref<144x16x576xf32, #tpu.memory_space<hbm>> -> memref<1x16x576xf32, #tpu.memory_space<hbm>>
    %dma_start3A_36 = tpu.memref_squeeze %dma_start3A_35 : memref<1x16x576xf32, #tpu.memory_space<hbm>> -> memref<16x576xf32, #tpu.memory_space<hbm>>
    %dma_start3A_37 = arith.constant 0 : i32
    %dma_start3A_38 = arith.constant 0 : i32
    %dma_start3A_39 = tpu.memref_slice %arg4[%dma_start3A, %dma_start3A_37, %dma_start3A_38] : memref<2x16x576xf32, #tpu.memory_space<vmem>> -> memref<1x16x576xf32, #tpu.memory_space<vmem>>
    %dma_start3A_40 = tpu.memref_squeeze %dma_start3A_39 : memref<1x16x576xf32, #tpu.memory_space<vmem>> -> memref<16x576xf32, #tpu.memory_space<vmem>>
    %dma_start3A_41 = arith.constant 0 : i32
    %dma_start3A_42 = arith.constant 0 : i32
    %dma_start3A_43 = tpu.memref_slice %arg2[%add3A_28, %dma_start3A_41, %dma_start3A_42] : memref<144x16x576xf32, #tpu.memory_space<hbm>> -> memref<1x16x576xf32, #tpu.memory_space<hbm>>
    %dma_start3A_44 = tpu.memref_squeeze %dma_start3A_43 : memref<1x16x576xf32, #tpu.memory_space<hbm>> -> memref<16x576xf32, #tpu.memory_space<hbm>>
    tpu.enqueue_dma source(%dma_start3A_44 : memref<16x576xf32, #tpu.memory_space<hbm>>) target(%dma_start3A_40 : memref<16x576xf32, #tpu.memory_space<vmem>>) target_semaphore(%arg6 : memref<!tpu.dma_semaphore, #tpu.memory_space<semaphore_mem>>)
    %add3A_45 = arith.constant 0 : i32
    %add3A_46 = arith.addi %add3A, %add3A_45 : i32
    %dma_wait3A = arith.constant 0 : i32
    %dma_wait3A_47 = arith.constant 0 : i32
    %dma_wait3A_48 = arith.constant 0 : i32
    %dma_wait3A_49 = tpu.memref_slice %arg4[%dma_wait3A, %dma_wait3A_47, %dma_wait3A_48] : memref<2x16x576xf32, #tpu.memory_space<vmem>> -> memref<1x16x576xf32, #tpu.memory_space<vmem>>
    %dma_wait3A_50 = tpu.memref_squeeze %dma_wait3A_49 : memref<1x16x576xf32, #tpu.memory_space<vmem>> -> memref<16x576xf32, #tpu.memory_space<vmem>>
    %dma_wait3A_51 = arith.constant 0 : i32
    %dma_wait3A_52 = arith.constant 0 : i32
    %dma_wait3A_53 = tpu.memref_slice %arg2[%add3A_28, %dma_wait3A_51, %dma_wait3A_52] : memref<144x16x576xf32, #tpu.memory_space<hbm>> -> memref<1x16x576xf32, #tpu.memory_space<hbm>>
    %dma_wait3A_54 = tpu.memref_squeeze %dma_wait3A_53 : memref<1x16x576xf32, #tpu.memory_space<hbm>> -> memref<16x576xf32, #tpu.memory_space<hbm>>
    %dma_wait3A_55 = arith.constant 0 : i32
    %dma_wait3A_56 = arith.constant 0 : i32
    %dma_wait3A_57 = tpu.memref_slice %arg4[%dma_wait3A, %dma_wait3A_55, %dma_wait3A_56] : memref<2x16x576xf32, #tpu.memory_space<vmem>> -> memref<1x16x576xf32, #tpu.memory_space<vmem>>
    %dma_wait3A_58 = tpu.memref_squeeze %dma_wait3A_57 : memref<1x16x576xf32, #tpu.memory_space<vmem>> -> memref<16x576xf32, #tpu.memory_space<vmem>>
    %dma_wait3A_59 = arith.constant 0 : i32
    %dma_wait3A_60 = arith.constant 0 : i32
    %dma_wait3A_61 = tpu.memref_slice %arg2[%add3A_28, %dma_wait3A_59, %dma_wait3A_60] : memref<144x16x576xf32, #tpu.memory_space<hbm>> -> memref<1x16x576xf32, #tpu.memory_space<hbm>>
    %dma_wait3A_62 = tpu.memref_squeeze %dma_wait3A_61 : memref<1x16x576xf32, #tpu.memory_space<hbm>> -> memref<16x576xf32, #tpu.memory_space<hbm>>
    tpu.wait_dma2 semaphore(%arg6 : memref<!tpu.dma_semaphore, #tpu.memory_space<semaphore_mem>>) src(%dma_wait3A_62 : memref<16x576xf32, #tpu.memory_space<hbm>>) dst(%dma_wait3A_58 : memref<16x576xf32, #tpu.memory_space<vmem>>)
    %add3A_63 = arith.constant 32 : i32
    %add3A_64 = arith.addi %add3A, %add3A_63 : i32
    %dma_start3A_65 = arith.constant 1 : i32
    %dma_start3A_66 = arith.constant 0 : i32
    %dma_start3A_67 = arith.constant 0 : i32
    %dma_start3A_68 = tpu.memref_slice %arg4[%dma_start3A_65, %dma_start3A_66, %dma_start3A_67] : memref<2x16x576xf32, #tpu.memory_space<vmem>> -> memref<1x16x576xf32, #tpu.memory_space<vmem>>
    %dma_start3A_69 = tpu.memref_squeeze %dma_start3A_68 : memref<1x16x576xf32, #tpu.memory_space<vmem>> -> memref<16x576xf32, #tpu.memory_space<vmem>>
    %dma_start3A_70 = arith.constant 0 : i32
    %dma_start3A_71 = arith.constant 0 : i32
    %dma_start3A_72 = tpu.memref_slice %arg2[%add3A_64, %dma_start3A_70, %dma_start3A_71] : memref<144x16x576xf32, #tpu.memory_space<hbm>> -> memref<1x16x576xf32, #tpu.memory_space<hbm>>
    %dma_start3A_73 = tpu.memref_squeeze %dma_start3A_72 : memref<1x16x576xf32, #tpu.memory_space<hbm>> -> memref<16x576xf32, #tpu.memory_space<hbm>>
    %dma_start3A_74 = arith.constant 0 : i32
    %dma_start3A_75 = arith.constant 0 : i32
    %dma_start3A_76 = tpu.memref_slice %arg4[%dma_start3A_65, %dma_start3A_74, %dma_start3A_75] : memref<2x16x576xf32, #tpu.memory_space<vmem>> -> memref<1x16x576xf32, #tpu.memory_space<vmem>>
    %dma_start3A_77 = tpu.memref_squeeze %dma_start3A_76 : memref<1x16x576xf32, #tpu.memory_space<vmem>> -> memref<16x576xf32, #tpu.memory_space<vmem>>
    %dma_start3A_78 = arith.constant 0 : i32
    %dma_start3A_79 = arith.constant 0 : i32
    %dma_start3A_80 = tpu.memref_slice %arg2[%add3A_64, %dma_start3A_78, %dma_start3A_79] : memref<144x16x576xf32, #tpu.memory_space<hbm>> -> memref<1x16x576xf32, #tpu.memory_space<hbm>>
    %dma_start3A_81 = tpu.memref_squeeze %dma_start3A_80 : memref<1x16x576xf32, #tpu.memory_space<hbm>> -> memref<16x576xf32, #tpu.memory_space<hbm>>
    tpu.enqueue_dma source(%dma_start3A_81 : memref<16x576xf32, #tpu.memory_space<hbm>>) target(%dma_start3A_77 : memref<16x576xf32, #tpu.memory_space<vmem>>) target_semaphore(%arg7 : memref<!tpu.dma_semaphore, #tpu.memory_space<semaphore_mem>>)
    %scan3A = arith.constant 0 : i32
    %scan3A_82 = arith.constant 0 : i32
    %scan3A_83 = arith.constant 16 : i32
    %scan3A_84 = arith.addi %scan3A_82, %scan3A_83 : i32
    %scan3A_85 = arith.constant 1 : i32
    %scan3A_86 = scf.for %scan3A_398 = %scan3A_82 to %scan3A_84 step %scan3A_85 iter_args(%scan3A_399 = %broadcast_in_dim3A_3) -> (vector<16xf32>)  : i32 {
      %get3A = arith.constant 0 : i32
      %get3A_400 = arith.constant 0 : i32
      %get3A_401 = tpu.memref_slice %arg4[%scan3A, %get3A, %get3A_400] : memref<2x16x576xf32, #tpu.memory_space<vmem>> -> memref<1x16x576xf32, #tpu.memory_space<vmem>>
      %get3A_402 = tpu.memref_squeeze %get3A_401 : memref<1x16x576xf32, #tpu.memory_space<vmem>> -> memref<16x576xf32, #tpu.memory_space<vmem>>
      %get3A_403 = arith.index_cast %scan3A_398 : i32 to index
      %get3A_404 = arith.constant 0 : index
      %get3A_405 = tpu.vector_load %get3A_402[%get3A_403, %get3A_404] {strides = array<i32>} : memref<16x576xf32, #tpu.memory_space<vmem>>, vector<16xf32>,
      %min3A = arith.minimumf %broadcast_in_dim3A_1, %get3A_405 : vector<16xf32>
      %max3A = arith.maximumf %broadcast_in_dim3A_1, %get3A_405 : vector<16xf32>
      %min3A_406 = arith.minimumf %broadcast_in_dim3A_1, %max3A : vector<16xf32>
      %max3A_407 = arith.maximumf %broadcast_in_dim3A_1, %max3A : vector<16xf32>
      %min3A_408 = arith.minimumf %broadcast_in_dim3A_1, %max3A_407 : vector<16xf32>
      %max3A_409 = arith.maximumf %broadcast_in_dim3A_3, %get3A_405 : vector<16xf32>
      %get3A_410 = arith.constant 0 : i32
      %get3A_411 = arith.constant 0 : i32
      %get3A_412 = tpu.memref_slice %arg4[%scan3A, %get3A_410, %get3A_411] : memref<2x16x576xf32, #tpu.memory_space<vmem>> -> memref<1x16x576xf32, #tpu.memory_space<vmem>>
      %get3A_413 = tpu.memref_squeeze %get3A_412 : memref<1x16x576xf32, #tpu.memory_space<vmem>> -> memref<16x576xf32, #tpu.memory_space<vmem>>
      %get3A_414 = arith.index_cast %scan3A_398 : i32 to index
      %get3A_415 = arith.constant 16 : index
      %get3A_416 = tpu.vector_load %get3A_413[%get3A_414, %get3A_415] {strides = array<i32>} : memref<16x576xf32, #tpu.memory_space<vmem>>, vector<16xf32>,
      %min3A_417 = arith.minimumf %min3A, %get3A_416 : vector<16xf32>
      %max3A_418 = arith.maximumf %min3A, %get3A_416 : vector<16xf32>
      %min3A_419 = arith.minimumf %min3A_406, %max3A_418 : vector<16xf32>
      %max3A_420 = arith.maximumf %min3A_406, %max3A_418 : vector<16xf32>
      %min3A_421 = arith.minimumf %min3A_408, %max3A_420 : vector<16xf32>
      %max3A_422 = arith.maximumf %max3A_409, %get3A_416 : vector<16xf32>
      %get3A_423 = arith.constant 0 : i32
      %get3A_424 = arith.constant 0 : i32
      %get3A_425 = tpu.memref_slice %arg4[%scan3A, %get3A_423, %get3A_424] : memref<2x16x576xf32, #tpu.memory_space<vmem>> -> memref<1x16x576xf32, #tpu.memory_space<vmem>>
      %get3A_426 = tpu.memref_squeeze %get3A_425 : memref<1x16x576xf32, #tpu.memory_space<vmem>> -> memref<16x576xf32, #tpu.memory_space<vmem>>
      %get3A_427 = arith.index_cast %scan3A_398 : i32 to index
      %get3A_428 = arith.constant 32 : index
      %get3A_429 = tpu.vector_load %get3A_426[%get3A_427, %get3A_428] {strides = array<i32>} : memref<16x576xf32, #tpu.memory_space<vmem>>, vector<16xf32>,
      %min3A_430 = arith.minimumf %min3A_417, %get3A_429 : vector<16xf32>
      %max3A_431 = arith.maximumf %min3A_417, %get3A_429 : vector<16xf32>
      %min3A_432 = arith.minimumf %min3A_419, %max3A_431 : vector<16xf32>
      %max3A_433 = arith.maximumf %min3A_419, %max3A_431 : vector<16xf32>
      %min3A_434 = arith.minimumf %min3A_421, %max3A_433 : vector<16xf32>
      %max3A_435 = arith.maximumf %max3A_422, %get3A_429 : vector<16xf32>
      %get3A_436 = arith.constant 0 : i32
      %get3A_437 = arith.constant 0 : i32
      %get3A_438 = tpu.memref_slice %arg4[%scan3A, %get3A_436, %get3A_437] : memref<2x16x576xf32, #tpu.memory_space<vmem>> -> memref<1x16x576xf32, #tpu.memory_space<vmem>>
      %get3A_439 = tpu.memref_squeeze %get3A_438 : memref<1x16x576xf32, #tpu.memory_space<vmem>> -> memref<16x576xf32, #tpu.memory_space<vmem>>
      %get3A_440 = arith.index_cast %scan3A_398 : i32 to index
      %get3A_441 = arith.constant 48 : index
      %get3A_442 = tpu.vector_load %get3A_439[%get3A_440, %get3A_441] {strides = array<i32>} : memref<16x576xf32, #tpu.memory_space<vmem>>, vector<16xf32>,
      %min3A_443 = arith.minimumf %min3A_430, %get3A_442 : vector<16xf32>
      %max3A_444 = arith.maximumf %min3A_430, %get3A_442 : vector<16xf32>
      %min3A_445 = arith.minimumf %min3A_432, %max3A_444 : vector<16xf32>
      %max3A_446 = arith.maximumf %min3A_432, %max3A_444 : vector<16xf32>
      %min3A_447 = arith.minimumf %min3A_434, %max3A_446 : vector<16xf32>
      %max3A_448 = arith.maximumf %max3A_435, %get3A_442 : vector<16xf32>
      %get3A_449 = arith.constant 0 : i32
      %get3A_450 = arith.constant 0 : i32
      %get3A_451 = tpu.memref_slice %arg4[%scan3A, %get3A_449, %get3A_450] : memref<2x16x576xf32, #tpu.memory_space<vmem>> -> memref<1x16x576xf32, #tpu.memory_space<vmem>>
      %get3A_452 = tpu.memref_squeeze %get3A_451 : memref<1x16x576xf32, #tpu.memory_space<vmem>> -> memref<16x576xf32, #tpu.memory_space<vmem>>
      %get3A_453 = arith.index_cast %scan3A_398 : i32 to index
      %get3A_454 = arith.constant 64 : index
      %get3A_455 = tpu.vector_load %get3A_452[%get3A_453, %get3A_454] {strides = array<i32>} : memref<16x576xf32, #tpu.memory_space<vmem>>, vector<16xf32>,
      %min3A_456 = arith.minimumf %min3A_443, %get3A_455 : vector<16xf32>
      %max3A_457 = arith.maximumf %min3A_443, %get3A_455 : vector<16xf32>
      %min3A_458 = arith.minimumf %min3A_445, %max3A_457 : vector<16xf32>
      %max3A_459 = arith.maximumf %min3A_445, %max3A_457 : vector<16xf32>
      %min3A_460 = arith.minimumf %min3A_447, %max3A_459 : vector<16xf32>
      %max3A_461 = arith.maximumf %max3A_448, %get3A_455 : vector<16xf32>
      %get3A_462 = arith.constant 0 : i32
      %get3A_463 = arith.constant 0 : i32
      %get3A_464 = tpu.memref_slice %arg4[%scan3A, %get3A_462, %get3A_463] : memref<2x16x576xf32, #tpu.memory_space<vmem>> -> memref<1x16x576xf32, #tpu.memory_space<vmem>>
      %get3A_465 = tpu.memref_squeeze %get3A_464 : memref<1x16x576xf32, #tpu.memory_space<vmem>> -> memref<16x576xf32, #tpu.memory_space<vmem>>
      %get3A_466 = arith.index_cast %scan3A_398 : i32 to index
      %get3A_467 = arith.constant 80 : index
      %get3A_468 = tpu.vector_load %get3A_465[%get3A_466, %get3A_467] {strides = array<i32>} : memref<16x576xf32, #tpu.memory_space<vmem>>, vector<16xf32>,
      %min3A_469 = arith.minimumf %min3A_456, %get3A_468 : vector<16xf32>
      %max3A_470 = arith.maximumf %min3A_456, %get3A_468 : vector<16xf32>
      %min3A_471 = arith.minimumf %min3A_458, %max3A_470 : vector<16xf32>
      %max3A_472 = arith.maximumf %min3A_458, %max3A_470 : vector<16xf32>
      %min3A_473 = arith.minimumf %min3A_460, %max3A_472 : vector<16xf32>
      %max3A_474 = arith.maximumf %max3A_461, %get3A_468 : vector<16xf32>
      %get3A_475 = arith.constant 0 : i32
      %get3A_476 = arith.constant 0 : i32
      %get3A_477 = tpu.memref_slice %arg4[%scan3A, %get3A_475, %get3A_476] : memref<2x16x576xf32, #tpu.memory_space<vmem>> -> memref<1x16x576xf32, #tpu.memory_space<vmem>>
      %get3A_478 = tpu.memref_squeeze %get3A_477 : memref<1x16x576xf32, #tpu.memory_space<vmem>> -> memref<16x576xf32, #tpu.memory_space<vmem>>
      %get3A_479 = arith.index_cast %scan3A_398 : i32 to index
      %get3A_480 = arith.constant 96 : index
      %get3A_481 = tpu.vector_load %get3A_478[%get3A_479, %get3A_480] {strides = array<i32>} : memref<16x576xf32, #tpu.memory_space<vmem>>, vector<16xf32>,
      %min3A_482 = arith.minimumf %min3A_469, %get3A_481 : vector<16xf32>
      %max3A_483 = arith.maximumf %min3A_469, %get3A_481 : vector<16xf32>
      %min3A_484 = arith.minimumf %min3A_471, %max3A_483 : vector<16xf32>
      %max3A_485 = arith.maximumf %min3A_471, %max3A_483 : vector<16xf32>
      %min3A_486 = arith.minimumf %min3A_473, %max3A_485 : vector<16xf32>
      %max3A_487 = arith.maximumf %max3A_474, %get3A_481 : vector<16xf32>
      %get3A_488 = arith.constant 0 : i32
      %get3A_489 = arith.constant 0 : i32
      %get3A_490 = tpu.memref_slice %arg4[%scan3A, %get3A_488, %get3A_489] : memref<2x16x576xf32, #tpu.memory_space<vmem>> -> memref<1x16x576xf32, #tpu.memory_space<vmem>>
      %get3A_491 = tpu.memref_squeeze %get3A_490 : memref<1x16x576xf32, #tpu.memory_space<vmem>> -> memref<16x576xf32, #tpu.memory_space<vmem>>
      %get3A_492 = arith.index_cast %scan3A_398 : i32 to index
      %get3A_493 = arith.constant 112 : index
      %get3A_494 = tpu.vector_load %get3A_491[%get3A_492, %get3A_493] {strides = array<i32>} : memref<16x576xf32, #tpu.memory_space<vmem>>, vector<16xf32>,
      %min3A_495 = arith.minimumf %min3A_482, %get3A_494 : vector<16xf32>
      %max3A_496 = arith.maximumf %min3A_482, %get3A_494 : vector<16xf32>
      %min3A_497 = arith.minimumf %min3A_484, %max3A_496 : vector<16xf32>
      %max3A_498 = arith.maximumf %min3A_484, %max3A_496 : vector<16xf32>
      %min3A_499 = arith.minimumf %min3A_486, %max3A_498 : vector<16xf32>
      %max3A_500 = arith.maximumf %max3A_487, %get3A_494 : vector<16xf32>
      %get3A_501 = arith.constant 0 : i32
      %get3A_502 = arith.constant 0 : i32
      %get3A_503 = tpu.memref_slice %arg4[%scan3A, %get3A_501, %get3A_502] : memref<2x16x576xf32, #tpu.memory_space<vmem>> -> memref<1x16x576xf32, #tpu.memory_space<vmem>>
      %get3A_504 = tpu.memref_squeeze %get3A_503 : memref<1x16x576xf32, #tpu.memory_space<vmem>> -> memref<16x576xf32, #tpu.memory_space<vmem>>
      %get3A_505 = arith.index_cast %scan3A_398 : i32 to index
      %get3A_506 = arith.constant 128 : index
      %get3A_507 = tpu.vector_load %get3A_504[%get3A_505, %get3A_506] {strides = array<i32>} : memref<16x576xf32, #tpu.memory_space<vmem>>, vector<16xf32>,
      %min3A_508 = arith.minimumf %min3A_495, %get3A_507 : vector<16xf32>
      %max3A_509 = arith.maximumf %min3A_495, %get3A_507 : vector<16xf32>
      %min3A_510 = arith.minimumf %min3A_497, %max3A_509 : vector<16xf32>
      %max3A_511 = arith.maximumf %min3A_497, %max3A_509 : vector<16xf32>
      %min3A_512 = arith.minimumf %min3A_499, %max3A_511 : vector<16xf32>
      %max3A_513 = arith.maximumf %max3A_500, %get3A_507 : vector<16xf32>
      %get3A_514 = arith.constant 0 : i32
      %get3A_515 = arith.constant 0 : i32
      %get3A_516 = tpu.memref_slice %arg4[%scan3A, %get3A_514, %get3A_515] : memref<2x16x576xf32, #tpu.memory_space<vmem>> -> memref<1x16x576xf32, #tpu.memory_space<vmem>>
      %get3A_517 = tpu.memref_squeeze %get3A_516 : memref<1x16x576xf32, #tpu.memory_space<vmem>> -> memref<16x576xf32, #tpu.memory_space<vmem>>
      %get3A_518 = arith.index_cast %scan3A_398 : i32 to index
      %get3A_519 = arith.constant 144 : index
      %get3A_520 = tpu.vector_load %get3A_517[%get3A_518, %get3A_519] {strides = array<i32>} : memref<16x576xf32, #tpu.memory_space<vmem>>, vector<16xf32>,
      %min3A_521 = arith.minimumf %min3A_508, %get3A_520 : vector<16xf32>
      %max3A_522 = arith.maximumf %min3A_508, %get3A_520 : vector<16xf32>
      %min3A_523 = arith.minimumf %min3A_510, %max3A_522 : vector<16xf32>
      %max3A_524 = arith.maximumf %min3A_510, %max3A_522 : vector<16xf32>
      %min3A_525 = arith.minimumf %min3A_512, %max3A_524 : vector<16xf32>
      %max3A_526 = arith.maximumf %max3A_513, %get3A_520 : vector<16xf32>
      %get3A_527 = arith.constant 0 : i32
      %get3A_528 = arith.constant 0 : i32
      %get3A_529 = tpu.memref_slice %arg4[%scan3A, %get3A_527, %get3A_528] : memref<2x16x576xf32, #tpu.memory_space<vmem>> -> memref<1x16x576xf32, #tpu.memory_space<vmem>>
      %get3A_530 = tpu.memref_squeeze %get3A_529 : memref<1x16x576xf32, #tpu.memory_space<vmem>> -> memref<16x576xf32, #tpu.memory_space<vmem>>
      %get3A_531 = arith.index_cast %scan3A_398 : i32 to index
      %get3A_532 = arith.constant 160 : index
      %get3A_533 = tpu.vector_load %get3A_530[%get3A_531, %get3A_532] {strides = array<i32>} : memref<16x576xf32, #tpu.memory_space<vmem>>, vector<16xf32>,
      %min3A_534 = arith.minimumf %min3A_521, %get3A_533 : vector<16xf32>
      %max3A_535 = arith.maximumf %min3A_521, %get3A_533 : vector<16xf32>
      %min3A_536 = arith.minimumf %min3A_523, %max3A_535 : vector<16xf32>
      %max3A_537 = arith.maximumf %min3A_523, %max3A_535 : vector<16xf32>
      %min3A_538 = arith.minimumf %min3A_525, %max3A_537 : vector<16xf32>
      %max3A_539 = arith.maximumf %max3A_526, %get3A_533 : vector<16xf32>
      %get3A_540 = arith.constant 0 : i32
      %get3A_541 = arith.constant 0 : i32
      %get3A_542 = tpu.memref_slice %arg4[%scan3A, %get3A_540, %get3A_541] : memref<2x16x576xf32, #tpu.memory_space<vmem>> -> memref<1x16x576xf32, #tpu.memory_space<vmem>>
      %get3A_543 = tpu.memref_squeeze %get3A_542 : memref<1x16x576xf32, #tpu.memory_space<vmem>> -> memref<16x576xf32, #tpu.memory_space<vmem>>
      %get3A_544 = arith.index_cast %scan3A_398 : i32 to index
      %get3A_545 = arith.constant 176 : index
      %get3A_546 = tpu.vector_load %get3A_543[%get3A_544, %get3A_545] {strides = array<i32>} : memref<16x576xf32, #tpu.memory_space<vmem>>, vector<16xf32>,
      %min3A_547 = arith.minimumf %min3A_534, %get3A_546 : vector<16xf32>
      %max3A_548 = arith.maximumf %min3A_534, %get3A_546 : vector<16xf32>
      %min3A_549 = arith.minimumf %min3A_536, %max3A_548 : vector<16xf32>
      %max3A_550 = arith.maximumf %min3A_536, %max3A_548 : vector<16xf32>
      %min3A_551 = arith.minimumf %min3A_538, %max3A_550 : vector<16xf32>
      %max3A_552 = arith.maximumf %max3A_539, %get3A_546 : vector<16xf32>
      %get3A_553 = arith.constant 0 : i32
      %get3A_554 = arith.constant 0 : i32
      %get3A_555 = tpu.memref_slice %arg4[%scan3A, %get3A_553, %get3A_554] : memref<2x16x576xf32, #tpu.memory_space<vmem>> -> memref<1x16x576xf32, #tpu.memory_space<vmem>>
      %get3A_556 = tpu.memref_squeeze %get3A_555 : memref<1x16x576xf32, #tpu.memory_space<vmem>> -> memref<16x576xf32, #tpu.memory_space<vmem>>
      %get3A_557 = arith.index_cast %scan3A_398 : i32 to index
      %get3A_558 = arith.constant 192 : index
      %get3A_559 = tpu.vector_load %get3A_556[%get3A_557, %get3A_558] {strides = array<i32>} : memref<16x576xf32, #tpu.memory_space<vmem>>, vector<16xf32>,
      %min3A_560 = arith.minimumf %min3A_547, %get3A_559 : vector<16xf32>
      %max3A_561 = arith.maximumf %min3A_547, %get3A_559 : vector<16xf32>
      %min3A_562 = arith.minimumf %min3A_549, %max3A_561 : vector<16xf32>
      %max3A_563 = arith.maximumf %min3A_549, %max3A_561 : vector<16xf32>
      %min3A_564 = arith.minimumf %min3A_551, %max3A_563 : vector<16xf32>
      %max3A_565 = arith.maximumf %max3A_552, %get3A_559 : vector<16xf32>
      %get3A_566 = arith.constant 0 : i32
      %get3A_567 = arith.constant 0 : i32
      %get3A_568 = tpu.memref_slice %arg4[%scan3A, %get3A_566, %get3A_567] : memref<2x16x576xf32, #tpu.memory_space<vmem>> -> memref<1x16x576xf32, #tpu.memory_space<vmem>>
      %get3A_569 = tpu.memref_squeeze %get3A_568 : memref<1x16x576xf32, #tpu.memory_space<vmem>> -> memref<16x576xf32, #tpu.memory_space<vmem>>
      %get3A_570 = arith.index_cast %scan3A_398 : i32 to index
      %get3A_571 = arith.constant 208 : index
      %get3A_572 = tpu.vector_load %get3A_569[%get3A_570, %get3A_571] {strides = array<i32>} : memref<16x576xf32, #tpu.memory_space<vmem>>, vector<16xf32>,
      %min3A_573 = arith.minimumf %min3A_560, %get3A_572 : vector<16xf32>
      %max3A_574 = arith.maximumf %min3A_560, %get3A_572 : vector<16xf32>
      %min3A_575 = arith.minimumf %min3A_562, %max3A_574 : vector<16xf32>
      %max3A_576 = arith.maximumf %min3A_562, %max3A_574 : vector<16xf32>
      %min3A_577 = arith.minimumf %min3A_564, %max3A_576 : vector<16xf32>
      %max3A_578 = arith.maximumf %max3A_565, %get3A_572 : vector<16xf32>
      %get3A_579 = arith.constant 0 : i32
      %get3A_580 = arith.constant 0 : i32
      %get3A_581 = tpu.memref_slice %arg4[%scan3A, %get3A_579, %get3A_580] : memref<2x16x576xf32, #tpu.memory_space<vmem>> -> memref<1x16x576xf32, #tpu.memory_space<vmem>>
      %get3A_582 = tpu.memref_squeeze %get3A_581 : memref<1x16x576xf32, #tpu.memory_space<vmem>> -> memref<16x576xf32, #tpu.memory_space<vmem>>
      %get3A_583 = arith.index_cast %scan3A_398 : i32 to index
      %get3A_584 = arith.constant 224 : index
      %get3A_585 = tpu.vector_load %get3A_582[%get3A_583, %get3A_584] {strides = array<i32>} : memref<16x576xf32, #tpu.memory_space<vmem>>, vector<16xf32>,
      %min3A_586 = arith.minimumf %min3A_573, %get3A_585 : vector<16xf32>
      %max3A_587 = arith.maximumf %min3A_573, %get3A_585 : vector<16xf32>
      %min3A_588 = arith.minimumf %min3A_575, %max3A_587 : vector<16xf32>
      %max3A_589 = arith.maximumf %min3A_575, %max3A_587 : vector<16xf32>
      %min3A_590 = arith.minimumf %min3A_577, %max3A_589 : vector<16xf32>
      %max3A_591 = arith.maximumf %max3A_578, %get3A_585 : vector<16xf32>
      %get3A_592 = arith.constant 0 : i32
      %get3A_593 = arith.constant 0 : i32
      %get3A_594 = tpu.memref_slice %arg4[%scan3A, %get3A_592, %get3A_593] : memref<2x16x576xf32, #tpu.memory_space<vmem>> -> memref<1x16x576xf32, #tpu.memory_space<vmem>>
      %get3A_595 = tpu.memref_squeeze %get3A_594 : memref<1x16x576xf32, #tpu.memory_space<vmem>> -> memref<16x576xf32, #tpu.memory_space<vmem>>
      %get3A_596 = arith.index_cast %scan3A_398 : i32 to index
      %get3A_597 = arith.constant 240 : index
      %get3A_598 = tpu.vector_load %get3A_595[%get3A_596, %get3A_597] {strides = array<i32>} : memref<16x576xf32, #tpu.memory_space<vmem>>, vector<16xf32>,
      %min3A_599 = arith.minimumf %min3A_586, %get3A_598 : vector<16xf32>
      %max3A_600 = arith.maximumf %min3A_586, %get3A_598 : vector<16xf32>
      %min3A_601 = arith.minimumf %min3A_588, %max3A_600 : vector<16xf32>
      %max3A_602 = arith.maximumf %min3A_588, %max3A_600 : vector<16xf32>
      %min3A_603 = arith.minimumf %min3A_590, %max3A_602 : vector<16xf32>
      %max3A_604 = arith.maximumf %max3A_591, %get3A_598 : vector<16xf32>
      %get3A_605 = arith.constant 0 : i32
      %get3A_606 = arith.constant 0 : i32
      %get3A_607 = tpu.memref_slice %arg4[%scan3A, %get3A_605, %get3A_606] : memref<2x16x576xf32, #tpu.memory_space<vmem>> -> memref<1x16x576xf32, #tpu.memory_space<vmem>>
      %get3A_608 = tpu.memref_squeeze %get3A_607 : memref<1x16x576xf32, #tpu.memory_space<vmem>> -> memref<16x576xf32, #tpu.memory_space<vmem>>
      %get3A_609 = arith.index_cast %scan3A_398 : i32 to index
      %get3A_610 = arith.constant 256 : index
      %get3A_611 = tpu.vector_load %get3A_608[%get3A_609, %get3A_610] {strides = array<i32>} : memref<16x576xf32, #tpu.memory_space<vmem>>, vector<16xf32>,
      %min3A_612 = arith.minimumf %min3A_599, %get3A_611 : vector<16xf32>
      %max3A_613 = arith.maximumf %min3A_599, %get3A_611 : vector<16xf32>
      %min3A_614 = arith.minimumf %min3A_601, %max3A_613 : vector<16xf32>
      %max3A_615 = arith.maximumf %min3A_601, %max3A_613 : vector<16xf32>
      %min3A_616 = arith.minimumf %min3A_603, %max3A_615 : vector<16xf32>
      %max3A_617 = arith.maximumf %max3A_604, %get3A_611 : vector<16xf32>
      %get3A_618 = arith.constant 0 : i32
      %get3A_619 = arith.constant 0 : i32
      %get3A_620 = tpu.memref_slice %arg4[%scan3A, %get3A_618, %get3A_619] : memref<2x16x576xf32, #tpu.memory_space<vmem>> -> memref<1x16x576xf32, #tpu.memory_space<vmem>>
      %get3A_621 = tpu.memref_squeeze %get3A_620 : memref<1x16x576xf32, #tpu.memory_space<vmem>> -> memref<16x576xf32, #tpu.memory_space<vmem>>
      %get3A_622 = arith.index_cast %scan3A_398 : i32 to index
      %get3A_623 = arith.constant 272 : index
      %get3A_624 = tpu.vector_load %get3A_621[%get3A_622, %get3A_623] {strides = array<i32>} : memref<16x576xf32, #tpu.memory_space<vmem>>, vector<16xf32>,
      %min3A_625 = arith.minimumf %min3A_612, %get3A_624 : vector<16xf32>
      %max3A_626 = arith.maximumf %min3A_612, %get3A_624 : vector<16xf32>
      %min3A_627 = arith.minimumf %min3A_614, %max3A_626 : vector<16xf32>
      %max3A_628 = arith.maximumf %min3A_614, %max3A_626 : vector<16xf32>
      %min3A_629 = arith.minimumf %min3A_616, %max3A_628 : vector<16xf32>
      %max3A_630 = arith.maximumf %max3A_617, %get3A_624 : vector<16xf32>
      %get3A_631 = arith.constant 0 : i32
      %get3A_632 = arith.constant 0 : i32
      %get3A_633 = tpu.memref_slice %arg4[%scan3A, %get3A_631, %get3A_632] : memref<2x16x576xf32, #tpu.memory_space<vmem>> -> memref<1x16x576xf32, #tpu.memory_space<vmem>>
      %get3A_634 = tpu.memref_squeeze %get3A_633 : memref<1x16x576xf32, #tpu.memory_space<vmem>> -> memref<16x576xf32, #tpu.memory_space<vmem>>
      %get3A_635 = arith.index_cast %scan3A_398 : i32 to index
      %get3A_636 = arith.constant 288 : index
      %get3A_637 = tpu.vector_load %get3A_634[%get3A_635, %get3A_636] {strides = array<i32>} : memref<16x576xf32, #tpu.memory_space<vmem>>, vector<16xf32>,
      %min3A_638 = arith.minimumf %min3A_625, %get3A_637 : vector<16xf32>
      %max3A_639 = arith.maximumf %min3A_625, %get3A_637 : vector<16xf32>
      %min3A_640 = arith.minimumf %min3A_627, %max3A_639 : vector<16xf32>
      %max3A_641 = arith.maximumf %min3A_627, %max3A_639 : vector<16xf32>
      %min3A_642 = arith.minimumf %min3A_629, %max3A_641 : vector<16xf32>
      %max3A_643 = arith.maximumf %max3A_630, %get3A_637 : vector<16xf32>
      %get3A_644 = arith.constant 0 : i32
      %get3A_645 = arith.constant 0 : i32
      %get3A_646 = tpu.memref_slice %arg4[%scan3A, %get3A_644, %get3A_645] : memref<2x16x576xf32, #tpu.memory_space<vmem>> -> memref<1x16x576xf32, #tpu.memory_space<vmem>>
      %get3A_647 = tpu.memref_squeeze %get3A_646 : memref<1x16x576xf32, #tpu.memory_space<vmem>> -> memref<16x576xf32, #tpu.memory_space<vmem>>
      %get3A_648 = arith.index_cast %scan3A_398 : i32 to index
      %get3A_649 = arith.constant 304 : index
      %get3A_650 = tpu.vector_load %get3A_647[%get3A_648, %get3A_649] {strides = array<i32>} : memref<16x576xf32, #tpu.memory_space<vmem>>, vector<16xf32>,
      %min3A_651 = arith.minimumf %min3A_638, %get3A_650 : vector<16xf32>
      %max3A_652 = arith.maximumf %min3A_638, %get3A_650 : vector<16xf32>
      %min3A_653 = arith.minimumf %min3A_640, %max3A_652 : vector<16xf32>
      %max3A_654 = arith.maximumf %min3A_640, %max3A_652 : vector<16xf32>
      %min3A_655 = arith.minimumf %min3A_642, %max3A_654 : vector<16xf32>
      %max3A_656 = arith.maximumf %max3A_643, %get3A_650 : vector<16xf32>
      %get3A_657 = arith.constant 0 : i32
      %get3A_658 = arith.constant 0 : i32
      %get3A_659 = tpu.memref_slice %arg4[%scan3A, %get3A_657, %get3A_658] : memref<2x16x576xf32, #tpu.memory_space<vmem>> -> memref<1x16x576xf32, #tpu.memory_space<vmem>>
      %get3A_660 = tpu.memref_squeeze %get3A_659 : memref<1x16x576xf32, #tpu.memory_space<vmem>> -> memref<16x576xf32, #tpu.memory_space<vmem>>
      %get3A_661 = arith.index_cast %scan3A_398 : i32 to index
      %get3A_662 = arith.constant 320 : index
      %get3A_663 = tpu.vector_load %get3A_660[%get3A_661, %get3A_662] {strides = array<i32>} : memref<16x576xf32, #tpu.memory_space<vmem>>, vector<16xf32>,
      %min3A_664 = arith.minimumf %min3A_651, %get3A_663 : vector<16xf32>
      %max3A_665 = arith.maximumf %min3A_651, %get3A_663 : vector<16xf32>
      %min3A_666 = arith.minimumf %min3A_653, %max3A_665 : vector<16xf32>
      %max3A_667 = arith.maximumf %min3A_653, %max3A_665 : vector<16xf32>
      %min3A_668 = arith.minimumf %min3A_655, %max3A_667 : vector<16xf32>
      %max3A_669 = arith.maximumf %max3A_656, %get3A_663 : vector<16xf32>
      %get3A_670 = arith.constant 0 : i32
      %get3A_671 = arith.constant 0 : i32
      %get3A_672 = tpu.memref_slice %arg4[%scan3A, %get3A_670, %get3A_671] : memref<2x16x576xf32, #tpu.memory_space<vmem>> -> memref<1x16x576xf32, #tpu.memory_space<vmem>>
      %get3A_673 = tpu.memref_squeeze %get3A_672 : memref<1x16x576xf32, #tpu.memory_space<vmem>> -> memref<16x576xf32, #tpu.memory_space<vmem>>
      %get3A_674 = arith.index_cast %scan3A_398 : i32 to index
      %get3A_675 = arith.constant 336 : index
      %get3A_676 = tpu.vector_load %get3A_673[%get3A_674, %get3A_675] {strides = array<i32>} : memref<16x576xf32, #tpu.memory_space<vmem>>, vector<16xf32>,
      %min3A_677 = arith.minimumf %min3A_664, %get3A_676 : vector<16xf32>
      %max3A_678 = arith.maximumf %min3A_664, %get3A_676 : vector<16xf32>
      %min3A_679 = arith.minimumf %min3A_666, %max3A_678 : vector<16xf32>
      %max3A_680 = arith.maximumf %min3A_666, %max3A_678 : vector<16xf32>
      %min3A_681 = arith.minimumf %min3A_668, %max3A_680 : vector<16xf32>
      %max3A_682 = arith.maximumf %max3A_669, %get3A_676 : vector<16xf32>
      %get3A_683 = arith.constant 0 : i32
      %get3A_684 = arith.constant 0 : i32
      %get3A_685 = tpu.memref_slice %arg4[%scan3A, %get3A_683, %get3A_684] : memref<2x16x576xf32, #tpu.memory_space<vmem>> -> memref<1x16x576xf32, #tpu.memory_space<vmem>>
      %get3A_686 = tpu.memref_squeeze %get3A_685 : memref<1x16x576xf32, #tpu.memory_space<vmem>> -> memref<16x576xf32, #tpu.memory_space<vmem>>
      %get3A_687 = arith.index_cast %scan3A_398 : i32 to index
      %get3A_688 = arith.constant 352 : index
      %get3A_689 = tpu.vector_load %get3A_686[%get3A_687, %get3A_688] {strides = array<i32>} : memref<16x576xf32, #tpu.memory_space<vmem>>, vector<16xf32>,
      %min3A_690 = arith.minimumf %min3A_677, %get3A_689 : vector<16xf32>
      %max3A_691 = arith.maximumf %min3A_677, %get3A_689 : vector<16xf32>
      %min3A_692 = arith.minimumf %min3A_679, %max3A_691 : vector<16xf32>
      %max3A_693 = arith.maximumf %min3A_679, %max3A_691 : vector<16xf32>
      %min3A_694 = arith.minimumf %min3A_681, %max3A_693 : vector<16xf32>
      %max3A_695 = arith.maximumf %max3A_682, %get3A_689 : vector<16xf32>
      %get3A_696 = arith.constant 0 : i32
      %get3A_697 = arith.constant 0 : i32
      %get3A_698 = tpu.memref_slice %arg4[%scan3A, %get3A_696, %get3A_697] : memref<2x16x576xf32, #tpu.memory_space<vmem>> -> memref<1x16x576xf32, #tpu.memory_space<vmem>>
      %get3A_699 = tpu.memref_squeeze %get3A_698 : memref<1x16x576xf32, #tpu.memory_space<vmem>> -> memref<16x576xf32, #tpu.memory_space<vmem>>
      %get3A_700 = arith.index_cast %scan3A_398 : i32 to index
      %get3A_701 = arith.constant 368 : index
      %get3A_702 = tpu.vector_load %get3A_699[%get3A_700, %get3A_701] {strides = array<i32>} : memref<16x576xf32, #tpu.memory_space<vmem>>, vector<16xf32>,
      %min3A_703 = arith.minimumf %min3A_690, %get3A_702 : vector<16xf32>
      %max3A_704 = arith.maximumf %min3A_690, %get3A_702 : vector<16xf32>
      %min3A_705 = arith.minimumf %min3A_692, %max3A_704 : vector<16xf32>
      %max3A_706 = arith.maximumf %min3A_692, %max3A_704 : vector<16xf32>
      %min3A_707 = arith.minimumf %min3A_694, %max3A_706 : vector<16xf32>
      %max3A_708 = arith.maximumf %max3A_695, %get3A_702 : vector<16xf32>
      %get3A_709 = arith.constant 0 : i32
      %get3A_710 = arith.constant 0 : i32
      %get3A_711 = tpu.memref_slice %arg4[%scan3A, %get3A_709, %get3A_710] : memref<2x16x576xf32, #tpu.memory_space<vmem>> -> memref<1x16x576xf32, #tpu.memory_space<vmem>>
      %get3A_712 = tpu.memref_squeeze %get3A_711 : memref<1x16x576xf32, #tpu.memory_space<vmem>> -> memref<16x576xf32, #tpu.memory_space<vmem>>
      %get3A_713 = arith.index_cast %scan3A_398 : i32 to index
      %get3A_714 = arith.constant 384 : index
      %get3A_715 = tpu.vector_load %get3A_712[%get3A_713, %get3A_714] {strides = array<i32>} : memref<16x576xf32, #tpu.memory_space<vmem>>, vector<16xf32>,
      %min3A_716 = arith.minimumf %min3A_703, %get3A_715 : vector<16xf32>
      %max3A_717 = arith.maximumf %min3A_703, %get3A_715 : vector<16xf32>
      %min3A_718 = arith.minimumf %min3A_705, %max3A_717 : vector<16xf32>
      %max3A_719 = arith.maximumf %min3A_705, %max3A_717 : vector<16xf32>
      %min3A_720 = arith.minimumf %min3A_707, %max3A_719 : vector<16xf32>
      %max3A_721 = arith.maximumf %max3A_708, %get3A_715 : vector<16xf32>
      %get3A_722 = arith.constant 0 : i32
      %get3A_723 = arith.constant 0 : i32
      %get3A_724 = tpu.memref_slice %arg4[%scan3A, %get3A_722, %get3A_723] : memref<2x16x576xf32, #tpu.memory_space<vmem>> -> memref<1x16x576xf32, #tpu.memory_space<vmem>>
      %get3A_725 = tpu.memref_squeeze %get3A_724 : memref<1x16x576xf32, #tpu.memory_space<vmem>> -> memref<16x576xf32, #tpu.memory_space<vmem>>
      %get3A_726 = arith.index_cast %scan3A_398 : i32 to index
      %get3A_727 = arith.constant 400 : index
      %get3A_728 = tpu.vector_load %get3A_725[%get3A_726, %get3A_727] {strides = array<i32>} : memref<16x576xf32, #tpu.memory_space<vmem>>, vector<16xf32>,
      %min3A_729 = arith.minimumf %min3A_716, %get3A_728 : vector<16xf32>
      %max3A_730 = arith.maximumf %min3A_716, %get3A_728 : vector<16xf32>
      %min3A_731 = arith.minimumf %min3A_718, %max3A_730 : vector<16xf32>
      %max3A_732 = arith.maximumf %min3A_718, %max3A_730 : vector<16xf32>
      %min3A_733 = arith.minimumf %min3A_720, %max3A_732 : vector<16xf32>
      %max3A_734 = arith.maximumf %max3A_721, %get3A_728 : vector<16xf32>
      %get3A_735 = arith.constant 0 : i32
      %get3A_736 = arith.constant 0 : i32
      %get3A_737 = tpu.memref_slice %arg4[%scan3A, %get3A_735, %get3A_736] : memref<2x16x576xf32, #tpu.memory_space<vmem>> -> memref<1x16x576xf32, #tpu.memory_space<vmem>>
      %get3A_738 = tpu.memref_squeeze %get3A_737 : memref<1x16x576xf32, #tpu.memory_space<vmem>> -> memref<16x576xf32, #tpu.memory_space<vmem>>
      %get3A_739 = arith.index_cast %scan3A_398 : i32 to index
      %get3A_740 = arith.constant 416 : index
      %get3A_741 = tpu.vector_load %get3A_738[%get3A_739, %get3A_740] {strides = array<i32>} : memref<16x576xf32, #tpu.memory_space<vmem>>, vector<16xf32>,
      %min3A_742 = arith.minimumf %min3A_729, %get3A_741 : vector<16xf32>
      %max3A_743 = arith.maximumf %min3A_729, %get3A_741 : vector<16xf32>
      %min3A_744 = arith.minimumf %min3A_731, %max3A_743 : vector<16xf32>
      %max3A_745 = arith.maximumf %min3A_731, %max3A_743 : vector<16xf32>
      %min3A_746 = arith.minimumf %min3A_733, %max3A_745 : vector<16xf32>
      %max3A_747 = arith.maximumf %max3A_734, %get3A_741 : vector<16xf32>
      %get3A_748 = arith.constant 0 : i32
      %get3A_749 = arith.constant 0 : i32
      %get3A_750 = tpu.memref_slice %arg4[%scan3A, %get3A_748, %get3A_749] : memref<2x16x576xf32, #tpu.memory_space<vmem>> -> memref<1x16x576xf32, #tpu.memory_space<vmem>>
      %get3A_751 = tpu.memref_squeeze %get3A_750 : memref<1x16x576xf32, #tpu.memory_space<vmem>> -> memref<16x576xf32, #tpu.memory_space<vmem>>
      %get3A_752 = arith.index_cast %scan3A_398 : i32 to index
      %get3A_753 = arith.constant 432 : index
      %get3A_754 = tpu.vector_load %get3A_751[%get3A_752, %get3A_753] {strides = array<i32>} : memref<16x576xf32, #tpu.memory_space<vmem>>, vector<16xf32>,
      %min3A_755 = arith.minimumf %min3A_742, %get3A_754 : vector<16xf32>
      %max3A_756 = arith.maximumf %min3A_742, %get3A_754 : vector<16xf32>
      %min3A_757 = arith.minimumf %min3A_744, %max3A_756 : vector<16xf32>
      %max3A_758 = arith.maximumf %min3A_744, %max3A_756 : vector<16xf32>
      %min3A_759 = arith.minimumf %min3A_746, %max3A_758 : vector<16xf32>
      %max3A_760 = arith.maximumf %max3A_747, %get3A_754 : vector<16xf32>
      %get3A_761 = arith.constant 0 : i32
      %get3A_762 = arith.constant 0 : i32
      %get3A_763 = tpu.memref_slice %arg4[%scan3A, %get3A_761, %get3A_762] : memref<2x16x576xf32, #tpu.memory_space<vmem>> -> memref<1x16x576xf32, #tpu.memory_space<vmem>>
      %get3A_764 = tpu.memref_squeeze %get3A_763 : memref<1x16x576xf32, #tpu.memory_space<vmem>> -> memref<16x576xf32, #tpu.memory_space<vmem>>
      %get3A_765 = arith.index_cast %scan3A_398 : i32 to index
      %get3A_766 = arith.constant 448 : index
      %get3A_767 = tpu.vector_load %get3A_764[%get3A_765, %get3A_766] {strides = array<i32>} : memref<16x576xf32, #tpu.memory_space<vmem>>, vector<16xf32>,
      %min3A_768 = arith.minimumf %min3A_755, %get3A_767 : vector<16xf32>
      %max3A_769 = arith.maximumf %min3A_755, %get3A_767 : vector<16xf32>
      %min3A_770 = arith.minimumf %min3A_757, %max3A_769 : vector<16xf32>
      %max3A_771 = arith.maximumf %min3A_757, %max3A_769 : vector<16xf32>
      %min3A_772 = arith.minimumf %min3A_759, %max3A_771 : vector<16xf32>
      %max3A_773 = arith.maximumf %max3A_760, %get3A_767 : vector<16xf32>
      %get3A_774 = arith.constant 0 : i32
      %get3A_775 = arith.constant 0 : i32
      %get3A_776 = tpu.memref_slice %arg4[%scan3A, %get3A_774, %get3A_775] : memref<2x16x576xf32, #tpu.memory_space<vmem>> -> memref<1x16x576xf32, #tpu.memory_space<vmem>>
      %get3A_777 = tpu.memref_squeeze %get3A_776 : memref<1x16x576xf32, #tpu.memory_space<vmem>> -> memref<16x576xf32, #tpu.memory_space<vmem>>
      %get3A_778 = arith.index_cast %scan3A_398 : i32 to index
      %get3A_779 = arith.constant 464 : index
      %get3A_780 = tpu.vector_load %get3A_777[%get3A_778, %get3A_779] {strides = array<i32>} : memref<16x576xf32, #tpu.memory_space<vmem>>, vector<16xf32>,
      %min3A_781 = arith.minimumf %min3A_768, %get3A_780 : vector<16xf32>
      %max3A_782 = arith.maximumf %min3A_768, %get3A_780 : vector<16xf32>
      %min3A_783 = arith.minimumf %min3A_770, %max3A_782 : vector<16xf32>
      %max3A_784 = arith.maximumf %min3A_770, %max3A_782 : vector<16xf32>
      %min3A_785 = arith.minimumf %min3A_772, %max3A_784 : vector<16xf32>
      %max3A_786 = arith.maximumf %max3A_773, %get3A_780 : vector<16xf32>
      %get3A_787 = arith.constant 0 : i32
      %get3A_788 = arith.constant 0 : i32
      %get3A_789 = tpu.memref_slice %arg4[%scan3A, %get3A_787, %get3A_788] : memref<2x16x576xf32, #tpu.memory_space<vmem>> -> memref<1x16x576xf32, #tpu.memory_space<vmem>>
      %get3A_790 = tpu.memref_squeeze %get3A_789 : memref<1x16x576xf32, #tpu.memory_space<vmem>> -> memref<16x576xf32, #tpu.memory_space<vmem>>
      %get3A_791 = arith.index_cast %scan3A_398 : i32 to index
      %get3A_792 = arith.constant 480 : index
      %get3A_793 = tpu.vector_load %get3A_790[%get3A_791, %get3A_792] {strides = array<i32>} : memref<16x576xf32, #tpu.memory_space<vmem>>, vector<16xf32>,
      %min3A_794 = arith.minimumf %min3A_781, %get3A_793 : vector<16xf32>
      %max3A_795 = arith.maximumf %min3A_781, %get3A_793 : vector<16xf32>
      %min3A_796 = arith.minimumf %min3A_783, %max3A_795 : vector<16xf32>
      %max3A_797 = arith.maximumf %min3A_783, %max3A_795 : vector<16xf32>
      %min3A_798 = arith.minimumf %min3A_785, %max3A_797 : vector<16xf32>
      %max3A_799 = arith.maximumf %max3A_786, %get3A_793 : vector<16xf32>
      %get3A_800 = arith.constant 0 : i32
      %get3A_801 = arith.constant 0 : i32
      %get3A_802 = tpu.memref_slice %arg4[%scan3A, %get3A_800, %get3A_801] : memref<2x16x576xf32, #tpu.memory_space<vmem>> -> memref<1x16x576xf32, #tpu.memory_space<vmem>>
      %get3A_803 = tpu.memref_squeeze %get3A_802 : memref<1x16x576xf32, #tpu.memory_space<vmem>> -> memref<16x576xf32, #tpu.memory_space<vmem>>
      %get3A_804 = arith.index_cast %scan3A_398 : i32 to index
      %get3A_805 = arith.constant 496 : index
      %get3A_806 = tpu.vector_load %get3A_803[%get3A_804, %get3A_805] {strides = array<i32>} : memref<16x576xf32, #tpu.memory_space<vmem>>, vector<16xf32>,
      %min3A_807 = arith.minimumf %min3A_794, %get3A_806 : vector<16xf32>
      %max3A_808 = arith.maximumf %min3A_794, %get3A_806 : vector<16xf32>
      %min3A_809 = arith.minimumf %min3A_796, %max3A_808 : vector<16xf32>
      %max3A_810 = arith.maximumf %min3A_796, %max3A_808 : vector<16xf32>
      %min3A_811 = arith.minimumf %min3A_798, %max3A_810 : vector<16xf32>
      %max3A_812 = arith.maximumf %max3A_799, %get3A_806 : vector<16xf32>
      %get3A_813 = arith.constant 0 : i32
      %get3A_814 = arith.constant 0 : i32
      %get3A_815 = tpu.memref_slice %arg4[%scan3A, %get3A_813, %get3A_814] : memref<2x16x576xf32, #tpu.memory_space<vmem>> -> memref<1x16x576xf32, #tpu.memory_space<vmem>>
      %get3A_816 = tpu.memref_squeeze %get3A_815 : memref<1x16x576xf32, #tpu.memory_space<vmem>> -> memref<16x576xf32, #tpu.memory_space<vmem>>
      %get3A_817 = arith.index_cast %scan3A_398 : i32 to index
      %get3A_818 = arith.constant 512 : index
      %get3A_819 = tpu.vector_load %get3A_816[%get3A_817, %get3A_818] {strides = array<i32>} : memref<16x576xf32, #tpu.memory_space<vmem>>, vector<16xf32>,
      %min3A_820 = arith.minimumf %min3A_807, %get3A_819 : vector<16xf32>
      %max3A_821 = arith.maximumf %min3A_807, %get3A_819 : vector<16xf32>
      %min3A_822 = arith.minimumf %min3A_809, %max3A_821 : vector<16xf32>
      %max3A_823 = arith.maximumf %min3A_809, %max3A_821 : vector<16xf32>
      %min3A_824 = arith.minimumf %min3A_811, %max3A_823 : vector<16xf32>
      %max3A_825 = arith.maximumf %max3A_812, %get3A_819 : vector<16xf32>
      %get3A_826 = arith.constant 0 : i32
      %get3A_827 = arith.constant 0 : i32
      %get3A_828 = tpu.memref_slice %arg4[%scan3A, %get3A_826, %get3A_827] : memref<2x16x576xf32, #tpu.memory_space<vmem>> -> memref<1x16x576xf32, #tpu.memory_space<vmem>>
      %get3A_829 = tpu.memref_squeeze %get3A_828 : memref<1x16x576xf32, #tpu.memory_space<vmem>> -> memref<16x576xf32, #tpu.memory_space<vmem>>
      %get3A_830 = arith.index_cast %scan3A_398 : i32 to index
      %get3A_831 = arith.constant 528 : index
      %get3A_832 = tpu.vector_load %get3A_829[%get3A_830, %get3A_831] {strides = array<i32>} : memref<16x576xf32, #tpu.memory_space<vmem>>, vector<16xf32>,
      %min3A_833 = arith.minimumf %min3A_820, %get3A_832 : vector<16xf32>
      %max3A_834 = arith.maximumf %min3A_820, %get3A_832 : vector<16xf32>
      %min3A_835 = arith.minimumf %min3A_822, %max3A_834 : vector<16xf32>
      %max3A_836 = arith.maximumf %min3A_822, %max3A_834 : vector<16xf32>
      %min3A_837 = arith.minimumf %min3A_824, %max3A_836 : vector<16xf32>
      %max3A_838 = arith.maximumf %max3A_825, %get3A_832 : vector<16xf32>
      %get3A_839 = arith.constant 0 : i32
      %get3A_840 = arith.constant 0 : i32
      %get3A_841 = tpu.memref_slice %arg4[%scan3A, %get3A_839, %get3A_840] : memref<2x16x576xf32, #tpu.memory_space<vmem>> -> memref<1x16x576xf32, #tpu.memory_space<vmem>>
      %get3A_842 = tpu.memref_squeeze %get3A_841 : memref<1x16x576xf32, #tpu.memory_space<vmem>> -> memref<16x576xf32, #tpu.memory_space<vmem>>
      %get3A_843 = arith.index_cast %scan3A_398 : i32 to index
      %get3A_844 = arith.constant 544 : index
      %get3A_845 = tpu.vector_load %get3A_842[%get3A_843, %get3A_844] {strides = array<i32>} : memref<16x576xf32, #tpu.memory_space<vmem>>, vector<16xf32>,
      %min3A_846 = arith.minimumf %min3A_833, %get3A_845 : vector<16xf32>
      %max3A_847 = arith.maximumf %min3A_833, %get3A_845 : vector<16xf32>
      %min3A_848 = arith.minimumf %min3A_835, %max3A_847 : vector<16xf32>
      %max3A_849 = arith.maximumf %min3A_835, %max3A_847 : vector<16xf32>
      %min3A_850 = arith.minimumf %min3A_837, %max3A_849 : vector<16xf32>
      %max3A_851 = arith.maximumf %max3A_838, %get3A_845 : vector<16xf32>
      %get3A_852 = arith.constant 0 : i32
      %get3A_853 = arith.constant 0 : i32
      %get3A_854 = tpu.memref_slice %arg4[%scan3A, %get3A_852, %get3A_853] : memref<2x16x576xf32, #tpu.memory_space<vmem>> -> memref<1x16x576xf32, #tpu.memory_space<vmem>>
      %get3A_855 = tpu.memref_squeeze %get3A_854 : memref<1x16x576xf32, #tpu.memory_space<vmem>> -> memref<16x576xf32, #tpu.memory_space<vmem>>
      %get3A_856 = arith.index_cast %scan3A_398 : i32 to index
      %get3A_857 = arith.constant 560 : index
      %get3A_858 = tpu.vector_load %get3A_855[%get3A_856, %get3A_857] {strides = array<i32>} : memref<16x576xf32, #tpu.memory_space<vmem>>, vector<16xf32>,
      %min3A_859 = arith.minimumf %min3A_846, %get3A_858 : vector<16xf32>
      %max3A_860 = arith.maximumf %min3A_846, %get3A_858 : vector<16xf32>
      %min3A_861 = arith.minimumf %min3A_848, %max3A_860 : vector<16xf32>
      %max3A_862 = arith.maximumf %min3A_848, %max3A_860 : vector<16xf32>
      %min3A_863 = arith.minimumf %min3A_850, %max3A_862 : vector<16xf32>
      %max3A_864 = arith.maximumf %max3A_851, %get3A_858 : vector<16xf32>
      %lt3A = arith.constant 0 : i32
      %lt3A_865 = vector.broadcast %lt3A : i32 to vector<16xi32>
      %lt3A_866 = arith.cmpi slt, %and3A_8, %lt3A_865 : vector<16xi32>
      %add3A_867 = arith.constant 16 : i32
      %add3A_868 = vector.broadcast %add3A_867 : i32 to vector<16xi32>
      %add3A_869 = arith.addi %and3A_8, %add3A_868 : vector<16xi32>
      %select_n3A = arith.select %lt3A_866, %add3A_869, %and3A_8 : vector<16xi1>, vector<16xi32>
      %broadcast_in_dim3A_870 = vector.shape_cast %select_n3A : vector<16xi32> to vector<16x1xi32>
      %gather3A = vector.shape_cast %broadcast_in_dim3A_870 : vector<16x1xi32> to vector<16xi32>
      %gather3A_871 = tpu.dynamic_gather %min3A_859[%gather3A] in [0] : vector<16xf32>, vector<16xi32> -> vector<16xf32>
      %lt3A_872 = arith.constant 0 : i32
      %lt3A_873 = vector.broadcast %lt3A_872 : i32 to vector<16xi32>
      %lt3A_874 = arith.cmpi slt, %and3A_8, %lt3A_873 : vector<16xi32>
      %add3A_875 = arith.constant 16 : i32
      %add3A_876 = vector.broadcast %add3A_875 : i32 to vector<16xi32>
      %add3A_877 = arith.addi %and3A_8, %add3A_876 : vector<16xi32>
      %select_n3A_878 = arith.select %lt3A_874, %add3A_877, %and3A_8 : vector<16xi1>, vector<16xi32>
      %broadcast_in_dim3A_879 = vector.shape_cast %select_n3A_878 : vector<16xi32> to vector<16x1xi32>
      %gather3A_880 = vector.shape_cast %broadcast_in_dim3A_879 : vector<16x1xi32> to vector<16xi32>
      %gather3A_881 = tpu.dynamic_gather %min3A_861[%gather3A_880] in [0] : vector<16xf32>, vector<16xi32> -> vector<16xf32>
      %lt3A_882 = arith.constant 0 : i32
      %lt3A_883 = vector.broadcast %lt3A_882 : i32 to vector<16xi32>
      %lt3A_884 = arith.cmpi slt, %and3A_8, %lt3A_883 : vector<16xi32>
      %add3A_885 = arith.constant 16 : i32
      %add3A_886 = vector.broadcast %add3A_885 : i32 to vector<16xi32>
      %add3A_887 = arith.addi %and3A_8, %add3A_886 : vector<16xi32>
      %select_n3A_888 = arith.select %lt3A_884, %add3A_887, %and3A_8 : vector<16xi1>, vector<16xi32>
      %broadcast_in_dim3A_889 = vector.shape_cast %select_n3A_888 : vector<16xi32> to vector<16x1xi32>
      %gather3A_890 = vector.shape_cast %broadcast_in_dim3A_889 : vector<16x1xi32> to vector<16xi32>
      %gather3A_891 = tpu.dynamic_gather %min3A_863[%gather3A_890] in [0] : vector<16xf32>, vector<16xi32> -> vector<16xf32>
      %lt3A_892 = arith.constant 0 : i32
      %lt3A_893 = vector.broadcast %lt3A_892 : i32 to vector<16xi32>
      %lt3A_894 = arith.cmpi slt, %and3A_8, %lt3A_893 : vector<16xi32>
      %add3A_895 = arith.constant 16 : i32
      %add3A_896 = vector.broadcast %add3A_895 : i32 to vector<16xi32>
      %add3A_897 = arith.addi %and3A_8, %add3A_896 : vector<16xi32>
      %select_n3A_898 = arith.select %lt3A_894, %add3A_897, %and3A_8 : vector<16xi1>, vector<16xi32>
      %broadcast_in_dim3A_899 = vector.shape_cast %select_n3A_898 : vector<16xi32> to vector<16x1xi32>
      %gather3A_900 = vector.shape_cast %broadcast_in_dim3A_899 : vector<16x1xi32> to vector<16xi32>
      %gather3A_901 = tpu.dynamic_gather %max3A_864[%gather3A_900] in [0] : vector<16xf32>, vector<16xi32> -> vector<16xf32>
      %min3A_902 = arith.minimumf %min3A_859, %gather3A_871 : vector<16xf32>
      %max3A_903 = arith.maximumf %min3A_859, %gather3A_871 : vector<16xf32>
      %min3A_904 = arith.minimumf %min3A_861, %max3A_903 : vector<16xf32>
      %max3A_905 = arith.maximumf %min3A_861, %max3A_903 : vector<16xf32>
      %min3A_906 = arith.minimumf %min3A_863, %max3A_905 : vector<16xf32>
      %min3A_907 = arith.minimumf %min3A_902, %gather3A_881 : vector<16xf32>
      %max3A_908 = arith.maximumf %min3A_902, %gather3A_881 : vector<16xf32>
      %min3A_909 = arith.minimumf %min3A_904, %max3A_908 : vector<16xf32>
      %max3A_910 = arith.maximumf %min3A_904, %max3A_908 : vector<16xf32>
      %min3A_911 = arith.minimumf %min3A_906, %max3A_910 : vector<16xf32>
      %min3A_912 = arith.minimumf %min3A_907, %gather3A_891 : vector<16xf32>
      %max3A_913 = arith.maximumf %min3A_907, %gather3A_891 : vector<16xf32>
      %min3A_914 = arith.minimumf %min3A_909, %max3A_913 : vector<16xf32>
      %max3A_915 = arith.maximumf %min3A_909, %max3A_913 : vector<16xf32>
      %min3A_916 = arith.minimumf %min3A_911, %max3A_915 : vector<16xf32>
      %max3A_917 = arith.maximumf %max3A_864, %gather3A_901 : vector<16xf32>
      %lt3A_918 = arith.constant 0 : i32
      %lt3A_919 = vector.broadcast %lt3A_918 : i32 to vector<16xi32>
      %lt3A_920 = arith.cmpi slt, %and3A_14, %lt3A_919 : vector<16xi32>
      %add3A_921 = arith.constant 16 : i32
      %add3A_922 = vector.broadcast %add3A_921 : i32 to vector<16xi32>
      %add3A_923 = arith.addi %and3A_14, %add3A_922 : vector<16xi32>
      %select_n3A_924 = arith.select %lt3A_920, %add3A_923, %and3A_14 : vector<16xi1>, vector<16xi32>
      %broadcast_in_dim3A_925 = vector.shape_cast %select_n3A_924 : vector<16xi32> to vector<16x1xi32>
      %gather3A_926 = vector.shape_cast %broadcast_in_dim3A_925 : vector<16x1xi32> to vector<16xi32>
      %gather3A_927 = tpu.dynamic_gather %min3A_912[%gather3A_926] in [0] : vector<16xf32>, vector<16xi32> -> vector<16xf32>
      %lt3A_928 = arith.constant 0 : i32
      %lt3A_929 = vector.broadcast %lt3A_928 : i32 to vector<16xi32>
      %lt3A_930 = arith.cmpi slt, %and3A_14, %lt3A_929 : vector<16xi32>
      %add3A_931 = arith.constant 16 : i32
      %add3A_932 = vector.broadcast %add3A_931 : i32 to vector<16xi32>
      %add3A_933 = arith.addi %and3A_14, %add3A_932 : vector<16xi32>
      %select_n3A_934 = arith.select %lt3A_930, %add3A_933, %and3A_14 : vector<16xi1>, vector<16xi32>
      %broadcast_in_dim3A_935 = vector.shape_cast %select_n3A_934 : vector<16xi32> to vector<16x1xi32>
      %gather3A_936 = vector.shape_cast %broadcast_in_dim3A_935 : vector<16x1xi32> to vector<16xi32>
      %gather3A_937 = tpu.dynamic_gather %min3A_914[%gather3A_936] in [0] : vector<16xf32>, vector<16xi32> -> vector<16xf32>
      %lt3A_938 = arith.constant 0 : i32
      %lt3A_939 = vector.broadcast %lt3A_938 : i32 to vector<16xi32>
      %lt3A_940 = arith.cmpi slt, %and3A_14, %lt3A_939 : vector<16xi32>
      %add3A_941 = arith.constant 16 : i32
      %add3A_942 = vector.broadcast %add3A_941 : i32 to vector<16xi32>
      %add3A_943 = arith.addi %and3A_14, %add3A_942 : vector<16xi32>
      %select_n3A_944 = arith.select %lt3A_940, %add3A_943, %and3A_14 : vector<16xi1>, vector<16xi32>
      %broadcast_in_dim3A_945 = vector.shape_cast %select_n3A_944 : vector<16xi32> to vector<16x1xi32>
      %gather3A_946 = vector.shape_cast %broadcast_in_dim3A_945 : vector<16x1xi32> to vector<16xi32>
      %gather3A_947 = tpu.dynamic_gather %min3A_916[%gather3A_946] in [0] : vector<16xf32>, vector<16xi32> -> vector<16xf32>
      %lt3A_948 = arith.constant 0 : i32
      %lt3A_949 = vector.broadcast %lt3A_948 : i32 to vector<16xi32>
      %lt3A_950 = arith.cmpi slt, %and3A_14, %lt3A_949 : vector<16xi32>
      %add3A_951 = arith.constant 16 : i32
      %add3A_952 = vector.broadcast %add3A_951 : i32 to vector<16xi32>
      %add3A_953 = arith.addi %and3A_14, %add3A_952 : vector<16xi32>
      %select_n3A_954 = arith.select %lt3A_950, %add3A_953, %and3A_14 : vector<16xi1>, vector<16xi32>
      %broadcast_in_dim3A_955 = vector.shape_cast %select_n3A_954 : vector<16xi32> to vector<16x1xi32>
      %gather3A_956 = vector.shape_cast %broadcast_in_dim3A_955 : vector<16x1xi32> to vector<16xi32>
      %gather3A_957 = tpu.dynamic_gather %max3A_917[%gather3A_956] in [0] : vector<16xf32>, vector<16xi32> -> vector<16xf32>
      %min3A_958 = arith.minimumf %min3A_912, %gather3A_927 : vector<16xf32>
      %max3A_959 = arith.maximumf %min3A_912, %gather3A_927 : vector<16xf32>
      %min3A_960 = arith.minimumf %min3A_914, %max3A_959 : vector<16xf32>
      %max3A_961 = arith.maximumf %min3A_914, %max3A_959 : vector<16xf32>
      %min3A_962 = arith.minimumf %min3A_916, %max3A_961 : vector<16xf32>
      %min3A_963 = arith.minimumf %min3A_958, %gather3A_937 : vector<16xf32>
      %max3A_964 = arith.maximumf %min3A_958, %gather3A_937 : vector<16xf32>
      %min3A_965 = arith.minimumf %min3A_960, %max3A_964 : vector<16xf32>
      %max3A_966 = arith.maximumf %min3A_960, %max3A_964 : vector<16xf32>
      %min3A_967 = arith.minimumf %min3A_962, %max3A_966 : vector<16xf32>
      %min3A_968 = arith.minimumf %min3A_963, %gather3A_947 : vector<16xf32>
      %max3A_969 = arith.maximumf %min3A_963, %gather3A_947 : vector<16xf32>
      %min3A_970 = arith.minimumf %min3A_965, %max3A_969 : vector<16xf32>
      %max3A_971 = arith.maximumf %min3A_965, %max3A_969 : vector<16xf32>
      %min3A_972 = arith.minimumf %min3A_967, %max3A_971 : vector<16xf32>
      %max3A_973 = arith.maximumf %max3A_917, %gather3A_957 : vector<16xf32>
      %lt3A_974 = arith.constant 0 : i32
      %lt3A_975 = vector.broadcast %lt3A_974 : i32 to vector<16xi32>
      %lt3A_976 = arith.cmpi slt, %and3A_20, %lt3A_975 : vector<16xi32>
      %add3A_977 = arith.constant 16 : i32
      %add3A_978 = vector.broadcast %add3A_977 : i32 to vector<16xi32>
      %add3A_979 = arith.addi %and3A_20, %add3A_978 : vector<16xi32>
      %select_n3A_980 = arith.select %lt3A_976, %add3A_979, %and3A_20 : vector<16xi1>, vector<16xi32>
      %broadcast_in_dim3A_981 = vector.shape_cast %select_n3A_980 : vector<16xi32> to vector<16x1xi32>
      %gather3A_982 = vector.shape_cast %broadcast_in_dim3A_981 : vector<16x1xi32> to vector<16xi32>
      %gather3A_983 = tpu.dynamic_gather %min3A_968[%gather3A_982] in [0] : vector<16xf32>, vector<16xi32> -> vector<16xf32>
      %lt3A_984 = arith.constant 0 : i32
      %lt3A_985 = vector.broadcast %lt3A_984 : i32 to vector<16xi32>
      %lt3A_986 = arith.cmpi slt, %and3A_20, %lt3A_985 : vector<16xi32>
      %add3A_987 = arith.constant 16 : i32
      %add3A_988 = vector.broadcast %add3A_987 : i32 to vector<16xi32>
      %add3A_989 = arith.addi %and3A_20, %add3A_988 : vector<16xi32>
      %select_n3A_990 = arith.select %lt3A_986, %add3A_989, %and3A_20 : vector<16xi1>, vector<16xi32>
      %broadcast_in_dim3A_991 = vector.shape_cast %select_n3A_990 : vector<16xi32> to vector<16x1xi32>
      %gather3A_992 = vector.shape_cast %broadcast_in_dim3A_991 : vector<16x1xi32> to vector<16xi32>
      %gather3A_993 = tpu.dynamic_gather %min3A_970[%gather3A_992] in [0] : vector<16xf32>, vector<16xi32> -> vector<16xf32>
      %lt3A_994 = arith.constant 0 : i32
      %lt3A_995 = vector.broadcast %lt3A_994 : i32 to vector<16xi32>
      %lt3A_996 = arith.cmpi slt, %and3A_20, %lt3A_995 : vector<16xi32>
      %add3A_997 = arith.constant 16 : i32
      %add3A_998 = vector.broadcast %add3A_997 : i32 to vector<16xi32>
      %add3A_999 = arith.addi %and3A_20, %add3A_998 : vector<16xi32>
      %select_n3A_1000 = arith.select %lt3A_996, %add3A_999, %and3A_20 : vector<16xi1>, vector<16xi32>
      %broadcast_in_dim3A_1001 = vector.shape_cast %select_n3A_1000 : vector<16xi32> to vector<16x1xi32>
      %gather3A_1002 = vector.shape_cast %broadcast_in_dim3A_1001 : vector<16x1xi32> to vector<16xi32>
      %gather3A_1003 = tpu.dynamic_gather %min3A_972[%gather3A_1002] in [0] : vector<16xf32>, vector<16xi32> -> vector<16xf32>
      %lt3A_1004 = arith.constant 0 : i32
      %lt3A_1005 = vector.broadcast %lt3A_1004 : i32 to vector<16xi32>
      %lt3A_1006 = arith.cmpi slt, %and3A_20, %lt3A_1005 : vector<16xi32>
      %add3A_1007 = arith.constant 16 : i32
      %add3A_1008 = vector.broadcast %add3A_1007 : i32 to vector<16xi32>
      %add3A_1009 = arith.addi %and3A_20, %add3A_1008 : vector<16xi32>
      %select_n3A_1010 = arith.select %lt3A_1006, %add3A_1009, %and3A_20 : vector<16xi1>, vector<16xi32>
      %broadcast_in_dim3A_1011 = vector.shape_cast %select_n3A_1010 : vector<16xi32> to vector<16x1xi32>
      %gather3A_1012 = vector.shape_cast %broadcast_in_dim3A_1011 : vector<16x1xi32> to vector<16xi32>
      %gather3A_1013 = tpu.dynamic_gather %max3A_973[%gather3A_1012] in [0] : vector<16xf32>, vector<16xi32> -> vector<16xf32>
      %min3A_1014 = arith.minimumf %min3A_968, %gather3A_983 : vector<16xf32>
      %max3A_1015 = arith.maximumf %min3A_968, %gather3A_983 : vector<16xf32>
      %min3A_1016 = arith.minimumf %min3A_970, %max3A_1015 : vector<16xf32>
      %max3A_1017 = arith.maximumf %min3A_970, %max3A_1015 : vector<16xf32>
      %min3A_1018 = arith.minimumf %min3A_972, %max3A_1017 : vector<16xf32>
      %min3A_1019 = arith.minimumf %min3A_1014, %gather3A_993 : vector<16xf32>
      %max3A_1020 = arith.maximumf %min3A_1014, %gather3A_993 : vector<16xf32>
      %min3A_1021 = arith.minimumf %min3A_1016, %max3A_1020 : vector<16xf32>
      %max3A_1022 = arith.maximumf %min3A_1016, %max3A_1020 : vector<16xf32>
      %min3A_1023 = arith.minimumf %min3A_1018, %max3A_1022 : vector<16xf32>
      %min3A_1024 = arith.minimumf %min3A_1019, %gather3A_1003 : vector<16xf32>
      %max3A_1025 = arith.maximumf %min3A_1019, %gather3A_1003 : vector<16xf32>
      %min3A_1026 = arith.minimumf %min3A_1021, %max3A_1025 : vector<16xf32>
      %max3A_1027 = arith.maximumf %min3A_1021, %max3A_1025 : vector<16xf32>
      %min3A_1028 = arith.minimumf %min3A_1023, %max3A_1027 : vector<16xf32>
      %max3A_1029 = arith.maximumf %max3A_973, %gather3A_1013 : vector<16xf32>
      %lt3A_1030 = arith.constant 0 : i32
      %lt3A_1031 = vector.broadcast %lt3A_1030 : i32 to vector<16xi32>
      %lt3A_1032 = arith.cmpi slt, %and3A_26, %lt3A_1031 : vector<16xi32>
      %add3A_1033 = arith.constant 16 : i32
      %add3A_1034 = vector.broadcast %add3A_1033 : i32 to vector<16xi32>
      %add3A_1035 = arith.addi %and3A_26, %add3A_1034 : vector<16xi32>
      %select_n3A_1036 = arith.select %lt3A_1032, %add3A_1035, %and3A_26 : vector<16xi1>, vector<16xi32>
      %broadcast_in_dim3A_1037 = vector.shape_cast %select_n3A_1036 : vector<16xi32> to vector<16x1xi32>
      %gather3A_1038 = vector.shape_cast %broadcast_in_dim3A_1037 : vector<16x1xi32> to vector<16xi32>
      %gather3A_1039 = tpu.dynamic_gather %min3A_1024[%gather3A_1038] in [0] : vector<16xf32>, vector<16xi32> -> vector<16xf32>
      %lt3A_1040 = arith.constant 0 : i32
      %lt3A_1041 = vector.broadcast %lt3A_1040 : i32 to vector<16xi32>
      %lt3A_1042 = arith.cmpi slt, %and3A_26, %lt3A_1041 : vector<16xi32>
      %add3A_1043 = arith.constant 16 : i32
      %add3A_1044 = vector.broadcast %add3A_1043 : i32 to vector<16xi32>
      %add3A_1045 = arith.addi %and3A_26, %add3A_1044 : vector<16xi32>
      %select_n3A_1046 = arith.select %lt3A_1042, %add3A_1045, %and3A_26 : vector<16xi1>, vector<16xi32>
      %broadcast_in_dim3A_1047 = vector.shape_cast %select_n3A_1046 : vector<16xi32> to vector<16x1xi32>
      %gather3A_1048 = vector.shape_cast %broadcast_in_dim3A_1047 : vector<16x1xi32> to vector<16xi32>
      %gather3A_1049 = tpu.dynamic_gather %min3A_1026[%gather3A_1048] in [0] : vector<16xf32>, vector<16xi32> -> vector<16xf32>
      %lt3A_1050 = arith.constant 0 : i32
      %lt3A_1051 = vector.broadcast %lt3A_1050 : i32 to vector<16xi32>
      %lt3A_1052 = arith.cmpi slt, %and3A_26, %lt3A_1051 : vector<16xi32>
      %add3A_1053 = arith.constant 16 : i32
      %add3A_1054 = vector.broadcast %add3A_1053 : i32 to vector<16xi32>
      %add3A_1055 = arith.addi %and3A_26, %add3A_1054 : vector<16xi32>
      %select_n3A_1056 = arith.select %lt3A_1052, %add3A_1055, %and3A_26 : vector<16xi1>, vector<16xi32>
      %broadcast_in_dim3A_1057 = vector.shape_cast %select_n3A_1056 : vector<16xi32> to vector<16x1xi32>
      %gather3A_1058 = vector.shape_cast %broadcast_in_dim3A_1057 : vector<16x1xi32> to vector<16xi32>
      %gather3A_1059 = tpu.dynamic_gather %min3A_1028[%gather3A_1058] in [0] : vector<16xf32>, vector<16xi32> -> vector<16xf32>
      %lt3A_1060 = arith.constant 0 : i32
      %lt3A_1061 = vector.broadcast %lt3A_1060 : i32 to vector<16xi32>
      %lt3A_1062 = arith.cmpi slt, %and3A_26, %lt3A_1061 : vector<16xi32>
      %add3A_1063 = arith.constant 16 : i32
      %add3A_1064 = vector.broadcast %add3A_1063 : i32 to vector<16xi32>
      %add3A_1065 = arith.addi %and3A_26, %add3A_1064 : vector<16xi32>
      %select_n3A_1066 = arith.select %lt3A_1062, %add3A_1065, %and3A_26 : vector<16xi1>, vector<16xi32>
      %broadcast_in_dim3A_1067 = vector.shape_cast %select_n3A_1066 : vector<16xi32> to vector<16x1xi32>
      %gather3A_1068 = vector.shape_cast %broadcast_in_dim3A_1067 : vector<16x1xi32> to vector<16xi32>
      %gather3A_1069 = tpu.dynamic_gather %max3A_1029[%gather3A_1068] in [0] : vector<16xf32>, vector<16xi32> -> vector<16xf32>
      %min3A_1070 = arith.minimumf %min3A_1024, %gather3A_1039 : vector<16xf32>
      %max3A_1071 = arith.maximumf %min3A_1024, %gather3A_1039 : vector<16xf32>
      %min3A_1072 = arith.minimumf %min3A_1026, %max3A_1071 : vector<16xf32>
      %max3A_1073 = arith.maximumf %min3A_1026, %max3A_1071 : vector<16xf32>
      %min3A_1074 = arith.minimumf %min3A_1028, %max3A_1073 : vector<16xf32>
      %min3A_1075 = arith.minimumf %min3A_1070, %gather3A_1049 : vector<16xf32>
      %max3A_1076 = arith.maximumf %min3A_1070, %gather3A_1049 : vector<16xf32>
      %min3A_1077 = arith.minimumf %min3A_1072, %max3A_1076 : vector<16xf32>
      %max3A_1078 = arith.maximumf %min3A_1072, %max3A_1076 : vector<16xf32>
      %min3A_1079 = arith.minimumf %min3A_1074, %max3A_1078 : vector<16xf32>
      %min3A_1080 = arith.minimumf %min3A_1075, %gather3A_1059 : vector<16xf32>
      %max3A_1081 = arith.maximumf %min3A_1075, %gather3A_1059 : vector<16xf32>
      %min3A_1082 = arith.minimumf %min3A_1077, %max3A_1081 : vector<16xf32>
      %max3A_1083 = arith.maximumf %min3A_1077, %max3A_1081 : vector<16xf32>
      %min3A_1084 = arith.minimumf %min3A_1079, %max3A_1083 : vector<16xf32>
      %max3A_1085 = arith.maximumf %max3A_1029, %gather3A_1069 : vector<16xf32>
      %div3A = arith.divf %min3A_1082, %min3A_1084 : vector<16xf32>
      %lt3A_1086 = arith.constant 6.000000e-01 : f32
      %lt3A_1087 = vector.broadcast %lt3A_1086 : f32 to vector<16xf32>
      %lt3A_1088 = arith.cmpf olt, %div3A, %lt3A_1087 : vector<16xf32>
      %exp3A = math.exp %min3A_1082 : vector<16xf32>
      %add3A_1089 = arith.constant 1.000000e+00 : f32
      %add3A_1090 = vector.broadcast %add3A_1089 : f32 to vector<16xf32>
      %add3A_1091 = arith.addf %add3A_1090, %exp3A : vector<16xf32>
      %div3A_1092 = arith.constant 2.000000e+00 : f32
      %div3A_1093 = vector.broadcast %div3A_1092 : f32 to vector<16xf32>
      %div3A_1094 = arith.divf %div3A_1093, %add3A_1091 : vector<16xf32>
      %exp3A_1095 = math.exp %max3A_1085 : vector<16xf32>
      %mul3A_1096 = arith.constant 2.000000e+00 : f32
      %mul3A_1097 = vector.broadcast %mul3A_1096 : f32 to vector<16xf32>
      %mul3A_1098 = arith.mulf %mul3A_1097, %exp3A_1095 : vector<16xf32>
      %add3A_1099 = arith.constant 1.000000e+00 : f32
      %add3A_1100 = vector.broadcast %add3A_1099 : f32 to vector<16xf32>
      %add3A_1101 = arith.addf %add3A_1100, %mul3A_1098 : vector<16xf32>
      %div3A_1102 = arith.constant 2.000000e+00 : f32
      %div3A_1103 = vector.broadcast %div3A_1102 : f32 to vector<16xf32>
      %div3A_1104 = arith.divf %div3A_1103, %add3A_1101 : vector<16xf32>
      %select_n3A_1105 = arith.select %lt3A_1088, %div3A_1094, %div3A_1104 : vector<16xi1>, vector<16xf32>
      %eq3A = vector.broadcast %scan3A_398 : i32 to vector<16xi32>
      %eq3A_1106 = arith.cmpi eq, %iota3A, %eq3A : vector<16xi32>
      %select_n3A_1107 = arith.select %eq3A_1106, %select_n3A_1105, %scan3A_399 : vector<16xi1>, vector<16xf32>
      scf.yield %select_n3A_1107 : vector<16xf32>
    }
    %scan3A_87 = arith.constant 16 : i32
    %swap3A = arith.constant 0 : i32
    %swap3A_88 = arith.index_cast %swap3A : i32 to index
    %swap3A_89 = arith.constant 0 : index
    %swap3A_90 = tpu.vector_load %arg5[%swap3A_88, %swap3A_89] {strides = array<i32>} : memref<5x16xf32, #tpu.memory_space<vmem>>, vector<16xf32>,
    tpu.vector_store %arg5[%swap3A_88, %swap3A_89], %scan3A_86 {strides = array<i32>} : memref<5x16xf32, #tpu.memory_space<vmem>>, vector<16xf32>,
    %dma_start3A_91 = arith.constant 0 : i32
    %dma_start3A_92 = arith.constant 0 : i32
    %dma_start3A_93 = tpu.memref_slice %arg5[%dma_start3A_91, %dma_start3A_92] : memref<5x16xf32, #tpu.memory_space<vmem>> -> memref<1x16xf32, #tpu.memory_space<vmem>>
    %dma_start3A_94 = tpu.memref_squeeze %dma_start3A_93 : memref<1x16xf32, #tpu.memory_space<vmem>> -> memref<16xf32, #tpu.memory_space<vmem>>
    %dma_start3A_95 = arith.constant 0 : i32
    %dma_start3A_96 = tpu.memref_slice %arg3[%add3A_46, %dma_start3A_95] : memref<144x16xf32, #tpu.memory_space<hbm>> -> memref<1x16xf32, #tpu.memory_space<hbm>>
    %dma_start3A_97 = tpu.memref_squeeze %dma_start3A_96 : memref<1x16xf32, #tpu.memory_space<hbm>> -> memref<16xf32, #tpu.memory_space<hbm>>
    %dma_start3A_98 = arith.constant 0 : i32
    %dma_start3A_99 = tpu.memref_slice %arg3[%add3A_46, %dma_start3A_98] : memref<144x16xf32, #tpu.memory_space<hbm>> -> memref<1x16xf32, #tpu.memory_space<hbm>>
    %dma_start3A_100 = tpu.memref_squeeze %dma_start3A_99 : memref<1x16xf32, #tpu.memory_space<hbm>> -> memref<16xf32, #tpu.memory_space<hbm>>
    %dma_start3A_101 = arith.constant 0 : i32
    %dma_start3A_102 = tpu.memref_slice %arg5[%dma_start3A_91, %dma_start3A_101] : memref<5x16xf32, #tpu.memory_space<vmem>> -> memref<1x16xf32, #tpu.memory_space<vmem>>
    %dma_start3A_103 = tpu.memref_squeeze %dma_start3A_102 : memref<1x16xf32, #tpu.memory_space<vmem>> -> memref<16xf32, #tpu.memory_space<vmem>>
    tpu.enqueue_dma source(%dma_start3A_103 : memref<16xf32, #tpu.memory_space<vmem>>) target(%dma_start3A_100 : memref<16xf32, #tpu.memory_space<hbm>>) target_semaphore(%arg8 : memref<!tpu.dma_semaphore, #tpu.memory_space<semaphore_mem>>)
    %add3A_104 = arith.constant 32 : i32
    %add3A_105 = arith.addi %add3A, %add3A_104 : i32
    %dma_wait3A_106 = arith.constant 1 : i32
    %dma_wait3A_107 = arith.constant 0 : i32
    %dma_wait3A_108 = arith.constant 0 : i32
    %dma_wait3A_109 = tpu.memref_slice %arg4[%dma_wait3A_106, %dma_wait3A_107, %dma_wait3A_108] : memref<2x16x576xf32, #tpu.memory_space<vmem>> -> memref<1x16x576xf32, #tpu.memory_space<vmem>>
    %dma_wait3A_110 = tpu.memref_squeeze %dma_wait3A_109 : memref<1x16x576xf32, #tpu.memory_space<vmem>> -> memref<16x576xf32, #tpu.memory_space<vmem>>
    %dma_wait3A_111 = arith.constant 0 : i32
    %dma_wait3A_112 = arith.constant 0 : i32
    %dma_wait3A_113 = tpu.memref_slice %arg2[%add3A_64, %dma_wait3A_111, %dma_wait3A_112] : memref<144x16x576xf32, #tpu.memory_space<hbm>> -> memref<1x16x576xf32, #tpu.memory_space<hbm>>
    %dma_wait3A_114 = tpu.memref_squeeze %dma_wait3A_113 : memref<1x16x576xf32, #tpu.memory_space<hbm>> -> memref<16x576xf32, #tpu.memory_space<hbm>>
    %dma_wait3A_115 = arith.constant 0 : i32
    %dma_wait3A_116 = arith.constant 0 : i32
    %dma_wait3A_117 = tpu.memref_slice %arg4[%dma_wait3A_106, %dma_wait3A_115, %dma_wait3A_116] : memref<2x16x576xf32, #tpu.memory_space<vmem>> -> memref<1x16x576xf32, #tpu.memory_space<vmem>>
    %dma_wait3A_118 = tpu.memref_squeeze %dma_wait3A_117 : memref<1x16x576xf32, #tpu.memory_space<vmem>> -> memref<16x576xf32, #tpu.memory_space<vmem>>
    %dma_wait3A_119 = arith.constant 0 : i32
    %dma_wait3A_120 = arith.constant 0 : i32
    %dma_wait3A_121 = tpu.memref_slice %arg2[%add3A_64, %dma_wait3A_119, %dma_wait3A_120] : memref<144x16x576xf32, #tpu.memory_space<hbm>> -> memref<1x16x576xf32, #tpu.memory_space<hbm>>
    %dma_wait3A_122 = tpu.memref_squeeze %dma_wait3A_121 : memref<1x16x576xf32, #tpu.memory_space<hbm>> -> memref<16x576xf32, #tpu.memory_space<hbm>>
    tpu.wait_dma2 semaphore(%arg7 : memref<!tpu.dma_semaphore, #tpu.memory_space<semaphore_mem>>) src(%dma_wait3A_122 : memref<16x576xf32, #tpu.memory_space<hbm>>) dst(%dma_wait3A_118 : memref<16x576xf32, #tpu.memory_space<vmem>>)
    %add3A_123 = arith.constant 64 : i32
    %add3A_124 = arith.addi %add3A, %add3A_123 : i32
    %dma_start3A_125 = arith.constant 0 : i32
    %dma_start3A_126 = arith.constant 0 : i32
    %dma_start3A_127 = arith.constant 0 : i32
    %dma_start3A_128 = tpu.memref_slice %arg4[%dma_start3A_125, %dma_start3A_126, %dma_start3A_127] : memref<2x16x576xf32, #tpu.memory_space<vmem>> -> memref<1x16x576xf32, #tpu.memory_space<vmem>>
    %dma_start3A_129 = tpu.memref_squeeze %dma_start3A_128 : memref<1x16x576xf32, #tpu.memory_space<vmem>> -> memref<16x576xf32, #tpu.memory_space<vmem>>
    %dma_start3A_130 = arith.constant 0 : i32
    %dma_start3A_131 = arith.constant 0 : i32
    %dma_start3A_132 = tpu.memref_slice %arg2[%add3A_124, %dma_start3A_130, %dma_start3A_131] : memref<144x16x576xf32, #tpu.memory_space<hbm>> -> memref<1x16x576xf32, #tpu.memory_space<hbm>>
    %dma_start3A_133 = tpu.memref_squeeze %dma_start3A_132 : memref<1x16x576xf32, #tpu.memory_space<hbm>> -> memref<16x576xf32, #tpu.memory_space<hbm>>
    %dma_start3A_134 = arith.constant 0 : i32
    %dma_start3A_135 = arith.constant 0 : i32
    %dma_start3A_136 = tpu.memref_slice %arg4[%dma_start3A_125, %dma_start3A_134, %dma_start3A_135] : memref<2x16x576xf32, #tpu.memory_space<vmem>> -> memref<1x16x576xf32, #tpu.memory_space<vmem>>
    %dma_start3A_137 = tpu.memref_squeeze %dma_start3A_136 : memref<1x16x576xf32, #tpu.memory_space<vmem>> -> memref<16x576xf32, #tpu.memory_space<vmem>>
    %dma_start3A_138 = arith.constant 0 : i32
    %dma_start3A_139 = arith.constant 0 : i32
    %dma_start3A_140 = tpu.memref_slice %arg2[%add3A_124, %dma_start3A_138, %dma_start3A_139] : memref<144x16x576xf32, #tpu.memory_space<hbm>> -> memref<1x16x576xf32, #tpu.memory_space<hbm>>
    %dma_start3A_141 = tpu.memref_squeeze %dma_start3A_140 : memref<1x16x576xf32, #tpu.memory_space<hbm>> -> memref<16x576xf32, #tpu.memory_space<hbm>>
    tpu.enqueue_dma source(%dma_start3A_141 : memref<16x576xf32, #tpu.memory_space<hbm>>) target(%dma_start3A_137 : memref<16x576xf32, #tpu.memory_space<vmem>>) target_semaphore(%arg6 : memref<!tpu.dma_semaphore, #tpu.memory_space<semaphore_mem>>)
    %scan3A_142 = arith.constant 1 : i32
    %scan3A_143 = arith.constant 0 : i32
    %scan3A_144 = arith.constant 16 : i32
    %scan3A_145 = arith.addi %scan3A_143, %scan3A_144 : i32
    %scan3A_146 = arith.constant 1 : i32
    %scan3A_147 = scf.for %scan3A_398 = %scan3A_143 to %scan3A_145 step %scan3A_146 iter_args(%scan3A_399 = %broadcast_in_dim3A_3) -> (vector<16xf32>)  : i32 {
      %get3A = arith.constant 0 : i32
      %get3A_400 = arith.constant 0 : i32
      %get3A_401 = tpu.memref_slice %arg4[%scan3A_142, %get3A, %get3A_400] : memref<2x16x576xf32, #tpu.memory_space<vmem>> -> memref<1x16x576xf32, #tpu.memory_space<vmem>>
      %get3A_402 = tpu.memref_squeeze %get3A_401 : memref<1x16x576xf32, #tpu.memory_space<vmem>> -> memref<16x576xf32, #tpu.memory_space<vmem>>
      %get3A_403 = arith.index_cast %scan3A_398 : i32 to index
      %get3A_404 = arith.constant 0 : index
      %get3A_405 = tpu.vector_load %get3A_402[%get3A_403, %get3A_404] {strides = array<i32>} : memref<16x576xf32, #tpu.memory_space<vmem>>, vector<16xf32>,
      %min3A = arith.minimumf %broadcast_in_dim3A_1, %get3A_405 : vector<16xf32>
      %max3A = arith.maximumf %broadcast_in_dim3A_1, %get3A_405 : vector<16xf32>
      %min3A_406 = arith.minimumf %broadcast_in_dim3A_1, %max3A : vector<16xf32>
      %max3A_407 = arith.maximumf %broadcast_in_dim3A_1, %max3A : vector<16xf32>
      %min3A_408 = arith.minimumf %broadcast_in_dim3A_1, %max3A_407 : vector<16xf32>
      %max3A_409 = arith.maximumf %broadcast_in_dim3A_3, %get3A_405 : vector<16xf32>
      %get3A_410 = arith.constant 0 : i32
      %get3A_411 = arith.constant 0 : i32
      %get3A_412 = tpu.memref_slice %arg4[%scan3A_142, %get3A_410, %get3A_411] : memref<2x16x576xf32, #tpu.memory_space<vmem>> -> memref<1x16x576xf32, #tpu.memory_space<vmem>>
      %get3A_413 = tpu.memref_squeeze %get3A_412 : memref<1x16x576xf32, #tpu.memory_space<vmem>> -> memref<16x576xf32, #tpu.memory_space<vmem>>
      %get3A_414 = arith.index_cast %scan3A_398 : i32 to index
      %get3A_415 = arith.constant 16 : index
      %get3A_416 = tpu.vector_load %get3A_413[%get3A_414, %get3A_415] {strides = array<i32>} : memref<16x576xf32, #tpu.memory_space<vmem>>, vector<16xf32>,
      %min3A_417 = arith.minimumf %min3A, %get3A_416 : vector<16xf32>
      %max3A_418 = arith.maximumf %min3A, %get3A_416 : vector<16xf32>
      %min3A_419 = arith.minimumf %min3A_406, %max3A_418 : vector<16xf32>
      %max3A_420 = arith.maximumf %min3A_406, %max3A_418 : vector<16xf32>
      %min3A_421 = arith.minimumf %min3A_408, %max3A_420 : vector<16xf32>
      %max3A_422 = arith.maximumf %max3A_409, %get3A_416 : vector<16xf32>
      %get3A_423 = arith.constant 0 : i32
      %get3A_424 = arith.constant 0 : i32
      %get3A_425 = tpu.memref_slice %arg4[%scan3A_142, %get3A_423, %get3A_424] : memref<2x16x576xf32, #tpu.memory_space<vmem>> -> memref<1x16x576xf32, #tpu.memory_space<vmem>>
      %get3A_426 = tpu.memref_squeeze %get3A_425 : memref<1x16x576xf32, #tpu.memory_space<vmem>> -> memref<16x576xf32, #tpu.memory_space<vmem>>
      %get3A_427 = arith.index_cast %scan3A_398 : i32 to index
      %get3A_428 = arith.constant 32 : index
      %get3A_429 = tpu.vector_load %get3A_426[%get3A_427, %get3A_428] {strides = array<i32>} : memref<16x576xf32, #tpu.memory_space<vmem>>, vector<16xf32>,
      %min3A_430 = arith.minimumf %min3A_417, %get3A_429 : vector<16xf32>
      %max3A_431 = arith.maximumf %min3A_417, %get3A_429 : vector<16xf32>
      %min3A_432 = arith.minimumf %min3A_419, %max3A_431 : vector<16xf32>
      %max3A_433 = arith.maximumf %min3A_419, %max3A_431 : vector<16xf32>
      %min3A_434 = arith.minimumf %min3A_421, %max3A_433 : vector<16xf32>
      %max3A_435 = arith.maximumf %max3A_422, %get3A_429 : vector<16xf32>
      %get3A_436 = arith.constant 0 : i32
      %get3A_437 = arith.constant 0 : i32
      %get3A_438 = tpu.memref_slice %arg4[%scan3A_142, %get3A_436, %get3A_437] : memref<2x16x576xf32, #tpu.memory_space<vmem>> -> memref<1x16x576xf32, #tpu.memory_space<vmem>>
      %get3A_439 = tpu.memref_squeeze %get3A_438 : memref<1x16x576xf32, #tpu.memory_space<vmem>> -> memref<16x576xf32, #tpu.memory_space<vmem>>
      %get3A_440 = arith.index_cast %scan3A_398 : i32 to index
      %get3A_441 = arith.constant 48 : index
      %get3A_442 = tpu.vector_load %get3A_439[%get3A_440, %get3A_441] {strides = array<i32>} : memref<16x576xf32, #tpu.memory_space<vmem>>, vector<16xf32>,
      %min3A_443 = arith.minimumf %min3A_430, %get3A_442 : vector<16xf32>
      %max3A_444 = arith.maximumf %min3A_430, %get3A_442 : vector<16xf32>
      %min3A_445 = arith.minimumf %min3A_432, %max3A_444 : vector<16xf32>
      %max3A_446 = arith.maximumf %min3A_432, %max3A_444 : vector<16xf32>
      %min3A_447 = arith.minimumf %min3A_434, %max3A_446 : vector<16xf32>
      %max3A_448 = arith.maximumf %max3A_435, %get3A_442 : vector<16xf32>
      %get3A_449 = arith.constant 0 : i32
      %get3A_450 = arith.constant 0 : i32
      %get3A_451 = tpu.memref_slice %arg4[%scan3A_142, %get3A_449, %get3A_450] : memref<2x16x576xf32, #tpu.memory_space<vmem>> -> memref<1x16x576xf32, #tpu.memory_space<vmem>>
      %get3A_452 = tpu.memref_squeeze %get3A_451 : memref<1x16x576xf32, #tpu.memory_space<vmem>> -> memref<16x576xf32, #tpu.memory_space<vmem>>
      %get3A_453 = arith.index_cast %scan3A_398 : i32 to index
      %get3A_454 = arith.constant 64 : index
      %get3A_455 = tpu.vector_load %get3A_452[%get3A_453, %get3A_454] {strides = array<i32>} : memref<16x576xf32, #tpu.memory_space<vmem>>, vector<16xf32>,
      %min3A_456 = arith.minimumf %min3A_443, %get3A_455 : vector<16xf32>
      %max3A_457 = arith.maximumf %min3A_443, %get3A_455 : vector<16xf32>
      %min3A_458 = arith.minimumf %min3A_445, %max3A_457 : vector<16xf32>
      %max3A_459 = arith.maximumf %min3A_445, %max3A_457 : vector<16xf32>
      %min3A_460 = arith.minimumf %min3A_447, %max3A_459 : vector<16xf32>
      %max3A_461 = arith.maximumf %max3A_448, %get3A_455 : vector<16xf32>
      %get3A_462 = arith.constant 0 : i32
      %get3A_463 = arith.constant 0 : i32
      %get3A_464 = tpu.memref_slice %arg4[%scan3A_142, %get3A_462, %get3A_463] : memref<2x16x576xf32, #tpu.memory_space<vmem>> -> memref<1x16x576xf32, #tpu.memory_space<vmem>>
      %get3A_465 = tpu.memref_squeeze %get3A_464 : memref<1x16x576xf32, #tpu.memory_space<vmem>> -> memref<16x576xf32, #tpu.memory_space<vmem>>
      %get3A_466 = arith.index_cast %scan3A_398 : i32 to index
      %get3A_467 = arith.constant 80 : index
      %get3A_468 = tpu.vector_load %get3A_465[%get3A_466, %get3A_467] {strides = array<i32>} : memref<16x576xf32, #tpu.memory_space<vmem>>, vector<16xf32>,
      %min3A_469 = arith.minimumf %min3A_456, %get3A_468 : vector<16xf32>
      %max3A_470 = arith.maximumf %min3A_456, %get3A_468 : vector<16xf32>
      %min3A_471 = arith.minimumf %min3A_458, %max3A_470 : vector<16xf32>
      %max3A_472 = arith.maximumf %min3A_458, %max3A_470 : vector<16xf32>
      %min3A_473 = arith.minimumf %min3A_460, %max3A_472 : vector<16xf32>
      %max3A_474 = arith.maximumf %max3A_461, %get3A_468 : vector<16xf32>
      %get3A_475 = arith.constant 0 : i32
      %get3A_476 = arith.constant 0 : i32
      %get3A_477 = tpu.memref_slice %arg4[%scan3A_142, %get3A_475, %get3A_476] : memref<2x16x576xf32, #tpu.memory_space<vmem>> -> memref<1x16x576xf32, #tpu.memory_space<vmem>>
      %get3A_478 = tpu.memref_squeeze %get3A_477 : memref<1x16x576xf32, #tpu.memory_space<vmem>> -> memref<16x576xf32, #tpu.memory_space<vmem>>
      %get3A_479 = arith.index_cast %scan3A_398 : i32 to index
      %get3A_480 = arith.constant 96 : index
      %get3A_481 = tpu.vector_load %get3A_478[%get3A_479, %get3A_480] {strides = array<i32>} : memref<16x576xf32, #tpu.memory_space<vmem>>, vector<16xf32>,
      %min3A_482 = arith.minimumf %min3A_469, %get3A_481 : vector<16xf32>
      %max3A_483 = arith.maximumf %min3A_469, %get3A_481 : vector<16xf32>
      %min3A_484 = arith.minimumf %min3A_471, %max3A_483 : vector<16xf32>
      %max3A_485 = arith.maximumf %min3A_471, %max3A_483 : vector<16xf32>
      %min3A_486 = arith.minimumf %min3A_473, %max3A_485 : vector<16xf32>
      %max3A_487 = arith.maximumf %max3A_474, %get3A_481 : vector<16xf32>
      %get3A_488 = arith.constant 0 : i32
      %get3A_489 = arith.constant 0 : i32
      %get3A_490 = tpu.memref_slice %arg4[%scan3A_142, %get3A_488, %get3A_489] : memref<2x16x576xf32, #tpu.memory_space<vmem>> -> memref<1x16x576xf32, #tpu.memory_space<vmem>>
      %get3A_491 = tpu.memref_squeeze %get3A_490 : memref<1x16x576xf32, #tpu.memory_space<vmem>> -> memref<16x576xf32, #tpu.memory_space<vmem>>
      %get3A_492 = arith.index_cast %scan3A_398 : i32 to index
      %get3A_493 = arith.constant 112 : index
      %get3A_494 = tpu.vector_load %get3A_491[%get3A_492, %get3A_493] {strides = array<i32>} : memref<16x576xf32, #tpu.memory_space<vmem>>, vector<16xf32>,
      %min3A_495 = arith.minimumf %min3A_482, %get3A_494 : vector<16xf32>
      %max3A_496 = arith.maximumf %min3A_482, %get3A_494 : vector<16xf32>
      %min3A_497 = arith.minimumf %min3A_484, %max3A_496 : vector<16xf32>
      %max3A_498 = arith.maximumf %min3A_484, %max3A_496 : vector<16xf32>
      %min3A_499 = arith.minimumf %min3A_486, %max3A_498 : vector<16xf32>
      %max3A_500 = arith.maximumf %max3A_487, %get3A_494 : vector<16xf32>
      %get3A_501 = arith.constant 0 : i32
      %get3A_502 = arith.constant 0 : i32
      %get3A_503 = tpu.memref_slice %arg4[%scan3A_142, %get3A_501, %get3A_502] : memref<2x16x576xf32, #tpu.memory_space<vmem>> -> memref<1x16x576xf32, #tpu.memory_space<vmem>>
      %get3A_504 = tpu.memref_squeeze %get3A_503 : memref<1x16x576xf32, #tpu.memory_space<vmem>> -> memref<16x576xf32, #tpu.memory_space<vmem>>
      %get3A_505 = arith.index_cast %scan3A_398 : i32 to index
      %get3A_506 = arith.constant 128 : index
      %get3A_507 = tpu.vector_load %get3A_504[%get3A_505, %get3A_506] {strides = array<i32>} : memref<16x576xf32, #tpu.memory_space<vmem>>, vector<16xf32>,
      %min3A_508 = arith.minimumf %min3A_495, %get3A_507 : vector<16xf32>
      %max3A_509 = arith.maximumf %min3A_495, %get3A_507 : vector<16xf32>
      %min3A_510 = arith.minimumf %min3A_497, %max3A_509 : vector<16xf32>
      %max3A_511 = arith.maximumf %min3A_497, %max3A_509 : vector<16xf32>
      %min3A_512 = arith.minimumf %min3A_499, %max3A_511 : vector<16xf32>
      %max3A_513 = arith.maximumf %max3A_500, %get3A_507 : vector<16xf32>
      %get3A_514 = arith.constant 0 : i32
      %get3A_515 = arith.constant 0 : i32
      %get3A_516 = tpu.memref_slice %arg4[%scan3A_142, %get3A_514, %get3A_515] : memref<2x16x576xf32, #tpu.memory_space<vmem>> -> memref<1x16x576xf32, #tpu.memory_space<vmem>>
      %get3A_517 = tpu.memref_squeeze %get3A_516 : memref<1x16x576xf32, #tpu.memory_space<vmem>> -> memref<16x576xf32, #tpu.memory_space<vmem>>
      %get3A_518 = arith.index_cast %scan3A_398 : i32 to index
      %get3A_519 = arith.constant 144 : index
      %get3A_520 = tpu.vector_load %get3A_517[%get3A_518, %get3A_519] {strides = array<i32>} : memref<16x576xf32, #tpu.memory_space<vmem>>, vector<16xf32>,
      %min3A_521 = arith.minimumf %min3A_508, %get3A_520 : vector<16xf32>
      %max3A_522 = arith.maximumf %min3A_508, %get3A_520 : vector<16xf32>
      %min3A_523 = arith.minimumf %min3A_510, %max3A_522 : vector<16xf32>
      %max3A_524 = arith.maximumf %min3A_510, %max3A_522 : vector<16xf32>
      %min3A_525 = arith.minimumf %min3A_512, %max3A_524 : vector<16xf32>
      %max3A_526 = arith.maximumf %max3A_513, %get3A_520 : vector<16xf32>
      %get3A_527 = arith.constant 0 : i32
      %get3A_528 = arith.constant 0 : i32
      %get3A_529 = tpu.memref_slice %arg4[%scan3A_142, %get3A_527, %get3A_528] : memref<2x16x576xf32, #tpu.memory_space<vmem>> -> memref<1x16x576xf32, #tpu.memory_space<vmem>>
      %get3A_530 = tpu.memref_squeeze %get3A_529 : memref<1x16x576xf32, #tpu.memory_space<vmem>> -> memref<16x576xf32, #tpu.memory_space<vmem>>
      %get3A_531 = arith.index_cast %scan3A_398 : i32 to index
      %get3A_532 = arith.constant 160 : index
      %get3A_533 = tpu.vector_load %get3A_530[%get3A_531, %get3A_532] {strides = array<i32>} : memref<16x576xf32, #tpu.memory_space<vmem>>, vector<16xf32>,
      %min3A_534 = arith.minimumf %min3A_521, %get3A_533 : vector<16xf32>
      %max3A_535 = arith.maximumf %min3A_521, %get3A_533 : vector<16xf32>
      %min3A_536 = arith.minimumf %min3A_523, %max3A_535 : vector<16xf32>
      %max3A_537 = arith.maximumf %min3A_523, %max3A_535 : vector<16xf32>
      %min3A_538 = arith.minimumf %min3A_525, %max3A_537 : vector<16xf32>
      %max3A_539 = arith.maximumf %max3A_526, %get3A_533 : vector<16xf32>
      %get3A_540 = arith.constant 0 : i32
      %get3A_541 = arith.constant 0 : i32
      %get3A_542 = tpu.memref_slice %arg4[%scan3A_142, %get3A_540, %get3A_541] : memref<2x16x576xf32, #tpu.memory_space<vmem>> -> memref<1x16x576xf32, #tpu.memory_space<vmem>>
      %get3A_543 = tpu.memref_squeeze %get3A_542 : memref<1x16x576xf32, #tpu.memory_space<vmem>> -> memref<16x576xf32, #tpu.memory_space<vmem>>
      %get3A_544 = arith.index_cast %scan3A_398 : i32 to index
      %get3A_545 = arith.constant 176 : index
      %get3A_546 = tpu.vector_load %get3A_543[%get3A_544, %get3A_545] {strides = array<i32>} : memref<16x576xf32, #tpu.memory_space<vmem>>, vector<16xf32>,
      %min3A_547 = arith.minimumf %min3A_534, %get3A_546 : vector<16xf32>
      %max3A_548 = arith.maximumf %min3A_534, %get3A_546 : vector<16xf32>
      %min3A_549 = arith.minimumf %min3A_536, %max3A_548 : vector<16xf32>
      %max3A_550 = arith.maximumf %min3A_536, %max3A_548 : vector<16xf32>
      %min3A_551 = arith.minimumf %min3A_538, %max3A_550 : vector<16xf32>
      %max3A_552 = arith.maximumf %max3A_539, %get3A_546 : vector<16xf32>
      %get3A_553 = arith.constant 0 : i32
      %get3A_554 = arith.constant 0 : i32
      %get3A_555 = tpu.memref_slice %arg4[%scan3A_142, %get3A_553, %get3A_554] : memref<2x16x576xf32, #tpu.memory_space<vmem>> -> memref<1x16x576xf32, #tpu.memory_space<vmem>>
      %get3A_556 = tpu.memref_squeeze %get3A_555 : memref<1x16x576xf32, #tpu.memory_space<vmem>> -> memref<16x576xf32, #tpu.memory_space<vmem>>
      %get3A_557 = arith.index_cast %scan3A_398 : i32 to index
      %get3A_558 = arith.constant 192 : index
      %get3A_559 = tpu.vector_load %get3A_556[%get3A_557, %get3A_558] {strides = array<i32>} : memref<16x576xf32, #tpu.memory_space<vmem>>, vector<16xf32>,
      %min3A_560 = arith.minimumf %min3A_547, %get3A_559 : vector<16xf32>
      %max3A_561 = arith.maximumf %min3A_547, %get3A_559 : vector<16xf32>
      %min3A_562 = arith.minimumf %min3A_549, %max3A_561 : vector<16xf32>
      %max3A_563 = arith.maximumf %min3A_549, %max3A_561 : vector<16xf32>
      %min3A_564 = arith.minimumf %min3A_551, %max3A_563 : vector<16xf32>
      %max3A_565 = arith.maximumf %max3A_552, %get3A_559 : vector<16xf32>
      %get3A_566 = arith.constant 0 : i32
      %get3A_567 = arith.constant 0 : i32
      %get3A_568 = tpu.memref_slice %arg4[%scan3A_142, %get3A_566, %get3A_567] : memref<2x16x576xf32, #tpu.memory_space<vmem>> -> memref<1x16x576xf32, #tpu.memory_space<vmem>>
      %get3A_569 = tpu.memref_squeeze %get3A_568 : memref<1x16x576xf32, #tpu.memory_space<vmem>> -> memref<16x576xf32, #tpu.memory_space<vmem>>
      %get3A_570 = arith.index_cast %scan3A_398 : i32 to index
      %get3A_571 = arith.constant 208 : index
      %get3A_572 = tpu.vector_load %get3A_569[%get3A_570, %get3A_571] {strides = array<i32>} : memref<16x576xf32, #tpu.memory_space<vmem>>, vector<16xf32>,
      %min3A_573 = arith.minimumf %min3A_560, %get3A_572 : vector<16xf32>
      %max3A_574 = arith.maximumf %min3A_560, %get3A_572 : vector<16xf32>
      %min3A_575 = arith.minimumf %min3A_562, %max3A_574 : vector<16xf32>
      %max3A_576 = arith.maximumf %min3A_562, %max3A_574 : vector<16xf32>
      %min3A_577 = arith.minimumf %min3A_564, %max3A_576 : vector<16xf32>
      %max3A_578 = arith.maximumf %max3A_565, %get3A_572 : vector<16xf32>
      %get3A_579 = arith.constant 0 : i32
      %get3A_580 = arith.constant 0 : i32
      %get3A_581 = tpu.memref_slice %arg4[%scan3A_142, %get3A_579, %get3A_580] : memref<2x16x576xf32, #tpu.memory_space<vmem>> -> memref<1x16x576xf32, #tpu.memory_space<vmem>>
      %get3A_582 = tpu.memref_squeeze %get3A_581 : memref<1x16x576xf32, #tpu.memory_space<vmem>> -> memref<16x576xf32, #tpu.memory_space<vmem>>
      %get3A_583 = arith.index_cast %scan3A_398 : i32 to index
      %get3A_584 = arith.constant 224 : index
      %get3A_585 = tpu.vector_load %get3A_582[%get3A_583, %get3A_584] {strides = array<i32>} : memref<16x576xf32, #tpu.memory_space<vmem>>, vector<16xf32>,
      %min3A_586 = arith.minimumf %min3A_573, %get3A_585 : vector<16xf32>
      %max3A_587 = arith.maximumf %min3A_573, %get3A_585 : vector<16xf32>
      %min3A_588 = arith.minimumf %min3A_575, %max3A_587 : vector<16xf32>
      %max3A_589 = arith.maximumf %min3A_575, %max3A_587 : vector<16xf32>
      %min3A_590 = arith.minimumf %min3A_577, %max3A_589 : vector<16xf32>
      %max3A_591 = arith.maximumf %max3A_578, %get3A_585 : vector<16xf32>
      %get3A_592 = arith.constant 0 : i32
      %get3A_593 = arith.constant 0 : i32
      %get3A_594 = tpu.memref_slice %arg4[%scan3A_142, %get3A_592, %get3A_593] : memref<2x16x576xf32, #tpu.memory_space<vmem>> -> memref<1x16x576xf32, #tpu.memory_space<vmem>>
      %get3A_595 = tpu.memref_squeeze %get3A_594 : memref<1x16x576xf32, #tpu.memory_space<vmem>> -> memref<16x576xf32, #tpu.memory_space<vmem>>
      %get3A_596 = arith.index_cast %scan3A_398 : i32 to index
      %get3A_597 = arith.constant 240 : index
      %get3A_598 = tpu.vector_load %get3A_595[%get3A_596, %get3A_597] {strides = array<i32>} : memref<16x576xf32, #tpu.memory_space<vmem>>, vector<16xf32>,
      %min3A_599 = arith.minimumf %min3A_586, %get3A_598 : vector<16xf32>
      %max3A_600 = arith.maximumf %min3A_586, %get3A_598 : vector<16xf32>
      %min3A_601 = arith.minimumf %min3A_588, %max3A_600 : vector<16xf32>
      %max3A_602 = arith.maximumf %min3A_588, %max3A_600 : vector<16xf32>
      %min3A_603 = arith.minimumf %min3A_590, %max3A_602 : vector<16xf32>
      %max3A_604 = arith.maximumf %max3A_591, %get3A_598 : vector<16xf32>
      %get3A_605 = arith.constant 0 : i32
      %get3A_606 = arith.constant 0 : i32
      %get3A_607 = tpu.memref_slice %arg4[%scan3A_142, %get3A_605, %get3A_606] : memref<2x16x576xf32, #tpu.memory_space<vmem>> -> memref<1x16x576xf32, #tpu.memory_space<vmem>>
      %get3A_608 = tpu.memref_squeeze %get3A_607 : memref<1x16x576xf32, #tpu.memory_space<vmem>> -> memref<16x576xf32, #tpu.memory_space<vmem>>
      %get3A_609 = arith.index_cast %scan3A_398 : i32 to index
      %get3A_610 = arith.constant 256 : index
      %get3A_611 = tpu.vector_load %get3A_608[%get3A_609, %get3A_610] {strides = array<i32>} : memref<16x576xf32, #tpu.memory_space<vmem>>, vector<16xf32>,
      %min3A_612 = arith.minimumf %min3A_599, %get3A_611 : vector<16xf32>
      %max3A_613 = arith.maximumf %min3A_599, %get3A_611 : vector<16xf32>
      %min3A_614 = arith.minimumf %min3A_601, %max3A_613 : vector<16xf32>
      %max3A_615 = arith.maximumf %min3A_601, %max3A_613 : vector<16xf32>
      %min3A_616 = arith.minimumf %min3A_603, %max3A_615 : vector<16xf32>
      %max3A_617 = arith.maximumf %max3A_604, %get3A_611 : vector<16xf32>
      %get3A_618 = arith.constant 0 : i32
      %get3A_619 = arith.constant 0 : i32
      %get3A_620 = tpu.memref_slice %arg4[%scan3A_142, %get3A_618, %get3A_619] : memref<2x16x576xf32, #tpu.memory_space<vmem>> -> memref<1x16x576xf32, #tpu.memory_space<vmem>>
      %get3A_621 = tpu.memref_squeeze %get3A_620 : memref<1x16x576xf32, #tpu.memory_space<vmem>> -> memref<16x576xf32, #tpu.memory_space<vmem>>
      %get3A_622 = arith.index_cast %scan3A_398 : i32 to index
      %get3A_623 = arith.constant 272 : index
      %get3A_624 = tpu.vector_load %get3A_621[%get3A_622, %get3A_623] {strides = array<i32>} : memref<16x576xf32, #tpu.memory_space<vmem>>, vector<16xf32>,
      %min3A_625 = arith.minimumf %min3A_612, %get3A_624 : vector<16xf32>
      %max3A_626 = arith.maximumf %min3A_612, %get3A_624 : vector<16xf32>
      %min3A_627 = arith.minimumf %min3A_614, %max3A_626 : vector<16xf32>
      %max3A_628 = arith.maximumf %min3A_614, %max3A_626 : vector<16xf32>
      %min3A_629 = arith.minimumf %min3A_616, %max3A_628 : vector<16xf32>
      %max3A_630 = arith.maximumf %max3A_617, %get3A_624 : vector<16xf32>
      %get3A_631 = arith.constant 0 : i32
      %get3A_632 = arith.constant 0 : i32
      %get3A_633 = tpu.memref_slice %arg4[%scan3A_142, %get3A_631, %get3A_632] : memref<2x16x576xf32, #tpu.memory_space<vmem>> -> memref<1x16x576xf32, #tpu.memory_space<vmem>>
      %get3A_634 = tpu.memref_squeeze %get3A_633 : memref<1x16x576xf32, #tpu.memory_space<vmem>> -> memref<16x576xf32, #tpu.memory_space<vmem>>
      %get3A_635 = arith.index_cast %scan3A_398 : i32 to index
      %get3A_636 = arith.constant 288 : index
      %get3A_637 = tpu.vector_load %get3A_634[%get3A_635, %get3A_636] {strides = array<i32>} : memref<16x576xf32, #tpu.memory_space<vmem>>, vector<16xf32>,
      %min3A_638 = arith.minimumf %min3A_625, %get3A_637 : vector<16xf32>
      %max3A_639 = arith.maximumf %min3A_625, %get3A_637 : vector<16xf32>
      %min3A_640 = arith.minimumf %min3A_627, %max3A_639 : vector<16xf32>
      %max3A_641 = arith.maximumf %min3A_627, %max3A_639 : vector<16xf32>
      %min3A_642 = arith.minimumf %min3A_629, %max3A_641 : vector<16xf32>
      %max3A_643 = arith.maximumf %max3A_630, %get3A_637 : vector<16xf32>
      %get3A_644 = arith.constant 0 : i32
      %get3A_645 = arith.constant 0 : i32
      %get3A_646 = tpu.memref_slice %arg4[%scan3A_142, %get3A_644, %get3A_645] : memref<2x16x576xf32, #tpu.memory_space<vmem>> -> memref<1x16x576xf32, #tpu.memory_space<vmem>>
      %get3A_647 = tpu.memref_squeeze %get3A_646 : memref<1x16x576xf32, #tpu.memory_space<vmem>> -> memref<16x576xf32, #tpu.memory_space<vmem>>
      %get3A_648 = arith.index_cast %scan3A_398 : i32 to index
      %get3A_649 = arith.constant 304 : index
      %get3A_650 = tpu.vector_load %get3A_647[%get3A_648, %get3A_649] {strides = array<i32>} : memref<16x576xf32, #tpu.memory_space<vmem>>, vector<16xf32>,
      %min3A_651 = arith.minimumf %min3A_638, %get3A_650 : vector<16xf32>
      %max3A_652 = arith.maximumf %min3A_638, %get3A_650 : vector<16xf32>
      %min3A_653 = arith.minimumf %min3A_640, %max3A_652 : vector<16xf32>
      %max3A_654 = arith.maximumf %min3A_640, %max3A_652 : vector<16xf32>
      %min3A_655 = arith.minimumf %min3A_642, %max3A_654 : vector<16xf32>
      %max3A_656 = arith.maximumf %max3A_643, %get3A_650 : vector<16xf32>
      %get3A_657 = arith.constant 0 : i32
      %get3A_658 = arith.constant 0 : i32
      %get3A_659 = tpu.memref_slice %arg4[%scan3A_142, %get3A_657, %get3A_658] : memref<2x16x576xf32, #tpu.memory_space<vmem>> -> memref<1x16x576xf32, #tpu.memory_space<vmem>>
      %get3A_660 = tpu.memref_squeeze %get3A_659 : memref<1x16x576xf32, #tpu.memory_space<vmem>> -> memref<16x576xf32, #tpu.memory_space<vmem>>
      %get3A_661 = arith.index_cast %scan3A_398 : i32 to index
      %get3A_662 = arith.constant 320 : index
      %get3A_663 = tpu.vector_load %get3A_660[%get3A_661, %get3A_662] {strides = array<i32>} : memref<16x576xf32, #tpu.memory_space<vmem>>, vector<16xf32>,
      %min3A_664 = arith.minimumf %min3A_651, %get3A_663 : vector<16xf32>
      %max3A_665 = arith.maximumf %min3A_651, %get3A_663 : vector<16xf32>
      %min3A_666 = arith.minimumf %min3A_653, %max3A_665 : vector<16xf32>
      %max3A_667 = arith.maximumf %min3A_653, %max3A_665 : vector<16xf32>
      %min3A_668 = arith.minimumf %min3A_655, %max3A_667 : vector<16xf32>
      %max3A_669 = arith.maximumf %max3A_656, %get3A_663 : vector<16xf32>
      %get3A_670 = arith.constant 0 : i32
      %get3A_671 = arith.constant 0 : i32
      %get3A_672 = tpu.memref_slice %arg4[%scan3A_142, %get3A_670, %get3A_671] : memref<2x16x576xf32, #tpu.memory_space<vmem>> -> memref<1x16x576xf32, #tpu.memory_space<vmem>>
      %get3A_673 = tpu.memref_squeeze %get3A_672 : memref<1x16x576xf32, #tpu.memory_space<vmem>> -> memref<16x576xf32, #tpu.memory_space<vmem>>
      %get3A_674 = arith.index_cast %scan3A_398 : i32 to index
      %get3A_675 = arith.constant 336 : index
      %get3A_676 = tpu.vector_load %get3A_673[%get3A_674, %get3A_675] {strides = array<i32>} : memref<16x576xf32, #tpu.memory_space<vmem>>, vector<16xf32>,
      %min3A_677 = arith.minimumf %min3A_664, %get3A_676 : vector<16xf32>
      %max3A_678 = arith.maximumf %min3A_664, %get3A_676 : vector<16xf32>
      %min3A_679 = arith.minimumf %min3A_666, %max3A_678 : vector<16xf32>
      %max3A_680 = arith.maximumf %min3A_666, %max3A_678 : vector<16xf32>
      %min3A_681 = arith.minimumf %min3A_668, %max3A_680 : vector<16xf32>
      %max3A_682 = arith.maximumf %max3A_669, %get3A_676 : vector<16xf32>
      %get3A_683 = arith.constant 0 : i32
      %get3A_684 = arith.constant 0 : i32
      %get3A_685 = tpu.memref_slice %arg4[%scan3A_142, %get3A_683, %get3A_684] : memref<2x16x576xf32, #tpu.memory_space<vmem>> -> memref<1x16x576xf32, #tpu.memory_space<vmem>>
      %get3A_686 = tpu.memref_squeeze %get3A_685 : memref<1x16x576xf32, #tpu.memory_space<vmem>> -> memref<16x576xf32, #tpu.memory_space<vmem>>
      %get3A_687 = arith.index_cast %scan3A_398 : i32 to index
      %get3A_688 = arith.constant 352 : index
      %get3A_689 = tpu.vector_load %get3A_686[%get3A_687, %get3A_688] {strides = array<i32>} : memref<16x576xf32, #tpu.memory_space<vmem>>, vector<16xf32>,
      %min3A_690 = arith.minimumf %min3A_677, %get3A_689 : vector<16xf32>
      %max3A_691 = arith.maximumf %min3A_677, %get3A_689 : vector<16xf32>
      %min3A_692 = arith.minimumf %min3A_679, %max3A_691 : vector<16xf32>
      %max3A_693 = arith.maximumf %min3A_679, %max3A_691 : vector<16xf32>
      %min3A_694 = arith.minimumf %min3A_681, %max3A_693 : vector<16xf32>
      %max3A_695 = arith.maximumf %max3A_682, %get3A_689 : vector<16xf32>
      %get3A_696 = arith.constant 0 : i32
      %get3A_697 = arith.constant 0 : i32
      %get3A_698 = tpu.memref_slice %arg4[%scan3A_142, %get3A_696, %get3A_697] : memref<2x16x576xf32, #tpu.memory_space<vmem>> -> memref<1x16x576xf32, #tpu.memory_space<vmem>>
      %get3A_699 = tpu.memref_squeeze %get3A_698 : memref<1x16x576xf32, #tpu.memory_space<vmem>> -> memref<16x576xf32, #tpu.memory_space<vmem>>
      %get3A_700 = arith.index_cast %scan3A_398 : i32 to index
      %get3A_701 = arith.constant 368 : index
      %get3A_702 = tpu.vector_load %get3A_699[%get3A_700, %get3A_701] {strides = array<i32>} : memref<16x576xf32, #tpu.memory_space<vmem>>, vector<16xf32>,
      %min3A_703 = arith.minimumf %min3A_690, %get3A_702 : vector<16xf32>
      %max3A_704 = arith.maximumf %min3A_690, %get3A_702 : vector<16xf32>
      %min3A_705 = arith.minimumf %min3A_692, %max3A_704 : vector<16xf32>
      %max3A_706 = arith.maximumf %min3A_692, %max3A_704 : vector<16xf32>
      %min3A_707 = arith.minimumf %min3A_694, %max3A_706 : vector<16xf32>
      %max3A_708 = arith.maximumf %max3A_695, %get3A_702 : vector<16xf32>
      %get3A_709 = arith.constant 0 : i32
      %get3A_710 = arith.constant 0 : i32
      %get3A_711 = tpu.memref_slice %arg4[%scan3A_142, %get3A_709, %get3A_710] : memref<2x16x576xf32, #tpu.memory_space<vmem>> -> memref<1x16x576xf32, #tpu.memory_space<vmem>>
      %get3A_712 = tpu.memref_squeeze %get3A_711 : memref<1x16x576xf32, #tpu.memory_space<vmem>> -> memref<16x576xf32, #tpu.memory_space<vmem>>
      %get3A_713 = arith.index_cast %scan3A_398 : i32 to index
      %get3A_714 = arith.constant 384 : index
      %get3A_715 = tpu.vector_load %get3A_712[%get3A_713, %get3A_714] {strides = array<i32>} : memref<16x576xf32, #tpu.memory_space<vmem>>, vector<16xf32>,
      %min3A_716 = arith.minimumf %min3A_703, %get3A_715 : vector<16xf32>
      %max3A_717 = arith.maximumf %min3A_703, %get3A_715 : vector<16xf32>
      %min3A_718 = arith.minimumf %min3A_705, %max3A_717 : vector<16xf32>
      %max3A_719 = arith.maximumf %min3A_705, %max3A_717 : vector<16xf32>
      %min3A_720 = arith.minimumf %min3A_707, %max3A_719 : vector<16xf32>
      %max3A_721 = arith.maximumf %max3A_708, %get3A_715 : vector<16xf32>
      %get3A_722 = arith.constant 0 : i32
      %get3A_723 = arith.constant 0 : i32
      %get3A_724 = tpu.memref_slice %arg4[%scan3A_142, %get3A_722, %get3A_723] : memref<2x16x576xf32, #tpu.memory_space<vmem>> -> memref<1x16x576xf32, #tpu.memory_space<vmem>>
      %get3A_725 = tpu.memref_squeeze %get3A_724 : memref<1x16x576xf32, #tpu.memory_space<vmem>> -> memref<16x576xf32, #tpu.memory_space<vmem>>
      %get3A_726 = arith.index_cast %scan3A_398 : i32 to index
      %get3A_727 = arith.constant 400 : index
      %get3A_728 = tpu.vector_load %get3A_725[%get3A_726, %get3A_727] {strides = array<i32>} : memref<16x576xf32, #tpu.memory_space<vmem>>, vector<16xf32>,
      %min3A_729 = arith.minimumf %min3A_716, %get3A_728 : vector<16xf32>
      %max3A_730 = arith.maximumf %min3A_716, %get3A_728 : vector<16xf32>
      %min3A_731 = arith.minimumf %min3A_718, %max3A_730 : vector<16xf32>
      %max3A_732 = arith.maximumf %min3A_718, %max3A_730 : vector<16xf32>
      %min3A_733 = arith.minimumf %min3A_720, %max3A_732 : vector<16xf32>
      %max3A_734 = arith.maximumf %max3A_721, %get3A_728 : vector<16xf32>
      %get3A_735 = arith.constant 0 : i32
      %get3A_736 = arith.constant 0 : i32
      %get3A_737 = tpu.memref_slice %arg4[%scan3A_142, %get3A_735, %get3A_736] : memref<2x16x576xf32, #tpu.memory_space<vmem>> -> memref<1x16x576xf32, #tpu.memory_space<vmem>>
      %get3A_738 = tpu.memref_squeeze %get3A_737 : memref<1x16x576xf32, #tpu.memory_space<vmem>> -> memref<16x576xf32, #tpu.memory_space<vmem>>
      %get3A_739 = arith.index_cast %scan3A_398 : i32 to index
      %get3A_740 = arith.constant 416 : index
      %get3A_741 = tpu.vector_load %get3A_738[%get3A_739, %get3A_740] {strides = array<i32>} : memref<16x576xf32, #tpu.memory_space<vmem>>, vector<16xf32>,
      %min3A_742 = arith.minimumf %min3A_729, %get3A_741 : vector<16xf32>
      %max3A_743 = arith.maximumf %min3A_729, %get3A_741 : vector<16xf32>
      %min3A_744 = arith.minimumf %min3A_731, %max3A_743 : vector<16xf32>
      %max3A_745 = arith.maximumf %min3A_731, %max3A_743 : vector<16xf32>
      %min3A_746 = arith.minimumf %min3A_733, %max3A_745 : vector<16xf32>
      %max3A_747 = arith.maximumf %max3A_734, %get3A_741 : vector<16xf32>
      %get3A_748 = arith.constant 0 : i32
      %get3A_749 = arith.constant 0 : i32
      %get3A_750 = tpu.memref_slice %arg4[%scan3A_142, %get3A_748, %get3A_749] : memref<2x16x576xf32, #tpu.memory_space<vmem>> -> memref<1x16x576xf32, #tpu.memory_space<vmem>>
      %get3A_751 = tpu.memref_squeeze %get3A_750 : memref<1x16x576xf32, #tpu.memory_space<vmem>> -> memref<16x576xf32, #tpu.memory_space<vmem>>
      %get3A_752 = arith.index_cast %scan3A_398 : i32 to index
      %get3A_753 = arith.constant 432 : index
      %get3A_754 = tpu.vector_load %get3A_751[%get3A_752, %get3A_753] {strides = array<i32>} : memref<16x576xf32, #tpu.memory_space<vmem>>, vector<16xf32>,
      %min3A_755 = arith.minimumf %min3A_742, %get3A_754 : vector<16xf32>
      %max3A_756 = arith.maximumf %min3A_742, %get3A_754 : vector<16xf32>
      %min3A_757 = arith.minimumf %min3A_744, %max3A_756 : vector<16xf32>
      %max3A_758 = arith.maximumf %min3A_744, %max3A_756 : vector<16xf32>
      %min3A_759 = arith.minimumf %min3A_746, %max3A_758 : vector<16xf32>
      %max3A_760 = arith.maximumf %max3A_747, %get3A_754 : vector<16xf32>
      %get3A_761 = arith.constant 0 : i32
      %get3A_762 = arith.constant 0 : i32
      %get3A_763 = tpu.memref_slice %arg4[%scan3A_142, %get3A_761, %get3A_762] : memref<2x16x576xf32, #tpu.memory_space<vmem>> -> memref<1x16x576xf32, #tpu.memory_space<vmem>>
      %get3A_764 = tpu.memref_squeeze %get3A_763 : memref<1x16x576xf32, #tpu.memory_space<vmem>> -> memref<16x576xf32, #tpu.memory_space<vmem>>
      %get3A_765 = arith.index_cast %scan3A_398 : i32 to index
      %get3A_766 = arith.constant 448 : index
      %get3A_767 = tpu.vector_load %get3A_764[%get3A_765, %get3A_766] {strides = array<i32>} : memref<16x576xf32, #tpu.memory_space<vmem>>, vector<16xf32>,
      %min3A_768 = arith.minimumf %min3A_755, %get3A_767 : vector<16xf32>
      %max3A_769 = arith.maximumf %min3A_755, %get3A_767 : vector<16xf32>
      %min3A_770 = arith.minimumf %min3A_757, %max3A_769 : vector<16xf32>
      %max3A_771 = arith.maximumf %min3A_757, %max3A_769 : vector<16xf32>
      %min3A_772 = arith.minimumf %min3A_759, %max3A_771 : vector<16xf32>
      %max3A_773 = arith.maximumf %max3A_760, %get3A_767 : vector<16xf32>
      %get3A_774 = arith.constant 0 : i32
      %get3A_775 = arith.constant 0 : i32
      %get3A_776 = tpu.memref_slice %arg4[%scan3A_142, %get3A_774, %get3A_775] : memref<2x16x576xf32, #tpu.memory_space<vmem>> -> memref<1x16x576xf32, #tpu.memory_space<vmem>>
      %get3A_777 = tpu.memref_squeeze %get3A_776 : memref<1x16x576xf32, #tpu.memory_space<vmem>> -> memref<16x576xf32, #tpu.memory_space<vmem>>
      %get3A_778 = arith.index_cast %scan3A_398 : i32 to index
      %get3A_779 = arith.constant 464 : index
      %get3A_780 = tpu.vector_load %get3A_777[%get3A_778, %get3A_779] {strides = array<i32>} : memref<16x576xf32, #tpu.memory_space<vmem>>, vector<16xf32>,
      %min3A_781 = arith.minimumf %min3A_768, %get3A_780 : vector<16xf32>
      %max3A_782 = arith.maximumf %min3A_768, %get3A_780 : vector<16xf32>
      %min3A_783 = arith.minimumf %min3A_770, %max3A_782 : vector<16xf32>
      %max3A_784 = arith.maximumf %min3A_770, %max3A_782 : vector<16xf32>
      %min3A_785 = arith.minimumf %min3A_772, %max3A_784 : vector<16xf32>
      %max3A_786 = arith.maximumf %max3A_773, %get3A_780 : vector<16xf32>
      %get3A_787 = arith.constant 0 : i32
      %get3A_788 = arith.constant 0 : i32
      %get3A_789 = tpu.memref_slice %arg4[%scan3A_142, %get3A_787, %get3A_788] : memref<2x16x576xf32, #tpu.memory_space<vmem>> -> memref<1x16x576xf32, #tpu.memory_space<vmem>>
      %get3A_790 = tpu.memref_squeeze %get3A_789 : memref<1x16x576xf32, #tpu.memory_space<vmem>> -> memref<16x576xf32, #tpu.memory_space<vmem>>
      %get3A_791 = arith.index_cast %scan3A_398 : i32 to index
      %get3A_792 = arith.constant 480 : index
      %get3A_793 = tpu.vector_load %get3A_790[%get3A_791, %get3A_792] {strides = array<i32>} : memref<16x576xf32, #tpu.memory_space<vmem>>, vector<16xf32>,
      %min3A_794 = arith.minimumf %min3A_781, %get3A_793 : vector<16xf32>
      %max3A_795 = arith.maximumf %min3A_781, %get3A_793 : vector<16xf32>
      %min3A_796 = arith.minimumf %min3A_783, %max3A_795 : vector<16xf32>
      %max3A_797 = arith.maximumf %min3A_783, %max3A_795 : vector<16xf32>
      %min3A_798 = arith.minimumf %min3A_785, %max3A_797 : vector<16xf32>
      %max3A_799 = arith.maximumf %max3A_786, %get3A_793 : vector<16xf32>
      %get3A_800 = arith.constant 0 : i32
      %get3A_801 = arith.constant 0 : i32
      %get3A_802 = tpu.memref_slice %arg4[%scan3A_142, %get3A_800, %get3A_801] : memref<2x16x576xf32, #tpu.memory_space<vmem>> -> memref<1x16x576xf32, #tpu.memory_space<vmem>>
      %get3A_803 = tpu.memref_squeeze %get3A_802 : memref<1x16x576xf32, #tpu.memory_space<vmem>> -> memref<16x576xf32, #tpu.memory_space<vmem>>
      %get3A_804 = arith.index_cast %scan3A_398 : i32 to index
      %get3A_805 = arith.constant 496 : index
      %get3A_806 = tpu.vector_load %get3A_803[%get3A_804, %get3A_805] {strides = array<i32>} : memref<16x576xf32, #tpu.memory_space<vmem>>, vector<16xf32>,
      %min3A_807 = arith.minimumf %min3A_794, %get3A_806 : vector<16xf32>
      %max3A_808 = arith.maximumf %min3A_794, %get3A_806 : vector<16xf32>
      %min3A_809 = arith.minimumf %min3A_796, %max3A_808 : vector<16xf32>
      %max3A_810 = arith.maximumf %min3A_796, %max3A_808 : vector<16xf32>
      %min3A_811 = arith.minimumf %min3A_798, %max3A_810 : vector<16xf32>
      %max3A_812 = arith.maximumf %max3A_799, %get3A_806 : vector<16xf32>
      %get3A_813 = arith.constant 0 : i32
      %get3A_814 = arith.constant 0 : i32
      %get3A_815 = tpu.memref_slice %arg4[%scan3A_142, %get3A_813, %get3A_814] : memref<2x16x576xf32, #tpu.memory_space<vmem>> -> memref<1x16x576xf32, #tpu.memory_space<vmem>>
      %get3A_816 = tpu.memref_squeeze %get3A_815 : memref<1x16x576xf32, #tpu.memory_space<vmem>> -> memref<16x576xf32, #tpu.memory_space<vmem>>
      %get3A_817 = arith.index_cast %scan3A_398 : i32 to index
      %get3A_818 = arith.constant 512 : index
      %get3A_819 = tpu.vector_load %get3A_816[%get3A_817, %get3A_818] {strides = array<i32>} : memref<16x576xf32, #tpu.memory_space<vmem>>, vector<16xf32>,
      %min3A_820 = arith.minimumf %min3A_807, %get3A_819 : vector<16xf32>
      %max3A_821 = arith.maximumf %min3A_807, %get3A_819 : vector<16xf32>
      %min3A_822 = arith.minimumf %min3A_809, %max3A_821 : vector<16xf32>
      %max3A_823 = arith.maximumf %min3A_809, %max3A_821 : vector<16xf32>
      %min3A_824 = arith.minimumf %min3A_811, %max3A_823 : vector<16xf32>
      %max3A_825 = arith.maximumf %max3A_812, %get3A_819 : vector<16xf32>
      %get3A_826 = arith.constant 0 : i32
      %get3A_827 = arith.constant 0 : i32
      %get3A_828 = tpu.memref_slice %arg4[%scan3A_142, %get3A_826, %get3A_827] : memref<2x16x576xf32, #tpu.memory_space<vmem>> -> memref<1x16x576xf32, #tpu.memory_space<vmem>>
      %get3A_829 = tpu.memref_squeeze %get3A_828 : memref<1x16x576xf32, #tpu.memory_space<vmem>> -> memref<16x576xf32, #tpu.memory_space<vmem>>
      %get3A_830 = arith.index_cast %scan3A_398 : i32 to index
      %get3A_831 = arith.constant 528 : index
      %get3A_832 = tpu.vector_load %get3A_829[%get3A_830, %get3A_831] {strides = array<i32>} : memref<16x576xf32, #tpu.memory_space<vmem>>, vector<16xf32>,
      %min3A_833 = arith.minimumf %min3A_820, %get3A_832 : vector<16xf32>
      %max3A_834 = arith.maximumf %min3A_820, %get3A_832 : vector<16xf32>
      %min3A_835 = arith.minimumf %min3A_822, %max3A_834 : vector<16xf32>
      %max3A_836 = arith.maximumf %min3A_822, %max3A_834 : vector<16xf32>
      %min3A_837 = arith.minimumf %min3A_824, %max3A_836 : vector<16xf32>
      %max3A_838 = arith.maximumf %max3A_825, %get3A_832 : vector<16xf32>
      %get3A_839 = arith.constant 0 : i32
      %get3A_840 = arith.constant 0 : i32
      %get3A_841 = tpu.memref_slice %arg4[%scan3A_142, %get3A_839, %get3A_840] : memref<2x16x576xf32, #tpu.memory_space<vmem>> -> memref<1x16x576xf32, #tpu.memory_space<vmem>>
      %get3A_842 = tpu.memref_squeeze %get3A_841 : memref<1x16x576xf32, #tpu.memory_space<vmem>> -> memref<16x576xf32, #tpu.memory_space<vmem>>
      %get3A_843 = arith.index_cast %scan3A_398 : i32 to index
      %get3A_844 = arith.constant 544 : index
      %get3A_845 = tpu.vector_load %get3A_842[%get3A_843, %get3A_844] {strides = array<i32>} : memref<16x576xf32, #tpu.memory_space<vmem>>, vector<16xf32>,
      %min3A_846 = arith.minimumf %min3A_833, %get3A_845 : vector<16xf32>
      %max3A_847 = arith.maximumf %min3A_833, %get3A_845 : vector<16xf32>
      %min3A_848 = arith.minimumf %min3A_835, %max3A_847 : vector<16xf32>
      %max3A_849 = arith.maximumf %min3A_835, %max3A_847 : vector<16xf32>
      %min3A_850 = arith.minimumf %min3A_837, %max3A_849 : vector<16xf32>
      %max3A_851 = arith.maximumf %max3A_838, %get3A_845 : vector<16xf32>
      %get3A_852 = arith.constant 0 : i32
      %get3A_853 = arith.constant 0 : i32
      %get3A_854 = tpu.memref_slice %arg4[%scan3A_142, %get3A_852, %get3A_853] : memref<2x16x576xf32, #tpu.memory_space<vmem>> -> memref<1x16x576xf32, #tpu.memory_space<vmem>>
      %get3A_855 = tpu.memref_squeeze %get3A_854 : memref<1x16x576xf32, #tpu.memory_space<vmem>> -> memref<16x576xf32, #tpu.memory_space<vmem>>
      %get3A_856 = arith.index_cast %scan3A_398 : i32 to index
      %get3A_857 = arith.constant 560 : index
      %get3A_858 = tpu.vector_load %get3A_855[%get3A_856, %get3A_857] {strides = array<i32>} : memref<16x576xf32, #tpu.memory_space<vmem>>, vector<16xf32>,
      %min3A_859 = arith.minimumf %min3A_846, %get3A_858 : vector<16xf32>
      %max3A_860 = arith.maximumf %min3A_846, %get3A_858 : vector<16xf32>
      %min3A_861 = arith.minimumf %min3A_848, %max3A_860 : vector<16xf32>
      %max3A_862 = arith.maximumf %min3A_848, %max3A_860 : vector<16xf32>
      %min3A_863 = arith.minimumf %min3A_850, %max3A_862 : vector<16xf32>
      %max3A_864 = arith.maximumf %max3A_851, %get3A_858 : vector<16xf32>
      %lt3A = arith.constant 0 : i32
      %lt3A_865 = vector.broadcast %lt3A : i32 to vector<16xi32>
      %lt3A_866 = arith.cmpi slt, %and3A_8, %lt3A_865 : vector<16xi32>
      %add3A_867 = arith.constant 16 : i32
      %add3A_868 = vector.broadcast %add3A_867 : i32 to vector<16xi32>
      %add3A_869 = arith.addi %and3A_8, %add3A_868 : vector<16xi32>
      %select_n3A = arith.select %lt3A_866, %add3A_869, %and3A_8 : vector<16xi1>, vector<16xi32>
      %broadcast_in_dim3A_870 = vector.shape_cast %select_n3A : vector<16xi32> to vector<16x1xi32>
      %gather3A = vector.shape_cast %broadcast_in_dim3A_870 : vector<16x1xi32> to vector<16xi32>
      %gather3A_871 = tpu.dynamic_gather %min3A_859[%gather3A] in [0] : vector<16xf32>, vector<16xi32> -> vector<16xf32>
      %lt3A_872 = arith.constant 0 : i32
      %lt3A_873 = vector.broadcast %lt3A_872 : i32 to vector<16xi32>
      %lt3A_874 = arith.cmpi slt, %and3A_8, %lt3A_873 : vector<16xi32>
      %add3A_875 = arith.constant 16 : i32
      %add3A_876 = vector.broadcast %add3A_875 : i32 to vector<16xi32>
      %add3A_877 = arith.addi %and3A_8, %add3A_876 : vector<16xi32>
      %select_n3A_878 = arith.select %lt3A_874, %add3A_877, %and3A_8 : vector<16xi1>, vector<16xi32>
      %broadcast_in_dim3A_879 = vector.shape_cast %select_n3A_878 : vector<16xi32> to vector<16x1xi32>
      %gather3A_880 = vector.shape_cast %broadcast_in_dim3A_879 : vector<16x1xi32> to vector<16xi32>
      %gather3A_881 = tpu.dynamic_gather %min3A_861[%gather3A_880] in [0] : vector<16xf32>, vector<16xi32> -> vector<16xf32>
      %lt3A_882 = arith.constant 0 : i32
      %lt3A_883 = vector.broadcast %lt3A_882 : i32 to vector<16xi32>
      %lt3A_884 = arith.cmpi slt, %and3A_8, %lt3A_883 : vector<16xi32>
      %add3A_885 = arith.constant 16 : i32
      %add3A_886 = vector.broadcast %add3A_885 : i32 to vector<16xi32>
      %add3A_887 = arith.addi %and3A_8, %add3A_886 : vector<16xi32>
      %select_n3A_888 = arith.select %lt3A_884, %add3A_887, %and3A_8 : vector<16xi1>, vector<16xi32>
      %broadcast_in_dim3A_889 = vector.shape_cast %select_n3A_888 : vector<16xi32> to vector<16x1xi32>
      %gather3A_890 = vector.shape_cast %broadcast_in_dim3A_889 : vector<16x1xi32> to vector<16xi32>
      %gather3A_891 = tpu.dynamic_gather %min3A_863[%gather3A_890] in [0] : vector<16xf32>, vector<16xi32> -> vector<16xf32>
      %lt3A_892 = arith.constant 0 : i32
      %lt3A_893 = vector.broadcast %lt3A_892 : i32 to vector<16xi32>
      %lt3A_894 = arith.cmpi slt, %and3A_8, %lt3A_893 : vector<16xi32>
      %add3A_895 = arith.constant 16 : i32
      %add3A_896 = vector.broadcast %add3A_895 : i32 to vector<16xi32>
      %add3A_897 = arith.addi %and3A_8, %add3A_896 : vector<16xi32>
      %select_n3A_898 = arith.select %lt3A_894, %add3A_897, %and3A_8 : vector<16xi1>, vector<16xi32>
      %broadcast_in_dim3A_899 = vector.shape_cast %select_n3A_898 : vector<16xi32> to vector<16x1xi32>
      %gather3A_900 = vector.shape_cast %broadcast_in_dim3A_899 : vector<16x1xi32> to vector<16xi32>
      %gather3A_901 = tpu.dynamic_gather %max3A_864[%gather3A_900] in [0] : vector<16xf32>, vector<16xi32> -> vector<16xf32>
      %min3A_902 = arith.minimumf %min3A_859, %gather3A_871 : vector<16xf32>
      %max3A_903 = arith.maximumf %min3A_859, %gather3A_871 : vector<16xf32>
      %min3A_904 = arith.minimumf %min3A_861, %max3A_903 : vector<16xf32>
      %max3A_905 = arith.maximumf %min3A_861, %max3A_903 : vector<16xf32>
      %min3A_906 = arith.minimumf %min3A_863, %max3A_905 : vector<16xf32>
      %min3A_907 = arith.minimumf %min3A_902, %gather3A_881 : vector<16xf32>
      %max3A_908 = arith.maximumf %min3A_902, %gather3A_881 : vector<16xf32>
      %min3A_909 = arith.minimumf %min3A_904, %max3A_908 : vector<16xf32>
      %max3A_910 = arith.maximumf %min3A_904, %max3A_908 : vector<16xf32>
      %min3A_911 = arith.minimumf %min3A_906, %max3A_910 : vector<16xf32>
      %min3A_912 = arith.minimumf %min3A_907, %gather3A_891 : vector<16xf32>
      %max3A_913 = arith.maximumf %min3A_907, %gather3A_891 : vector<16xf32>
      %min3A_914 = arith.minimumf %min3A_909, %max3A_913 : vector<16xf32>
      %max3A_915 = arith.maximumf %min3A_909, %max3A_913 : vector<16xf32>
      %min3A_916 = arith.minimumf %min3A_911, %max3A_915 : vector<16xf32>
      %max3A_917 = arith.maximumf %max3A_864, %gather3A_901 : vector<16xf32>
      %lt3A_918 = arith.constant 0 : i32
      %lt3A_919 = vector.broadcast %lt3A_918 : i32 to vector<16xi32>
      %lt3A_920 = arith.cmpi slt, %and3A_14, %lt3A_919 : vector<16xi32>
      %add3A_921 = arith.constant 16 : i32
      %add3A_922 = vector.broadcast %add3A_921 : i32 to vector<16xi32>
      %add3A_923 = arith.addi %and3A_14, %add3A_922 : vector<16xi32>
      %select_n3A_924 = arith.select %lt3A_920, %add3A_923, %and3A_14 : vector<16xi1>, vector<16xi32>
      %broadcast_in_dim3A_925 = vector.shape_cast %select_n3A_924 : vector<16xi32> to vector<16x1xi32>
      %gather3A_926 = vector.shape_cast %broadcast_in_dim3A_925 : vector<16x1xi32> to vector<16xi32>
      %gather3A_927 = tpu.dynamic_gather %min3A_912[%gather3A_926] in [0] : vector<16xf32>, vector<16xi32> -> vector<16xf32>
      %lt3A_928 = arith.constant 0 : i32
      %lt3A_929 = vector.broadcast %lt3A_928 : i32 to vector<16xi32>
      %lt3A_930 = arith.cmpi slt, %and3A_14, %lt3A_929 : vector<16xi32>
      %add3A_931 = arith.constant 16 : i32
      %add3A_932 = vector.broadcast %add3A_931 : i32 to vector<16xi32>
      %add3A_933 = arith.addi %and3A_14, %add3A_932 : vector<16xi32>
      %select_n3A_934 = arith.select %lt3A_930, %add3A_933, %and3A_14 : vector<16xi1>, vector<16xi32>
      %broadcast_in_dim3A_935 = vector.shape_cast %select_n3A_934 : vector<16xi32> to vector<16x1xi32>
      %gather3A_936 = vector.shape_cast %broadcast_in_dim3A_935 : vector<16x1xi32> to vector<16xi32>
      %gather3A_937 = tpu.dynamic_gather %min3A_914[%gather3A_936] in [0] : vector<16xf32>, vector<16xi32> -> vector<16xf32>
      %lt3A_938 = arith.constant 0 : i32
      %lt3A_939 = vector.broadcast %lt3A_938 : i32 to vector<16xi32>
      %lt3A_940 = arith.cmpi slt, %and3A_14, %lt3A_939 : vector<16xi32>
      %add3A_941 = arith.constant 16 : i32
      %add3A_942 = vector.broadcast %add3A_941 : i32 to vector<16xi32>
      %add3A_943 = arith.addi %and3A_14, %add3A_942 : vector<16xi32>
      %select_n3A_944 = arith.select %lt3A_940, %add3A_943, %and3A_14 : vector<16xi1>, vector<16xi32>
      %broadcast_in_dim3A_945 = vector.shape_cast %select_n3A_944 : vector<16xi32> to vector<16x1xi32>
      %gather3A_946 = vector.shape_cast %broadcast_in_dim3A_945 : vector<16x1xi32> to vector<16xi32>
      %gather3A_947 = tpu.dynamic_gather %min3A_916[%gather3A_946] in [0] : vector<16xf32>, vector<16xi32> -> vector<16xf32>
      %lt3A_948 = arith.constant 0 : i32
      %lt3A_949 = vector.broadcast %lt3A_948 : i32 to vector<16xi32>
      %lt3A_950 = arith.cmpi slt, %and3A_14, %lt3A_949 : vector<16xi32>
      %add3A_951 = arith.constant 16 : i32
      %add3A_952 = vector.broadcast %add3A_951 : i32 to vector<16xi32>
      %add3A_953 = arith.addi %and3A_14, %add3A_952 : vector<16xi32>
      %select_n3A_954 = arith.select %lt3A_950, %add3A_953, %and3A_14 : vector<16xi1>, vector<16xi32>
      %broadcast_in_dim3A_955 = vector.shape_cast %select_n3A_954 : vector<16xi32> to vector<16x1xi32>
      %gather3A_956 = vector.shape_cast %broadcast_in_dim3A_955 : vector<16x1xi32> to vector<16xi32>
      %gather3A_957 = tpu.dynamic_gather %max3A_917[%gather3A_956] in [0] : vector<16xf32>, vector<16xi32> -> vector<16xf32>
      %min3A_958 = arith.minimumf %min3A_912, %gather3A_927 : vector<16xf32>
      %max3A_959 = arith.maximumf %min3A_912, %gather3A_927 : vector<16xf32>
      %min3A_960 = arith.minimumf %min3A_914, %max3A_959 : vector<16xf32>
      %max3A_961 = arith.maximumf %min3A_914, %max3A_959 : vector<16xf32>
      %min3A_962 = arith.minimumf %min3A_916, %max3A_961 : vector<16xf32>
      %min3A_963 = arith.minimumf %min3A_958, %gather3A_937 : vector<16xf32>
      %max3A_964 = arith.maximumf %min3A_958, %gather3A_937 : vector<16xf32>
      %min3A_965 = arith.minimumf %min3A_960, %max3A_964 : vector<16xf32>
      %max3A_966 = arith.maximumf %min3A_960, %max3A_964 : vector<16xf32>
      %min3A_967 = arith.minimumf %min3A_962, %max3A_966 : vector<16xf32>
      %min3A_968 = arith.minimumf %min3A_963, %gather3A_947 : vector<16xf32>
      %max3A_969 = arith.maximumf %min3A_963, %gather3A_947 : vector<16xf32>
      %min3A_970 = arith.minimumf %min3A_965, %max3A_969 : vector<16xf32>
      %max3A_971 = arith.maximumf %min3A_965, %max3A_969 : vector<16xf32>
      %min3A_972 = arith.minimumf %min3A_967, %max3A_971 : vector<16xf32>
      %max3A_973 = arith.maximumf %max3A_917, %gather3A_957 : vector<16xf32>
      %lt3A_974 = arith.constant 0 : i32
      %lt3A_975 = vector.broadcast %lt3A_974 : i32 to vector<16xi32>
      %lt3A_976 = arith.cmpi slt, %and3A_20, %lt3A_975 : vector<16xi32>
      %add3A_977 = arith.constant 16 : i32
      %add3A_978 = vector.broadcast %add3A_977 : i32 to vector<16xi32>
      %add3A_979 = arith.addi %and3A_20, %add3A_978 : vector<16xi32>
      %select_n3A_980 = arith.select %lt3A_976, %add3A_979, %and3A_20 : vector<16xi1>, vector<16xi32>
      %broadcast_in_dim3A_981 = vector.shape_cast %select_n3A_980 : vector<16xi32> to vector<16x1xi32>
      %gather3A_982 = vector.shape_cast %broadcast_in_dim3A_981 : vector<16x1xi32> to vector<16xi32>
      %gather3A_983 = tpu.dynamic_gather %min3A_968[%gather3A_982] in [0] : vector<16xf32>, vector<16xi32> -> vector<16xf32>
      %lt3A_984 = arith.constant 0 : i32
      %lt3A_985 = vector.broadcast %lt3A_984 : i32 to vector<16xi32>
      %lt3A_986 = arith.cmpi slt, %and3A_20, %lt3A_985 : vector<16xi32>
      %add3A_987 = arith.constant 16 : i32
      %add3A_988 = vector.broadcast %add3A_987 : i32 to vector<16xi32>
      %add3A_989 = arith.addi %and3A_20, %add3A_988 : vector<16xi32>
      %select_n3A_990 = arith.select %lt3A_986, %add3A_989, %and3A_20 : vector<16xi1>, vector<16xi32>
      %broadcast_in_dim3A_991 = vector.shape_cast %select_n3A_990 : vector<16xi32> to vector<16x1xi32>
      %gather3A_992 = vector.shape_cast %broadcast_in_dim3A_991 : vector<16x1xi32> to vector<16xi32>
      %gather3A_993 = tpu.dynamic_gather %min3A_970[%gather3A_992] in [0] : vector<16xf32>, vector<16xi32> -> vector<16xf32>
      %lt3A_994 = arith.constant 0 : i32
      %lt3A_995 = vector.broadcast %lt3A_994 : i32 to vector<16xi32>
      %lt3A_996 = arith.cmpi slt, %and3A_20, %lt3A_995 : vector<16xi32>
      %add3A_997 = arith.constant 16 : i32
      %add3A_998 = vector.broadcast %add3A_997 : i32 to vector<16xi32>
      %add3A_999 = arith.addi %and3A_20, %add3A_998 : vector<16xi32>
      %select_n3A_1000 = arith.select %lt3A_996, %add3A_999, %and3A_20 : vector<16xi1>, vector<16xi32>
      %broadcast_in_dim3A_1001 = vector.shape_cast %select_n3A_1000 : vector<16xi32> to vector<16x1xi32>
      %gather3A_1002 = vector.shape_cast %broadcast_in_dim3A_1001 : vector<16x1xi32> to vector<16xi32>
      %gather3A_1003 = tpu.dynamic_gather %min3A_972[%gather3A_1002] in [0] : vector<16xf32>, vector<16xi32> -> vector<16xf32>
      %lt3A_1004 = arith.constant 0 : i32
      %lt3A_1005 = vector.broadcast %lt3A_1004 : i32 to vector<16xi32>
      %lt3A_1006 = arith.cmpi slt, %and3A_20, %lt3A_1005 : vector<16xi32>
      %add3A_1007 = arith.constant 16 : i32
      %add3A_1008 = vector.broadcast %add3A_1007 : i32 to vector<16xi32>
      %add3A_1009 = arith.addi %and3A_20, %add3A_1008 : vector<16xi32>
      %select_n3A_1010 = arith.select %lt3A_1006, %add3A_1009, %and3A_20 : vector<16xi1>, vector<16xi32>
      %broadcast_in_dim3A_1011 = vector.shape_cast %select_n3A_1010 : vector<16xi32> to vector<16x1xi32>
      %gather3A_1012 = vector.shape_cast %broadcast_in_dim3A_1011 : vector<16x1xi32> to vector<16xi32>
      %gather3A_1013 = tpu.dynamic_gather %max3A_973[%gather3A_1012] in [0] : vector<16xf32>, vector<16xi32> -> vector<16xf32>
      %min3A_1014 = arith.minimumf %min3A_968, %gather3A_983 : vector<16xf32>
      %max3A_1015 = arith.maximumf %min3A_968, %gather3A_983 : vector<16xf32>
      %min3A_1016 = arith.minimumf %min3A_970, %max3A_1015 : vector<16xf32>
      %max3A_1017 = arith.maximumf %min3A_970, %max3A_1015 : vector<16xf32>
      %min3A_1018 = arith.minimumf %min3A_972, %max3A_1017 : vector<16xf32>
      %min3A_1019 = arith.minimumf %min3A_1014, %gather3A_993 : vector<16xf32>
      %max3A_1020 = arith.maximumf %min3A_1014, %gather3A_993 : vector<16xf32>
      %min3A_1021 = arith.minimumf %min3A_1016, %max3A_1020 : vector<16xf32>
      %max3A_1022 = arith.maximumf %min3A_1016, %max3A_1020 : vector<16xf32>
      %min3A_1023 = arith.minimumf %min3A_1018, %max3A_1022 : vector<16xf32>
      %min3A_1024 = arith.minimumf %min3A_1019, %gather3A_1003 : vector<16xf32>
      %max3A_1025 = arith.maximumf %min3A_1019, %gather3A_1003 : vector<16xf32>
      %min3A_1026 = arith.minimumf %min3A_1021, %max3A_1025 : vector<16xf32>
      %max3A_1027 = arith.maximumf %min3A_1021, %max3A_1025 : vector<16xf32>
      %min3A_1028 = arith.minimumf %min3A_1023, %max3A_1027 : vector<16xf32>
      %max3A_1029 = arith.maximumf %max3A_973, %gather3A_1013 : vector<16xf32>
      %lt3A_1030 = arith.constant 0 : i32
      %lt3A_1031 = vector.broadcast %lt3A_1030 : i32 to vector<16xi32>
      %lt3A_1032 = arith.cmpi slt, %and3A_26, %lt3A_1031 : vector<16xi32>
      %add3A_1033 = arith.constant 16 : i32
      %add3A_1034 = vector.broadcast %add3A_1033 : i32 to vector<16xi32>
      %add3A_1035 = arith.addi %and3A_26, %add3A_1034 : vector<16xi32>
      %select_n3A_1036 = arith.select %lt3A_1032, %add3A_1035, %and3A_26 : vector<16xi1>, vector<16xi32>
      %broadcast_in_dim3A_1037 = vector.shape_cast %select_n3A_1036 : vector<16xi32> to vector<16x1xi32>
      %gather3A_1038 = vector.shape_cast %broadcast_in_dim3A_1037 : vector<16x1xi32> to vector<16xi32>
      %gather3A_1039 = tpu.dynamic_gather %min3A_1024[%gather3A_1038] in [0] : vector<16xf32>, vector<16xi32> -> vector<16xf32>
      %lt3A_1040 = arith.constant 0 : i32
      %lt3A_1041 = vector.broadcast %lt3A_1040 : i32 to vector<16xi32>
      %lt3A_1042 = arith.cmpi slt, %and3A_26, %lt3A_1041 : vector<16xi32>
      %add3A_1043 = arith.constant 16 : i32
      %add3A_1044 = vector.broadcast %add3A_1043 : i32 to vector<16xi32>
      %add3A_1045 = arith.addi %and3A_26, %add3A_1044 : vector<16xi32>
      %select_n3A_1046 = arith.select %lt3A_1042, %add3A_1045, %and3A_26 : vector<16xi1>, vector<16xi32>
      %broadcast_in_dim3A_1047 = vector.shape_cast %select_n3A_1046 : vector<16xi32> to vector<16x1xi32>
      %gather3A_1048 = vector.shape_cast %broadcast_in_dim3A_1047 : vector<16x1xi32> to vector<16xi32>
      %gather3A_1049 = tpu.dynamic_gather %min3A_1026[%gather3A_1048] in [0] : vector<16xf32>, vector<16xi32> -> vector<16xf32>
      %lt3A_1050 = arith.constant 0 : i32
      %lt3A_1051 = vector.broadcast %lt3A_1050 : i32 to vector<16xi32>
      %lt3A_1052 = arith.cmpi slt, %and3A_26, %lt3A_1051 : vector<16xi32>
      %add3A_1053 = arith.constant 16 : i32
      %add3A_1054 = vector.broadcast %add3A_1053 : i32 to vector<16xi32>
      %add3A_1055 = arith.addi %and3A_26, %add3A_1054 : vector<16xi32>
      %select_n3A_1056 = arith.select %lt3A_1052, %add3A_1055, %and3A_26 : vector<16xi1>, vector<16xi32>
      %broadcast_in_dim3A_1057 = vector.shape_cast %select_n3A_1056 : vector<16xi32> to vector<16x1xi32>
      %gather3A_1058 = vector.shape_cast %broadcast_in_dim3A_1057 : vector<16x1xi32> to vector<16xi32>
      %gather3A_1059 = tpu.dynamic_gather %min3A_1028[%gather3A_1058] in [0] : vector<16xf32>, vector<16xi32> -> vector<16xf32>
      %lt3A_1060 = arith.constant 0 : i32
      %lt3A_1061 = vector.broadcast %lt3A_1060 : i32 to vector<16xi32>
      %lt3A_1062 = arith.cmpi slt, %and3A_26, %lt3A_1061 : vector<16xi32>
      %add3A_1063 = arith.constant 16 : i32
      %add3A_1064 = vector.broadcast %add3A_1063 : i32 to vector<16xi32>
      %add3A_1065 = arith.addi %and3A_26, %add3A_1064 : vector<16xi32>
      %select_n3A_1066 = arith.select %lt3A_1062, %add3A_1065, %and3A_26 : vector<16xi1>, vector<16xi32>
      %broadcast_in_dim3A_1067 = vector.shape_cast %select_n3A_1066 : vector<16xi32> to vector<16x1xi32>
      %gather3A_1068 = vector.shape_cast %broadcast_in_dim3A_1067 : vector<16x1xi32> to vector<16xi32>
      %gather3A_1069 = tpu.dynamic_gather %max3A_1029[%gather3A_1068] in [0] : vector<16xf32>, vector<16xi32> -> vector<16xf32>
      %min3A_1070 = arith.minimumf %min3A_1024, %gather3A_1039 : vector<16xf32>
      %max3A_1071 = arith.maximumf %min3A_1024, %gather3A_1039 : vector<16xf32>
      %min3A_1072 = arith.minimumf %min3A_1026, %max3A_1071 : vector<16xf32>
      %max3A_1073 = arith.maximumf %min3A_1026, %max3A_1071 : vector<16xf32>
      %min3A_1074 = arith.minimumf %min3A_1028, %max3A_1073 : vector<16xf32>
      %min3A_1075 = arith.minimumf %min3A_1070, %gather3A_1049 : vector<16xf32>
      %max3A_1076 = arith.maximumf %min3A_1070, %gather3A_1049 : vector<16xf32>
      %min3A_1077 = arith.minimumf %min3A_1072, %max3A_1076 : vector<16xf32>
      %max3A_1078 = arith.maximumf %min3A_1072, %max3A_1076 : vector<16xf32>
      %min3A_1079 = arith.minimumf %min3A_1074, %max3A_1078 : vector<16xf32>
      %min3A_1080 = arith.minimumf %min3A_1075, %gather3A_1059 : vector<16xf32>
      %max3A_1081 = arith.maximumf %min3A_1075, %gather3A_1059 : vector<16xf32>
      %min3A_1082 = arith.minimumf %min3A_1077, %max3A_1081 : vector<16xf32>
      %max3A_1083 = arith.maximumf %min3A_1077, %max3A_1081 : vector<16xf32>
      %min3A_1084 = arith.minimumf %min3A_1079, %max3A_1083 : vector<16xf32>
      %max3A_1085 = arith.maximumf %max3A_1029, %gather3A_1069 : vector<16xf32>
      %div3A = arith.divf %min3A_1082, %min3A_1084 : vector<16xf32>
      %lt3A_1086 = arith.constant 6.000000e-01 : f32
      %lt3A_1087 = vector.broadcast %lt3A_1086 : f32 to vector<16xf32>
      %lt3A_1088 = arith.cmpf olt, %div3A, %lt3A_1087 : vector<16xf32>
      %exp3A = math.exp %min3A_1082 : vector<16xf32>
      %add3A_1089 = arith.constant 1.000000e+00 : f32
      %add3A_1090 = vector.broadcast %add3A_1089 : f32 to vector<16xf32>
      %add3A_1091 = arith.addf %add3A_1090, %exp3A : vector<16xf32>
      %div3A_1092 = arith.constant 2.000000e+00 : f32
      %div3A_1093 = vector.broadcast %div3A_1092 : f32 to vector<16xf32>
      %div3A_1094 = arith.divf %div3A_1093, %add3A_1091 : vector<16xf32>
      %exp3A_1095 = math.exp %max3A_1085 : vector<16xf32>
      %mul3A_1096 = arith.constant 2.000000e+00 : f32
      %mul3A_1097 = vector.broadcast %mul3A_1096 : f32 to vector<16xf32>
      %mul3A_1098 = arith.mulf %mul3A_1097, %exp3A_1095 : vector<16xf32>
      %add3A_1099 = arith.constant 1.000000e+00 : f32
      %add3A_1100 = vector.broadcast %add3A_1099 : f32 to vector<16xf32>
      %add3A_1101 = arith.addf %add3A_1100, %mul3A_1098 : vector<16xf32>
      %div3A_1102 = arith.constant 2.000000e+00 : f32
      %div3A_1103 = vector.broadcast %div3A_1102 : f32 to vector<16xf32>
      %div3A_1104 = arith.divf %div3A_1103, %add3A_1101 : vector<16xf32>
      %select_n3A_1105 = arith.select %lt3A_1088, %div3A_1094, %div3A_1104 : vector<16xi1>, vector<16xf32>
      %eq3A = vector.broadcast %scan3A_398 : i32 to vector<16xi32>
      %eq3A_1106 = arith.cmpi eq, %iota3A, %eq3A : vector<16xi32>
      %select_n3A_1107 = arith.select %eq3A_1106, %select_n3A_1105, %scan3A_399 : vector<16xi1>, vector<16xf32>
      scf.yield %select_n3A_1107 : vector<16xf32>
    }
    %scan3A_148 = arith.constant 16 : i32
    %swap3A_149 = arith.constant 1 : i32
    %swap3A_150 = arith.index_cast %swap3A_149 : i32 to index
    %swap3A_151 = arith.constant 0 : index
    %swap3A_152 = tpu.vector_load %arg5[%swap3A_150, %swap3A_151] {strides = array<i32>} : memref<5x16xf32, #tpu.memory_space<vmem>>, vector<16xf32>,
    tpu.vector_store %arg5[%swap3A_150, %swap3A_151], %scan3A_147 {strides = array<i32>} : memref<5x16xf32, #tpu.memory_space<vmem>>, vector<16xf32>,
    %dma_start3A_153 = arith.constant 1 : i32
    %dma_start3A_154 = arith.constant 0 : i32
    %dma_start3A_155 = tpu.memref_slice %arg5[%dma_start3A_153, %dma_start3A_154] : memref<5x16xf32, #tpu.memory_space<vmem>> -> memref<1x16xf32, #tpu.memory_space<vmem>>
    %dma_start3A_156 = tpu.memref_squeeze %dma_start3A_155 : memref<1x16xf32, #tpu.memory_space<vmem>> -> memref<16xf32, #tpu.memory_space<vmem>>
    %dma_start3A_157 = arith.constant 0 : i32
    %dma_start3A_158 = tpu.memref_slice %arg3[%add3A_105, %dma_start3A_157] : memref<144x16xf32, #tpu.memory_space<hbm>> -> memref<1x16xf32, #tpu.memory_space<hbm>>
    %dma_start3A_159 = tpu.memref_squeeze %dma_start3A_158 : memref<1x16xf32, #tpu.memory_space<hbm>> -> memref<16xf32, #tpu.memory_space<hbm>>
    %dma_start3A_160 = arith.constant 0 : i32
    %dma_start3A_161 = tpu.memref_slice %arg3[%add3A_105, %dma_start3A_160] : memref<144x16xf32, #tpu.memory_space<hbm>> -> memref<1x16xf32, #tpu.memory_space<hbm>>
    %dma_start3A_162 = tpu.memref_squeeze %dma_start3A_161 : memref<1x16xf32, #tpu.memory_space<hbm>> -> memref<16xf32, #tpu.memory_space<hbm>>
    %dma_start3A_163 = arith.constant 0 : i32
    %dma_start3A_164 = tpu.memref_slice %arg5[%dma_start3A_153, %dma_start3A_163] : memref<5x16xf32, #tpu.memory_space<vmem>> -> memref<1x16xf32, #tpu.memory_space<vmem>>
    %dma_start3A_165 = tpu.memref_squeeze %dma_start3A_164 : memref<1x16xf32, #tpu.memory_space<vmem>> -> memref<16xf32, #tpu.memory_space<vmem>>
    tpu.enqueue_dma source(%dma_start3A_165 : memref<16xf32, #tpu.memory_space<vmem>>) target(%dma_start3A_162 : memref<16xf32, #tpu.memory_space<hbm>>) target_semaphore(%arg8 : memref<!tpu.dma_semaphore, #tpu.memory_space<semaphore_mem>>)
    %add3A_166 = arith.constant 64 : i32
    %add3A_167 = arith.addi %add3A, %add3A_166 : i32
    %dma_wait3A_168 = arith.constant 0 : i32
    %dma_wait3A_169 = arith.constant 0 : i32
    %dma_wait3A_170 = arith.constant 0 : i32
    %dma_wait3A_171 = tpu.memref_slice %arg4[%dma_wait3A_168, %dma_wait3A_169, %dma_wait3A_170] : memref<2x16x576xf32, #tpu.memory_space<vmem>> -> memref<1x16x576xf32, #tpu.memory_space<vmem>>
    %dma_wait3A_172 = tpu.memref_squeeze %dma_wait3A_171 : memref<1x16x576xf32, #tpu.memory_space<vmem>> -> memref<16x576xf32, #tpu.memory_space<vmem>>
    %dma_wait3A_173 = arith.constant 0 : i32
    %dma_wait3A_174 = arith.constant 0 : i32
    %dma_wait3A_175 = tpu.memref_slice %arg2[%add3A_124, %dma_wait3A_173, %dma_wait3A_174] : memref<144x16x576xf32, #tpu.memory_space<hbm>> -> memref<1x16x576xf32, #tpu.memory_space<hbm>>
    %dma_wait3A_176 = tpu.memref_squeeze %dma_wait3A_175 : memref<1x16x576xf32, #tpu.memory_space<hbm>> -> memref<16x576xf32, #tpu.memory_space<hbm>>
    %dma_wait3A_177 = arith.constant 0 : i32
    %dma_wait3A_178 = arith.constant 0 : i32
    %dma_wait3A_179 = tpu.memref_slice %arg4[%dma_wait3A_168, %dma_wait3A_177, %dma_wait3A_178] : memref<2x16x576xf32, #tpu.memory_space<vmem>> -> memref<1x16x576xf32, #tpu.memory_space<vmem>>
    %dma_wait3A_180 = tpu.memref_squeeze %dma_wait3A_179 : memref<1x16x576xf32, #tpu.memory_space<vmem>> -> memref<16x576xf32, #tpu.memory_space<vmem>>
    %dma_wait3A_181 = arith.constant 0 : i32
    %dma_wait3A_182 = arith.constant 0 : i32
    %dma_wait3A_183 = tpu.memref_slice %arg2[%add3A_124, %dma_wait3A_181, %dma_wait3A_182] : memref<144x16x576xf32, #tpu.memory_space<hbm>> -> memref<1x16x576xf32, #tpu.memory_space<hbm>>
    %dma_wait3A_184 = tpu.memref_squeeze %dma_wait3A_183 : memref<1x16x576xf32, #tpu.memory_space<hbm>> -> memref<16x576xf32, #tpu.memory_space<hbm>>
    tpu.wait_dma2 semaphore(%arg6 : memref<!tpu.dma_semaphore, #tpu.memory_space<semaphore_mem>>) src(%dma_wait3A_184 : memref<16x576xf32, #tpu.memory_space<hbm>>) dst(%dma_wait3A_180 : memref<16x576xf32, #tpu.memory_space<vmem>>)
    %add3A_185 = arith.constant 96 : i32
    %add3A_186 = arith.addi %add3A, %add3A_185 : i32
    %dma_start3A_187 = arith.constant 1 : i32
    %dma_start3A_188 = arith.constant 0 : i32
    %dma_start3A_189 = arith.constant 0 : i32
    %dma_start3A_190 = tpu.memref_slice %arg4[%dma_start3A_187, %dma_start3A_188, %dma_start3A_189] : memref<2x16x576xf32, #tpu.memory_space<vmem>> -> memref<1x16x576xf32, #tpu.memory_space<vmem>>
    %dma_start3A_191 = tpu.memref_squeeze %dma_start3A_190 : memref<1x16x576xf32, #tpu.memory_space<vmem>> -> memref<16x576xf32, #tpu.memory_space<vmem>>
    %dma_start3A_192 = arith.constant 0 : i32
    %dma_start3A_193 = arith.constant 0 : i32
    %dma_start3A_194 = tpu.memref_slice %arg2[%add3A_186, %dma_start3A_192, %dma_start3A_193] : memref<144x16x576xf32, #tpu.memory_space<hbm>> -> memref<1x16x576xf32, #tpu.memory_space<hbm>>
    %dma_start3A_195 = tpu.memref_squeeze %dma_start3A_194 : memref<1x16x576xf32, #tpu.memory_space<hbm>> -> memref<16x576xf32, #tpu.memory_space<hbm>>
    %dma_start3A_196 = arith.constant 0 : i32
    %dma_start3A_197 = arith.constant 0 : i32
    %dma_start3A_198 = tpu.memref_slice %arg4[%dma_start3A_187, %dma_start3A_196, %dma_start3A_197] : memref<2x16x576xf32, #tpu.memory_space<vmem>> -> memref<1x16x576xf32, #tpu.memory_space<vmem>>
    %dma_start3A_199 = tpu.memref_squeeze %dma_start3A_198 : memref<1x16x576xf32, #tpu.memory_space<vmem>> -> memref<16x576xf32, #tpu.memory_space<vmem>>
    %dma_start3A_200 = arith.constant 0 : i32
    %dma_start3A_201 = arith.constant 0 : i32
    %dma_start3A_202 = tpu.memref_slice %arg2[%add3A_186, %dma_start3A_200, %dma_start3A_201] : memref<144x16x576xf32, #tpu.memory_space<hbm>> -> memref<1x16x576xf32, #tpu.memory_space<hbm>>
    %dma_start3A_203 = tpu.memref_squeeze %dma_start3A_202 : memref<1x16x576xf32, #tpu.memory_space<hbm>> -> memref<16x576xf32, #tpu.memory_space<hbm>>
    tpu.enqueue_dma source(%dma_start3A_203 : memref<16x576xf32, #tpu.memory_space<hbm>>) target(%dma_start3A_199 : memref<16x576xf32, #tpu.memory_space<vmem>>) target_semaphore(%arg7 : memref<!tpu.dma_semaphore, #tpu.memory_space<semaphore_mem>>)
    %scan3A_204 = arith.constant 0 : i32
    %scan3A_205 = arith.constant 0 : i32
    %scan3A_206 = arith.constant 16 : i32
    %scan3A_207 = arith.addi %scan3A_205, %scan3A_206 : i32
    %scan3A_208 = arith.constant 1 : i32
    %scan3A_209 = scf.for %scan3A_398 = %scan3A_205 to %scan3A_207 step %scan3A_208 iter_args(%scan3A_399 = %broadcast_in_dim3A_3) -> (vector<16xf32>)  : i32 {
      %get3A = arith.constant 0 : i32
      %get3A_400 = arith.constant 0 : i32
      %get3A_401 = tpu.memref_slice %arg4[%scan3A_204, %get3A, %get3A_400] : memref<2x16x576xf32, #tpu.memory_space<vmem>> -> memref<1x16x576xf32, #tpu.memory_space<vmem>>
      %get3A_402 = tpu.memref_squeeze %get3A_401 : memref<1x16x576xf32, #tpu.memory_space<vmem>> -> memref<16x576xf32, #tpu.memory_space<vmem>>
      %get3A_403 = arith.index_cast %scan3A_398 : i32 to index
      %get3A_404 = arith.constant 0 : index
      %get3A_405 = tpu.vector_load %get3A_402[%get3A_403, %get3A_404] {strides = array<i32>} : memref<16x576xf32, #tpu.memory_space<vmem>>, vector<16xf32>,
      %min3A = arith.minimumf %broadcast_in_dim3A_1, %get3A_405 : vector<16xf32>
      %max3A = arith.maximumf %broadcast_in_dim3A_1, %get3A_405 : vector<16xf32>
      %min3A_406 = arith.minimumf %broadcast_in_dim3A_1, %max3A : vector<16xf32>
      %max3A_407 = arith.maximumf %broadcast_in_dim3A_1, %max3A : vector<16xf32>
      %min3A_408 = arith.minimumf %broadcast_in_dim3A_1, %max3A_407 : vector<16xf32>
      %max3A_409 = arith.maximumf %broadcast_in_dim3A_3, %get3A_405 : vector<16xf32>
      %get3A_410 = arith.constant 0 : i32
      %get3A_411 = arith.constant 0 : i32
      %get3A_412 = tpu.memref_slice %arg4[%scan3A_204, %get3A_410, %get3A_411] : memref<2x16x576xf32, #tpu.memory_space<vmem>> -> memref<1x16x576xf32, #tpu.memory_space<vmem>>
      %get3A_413 = tpu.memref_squeeze %get3A_412 : memref<1x16x576xf32, #tpu.memory_space<vmem>> -> memref<16x576xf32, #tpu.memory_space<vmem>>
      %get3A_414 = arith.index_cast %scan3A_398 : i32 to index
      %get3A_415 = arith.constant 16 : index
      %get3A_416 = tpu.vector_load %get3A_413[%get3A_414, %get3A_415] {strides = array<i32>} : memref<16x576xf32, #tpu.memory_space<vmem>>, vector<16xf32>,
      %min3A_417 = arith.minimumf %min3A, %get3A_416 : vector<16xf32>
      %max3A_418 = arith.maximumf %min3A, %get3A_416 : vector<16xf32>
      %min3A_419 = arith.minimumf %min3A_406, %max3A_418 : vector<16xf32>
      %max3A_420 = arith.maximumf %min3A_406, %max3A_418 : vector<16xf32>
      %min3A_421 = arith.minimumf %min3A_408, %max3A_420 : vector<16xf32>
      %max3A_422 = arith.maximumf %max3A_409, %get3A_416 : vector<16xf32>
      %get3A_423 = arith.constant 0 : i32
      %get3A_424 = arith.constant 0 : i32
      %get3A_425 = tpu.memref_slice %arg4[%scan3A_204, %get3A_423, %get3A_424] : memref<2x16x576xf32, #tpu.memory_space<vmem>> -> memref<1x16x576xf32, #tpu.memory_space<vmem>>
      %get3A_426 = tpu.memref_squeeze %get3A_425 : memref<1x16x576xf32, #tpu.memory_space<vmem>> -> memref<16x576xf32, #tpu.memory_space<vmem>>
      %get3A_427 = arith.index_cast %scan3A_398 : i32 to index
      %get3A_428 = arith.constant 32 : index
      %get3A_429 = tpu.vector_load %get3A_426[%get3A_427, %get3A_428] {strides = array<i32>} : memref<16x576xf32, #tpu.memory_space<vmem>>, vector<16xf32>,
      %min3A_430 = arith.minimumf %min3A_417, %get3A_429 : vector<16xf32>
      %max3A_431 = arith.maximumf %min3A_417, %get3A_429 : vector<16xf32>
      %min3A_432 = arith.minimumf %min3A_419, %max3A_431 : vector<16xf32>
      %max3A_433 = arith.maximumf %min3A_419, %max3A_431 : vector<16xf32>
      %min3A_434 = arith.minimumf %min3A_421, %max3A_433 : vector<16xf32>
      %max3A_435 = arith.maximumf %max3A_422, %get3A_429 : vector<16xf32>
      %get3A_436 = arith.constant 0 : i32
      %get3A_437 = arith.constant 0 : i32
      %get3A_438 = tpu.memref_slice %arg4[%scan3A_204, %get3A_436, %get3A_437] : memref<2x16x576xf32, #tpu.memory_space<vmem>> -> memref<1x16x576xf32, #tpu.memory_space<vmem>>
      %get3A_439 = tpu.memref_squeeze %get3A_438 : memref<1x16x576xf32, #tpu.memory_space<vmem>> -> memref<16x576xf32, #tpu.memory_space<vmem>>
      %get3A_440 = arith.index_cast %scan3A_398 : i32 to index
      %get3A_441 = arith.constant 48 : index
      %get3A_442 = tpu.vector_load %get3A_439[%get3A_440, %get3A_441] {strides = array<i32>} : memref<16x576xf32, #tpu.memory_space<vmem>>, vector<16xf32>,
      %min3A_443 = arith.minimumf %min3A_430, %get3A_442 : vector<16xf32>
      %max3A_444 = arith.maximumf %min3A_430, %get3A_442 : vector<16xf32>
      %min3A_445 = arith.minimumf %min3A_432, %max3A_444 : vector<16xf32>
      %max3A_446 = arith.maximumf %min3A_432, %max3A_444 : vector<16xf32>
      %min3A_447 = arith.minimumf %min3A_434, %max3A_446 : vector<16xf32>
      %max3A_448 = arith.maximumf %max3A_435, %get3A_442 : vector<16xf32>
      %get3A_449 = arith.constant 0 : i32
      %get3A_450 = arith.constant 0 : i32
      %get3A_451 = tpu.memref_slice %arg4[%scan3A_204, %get3A_449, %get3A_450] : memref<2x16x576xf32, #tpu.memory_space<vmem>> -> memref<1x16x576xf32, #tpu.memory_space<vmem>>
      %get3A_452 = tpu.memref_squeeze %get3A_451 : memref<1x16x576xf32, #tpu.memory_space<vmem>> -> memref<16x576xf32, #tpu.memory_space<vmem>>
      %get3A_453 = arith.index_cast %scan3A_398 : i32 to index
      %get3A_454 = arith.constant 64 : index
      %get3A_455 = tpu.vector_load %get3A_452[%get3A_453, %get3A_454] {strides = array<i32>} : memref<16x576xf32, #tpu.memory_space<vmem>>, vector<16xf32>,
      %min3A_456 = arith.minimumf %min3A_443, %get3A_455 : vector<16xf32>
      %max3A_457 = arith.maximumf %min3A_443, %get3A_455 : vector<16xf32>
      %min3A_458 = arith.minimumf %min3A_445, %max3A_457 : vector<16xf32>
      %max3A_459 = arith.maximumf %min3A_445, %max3A_457 : vector<16xf32>
      %min3A_460 = arith.minimumf %min3A_447, %max3A_459 : vector<16xf32>
      %max3A_461 = arith.maximumf %max3A_448, %get3A_455 : vector<16xf32>
      %get3A_462 = arith.constant 0 : i32
      %get3A_463 = arith.constant 0 : i32
      %get3A_464 = tpu.memref_slice %arg4[%scan3A_204, %get3A_462, %get3A_463] : memref<2x16x576xf32, #tpu.memory_space<vmem>> -> memref<1x16x576xf32, #tpu.memory_space<vmem>>
      %get3A_465 = tpu.memref_squeeze %get3A_464 : memref<1x16x576xf32, #tpu.memory_space<vmem>> -> memref<16x576xf32, #tpu.memory_space<vmem>>
      %get3A_466 = arith.index_cast %scan3A_398 : i32 to index
      %get3A_467 = arith.constant 80 : index
      %get3A_468 = tpu.vector_load %get3A_465[%get3A_466, %get3A_467] {strides = array<i32>} : memref<16x576xf32, #tpu.memory_space<vmem>>, vector<16xf32>,
      %min3A_469 = arith.minimumf %min3A_456, %get3A_468 : vector<16xf32>
      %max3A_470 = arith.maximumf %min3A_456, %get3A_468 : vector<16xf32>
      %min3A_471 = arith.minimumf %min3A_458, %max3A_470 : vector<16xf32>
      %max3A_472 = arith.maximumf %min3A_458, %max3A_470 : vector<16xf32>
      %min3A_473 = arith.minimumf %min3A_460, %max3A_472 : vector<16xf32>
      %max3A_474 = arith.maximumf %max3A_461, %get3A_468 : vector<16xf32>
      %get3A_475 = arith.constant 0 : i32
      %get3A_476 = arith.constant 0 : i32
      %get3A_477 = tpu.memref_slice %arg4[%scan3A_204, %get3A_475, %get3A_476] : memref<2x16x576xf32, #tpu.memory_space<vmem>> -> memref<1x16x576xf32, #tpu.memory_space<vmem>>
      %get3A_478 = tpu.memref_squeeze %get3A_477 : memref<1x16x576xf32, #tpu.memory_space<vmem>> -> memref<16x576xf32, #tpu.memory_space<vmem>>
      %get3A_479 = arith.index_cast %scan3A_398 : i32 to index
      %get3A_480 = arith.constant 96 : index
      %get3A_481 = tpu.vector_load %get3A_478[%get3A_479, %get3A_480] {strides = array<i32>} : memref<16x576xf32, #tpu.memory_space<vmem>>, vector<16xf32>,
      %min3A_482 = arith.minimumf %min3A_469, %get3A_481 : vector<16xf32>
      %max3A_483 = arith.maximumf %min3A_469, %get3A_481 : vector<16xf32>
      %min3A_484 = arith.minimumf %min3A_471, %max3A_483 : vector<16xf32>
      %max3A_485 = arith.maximumf %min3A_471, %max3A_483 : vector<16xf32>
      %min3A_486 = arith.minimumf %min3A_473, %max3A_485 : vector<16xf32>
      %max3A_487 = arith.maximumf %max3A_474, %get3A_481 : vector<16xf32>
      %get3A_488 = arith.constant 0 : i32
      %get3A_489 = arith.constant 0 : i32
      %get3A_490 = tpu.memref_slice %arg4[%scan3A_204, %get3A_488, %get3A_489] : memref<2x16x576xf32, #tpu.memory_space<vmem>> -> memref<1x16x576xf32, #tpu.memory_space<vmem>>
      %get3A_491 = tpu.memref_squeeze %get3A_490 : memref<1x16x576xf32, #tpu.memory_space<vmem>> -> memref<16x576xf32, #tpu.memory_space<vmem>>
      %get3A_492 = arith.index_cast %scan3A_398 : i32 to index
      %get3A_493 = arith.constant 112 : index
      %get3A_494 = tpu.vector_load %get3A_491[%get3A_492, %get3A_493] {strides = array<i32>} : memref<16x576xf32, #tpu.memory_space<vmem>>, vector<16xf32>,
      %min3A_495 = arith.minimumf %min3A_482, %get3A_494 : vector<16xf32>
      %max3A_496 = arith.maximumf %min3A_482, %get3A_494 : vector<16xf32>
      %min3A_497 = arith.minimumf %min3A_484, %max3A_496 : vector<16xf32>
      %max3A_498 = arith.maximumf %min3A_484, %max3A_496 : vector<16xf32>
      %min3A_499 = arith.minimumf %min3A_486, %max3A_498 : vector<16xf32>
      %max3A_500 = arith.maximumf %max3A_487, %get3A_494 : vector<16xf32>
      %get3A_501 = arith.constant 0 : i32
      %get3A_502 = arith.constant 0 : i32
      %get3A_503 = tpu.memref_slice %arg4[%scan3A_204, %get3A_501, %get3A_502] : memref<2x16x576xf32, #tpu.memory_space<vmem>> -> memref<1x16x576xf32, #tpu.memory_space<vmem>>
      %get3A_504 = tpu.memref_squeeze %get3A_503 : memref<1x16x576xf32, #tpu.memory_space<vmem>> -> memref<16x576xf32, #tpu.memory_space<vmem>>
      %get3A_505 = arith.index_cast %scan3A_398 : i32 to index
      %get3A_506 = arith.constant 128 : index
      %get3A_507 = tpu.vector_load %get3A_504[%get3A_505, %get3A_506] {strides = array<i32>} : memref<16x576xf32, #tpu.memory_space<vmem>>, vector<16xf32>,
      %min3A_508 = arith.minimumf %min3A_495, %get3A_507 : vector<16xf32>
      %max3A_509 = arith.maximumf %min3A_495, %get3A_507 : vector<16xf32>
      %min3A_510 = arith.minimumf %min3A_497, %max3A_509 : vector<16xf32>
      %max3A_511 = arith.maximumf %min3A_497, %max3A_509 : vector<16xf32>
      %min3A_512 = arith.minimumf %min3A_499, %max3A_511 : vector<16xf32>
      %max3A_513 = arith.maximumf %max3A_500, %get3A_507 : vector<16xf32>
      %get3A_514 = arith.constant 0 : i32
      %get3A_515 = arith.constant 0 : i32
      %get3A_516 = tpu.memref_slice %arg4[%scan3A_204, %get3A_514, %get3A_515] : memref<2x16x576xf32, #tpu.memory_space<vmem>> -> memref<1x16x576xf32, #tpu.memory_space<vmem>>
      %get3A_517 = tpu.memref_squeeze %get3A_516 : memref<1x16x576xf32, #tpu.memory_space<vmem>> -> memref<16x576xf32, #tpu.memory_space<vmem>>
      %get3A_518 = arith.index_cast %scan3A_398 : i32 to index
      %get3A_519 = arith.constant 144 : index
      %get3A_520 = tpu.vector_load %get3A_517[%get3A_518, %get3A_519] {strides = array<i32>} : memref<16x576xf32, #tpu.memory_space<vmem>>, vector<16xf32>,
      %min3A_521 = arith.minimumf %min3A_508, %get3A_520 : vector<16xf32>
      %max3A_522 = arith.maximumf %min3A_508, %get3A_520 : vector<16xf32>
      %min3A_523 = arith.minimumf %min3A_510, %max3A_522 : vector<16xf32>
      %max3A_524 = arith.maximumf %min3A_510, %max3A_522 : vector<16xf32>
      %min3A_525 = arith.minimumf %min3A_512, %max3A_524 : vector<16xf32>
      %max3A_526 = arith.maximumf %max3A_513, %get3A_520 : vector<16xf32>
      %get3A_527 = arith.constant 0 : i32
      %get3A_528 = arith.constant 0 : i32
      %get3A_529 = tpu.memref_slice %arg4[%scan3A_204, %get3A_527, %get3A_528] : memref<2x16x576xf32, #tpu.memory_space<vmem>> -> memref<1x16x576xf32, #tpu.memory_space<vmem>>
      %get3A_530 = tpu.memref_squeeze %get3A_529 : memref<1x16x576xf32, #tpu.memory_space<vmem>> -> memref<16x576xf32, #tpu.memory_space<vmem>>
      %get3A_531 = arith.index_cast %scan3A_398 : i32 to index
      %get3A_532 = arith.constant 160 : index
      %get3A_533 = tpu.vector_load %get3A_530[%get3A_531, %get3A_532] {strides = array<i32>} : memref<16x576xf32, #tpu.memory_space<vmem>>, vector<16xf32>,
      %min3A_534 = arith.minimumf %min3A_521, %get3A_533 : vector<16xf32>
      %max3A_535 = arith.maximumf %min3A_521, %get3A_533 : vector<16xf32>
      %min3A_536 = arith.minimumf %min3A_523, %max3A_535 : vector<16xf32>
      %max3A_537 = arith.maximumf %min3A_523, %max3A_535 : vector<16xf32>
      %min3A_538 = arith.minimumf %min3A_525, %max3A_537 : vector<16xf32>
      %max3A_539 = arith.maximumf %max3A_526, %get3A_533 : vector<16xf32>
      %get3A_540 = arith.constant 0 : i32
      %get3A_541 = arith.constant 0 : i32
      %get3A_542 = tpu.memref_slice %arg4[%scan3A_204, %get3A_540, %get3A_541] : memref<2x16x576xf32, #tpu.memory_space<vmem>> -> memref<1x16x576xf32, #tpu.memory_space<vmem>>
      %get3A_543 = tpu.memref_squeeze %get3A_542 : memref<1x16x576xf32, #tpu.memory_space<vmem>> -> memref<16x576xf32, #tpu.memory_space<vmem>>
      %get3A_544 = arith.index_cast %scan3A_398 : i32 to index
      %get3A_545 = arith.constant 176 : index
      %get3A_546 = tpu.vector_load %get3A_543[%get3A_544, %get3A_545] {strides = array<i32>} : memref<16x576xf32, #tpu.memory_space<vmem>>, vector<16xf32>,
      %min3A_547 = arith.minimumf %min3A_534, %get3A_546 : vector<16xf32>
      %max3A_548 = arith.maximumf %min3A_534, %get3A_546 : vector<16xf32>
      %min3A_549 = arith.minimumf %min3A_536, %max3A_548 : vector<16xf32>
      %max3A_550 = arith.maximumf %min3A_536, %max3A_548 : vector<16xf32>
      %min3A_551 = arith.minimumf %min3A_538, %max3A_550 : vector<16xf32>
      %max3A_552 = arith.maximumf %max3A_539, %get3A_546 : vector<16xf32>
      %get3A_553 = arith.constant 0 : i32
      %get3A_554 = arith.constant 0 : i32
      %get3A_555 = tpu.memref_slice %arg4[%scan3A_204, %get3A_553, %get3A_554] : memref<2x16x576xf32, #tpu.memory_space<vmem>> -> memref<1x16x576xf32, #tpu.memory_space<vmem>>
      %get3A_556 = tpu.memref_squeeze %get3A_555 : memref<1x16x576xf32, #tpu.memory_space<vmem>> -> memref<16x576xf32, #tpu.memory_space<vmem>>
      %get3A_557 = arith.index_cast %scan3A_398 : i32 to index
      %get3A_558 = arith.constant 192 : index
      %get3A_559 = tpu.vector_load %get3A_556[%get3A_557, %get3A_558] {strides = array<i32>} : memref<16x576xf32, #tpu.memory_space<vmem>>, vector<16xf32>,
      %min3A_560 = arith.minimumf %min3A_547, %get3A_559 : vector<16xf32>
      %max3A_561 = arith.maximumf %min3A_547, %get3A_559 : vector<16xf32>
      %min3A_562 = arith.minimumf %min3A_549, %max3A_561 : vector<16xf32>
      %max3A_563 = arith.maximumf %min3A_549, %max3A_561 : vector<16xf32>
      %min3A_564 = arith.minimumf %min3A_551, %max3A_563 : vector<16xf32>
      %max3A_565 = arith.maximumf %max3A_552, %get3A_559 : vector<16xf32>
      %get3A_566 = arith.constant 0 : i32
      %get3A_567 = arith.constant 0 : i32
      %get3A_568 = tpu.memref_slice %arg4[%scan3A_204, %get3A_566, %get3A_567] : memref<2x16x576xf32, #tpu.memory_space<vmem>> -> memref<1x16x576xf32, #tpu.memory_space<vmem>>
      %get3A_569 = tpu.memref_squeeze %get3A_568 : memref<1x16x576xf32, #tpu.memory_space<vmem>> -> memref<16x576xf32, #tpu.memory_space<vmem>>
      %get3A_570 = arith.index_cast %scan3A_398 : i32 to index
      %get3A_571 = arith.constant 208 : index
      %get3A_572 = tpu.vector_load %get3A_569[%get3A_570, %get3A_571] {strides = array<i32>} : memref<16x576xf32, #tpu.memory_space<vmem>>, vector<16xf32>,
      %min3A_573 = arith.minimumf %min3A_560, %get3A_572 : vector<16xf32>
      %max3A_574 = arith.maximumf %min3A_560, %get3A_572 : vector<16xf32>
      %min3A_575 = arith.minimumf %min3A_562, %max3A_574 : vector<16xf32>
      %max3A_576 = arith.maximumf %min3A_562, %max3A_574 : vector<16xf32>
      %min3A_577 = arith.minimumf %min3A_564, %max3A_576 : vector<16xf32>
      %max3A_578 = arith.maximumf %max3A_565, %get3A_572 : vector<16xf32>
      %get3A_579 = arith.constant 0 : i32
      %get3A_580 = arith.constant 0 : i32
      %get3A_581 = tpu.memref_slice %arg4[%scan3A_204, %get3A_579, %get3A_580] : memref<2x16x576xf32, #tpu.memory_space<vmem>> -> memref<1x16x576xf32, #tpu.memory_space<vmem>>
      %get3A_582 = tpu.memref_squeeze %get3A_581 : memref<1x16x576xf32, #tpu.memory_space<vmem>> -> memref<16x576xf32, #tpu.memory_space<vmem>>
      %get3A_583 = arith.index_cast %scan3A_398 : i32 to index
      %get3A_584 = arith.constant 224 : index
      %get3A_585 = tpu.vector_load %get3A_582[%get3A_583, %get3A_584] {strides = array<i32>} : memref<16x576xf32, #tpu.memory_space<vmem>>, vector<16xf32>,
      %min3A_586 = arith.minimumf %min3A_573, %get3A_585 : vector<16xf32>
      %max3A_587 = arith.maximumf %min3A_573, %get3A_585 : vector<16xf32>
      %min3A_588 = arith.minimumf %min3A_575, %max3A_587 : vector<16xf32>
      %max3A_589 = arith.maximumf %min3A_575, %max3A_587 : vector<16xf32>
      %min3A_590 = arith.minimumf %min3A_577, %max3A_589 : vector<16xf32>
      %max3A_591 = arith.maximumf %max3A_578, %get3A_585 : vector<16xf32>
      %get3A_592 = arith.constant 0 : i32
      %get3A_593 = arith.constant 0 : i32
      %get3A_594 = tpu.memref_slice %arg4[%scan3A_204, %get3A_592, %get3A_593] : memref<2x16x576xf32, #tpu.memory_space<vmem>> -> memref<1x16x576xf32, #tpu.memory_space<vmem>>
      %get3A_595 = tpu.memref_squeeze %get3A_594 : memref<1x16x576xf32, #tpu.memory_space<vmem>> -> memref<16x576xf32, #tpu.memory_space<vmem>>
      %get3A_596 = arith.index_cast %scan3A_398 : i32 to index
      %get3A_597 = arith.constant 240 : index
      %get3A_598 = tpu.vector_load %get3A_595[%get3A_596, %get3A_597] {strides = array<i32>} : memref<16x576xf32, #tpu.memory_space<vmem>>, vector<16xf32>,
      %min3A_599 = arith.minimumf %min3A_586, %get3A_598 : vector<16xf32>
      %max3A_600 = arith.maximumf %min3A_586, %get3A_598 : vector<16xf32>
      %min3A_601 = arith.minimumf %min3A_588, %max3A_600 : vector<16xf32>
      %max3A_602 = arith.maximumf %min3A_588, %max3A_600 : vector<16xf32>
      %min3A_603 = arith.minimumf %min3A_590, %max3A_602 : vector<16xf32>
      %max3A_604 = arith.maximumf %max3A_591, %get3A_598 : vector<16xf32>
      %get3A_605 = arith.constant 0 : i32
      %get3A_606 = arith.constant 0 : i32
      %get3A_607 = tpu.memref_slice %arg4[%scan3A_204, %get3A_605, %get3A_606] : memref<2x16x576xf32, #tpu.memory_space<vmem>> -> memref<1x16x576xf32, #tpu.memory_space<vmem>>
      %get3A_608 = tpu.memref_squeeze %get3A_607 : memref<1x16x576xf32, #tpu.memory_space<vmem>> -> memref<16x576xf32, #tpu.memory_space<vmem>>
      %get3A_609 = arith.index_cast %scan3A_398 : i32 to index
      %get3A_610 = arith.constant 256 : index
      %get3A_611 = tpu.vector_load %get3A_608[%get3A_609, %get3A_610] {strides = array<i32>} : memref<16x576xf32, #tpu.memory_space<vmem>>, vector<16xf32>,
      %min3A_612 = arith.minimumf %min3A_599, %get3A_611 : vector<16xf32>
      %max3A_613 = arith.maximumf %min3A_599, %get3A_611 : vector<16xf32>
      %min3A_614 = arith.minimumf %min3A_601, %max3A_613 : vector<16xf32>
      %max3A_615 = arith.maximumf %min3A_601, %max3A_613 : vector<16xf32>
      %min3A_616 = arith.minimumf %min3A_603, %max3A_615 : vector<16xf32>
      %max3A_617 = arith.maximumf %max3A_604, %get3A_611 : vector<16xf32>
      %get3A_618 = arith.constant 0 : i32
      %get3A_619 = arith.constant 0 : i32
      %get3A_620 = tpu.memref_slice %arg4[%scan3A_204, %get3A_618, %get3A_619] : memref<2x16x576xf32, #tpu.memory_space<vmem>> -> memref<1x16x576xf32, #tpu.memory_space<vmem>>
      %get3A_621 = tpu.memref_squeeze %get3A_620 : memref<1x16x576xf32, #tpu.memory_space<vmem>> -> memref<16x576xf32, #tpu.memory_space<vmem>>
      %get3A_622 = arith.index_cast %scan3A_398 : i32 to index
      %get3A_623 = arith.constant 272 : index
      %get3A_624 = tpu.vector_load %get3A_621[%get3A_622, %get3A_623] {strides = array<i32>} : memref<16x576xf32, #tpu.memory_space<vmem>>, vector<16xf32>,
      %min3A_625 = arith.minimumf %min3A_612, %get3A_624 : vector<16xf32>
      %max3A_626 = arith.maximumf %min3A_612, %get3A_624 : vector<16xf32>
      %min3A_627 = arith.minimumf %min3A_614, %max3A_626 : vector<16xf32>
      %max3A_628 = arith.maximumf %min3A_614, %max3A_626 : vector<16xf32>
      %min3A_629 = arith.minimumf %min3A_616, %max3A_628 : vector<16xf32>
      %max3A_630 = arith.maximumf %max3A_617, %get3A_624 : vector<16xf32>
      %get3A_631 = arith.constant 0 : i32
      %get3A_632 = arith.constant 0 : i32
      %get3A_633 = tpu.memref_slice %arg4[%scan3A_204, %get3A_631, %get3A_632] : memref<2x16x576xf32, #tpu.memory_space<vmem>> -> memref<1x16x576xf32, #tpu.memory_space<vmem>>
      %get3A_634 = tpu.memref_squeeze %get3A_633 : memref<1x16x576xf32, #tpu.memory_space<vmem>> -> memref<16x576xf32, #tpu.memory_space<vmem>>
      %get3A_635 = arith.index_cast %scan3A_398 : i32 to index
      %get3A_636 = arith.constant 288 : index
      %get3A_637 = tpu.vector_load %get3A_634[%get3A_635, %get3A_636] {strides = array<i32>} : memref<16x576xf32, #tpu.memory_space<vmem>>, vector<16xf32>,
      %min3A_638 = arith.minimumf %min3A_625, %get3A_637 : vector<16xf32>
      %max3A_639 = arith.maximumf %min3A_625, %get3A_637 : vector<16xf32>
      %min3A_640 = arith.minimumf %min3A_627, %max3A_639 : vector<16xf32>
      %max3A_641 = arith.maximumf %min3A_627, %max3A_639 : vector<16xf32>
      %min3A_642 = arith.minimumf %min3A_629, %max3A_641 : vector<16xf32>
      %max3A_643 = arith.maximumf %max3A_630, %get3A_637 : vector<16xf32>
      %get3A_644 = arith.constant 0 : i32
      %get3A_645 = arith.constant 0 : i32
      %get3A_646 = tpu.memref_slice %arg4[%scan3A_204, %get3A_644, %get3A_645] : memref<2x16x576xf32, #tpu.memory_space<vmem>> -> memref<1x16x576xf32, #tpu.memory_space<vmem>>
      %get3A_647 = tpu.memref_squeeze %get3A_646 : memref<1x16x576xf32, #tpu.memory_space<vmem>> -> memref<16x576xf32, #tpu.memory_space<vmem>>
      %get3A_648 = arith.index_cast %scan3A_398 : i32 to index
      %get3A_649 = arith.constant 304 : index
      %get3A_650 = tpu.vector_load %get3A_647[%get3A_648, %get3A_649] {strides = array<i32>} : memref<16x576xf32, #tpu.memory_space<vmem>>, vector<16xf32>,
      %min3A_651 = arith.minimumf %min3A_638, %get3A_650 : vector<16xf32>
      %max3A_652 = arith.maximumf %min3A_638, %get3A_650 : vector<16xf32>
      %min3A_653 = arith.minimumf %min3A_640, %max3A_652 : vector<16xf32>
      %max3A_654 = arith.maximumf %min3A_640, %max3A_652 : vector<16xf32>
      %min3A_655 = arith.minimumf %min3A_642, %max3A_654 : vector<16xf32>
      %max3A_656 = arith.maximumf %max3A_643, %get3A_650 : vector<16xf32>
      %get3A_657 = arith.constant 0 : i32
      %get3A_658 = arith.constant 0 : i32
      %get3A_659 = tpu.memref_slice %arg4[%scan3A_204, %get3A_657, %get3A_658] : memref<2x16x576xf32, #tpu.memory_space<vmem>> -> memref<1x16x576xf32, #tpu.memory_space<vmem>>
      %get3A_660 = tpu.memref_squeeze %get3A_659 : memref<1x16x576xf32, #tpu.memory_space<vmem>> -> memref<16x576xf32, #tpu.memory_space<vmem>>
      %get3A_661 = arith.index_cast %scan3A_398 : i32 to index
      %get3A_662 = arith.constant 320 : index
      %get3A_663 = tpu.vector_load %get3A_660[%get3A_661, %get3A_662] {strides = array<i32>} : memref<16x576xf32, #tpu.memory_space<vmem>>, vector<16xf32>,
      %min3A_664 = arith.minimumf %min3A_651, %get3A_663 : vector<16xf32>
      %max3A_665 = arith.maximumf %min3A_651, %get3A_663 : vector<16xf32>
      %min3A_666 = arith.minimumf %min3A_653, %max3A_665 : vector<16xf32>
      %max3A_667 = arith.maximumf %min3A_653, %max3A_665 : vector<16xf32>
      %min3A_668 = arith.minimumf %min3A_655, %max3A_667 : vector<16xf32>
      %max3A_669 = arith.maximumf %max3A_656, %get3A_663 : vector<16xf32>
      %get3A_670 = arith.constant 0 : i32
      %get3A_671 = arith.constant 0 : i32
      %get3A_672 = tpu.memref_slice %arg4[%scan3A_204, %get3A_670, %get3A_671] : memref<2x16x576xf32, #tpu.memory_space<vmem>> -> memref<1x16x576xf32, #tpu.memory_space<vmem>>
      %get3A_673 = tpu.memref_squeeze %get3A_672 : memref<1x16x576xf32, #tpu.memory_space<vmem>> -> memref<16x576xf32, #tpu.memory_space<vmem>>
      %get3A_674 = arith.index_cast %scan3A_398 : i32 to index
      %get3A_675 = arith.constant 336 : index
      %get3A_676 = tpu.vector_load %get3A_673[%get3A_674, %get3A_675] {strides = array<i32>} : memref<16x576xf32, #tpu.memory_space<vmem>>, vector<16xf32>,
      %min3A_677 = arith.minimumf %min3A_664, %get3A_676 : vector<16xf32>
      %max3A_678 = arith.maximumf %min3A_664, %get3A_676 : vector<16xf32>
      %min3A_679 = arith.minimumf %min3A_666, %max3A_678 : vector<16xf32>
      %max3A_680 = arith.maximumf %min3A_666, %max3A_678 : vector<16xf32>
      %min3A_681 = arith.minimumf %min3A_668, %max3A_680 : vector<16xf32>
      %max3A_682 = arith.maximumf %max3A_669, %get3A_676 : vector<16xf32>
      %get3A_683 = arith.constant 0 : i32
      %get3A_684 = arith.constant 0 : i32
      %get3A_685 = tpu.memref_slice %arg4[%scan3A_204, %get3A_683, %get3A_684] : memref<2x16x576xf32, #tpu.memory_space<vmem>> -> memref<1x16x576xf32, #tpu.memory_space<vmem>>
      %get3A_686 = tpu.memref_squeeze %get3A_685 : memref<1x16x576xf32, #tpu.memory_space<vmem>> -> memref<16x576xf32, #tpu.memory_space<vmem>>
      %get3A_687 = arith.index_cast %scan3A_398 : i32 to index
      %get3A_688 = arith.constant 352 : index
      %get3A_689 = tpu.vector_load %get3A_686[%get3A_687, %get3A_688] {strides = array<i32>} : memref<16x576xf32, #tpu.memory_space<vmem>>, vector<16xf32>,
      %min3A_690 = arith.minimumf %min3A_677, %get3A_689 : vector<16xf32>
      %max3A_691 = arith.maximumf %min3A_677, %get3A_689 : vector<16xf32>
      %min3A_692 = arith.minimumf %min3A_679, %max3A_691 : vector<16xf32>
      %max3A_693 = arith.maximumf %min3A_679, %max3A_691 : vector<16xf32>
      %min3A_694 = arith.minimumf %min3A_681, %max3A_693 : vector<16xf32>
      %max3A_695 = arith.maximumf %max3A_682, %get3A_689 : vector<16xf32>
      %get3A_696 = arith.constant 0 : i32
      %get3A_697 = arith.constant 0 : i32
      %get3A_698 = tpu.memref_slice %arg4[%scan3A_204, %get3A_696, %get3A_697] : memref<2x16x576xf32, #tpu.memory_space<vmem>> -> memref<1x16x576xf32, #tpu.memory_space<vmem>>
      %get3A_699 = tpu.memref_squeeze %get3A_698 : memref<1x16x576xf32, #tpu.memory_space<vmem>> -> memref<16x576xf32, #tpu.memory_space<vmem>>
      %get3A_700 = arith.index_cast %scan3A_398 : i32 to index
      %get3A_701 = arith.constant 368 : index
      %get3A_702 = tpu.vector_load %get3A_699[%get3A_700, %get3A_701] {strides = array<i32>} : memref<16x576xf32, #tpu.memory_space<vmem>>, vector<16xf32>,
      %min3A_703 = arith.minimumf %min3A_690, %get3A_702 : vector<16xf32>
      %max3A_704 = arith.maximumf %min3A_690, %get3A_702 : vector<16xf32>
      %min3A_705 = arith.minimumf %min3A_692, %max3A_704 : vector<16xf32>
      %max3A_706 = arith.maximumf %min3A_692, %max3A_704 : vector<16xf32>
      %min3A_707 = arith.minimumf %min3A_694, %max3A_706 : vector<16xf32>
      %max3A_708 = arith.maximumf %max3A_695, %get3A_702 : vector<16xf32>
      %get3A_709 = arith.constant 0 : i32
      %get3A_710 = arith.constant 0 : i32
      %get3A_711 = tpu.memref_slice %arg4[%scan3A_204, %get3A_709, %get3A_710] : memref<2x16x576xf32, #tpu.memory_space<vmem>> -> memref<1x16x576xf32, #tpu.memory_space<vmem>>
      %get3A_712 = tpu.memref_squeeze %get3A_711 : memref<1x16x576xf32, #tpu.memory_space<vmem>> -> memref<16x576xf32, #tpu.memory_space<vmem>>
      %get3A_713 = arith.index_cast %scan3A_398 : i32 to index
      %get3A_714 = arith.constant 384 : index
      %get3A_715 = tpu.vector_load %get3A_712[%get3A_713, %get3A_714] {strides = array<i32>} : memref<16x576xf32, #tpu.memory_space<vmem>>, vector<16xf32>,
      %min3A_716 = arith.minimumf %min3A_703, %get3A_715 : vector<16xf32>
      %max3A_717 = arith.maximumf %min3A_703, %get3A_715 : vector<16xf32>
      %min3A_718 = arith.minimumf %min3A_705, %max3A_717 : vector<16xf32>
      %max3A_719 = arith.maximumf %min3A_705, %max3A_717 : vector<16xf32>
      %min3A_720 = arith.minimumf %min3A_707, %max3A_719 : vector<16xf32>
      %max3A_721 = arith.maximumf %max3A_708, %get3A_715 : vector<16xf32>
      %get3A_722 = arith.constant 0 : i32
      %get3A_723 = arith.constant 0 : i32
      %get3A_724 = tpu.memref_slice %arg4[%scan3A_204, %get3A_722, %get3A_723] : memref<2x16x576xf32, #tpu.memory_space<vmem>> -> memref<1x16x576xf32, #tpu.memory_space<vmem>>
      %get3A_725 = tpu.memref_squeeze %get3A_724 : memref<1x16x576xf32, #tpu.memory_space<vmem>> -> memref<16x576xf32, #tpu.memory_space<vmem>>
      %get3A_726 = arith.index_cast %scan3A_398 : i32 to index
      %get3A_727 = arith.constant 400 : index
      %get3A_728 = tpu.vector_load %get3A_725[%get3A_726, %get3A_727] {strides = array<i32>} : memref<16x576xf32, #tpu.memory_space<vmem>>, vector<16xf32>,
      %min3A_729 = arith.minimumf %min3A_716, %get3A_728 : vector<16xf32>
      %max3A_730 = arith.maximumf %min3A_716, %get3A_728 : vector<16xf32>
      %min3A_731 = arith.minimumf %min3A_718, %max3A_730 : vector<16xf32>
      %max3A_732 = arith.maximumf %min3A_718, %max3A_730 : vector<16xf32>
      %min3A_733 = arith.minimumf %min3A_720, %max3A_732 : vector<16xf32>
      %max3A_734 = arith.maximumf %max3A_721, %get3A_728 : vector<16xf32>
      %get3A_735 = arith.constant 0 : i32
      %get3A_736 = arith.constant 0 : i32
      %get3A_737 = tpu.memref_slice %arg4[%scan3A_204, %get3A_735, %get3A_736] : memref<2x16x576xf32, #tpu.memory_space<vmem>> -> memref<1x16x576xf32, #tpu.memory_space<vmem>>
      %get3A_738 = tpu.memref_squeeze %get3A_737 : memref<1x16x576xf32, #tpu.memory_space<vmem>> -> memref<16x576xf32, #tpu.memory_space<vmem>>
      %get3A_739 = arith.index_cast %scan3A_398 : i32 to index
      %get3A_740 = arith.constant 416 : index
      %get3A_741 = tpu.vector_load %get3A_738[%get3A_739, %get3A_740] {strides = array<i32>} : memref<16x576xf32, #tpu.memory_space<vmem>>, vector<16xf32>,
      %min3A_742 = arith.minimumf %min3A_729, %get3A_741 : vector<16xf32>
      %max3A_743 = arith.maximumf %min3A_729, %get3A_741 : vector<16xf32>
      %min3A_744 = arith.minimumf %min3A_731, %max3A_743 : vector<16xf32>
      %max3A_745 = arith.maximumf %min3A_731, %max3A_743 : vector<16xf32>
      %min3A_746 = arith.minimumf %min3A_733, %max3A_745 : vector<16xf32>
      %max3A_747 = arith.maximumf %max3A_734, %get3A_741 : vector<16xf32>
      %get3A_748 = arith.constant 0 : i32
      %get3A_749 = arith.constant 0 : i32
      %get3A_750 = tpu.memref_slice %arg4[%scan3A_204, %get3A_748, %get3A_749] : memref<2x16x576xf32, #tpu.memory_space<vmem>> -> memref<1x16x576xf32, #tpu.memory_space<vmem>>
      %get3A_751 = tpu.memref_squeeze %get3A_750 : memref<1x16x576xf32, #tpu.memory_space<vmem>> -> memref<16x576xf32, #tpu.memory_space<vmem>>
      %get3A_752 = arith.index_cast %scan3A_398 : i32 to index
      %get3A_753 = arith.constant 432 : index
      %get3A_754 = tpu.vector_load %get3A_751[%get3A_752, %get3A_753] {strides = array<i32>} : memref<16x576xf32, #tpu.memory_space<vmem>>, vector<16xf32>,
      %min3A_755 = arith.minimumf %min3A_742, %get3A_754 : vector<16xf32>
      %max3A_756 = arith.maximumf %min3A_742, %get3A_754 : vector<16xf32>
      %min3A_757 = arith.minimumf %min3A_744, %max3A_756 : vector<16xf32>
      %max3A_758 = arith.maximumf %min3A_744, %max3A_756 : vector<16xf32>
      %min3A_759 = arith.minimumf %min3A_746, %max3A_758 : vector<16xf32>
      %max3A_760 = arith.maximumf %max3A_747, %get3A_754 : vector<16xf32>
      %get3A_761 = arith.constant 0 : i32
      %get3A_762 = arith.constant 0 : i32
      %get3A_763 = tpu.memref_slice %arg4[%scan3A_204, %get3A_761, %get3A_762] : memref<2x16x576xf32, #tpu.memory_space<vmem>> -> memref<1x16x576xf32, #tpu.memory_space<vmem>>
      %get3A_764 = tpu.memref_squeeze %get3A_763 : memref<1x16x576xf32, #tpu.memory_space<vmem>> -> memref<16x576xf32, #tpu.memory_space<vmem>>
      %get3A_765 = arith.index_cast %scan3A_398 : i32 to index
      %get3A_766 = arith.constant 448 : index
      %get3A_767 = tpu.vector_load %get3A_764[%get3A_765, %get3A_766] {strides = array<i32>} : memref<16x576xf32, #tpu.memory_space<vmem>>, vector<16xf32>,
      %min3A_768 = arith.minimumf %min3A_755, %get3A_767 : vector<16xf32>
      %max3A_769 = arith.maximumf %min3A_755, %get3A_767 : vector<16xf32>
      %min3A_770 = arith.minimumf %min3A_757, %max3A_769 : vector<16xf32>
      %max3A_771 = arith.maximumf %min3A_757, %max3A_769 : vector<16xf32>
      %min3A_772 = arith.minimumf %min3A_759, %max3A_771 : vector<16xf32>
      %max3A_773 = arith.maximumf %max3A_760, %get3A_767 : vector<16xf32>
      %get3A_774 = arith.constant 0 : i32
      %get3A_775 = arith.constant 0 : i32
      %get3A_776 = tpu.memref_slice %arg4[%scan3A_204, %get3A_774, %get3A_775] : memref<2x16x576xf32, #tpu.memory_space<vmem>> -> memref<1x16x576xf32, #tpu.memory_space<vmem>>
      %get3A_777 = tpu.memref_squeeze %get3A_776 : memref<1x16x576xf32, #tpu.memory_space<vmem>> -> memref<16x576xf32, #tpu.memory_space<vmem>>
      %get3A_778 = arith.index_cast %scan3A_398 : i32 to index
      %get3A_779 = arith.constant 464 : index
      %get3A_780 = tpu.vector_load %get3A_777[%get3A_778, %get3A_779] {strides = array<i32>} : memref<16x576xf32, #tpu.memory_space<vmem>>, vector<16xf32>,
      %min3A_781 = arith.minimumf %min3A_768, %get3A_780 : vector<16xf32>
      %max3A_782 = arith.maximumf %min3A_768, %get3A_780 : vector<16xf32>
      %min3A_783 = arith.minimumf %min3A_770, %max3A_782 : vector<16xf32>
      %max3A_784 = arith.maximumf %min3A_770, %max3A_782 : vector<16xf32>
      %min3A_785 = arith.minimumf %min3A_772, %max3A_784 : vector<16xf32>
      %max3A_786 = arith.maximumf %max3A_773, %get3A_780 : vector<16xf32>
      %get3A_787 = arith.constant 0 : i32
      %get3A_788 = arith.constant 0 : i32
      %get3A_789 = tpu.memref_slice %arg4[%scan3A_204, %get3A_787, %get3A_788] : memref<2x16x576xf32, #tpu.memory_space<vmem>> -> memref<1x16x576xf32, #tpu.memory_space<vmem>>
      %get3A_790 = tpu.memref_squeeze %get3A_789 : memref<1x16x576xf32, #tpu.memory_space<vmem>> -> memref<16x576xf32, #tpu.memory_space<vmem>>
      %get3A_791 = arith.index_cast %scan3A_398 : i32 to index
      %get3A_792 = arith.constant 480 : index
      %get3A_793 = tpu.vector_load %get3A_790[%get3A_791, %get3A_792] {strides = array<i32>} : memref<16x576xf32, #tpu.memory_space<vmem>>, vector<16xf32>,
      %min3A_794 = arith.minimumf %min3A_781, %get3A_793 : vector<16xf32>
      %max3A_795 = arith.maximumf %min3A_781, %get3A_793 : vector<16xf32>
      %min3A_796 = arith.minimumf %min3A_783, %max3A_795 : vector<16xf32>
      %max3A_797 = arith.maximumf %min3A_783, %max3A_795 : vector<16xf32>
      %min3A_798 = arith.minimumf %min3A_785, %max3A_797 : vector<16xf32>
      %max3A_799 = arith.maximumf %max3A_786, %get3A_793 : vector<16xf32>
      %get3A_800 = arith.constant 0 : i32
      %get3A_801 = arith.constant 0 : i32
      %get3A_802 = tpu.memref_slice %arg4[%scan3A_204, %get3A_800, %get3A_801] : memref<2x16x576xf32, #tpu.memory_space<vmem>> -> memref<1x16x576xf32, #tpu.memory_space<vmem>>
      %get3A_803 = tpu.memref_squeeze %get3A_802 : memref<1x16x576xf32, #tpu.memory_space<vmem>> -> memref<16x576xf32, #tpu.memory_space<vmem>>
      %get3A_804 = arith.index_cast %scan3A_398 : i32 to index
      %get3A_805 = arith.constant 496 : index
      %get3A_806 = tpu.vector_load %get3A_803[%get3A_804, %get3A_805] {strides = array<i32>} : memref<16x576xf32, #tpu.memory_space<vmem>>, vector<16xf32>,
      %min3A_807 = arith.minimumf %min3A_794, %get3A_806 : vector<16xf32>
      %max3A_808 = arith.maximumf %min3A_794, %get3A_806 : vector<16xf32>
      %min3A_809 = arith.minimumf %min3A_796, %max3A_808 : vector<16xf32>
      %max3A_810 = arith.maximumf %min3A_796, %max3A_808 : vector<16xf32>
      %min3A_811 = arith.minimumf %min3A_798, %max3A_810 : vector<16xf32>
      %max3A_812 = arith.maximumf %max3A_799, %get3A_806 : vector<16xf32>
      %get3A_813 = arith.constant 0 : i32
      %get3A_814 = arith.constant 0 : i32
      %get3A_815 = tpu.memref_slice %arg4[%scan3A_204, %get3A_813, %get3A_814] : memref<2x16x576xf32, #tpu.memory_space<vmem>> -> memref<1x16x576xf32, #tpu.memory_space<vmem>>
      %get3A_816 = tpu.memref_squeeze %get3A_815 : memref<1x16x576xf32, #tpu.memory_space<vmem>> -> memref<16x576xf32, #tpu.memory_space<vmem>>
      %get3A_817 = arith.index_cast %scan3A_398 : i32 to index
      %get3A_818 = arith.constant 512 : index
      %get3A_819 = tpu.vector_load %get3A_816[%get3A_817, %get3A_818] {strides = array<i32>} : memref<16x576xf32, #tpu.memory_space<vmem>>, vector<16xf32>,
      %min3A_820 = arith.minimumf %min3A_807, %get3A_819 : vector<16xf32>
      %max3A_821 = arith.maximumf %min3A_807, %get3A_819 : vector<16xf32>
      %min3A_822 = arith.minimumf %min3A_809, %max3A_821 : vector<16xf32>
      %max3A_823 = arith.maximumf %min3A_809, %max3A_821 : vector<16xf32>
      %min3A_824 = arith.minimumf %min3A_811, %max3A_823 : vector<16xf32>
      %max3A_825 = arith.maximumf %max3A_812, %get3A_819 : vector<16xf32>
      %get3A_826 = arith.constant 0 : i32
      %get3A_827 = arith.constant 0 : i32
      %get3A_828 = tpu.memref_slice %arg4[%scan3A_204, %get3A_826, %get3A_827] : memref<2x16x576xf32, #tpu.memory_space<vmem>> -> memref<1x16x576xf32, #tpu.memory_space<vmem>>
      %get3A_829 = tpu.memref_squeeze %get3A_828 : memref<1x16x576xf32, #tpu.memory_space<vmem>> -> memref<16x576xf32, #tpu.memory_space<vmem>>
      %get3A_830 = arith.index_cast %scan3A_398 : i32 to index
      %get3A_831 = arith.constant 528 : index
      %get3A_832 = tpu.vector_load %get3A_829[%get3A_830, %get3A_831] {strides = array<i32>} : memref<16x576xf32, #tpu.memory_space<vmem>>, vector<16xf32>,
      %min3A_833 = arith.minimumf %min3A_820, %get3A_832 : vector<16xf32>
      %max3A_834 = arith.maximumf %min3A_820, %get3A_832 : vector<16xf32>
      %min3A_835 = arith.minimumf %min3A_822, %max3A_834 : vector<16xf32>
      %max3A_836 = arith.maximumf %min3A_822, %max3A_834 : vector<16xf32>
      %min3A_837 = arith.minimumf %min3A_824, %max3A_836 : vector<16xf32>
      %max3A_838 = arith.maximumf %max3A_825, %get3A_832 : vector<16xf32>
      %get3A_839 = arith.constant 0 : i32
      %get3A_840 = arith.constant 0 : i32
      %get3A_841 = tpu.memref_slice %arg4[%scan3A_204, %get3A_839, %get3A_840] : memref<2x16x576xf32, #tpu.memory_space<vmem>> -> memref<1x16x576xf32, #tpu.memory_space<vmem>>
      %get3A_842 = tpu.memref_squeeze %get3A_841 : memref<1x16x576xf32, #tpu.memory_space<vmem>> -> memref<16x576xf32, #tpu.memory_space<vmem>>
      %get3A_843 = arith.index_cast %scan3A_398 : i32 to index
      %get3A_844 = arith.constant 544 : index
      %get3A_845 = tpu.vector_load %get3A_842[%get3A_843, %get3A_844] {strides = array<i32>} : memref<16x576xf32, #tpu.memory_space<vmem>>, vector<16xf32>,
      %min3A_846 = arith.minimumf %min3A_833, %get3A_845 : vector<16xf32>
      %max3A_847 = arith.maximumf %min3A_833, %get3A_845 : vector<16xf32>
      %min3A_848 = arith.minimumf %min3A_835, %max3A_847 : vector<16xf32>
      %max3A_849 = arith.maximumf %min3A_835, %max3A_847 : vector<16xf32>
      %min3A_850 = arith.minimumf %min3A_837, %max3A_849 : vector<16xf32>
      %max3A_851 = arith.maximumf %max3A_838, %get3A_845 : vector<16xf32>
      %get3A_852 = arith.constant 0 : i32
      %get3A_853 = arith.constant 0 : i32
      %get3A_854 = tpu.memref_slice %arg4[%scan3A_204, %get3A_852, %get3A_853] : memref<2x16x576xf32, #tpu.memory_space<vmem>> -> memref<1x16x576xf32, #tpu.memory_space<vmem>>
      %get3A_855 = tpu.memref_squeeze %get3A_854 : memref<1x16x576xf32, #tpu.memory_space<vmem>> -> memref<16x576xf32, #tpu.memory_space<vmem>>
      %get3A_856 = arith.index_cast %scan3A_398 : i32 to index
      %get3A_857 = arith.constant 560 : index
      %get3A_858 = tpu.vector_load %get3A_855[%get3A_856, %get3A_857] {strides = array<i32>} : memref<16x576xf32, #tpu.memory_space<vmem>>, vector<16xf32>,
      %min3A_859 = arith.minimumf %min3A_846, %get3A_858 : vector<16xf32>
      %max3A_860 = arith.maximumf %min3A_846, %get3A_858 : vector<16xf32>
      %min3A_861 = arith.minimumf %min3A_848, %max3A_860 : vector<16xf32>
      %max3A_862 = arith.maximumf %min3A_848, %max3A_860 : vector<16xf32>
      %min3A_863 = arith.minimumf %min3A_850, %max3A_862 : vector<16xf32>
      %max3A_864 = arith.maximumf %max3A_851, %get3A_858 : vector<16xf32>
      %lt3A = arith.constant 0 : i32
      %lt3A_865 = vector.broadcast %lt3A : i32 to vector<16xi32>
      %lt3A_866 = arith.cmpi slt, %and3A_8, %lt3A_865 : vector<16xi32>
      %add3A_867 = arith.constant 16 : i32
      %add3A_868 = vector.broadcast %add3A_867 : i32 to vector<16xi32>
      %add3A_869 = arith.addi %and3A_8, %add3A_868 : vector<16xi32>
      %select_n3A = arith.select %lt3A_866, %add3A_869, %and3A_8 : vector<16xi1>, vector<16xi32>
      %broadcast_in_dim3A_870 = vector.shape_cast %select_n3A : vector<16xi32> to vector<16x1xi32>
      %gather3A = vector.shape_cast %broadcast_in_dim3A_870 : vector<16x1xi32> to vector<16xi32>
      %gather3A_871 = tpu.dynamic_gather %min3A_859[%gather3A] in [0] : vector<16xf32>, vector<16xi32> -> vector<16xf32>
      %lt3A_872 = arith.constant 0 : i32
      %lt3A_873 = vector.broadcast %lt3A_872 : i32 to vector<16xi32>
      %lt3A_874 = arith.cmpi slt, %and3A_8, %lt3A_873 : vector<16xi32>
      %add3A_875 = arith.constant 16 : i32
      %add3A_876 = vector.broadcast %add3A_875 : i32 to vector<16xi32>
      %add3A_877 = arith.addi %and3A_8, %add3A_876 : vector<16xi32>
      %select_n3A_878 = arith.select %lt3A_874, %add3A_877, %and3A_8 : vector<16xi1>, vector<16xi32>
      %broadcast_in_dim3A_879 = vector.shape_cast %select_n3A_878 : vector<16xi32> to vector<16x1xi32>
      %gather3A_880 = vector.shape_cast %broadcast_in_dim3A_879 : vector<16x1xi32> to vector<16xi32>
      %gather3A_881 = tpu.dynamic_gather %min3A_861[%gather3A_880] in [0] : vector<16xf32>, vector<16xi32> -> vector<16xf32>
      %lt3A_882 = arith.constant 0 : i32
      %lt3A_883 = vector.broadcast %lt3A_882 : i32 to vector<16xi32>
      %lt3A_884 = arith.cmpi slt, %and3A_8, %lt3A_883 : vector<16xi32>
      %add3A_885 = arith.constant 16 : i32
      %add3A_886 = vector.broadcast %add3A_885 : i32 to vector<16xi32>
      %add3A_887 = arith.addi %and3A_8, %add3A_886 : vector<16xi32>
      %select_n3A_888 = arith.select %lt3A_884, %add3A_887, %and3A_8 : vector<16xi1>, vector<16xi32>
      %broadcast_in_dim3A_889 = vector.shape_cast %select_n3A_888 : vector<16xi32> to vector<16x1xi32>
      %gather3A_890 = vector.shape_cast %broadcast_in_dim3A_889 : vector<16x1xi32> to vector<16xi32>
      %gather3A_891 = tpu.dynamic_gather %min3A_863[%gather3A_890] in [0] : vector<16xf32>, vector<16xi32> -> vector<16xf32>
      %lt3A_892 = arith.constant 0 : i32
      %lt3A_893 = vector.broadcast %lt3A_892 : i32 to vector<16xi32>
      %lt3A_894 = arith.cmpi slt, %and3A_8, %lt3A_893 : vector<16xi32>
      %add3A_895 = arith.constant 16 : i32
      %add3A_896 = vector.broadcast %add3A_895 : i32 to vector<16xi32>
      %add3A_897 = arith.addi %and3A_8, %add3A_896 : vector<16xi32>
      %select_n3A_898 = arith.select %lt3A_894, %add3A_897, %and3A_8 : vector<16xi1>, vector<16xi32>
      %broadcast_in_dim3A_899 = vector.shape_cast %select_n3A_898 : vector<16xi32> to vector<16x1xi32>
      %gather3A_900 = vector.shape_cast %broadcast_in_dim3A_899 : vector<16x1xi32> to vector<16xi32>
      %gather3A_901 = tpu.dynamic_gather %max3A_864[%gather3A_900] in [0] : vector<16xf32>, vector<16xi32> -> vector<16xf32>
      %min3A_902 = arith.minimumf %min3A_859, %gather3A_871 : vector<16xf32>
      %max3A_903 = arith.maximumf %min3A_859, %gather3A_871 : vector<16xf32>
      %min3A_904 = arith.minimumf %min3A_861, %max3A_903 : vector<16xf32>
      %max3A_905 = arith.maximumf %min3A_861, %max3A_903 : vector<16xf32>
      %min3A_906 = arith.minimumf %min3A_863, %max3A_905 : vector<16xf32>
      %min3A_907 = arith.minimumf %min3A_902, %gather3A_881 : vector<16xf32>
      %max3A_908 = arith.maximumf %min3A_902, %gather3A_881 : vector<16xf32>
      %min3A_909 = arith.minimumf %min3A_904, %max3A_908 : vector<16xf32>
      %max3A_910 = arith.maximumf %min3A_904, %max3A_908 : vector<16xf32>
      %min3A_911 = arith.minimumf %min3A_906, %max3A_910 : vector<16xf32>
      %min3A_912 = arith.minimumf %min3A_907, %gather3A_891 : vector<16xf32>
      %max3A_913 = arith.maximumf %min3A_907, %gather3A_891 : vector<16xf32>
      %min3A_914 = arith.minimumf %min3A_909, %max3A_913 : vector<16xf32>
      %max3A_915 = arith.maximumf %min3A_909, %max3A_913 : vector<16xf32>
      %min3A_916 = arith.minimumf %min3A_911, %max3A_915 : vector<16xf32>
      %max3A_917 = arith.maximumf %max3A_864, %gather3A_901 : vector<16xf32>
      %lt3A_918 = arith.constant 0 : i32
      %lt3A_919 = vector.broadcast %lt3A_918 : i32 to vector<16xi32>
      %lt3A_920 = arith.cmpi slt, %and3A_14, %lt3A_919 : vector<16xi32>
      %add3A_921 = arith.constant 16 : i32
      %add3A_922 = vector.broadcast %add3A_921 : i32 to vector<16xi32>
      %add3A_923 = arith.addi %and3A_14, %add3A_922 : vector<16xi32>
      %select_n3A_924 = arith.select %lt3A_920, %add3A_923, %and3A_14 : vector<16xi1>, vector<16xi32>
      %broadcast_in_dim3A_925 = vector.shape_cast %select_n3A_924 : vector<16xi32> to vector<16x1xi32>
      %gather3A_926 = vector.shape_cast %broadcast_in_dim3A_925 : vector<16x1xi32> to vector<16xi32>
      %gather3A_927 = tpu.dynamic_gather %min3A_912[%gather3A_926] in [0] : vector<16xf32>, vector<16xi32> -> vector<16xf32>
      %lt3A_928 = arith.constant 0 : i32
      %lt3A_929 = vector.broadcast %lt3A_928 : i32 to vector<16xi32>
      %lt3A_930 = arith.cmpi slt, %and3A_14, %lt3A_929 : vector<16xi32>
      %add3A_931 = arith.constant 16 : i32
      %add3A_932 = vector.broadcast %add3A_931 : i32 to vector<16xi32>
      %add3A_933 = arith.addi %and3A_14, %add3A_932 : vector<16xi32>
      %select_n3A_934 = arith.select %lt3A_930, %add3A_933, %and3A_14 : vector<16xi1>, vector<16xi32>
      %broadcast_in_dim3A_935 = vector.shape_cast %select_n3A_934 : vector<16xi32> to vector<16x1xi32>
      %gather3A_936 = vector.shape_cast %broadcast_in_dim3A_935 : vector<16x1xi32> to vector<16xi32>
      %gather3A_937 = tpu.dynamic_gather %min3A_914[%gather3A_936] in [0] : vector<16xf32>, vector<16xi32> -> vector<16xf32>
      %lt3A_938 = arith.constant 0 : i32
      %lt3A_939 = vector.broadcast %lt3A_938 : i32 to vector<16xi32>
      %lt3A_940 = arith.cmpi slt, %and3A_14, %lt3A_939 : vector<16xi32>
      %add3A_941 = arith.constant 16 : i32
      %add3A_942 = vector.broadcast %add3A_941 : i32 to vector<16xi32>
      %add3A_943 = arith.addi %and3A_14, %add3A_942 : vector<16xi32>
      %select_n3A_944 = arith.select %lt3A_940, %add3A_943, %and3A_14 : vector<16xi1>, vector<16xi32>
      %broadcast_in_dim3A_945 = vector.shape_cast %select_n3A_944 : vector<16xi32> to vector<16x1xi32>
      %gather3A_946 = vector.shape_cast %broadcast_in_dim3A_945 : vector<16x1xi32> to vector<16xi32>
      %gather3A_947 = tpu.dynamic_gather %min3A_916[%gather3A_946] in [0] : vector<16xf32>, vector<16xi32> -> vector<16xf32>
      %lt3A_948 = arith.constant 0 : i32
      %lt3A_949 = vector.broadcast %lt3A_948 : i32 to vector<16xi32>
      %lt3A_950 = arith.cmpi slt, %and3A_14, %lt3A_949 : vector<16xi32>
      %add3A_951 = arith.constant 16 : i32
      %add3A_952 = vector.broadcast %add3A_951 : i32 to vector<16xi32>
      %add3A_953 = arith.addi %and3A_14, %add3A_952 : vector<16xi32>
      %select_n3A_954 = arith.select %lt3A_950, %add3A_953, %and3A_14 : vector<16xi1>, vector<16xi32>
      %broadcast_in_dim3A_955 = vector.shape_cast %select_n3A_954 : vector<16xi32> to vector<16x1xi32>
      %gather3A_956 = vector.shape_cast %broadcast_in_dim3A_955 : vector<16x1xi32> to vector<16xi32>
      %gather3A_957 = tpu.dynamic_gather %max3A_917[%gather3A_956] in [0] : vector<16xf32>, vector<16xi32> -> vector<16xf32>
      %min3A_958 = arith.minimumf %min3A_912, %gather3A_927 : vector<16xf32>
      %max3A_959 = arith.maximumf %min3A_912, %gather3A_927 : vector<16xf32>
      %min3A_960 = arith.minimumf %min3A_914, %max3A_959 : vector<16xf32>
      %max3A_961 = arith.maximumf %min3A_914, %max3A_959 : vector<16xf32>
      %min3A_962 = arith.minimumf %min3A_916, %max3A_961 : vector<16xf32>
      %min3A_963 = arith.minimumf %min3A_958, %gather3A_937 : vector<16xf32>
      %max3A_964 = arith.maximumf %min3A_958, %gather3A_937 : vector<16xf32>
      %min3A_965 = arith.minimumf %min3A_960, %max3A_964 : vector<16xf32>
      %max3A_966 = arith.maximumf %min3A_960, %max3A_964 : vector<16xf32>
      %min3A_967 = arith.minimumf %min3A_962, %max3A_966 : vector<16xf32>
      %min3A_968 = arith.minimumf %min3A_963, %gather3A_947 : vector<16xf32>
      %max3A_969 = arith.maximumf %min3A_963, %gather3A_947 : vector<16xf32>
      %min3A_970 = arith.minimumf %min3A_965, %max3A_969 : vector<16xf32>
      %max3A_971 = arith.maximumf %min3A_965, %max3A_969 : vector<16xf32>
      %min3A_972 = arith.minimumf %min3A_967, %max3A_971 : vector<16xf32>
      %max3A_973 = arith.maximumf %max3A_917, %gather3A_957 : vector<16xf32>
      %lt3A_974 = arith.constant 0 : i32
      %lt3A_975 = vector.broadcast %lt3A_974 : i32 to vector<16xi32>
      %lt3A_976 = arith.cmpi slt, %and3A_20, %lt3A_975 : vector<16xi32>
      %add3A_977 = arith.constant 16 : i32
      %add3A_978 = vector.broadcast %add3A_977 : i32 to vector<16xi32>
      %add3A_979 = arith.addi %and3A_20, %add3A_978 : vector<16xi32>
      %select_n3A_980 = arith.select %lt3A_976, %add3A_979, %and3A_20 : vector<16xi1>, vector<16xi32>
      %broadcast_in_dim3A_981 = vector.shape_cast %select_n3A_980 : vector<16xi32> to vector<16x1xi32>
      %gather3A_982 = vector.shape_cast %broadcast_in_dim3A_981 : vector<16x1xi32> to vector<16xi32>
      %gather3A_983 = tpu.dynamic_gather %min3A_968[%gather3A_982] in [0] : vector<16xf32>, vector<16xi32> -> vector<16xf32>
      %lt3A_984 = arith.constant 0 : i32
      %lt3A_985 = vector.broadcast %lt3A_984 : i32 to vector<16xi32>
      %lt3A_986 = arith.cmpi slt, %and3A_20, %lt3A_985 : vector<16xi32>
      %add3A_987 = arith.constant 16 : i32
      %add3A_988 = vector.broadcast %add3A_987 : i32 to vector<16xi32>
      %add3A_989 = arith.addi %and3A_20, %add3A_988 : vector<16xi32>
      %select_n3A_990 = arith.select %lt3A_986, %add3A_989, %and3A_20 : vector<16xi1>, vector<16xi32>
      %broadcast_in_dim3A_991 = vector.shape_cast %select_n3A_990 : vector<16xi32> to vector<16x1xi32>
      %gather3A_992 = vector.shape_cast %broadcast_in_dim3A_991 : vector<16x1xi32> to vector<16xi32>
      %gather3A_993 = tpu.dynamic_gather %min3A_970[%gather3A_992] in [0] : vector<16xf32>, vector<16xi32> -> vector<16xf32>
      %lt3A_994 = arith.constant 0 : i32
      %lt3A_995 = vector.broadcast %lt3A_994 : i32 to vector<16xi32>
      %lt3A_996 = arith.cmpi slt, %and3A_20, %lt3A_995 : vector<16xi32>
      %add3A_997 = arith.constant 16 : i32
      %add3A_998 = vector.broadcast %add3A_997 : i32 to vector<16xi32>
      %add3A_999 = arith.addi %and3A_20, %add3A_998 : vector<16xi32>
      %select_n3A_1000 = arith.select %lt3A_996, %add3A_999, %and3A_20 : vector<16xi1>, vector<16xi32>
      %broadcast_in_dim3A_1001 = vector.shape_cast %select_n3A_1000 : vector<16xi32> to vector<16x1xi32>
      %gather3A_1002 = vector.shape_cast %broadcast_in_dim3A_1001 : vector<16x1xi32> to vector<16xi32>
      %gather3A_1003 = tpu.dynamic_gather %min3A_972[%gather3A_1002] in [0] : vector<16xf32>, vector<16xi32> -> vector<16xf32>
      %lt3A_1004 = arith.constant 0 : i32
      %lt3A_1005 = vector.broadcast %lt3A_1004 : i32 to vector<16xi32>
      %lt3A_1006 = arith.cmpi slt, %and3A_20, %lt3A_1005 : vector<16xi32>
      %add3A_1007 = arith.constant 16 : i32
      %add3A_1008 = vector.broadcast %add3A_1007 : i32 to vector<16xi32>
      %add3A_1009 = arith.addi %and3A_20, %add3A_1008 : vector<16xi32>
      %select_n3A_1010 = arith.select %lt3A_1006, %add3A_1009, %and3A_20 : vector<16xi1>, vector<16xi32>
      %broadcast_in_dim3A_1011 = vector.shape_cast %select_n3A_1010 : vector<16xi32> to vector<16x1xi32>
      %gather3A_1012 = vector.shape_cast %broadcast_in_dim3A_1011 : vector<16x1xi32> to vector<16xi32>
      %gather3A_1013 = tpu.dynamic_gather %max3A_973[%gather3A_1012] in [0] : vector<16xf32>, vector<16xi32> -> vector<16xf32>
      %min3A_1014 = arith.minimumf %min3A_968, %gather3A_983 : vector<16xf32>
      %max3A_1015 = arith.maximumf %min3A_968, %gather3A_983 : vector<16xf32>
      %min3A_1016 = arith.minimumf %min3A_970, %max3A_1015 : vector<16xf32>
      %max3A_1017 = arith.maximumf %min3A_970, %max3A_1015 : vector<16xf32>
      %min3A_1018 = arith.minimumf %min3A_972, %max3A_1017 : vector<16xf32>
      %min3A_1019 = arith.minimumf %min3A_1014, %gather3A_993 : vector<16xf32>
      %max3A_1020 = arith.maximumf %min3A_1014, %gather3A_993 : vector<16xf32>
      %min3A_1021 = arith.minimumf %min3A_1016, %max3A_1020 : vector<16xf32>
      %max3A_1022 = arith.maximumf %min3A_1016, %max3A_1020 : vector<16xf32>
      %min3A_1023 = arith.minimumf %min3A_1018, %max3A_1022 : vector<16xf32>
      %min3A_1024 = arith.minimumf %min3A_1019, %gather3A_1003 : vector<16xf32>
      %max3A_1025 = arith.maximumf %min3A_1019, %gather3A_1003 : vector<16xf32>
      %min3A_1026 = arith.minimumf %min3A_1021, %max3A_1025 : vector<16xf32>
      %max3A_1027 = arith.maximumf %min3A_1021, %max3A_1025 : vector<16xf32>
      %min3A_1028 = arith.minimumf %min3A_1023, %max3A_1027 : vector<16xf32>
      %max3A_1029 = arith.maximumf %max3A_973, %gather3A_1013 : vector<16xf32>
      %lt3A_1030 = arith.constant 0 : i32
      %lt3A_1031 = vector.broadcast %lt3A_1030 : i32 to vector<16xi32>
      %lt3A_1032 = arith.cmpi slt, %and3A_26, %lt3A_1031 : vector<16xi32>
      %add3A_1033 = arith.constant 16 : i32
      %add3A_1034 = vector.broadcast %add3A_1033 : i32 to vector<16xi32>
      %add3A_1035 = arith.addi %and3A_26, %add3A_1034 : vector<16xi32>
      %select_n3A_1036 = arith.select %lt3A_1032, %add3A_1035, %and3A_26 : vector<16xi1>, vector<16xi32>
      %broadcast_in_dim3A_1037 = vector.shape_cast %select_n3A_1036 : vector<16xi32> to vector<16x1xi32>
      %gather3A_1038 = vector.shape_cast %broadcast_in_dim3A_1037 : vector<16x1xi32> to vector<16xi32>
      %gather3A_1039 = tpu.dynamic_gather %min3A_1024[%gather3A_1038] in [0] : vector<16xf32>, vector<16xi32> -> vector<16xf32>
      %lt3A_1040 = arith.constant 0 : i32
      %lt3A_1041 = vector.broadcast %lt3A_1040 : i32 to vector<16xi32>
      %lt3A_1042 = arith.cmpi slt, %and3A_26, %lt3A_1041 : vector<16xi32>
      %add3A_1043 = arith.constant 16 : i32
      %add3A_1044 = vector.broadcast %add3A_1043 : i32 to vector<16xi32>
      %add3A_1045 = arith.addi %and3A_26, %add3A_1044 : vector<16xi32>
      %select_n3A_1046 = arith.select %lt3A_1042, %add3A_1045, %and3A_26 : vector<16xi1>, vector<16xi32>
      %broadcast_in_dim3A_1047 = vector.shape_cast %select_n3A_1046 : vector<16xi32> to vector<16x1xi32>
      %gather3A_1048 = vector.shape_cast %broadcast_in_dim3A_1047 : vector<16x1xi32> to vector<16xi32>
      %gather3A_1049 = tpu.dynamic_gather %min3A_1026[%gather3A_1048] in [0] : vector<16xf32>, vector<16xi32> -> vector<16xf32>
      %lt3A_1050 = arith.constant 0 : i32
      %lt3A_1051 = vector.broadcast %lt3A_1050 : i32 to vector<16xi32>
      %lt3A_1052 = arith.cmpi slt, %and3A_26, %lt3A_1051 : vector<16xi32>
      %add3A_1053 = arith.constant 16 : i32
      %add3A_1054 = vector.broadcast %add3A_1053 : i32 to vector<16xi32>
      %add3A_1055 = arith.addi %and3A_26, %add3A_1054 : vector<16xi32>
      %select_n3A_1056 = arith.select %lt3A_1052, %add3A_1055, %and3A_26 : vector<16xi1>, vector<16xi32>
      %broadcast_in_dim3A_1057 = vector.shape_cast %select_n3A_1056 : vector<16xi32> to vector<16x1xi32>
      %gather3A_1058 = vector.shape_cast %broadcast_in_dim3A_1057 : vector<16x1xi32> to vector<16xi32>
      %gather3A_1059 = tpu.dynamic_gather %min3A_1028[%gather3A_1058] in [0] : vector<16xf32>, vector<16xi32> -> vector<16xf32>
      %lt3A_1060 = arith.constant 0 : i32
      %lt3A_1061 = vector.broadcast %lt3A_1060 : i32 to vector<16xi32>
      %lt3A_1062 = arith.cmpi slt, %and3A_26, %lt3A_1061 : vector<16xi32>
      %add3A_1063 = arith.constant 16 : i32
      %add3A_1064 = vector.broadcast %add3A_1063 : i32 to vector<16xi32>
      %add3A_1065 = arith.addi %and3A_26, %add3A_1064 : vector<16xi32>
      %select_n3A_1066 = arith.select %lt3A_1062, %add3A_1065, %and3A_26 : vector<16xi1>, vector<16xi32>
      %broadcast_in_dim3A_1067 = vector.shape_cast %select_n3A_1066 : vector<16xi32> to vector<16x1xi32>
      %gather3A_1068 = vector.shape_cast %broadcast_in_dim3A_1067 : vector<16x1xi32> to vector<16xi32>
      %gather3A_1069 = tpu.dynamic_gather %max3A_1029[%gather3A_1068] in [0] : vector<16xf32>, vector<16xi32> -> vector<16xf32>
      %min3A_1070 = arith.minimumf %min3A_1024, %gather3A_1039 : vector<16xf32>
      %max3A_1071 = arith.maximumf %min3A_1024, %gather3A_1039 : vector<16xf32>
      %min3A_1072 = arith.minimumf %min3A_1026, %max3A_1071 : vector<16xf32>
      %max3A_1073 = arith.maximumf %min3A_1026, %max3A_1071 : vector<16xf32>
      %min3A_1074 = arith.minimumf %min3A_1028, %max3A_1073 : vector<16xf32>
      %min3A_1075 = arith.minimumf %min3A_1070, %gather3A_1049 : vector<16xf32>
      %max3A_1076 = arith.maximumf %min3A_1070, %gather3A_1049 : vector<16xf32>
      %min3A_1077 = arith.minimumf %min3A_1072, %max3A_1076 : vector<16xf32>
      %max3A_1078 = arith.maximumf %min3A_1072, %max3A_1076 : vector<16xf32>
      %min3A_1079 = arith.minimumf %min3A_1074, %max3A_1078 : vector<16xf32>
      %min3A_1080 = arith.minimumf %min3A_1075, %gather3A_1059 : vector<16xf32>
      %max3A_1081 = arith.maximumf %min3A_1075, %gather3A_1059 : vector<16xf32>
      %min3A_1082 = arith.minimumf %min3A_1077, %max3A_1081 : vector<16xf32>
      %max3A_1083 = arith.maximumf %min3A_1077, %max3A_1081 : vector<16xf32>
      %min3A_1084 = arith.minimumf %min3A_1079, %max3A_1083 : vector<16xf32>
      %max3A_1085 = arith.maximumf %max3A_1029, %gather3A_1069 : vector<16xf32>
      %div3A = arith.divf %min3A_1082, %min3A_1084 : vector<16xf32>
      %lt3A_1086 = arith.constant 6.000000e-01 : f32
      %lt3A_1087 = vector.broadcast %lt3A_1086 : f32 to vector<16xf32>
      %lt3A_1088 = arith.cmpf olt, %div3A, %lt3A_1087 : vector<16xf32>
      %exp3A = math.exp %min3A_1082 : vector<16xf32>
      %add3A_1089 = arith.constant 1.000000e+00 : f32
      %add3A_1090 = vector.broadcast %add3A_1089 : f32 to vector<16xf32>
      %add3A_1091 = arith.addf %add3A_1090, %exp3A : vector<16xf32>
      %div3A_1092 = arith.constant 2.000000e+00 : f32
      %div3A_1093 = vector.broadcast %div3A_1092 : f32 to vector<16xf32>
      %div3A_1094 = arith.divf %div3A_1093, %add3A_1091 : vector<16xf32>
      %exp3A_1095 = math.exp %max3A_1085 : vector<16xf32>
      %mul3A_1096 = arith.constant 2.000000e+00 : f32
      %mul3A_1097 = vector.broadcast %mul3A_1096 : f32 to vector<16xf32>
      %mul3A_1098 = arith.mulf %mul3A_1097, %exp3A_1095 : vector<16xf32>
      %add3A_1099 = arith.constant 1.000000e+00 : f32
      %add3A_1100 = vector.broadcast %add3A_1099 : f32 to vector<16xf32>
      %add3A_1101 = arith.addf %add3A_1100, %mul3A_1098 : vector<16xf32>
      %div3A_1102 = arith.constant 2.000000e+00 : f32
      %div3A_1103 = vector.broadcast %div3A_1102 : f32 to vector<16xf32>
      %div3A_1104 = arith.divf %div3A_1103, %add3A_1101 : vector<16xf32>
      %select_n3A_1105 = arith.select %lt3A_1088, %div3A_1094, %div3A_1104 : vector<16xi1>, vector<16xf32>
      %eq3A = vector.broadcast %scan3A_398 : i32 to vector<16xi32>
      %eq3A_1106 = arith.cmpi eq, %iota3A, %eq3A : vector<16xi32>
      %select_n3A_1107 = arith.select %eq3A_1106, %select_n3A_1105, %scan3A_399 : vector<16xi1>, vector<16xf32>
      scf.yield %select_n3A_1107 : vector<16xf32>
    }
    %scan3A_210 = arith.constant 16 : i32
    %swap3A_211 = arith.constant 2 : i32
    %swap3A_212 = arith.index_cast %swap3A_211 : i32 to index
    %swap3A_213 = arith.constant 0 : index
    %swap3A_214 = tpu.vector_load %arg5[%swap3A_212, %swap3A_213] {strides = array<i32>} : memref<5x16xf32, #tpu.memory_space<vmem>>, vector<16xf32>,
    tpu.vector_store %arg5[%swap3A_212, %swap3A_213], %scan3A_209 {strides = array<i32>} : memref<5x16xf32, #tpu.memory_space<vmem>>, vector<16xf32>,
    %dma_start3A_215 = arith.constant 2 : i32
    %dma_start3A_216 = arith.constant 0 : i32
    %dma_start3A_217 = tpu.memref_slice %arg5[%dma_start3A_215, %dma_start3A_216] : memref<5x16xf32, #tpu.memory_space<vmem>> -> memref<1x16xf32, #tpu.memory_space<vmem>>
    %dma_start3A_218 = tpu.memref_squeeze %dma_start3A_217 : memref<1x16xf32, #tpu.memory_space<vmem>> -> memref<16xf32, #tpu.memory_space<vmem>>
    %dma_start3A_219 = arith.constant 0 : i32
    %dma_start3A_220 = tpu.memref_slice %arg3[%add3A_167, %dma_start3A_219] : memref<144x16xf32, #tpu.memory_space<hbm>> -> memref<1x16xf32, #tpu.memory_space<hbm>>
    %dma_start3A_221 = tpu.memref_squeeze %dma_start3A_220 : memref<1x16xf32, #tpu.memory_space<hbm>> -> memref<16xf32, #tpu.memory_space<hbm>>
    %dma_start3A_222 = arith.constant 0 : i32
    %dma_start3A_223 = tpu.memref_slice %arg3[%add3A_167, %dma_start3A_222] : memref<144x16xf32, #tpu.memory_space<hbm>> -> memref<1x16xf32, #tpu.memory_space<hbm>>
    %dma_start3A_224 = tpu.memref_squeeze %dma_start3A_223 : memref<1x16xf32, #tpu.memory_space<hbm>> -> memref<16xf32, #tpu.memory_space<hbm>>
    %dma_start3A_225 = arith.constant 0 : i32
    %dma_start3A_226 = tpu.memref_slice %arg5[%dma_start3A_215, %dma_start3A_225] : memref<5x16xf32, #tpu.memory_space<vmem>> -> memref<1x16xf32, #tpu.memory_space<vmem>>
    %dma_start3A_227 = tpu.memref_squeeze %dma_start3A_226 : memref<1x16xf32, #tpu.memory_space<vmem>> -> memref<16xf32, #tpu.memory_space<vmem>>
    tpu.enqueue_dma source(%dma_start3A_227 : memref<16xf32, #tpu.memory_space<vmem>>) target(%dma_start3A_224 : memref<16xf32, #tpu.memory_space<hbm>>) target_semaphore(%arg8 : memref<!tpu.dma_semaphore, #tpu.memory_space<semaphore_mem>>)
    %add3A_228 = arith.constant 96 : i32
    %add3A_229 = arith.addi %add3A, %add3A_228 : i32
    %dma_wait3A_230 = arith.constant 1 : i32
    %dma_wait3A_231 = arith.constant 0 : i32
    %dma_wait3A_232 = arith.constant 0 : i32
    %dma_wait3A_233 = tpu.memref_slice %arg4[%dma_wait3A_230, %dma_wait3A_231, %dma_wait3A_232] : memref<2x16x576xf32, #tpu.memory_space<vmem>> -> memref<1x16x576xf32, #tpu.memory_space<vmem>>
    %dma_wait3A_234 = tpu.memref_squeeze %dma_wait3A_233 : memref<1x16x576xf32, #tpu.memory_space<vmem>> -> memref<16x576xf32, #tpu.memory_space<vmem>>
    %dma_wait3A_235 = arith.constant 0 : i32
    %dma_wait3A_236 = arith.constant 0 : i32
    %dma_wait3A_237 = tpu.memref_slice %arg2[%add3A_186, %dma_wait3A_235, %dma_wait3A_236] : memref<144x16x576xf32, #tpu.memory_space<hbm>> -> memref<1x16x576xf32, #tpu.memory_space<hbm>>
    %dma_wait3A_238 = tpu.memref_squeeze %dma_wait3A_237 : memref<1x16x576xf32, #tpu.memory_space<hbm>> -> memref<16x576xf32, #tpu.memory_space<hbm>>
    %dma_wait3A_239 = arith.constant 0 : i32
    %dma_wait3A_240 = arith.constant 0 : i32
    %dma_wait3A_241 = tpu.memref_slice %arg4[%dma_wait3A_230, %dma_wait3A_239, %dma_wait3A_240] : memref<2x16x576xf32, #tpu.memory_space<vmem>> -> memref<1x16x576xf32, #tpu.memory_space<vmem>>
    %dma_wait3A_242 = tpu.memref_squeeze %dma_wait3A_241 : memref<1x16x576xf32, #tpu.memory_space<vmem>> -> memref<16x576xf32, #tpu.memory_space<vmem>>
    %dma_wait3A_243 = arith.constant 0 : i32
    %dma_wait3A_244 = arith.constant 0 : i32
    %dma_wait3A_245 = tpu.memref_slice %arg2[%add3A_186, %dma_wait3A_243, %dma_wait3A_244] : memref<144x16x576xf32, #tpu.memory_space<hbm>> -> memref<1x16x576xf32, #tpu.memory_space<hbm>>
    %dma_wait3A_246 = tpu.memref_squeeze %dma_wait3A_245 : memref<1x16x576xf32, #tpu.memory_space<hbm>> -> memref<16x576xf32, #tpu.memory_space<hbm>>
    tpu.wait_dma2 semaphore(%arg7 : memref<!tpu.dma_semaphore, #tpu.memory_space<semaphore_mem>>) src(%dma_wait3A_246 : memref<16x576xf32, #tpu.memory_space<hbm>>) dst(%dma_wait3A_242 : memref<16x576xf32, #tpu.memory_space<vmem>>)
    %add3A_247 = arith.constant 112 : i32
    %add3A_248 = arith.addi %add3A_247, %add3A : i32
    %dma_start3A_249 = arith.constant 0 : i32
    %dma_start3A_250 = arith.constant 0 : i32
    %dma_start3A_251 = arith.constant 0 : i32
    %dma_start3A_252 = tpu.memref_slice %arg4[%dma_start3A_249, %dma_start3A_250, %dma_start3A_251] : memref<2x16x576xf32, #tpu.memory_space<vmem>> -> memref<1x16x576xf32, #tpu.memory_space<vmem>>
    %dma_start3A_253 = tpu.memref_squeeze %dma_start3A_252 : memref<1x16x576xf32, #tpu.memory_space<vmem>> -> memref<16x576xf32, #tpu.memory_space<vmem>>
    %dma_start3A_254 = arith.constant 0 : i32
    %dma_start3A_255 = arith.constant 0 : i32
    %dma_start3A_256 = tpu.memref_slice %arg2[%add3A_248, %dma_start3A_254, %dma_start3A_255] : memref<144x16x576xf32, #tpu.memory_space<hbm>> -> memref<1x16x576xf32, #tpu.memory_space<hbm>>
    %dma_start3A_257 = tpu.memref_squeeze %dma_start3A_256 : memref<1x16x576xf32, #tpu.memory_space<hbm>> -> memref<16x576xf32, #tpu.memory_space<hbm>>
    %dma_start3A_258 = arith.constant 0 : i32
    %dma_start3A_259 = arith.constant 0 : i32
    %dma_start3A_260 = tpu.memref_slice %arg4[%dma_start3A_249, %dma_start3A_258, %dma_start3A_259] : memref<2x16x576xf32, #tpu.memory_space<vmem>> -> memref<1x16x576xf32, #tpu.memory_space<vmem>>
    %dma_start3A_261 = tpu.memref_squeeze %dma_start3A_260 : memref<1x16x576xf32, #tpu.memory_space<vmem>> -> memref<16x576xf32, #tpu.memory_space<vmem>>
    %dma_start3A_262 = arith.constant 0 : i32
    %dma_start3A_263 = arith.constant 0 : i32
    %dma_start3A_264 = tpu.memref_slice %arg2[%add3A_248, %dma_start3A_262, %dma_start3A_263] : memref<144x16x576xf32, #tpu.memory_space<hbm>> -> memref<1x16x576xf32, #tpu.memory_space<hbm>>
    %dma_start3A_265 = tpu.memref_squeeze %dma_start3A_264 : memref<1x16x576xf32, #tpu.memory_space<hbm>> -> memref<16x576xf32, #tpu.memory_space<hbm>>
    tpu.enqueue_dma source(%dma_start3A_265 : memref<16x576xf32, #tpu.memory_space<hbm>>) target(%dma_start3A_261 : memref<16x576xf32, #tpu.memory_space<vmem>>) target_semaphore(%arg6 : memref<!tpu.dma_semaphore, #tpu.memory_space<semaphore_mem>>)
    %scan3A_266 = arith.constant 1 : i32
    %scan3A_267 = arith.constant 0 : i32
    %scan3A_268 = arith.constant 16 : i32
    %scan3A_269 = arith.addi %scan3A_267, %scan3A_268 : i32
    %scan3A_270 = arith.constant 1 : i32
    %scan3A_271 = scf.for %scan3A_398 = %scan3A_267 to %scan3A_269 step %scan3A_270 iter_args(%scan3A_399 = %broadcast_in_dim3A_3) -> (vector<16xf32>)  : i32 {
      %get3A = arith.constant 0 : i32
      %get3A_400 = arith.constant 0 : i32
      %get3A_401 = tpu.memref_slice %arg4[%scan3A_266, %get3A, %get3A_400] : memref<2x16x576xf32, #tpu.memory_space<vmem>> -> memref<1x16x576xf32, #tpu.memory_space<vmem>>
      %get3A_402 = tpu.memref_squeeze %get3A_401 : memref<1x16x576xf32, #tpu.memory_space<vmem>> -> memref<16x576xf32, #tpu.memory_space<vmem>>
      %get3A_403 = arith.index_cast %scan3A_398 : i32 to index
      %get3A_404 = arith.constant 0 : index
      %get3A_405 = tpu.vector_load %get3A_402[%get3A_403, %get3A_404] {strides = array<i32>} : memref<16x576xf32, #tpu.memory_space<vmem>>, vector<16xf32>,
      %min3A = arith.minimumf %broadcast_in_dim3A_1, %get3A_405 : vector<16xf32>
      %max3A = arith.maximumf %broadcast_in_dim3A_1, %get3A_405 : vector<16xf32>
      %min3A_406 = arith.minimumf %broadcast_in_dim3A_1, %max3A : vector<16xf32>
      %max3A_407 = arith.maximumf %broadcast_in_dim3A_1, %max3A : vector<16xf32>
      %min3A_408 = arith.minimumf %broadcast_in_dim3A_1, %max3A_407 : vector<16xf32>
      %max3A_409 = arith.maximumf %broadcast_in_dim3A_3, %get3A_405 : vector<16xf32>
      %get3A_410 = arith.constant 0 : i32
      %get3A_411 = arith.constant 0 : i32
      %get3A_412 = tpu.memref_slice %arg4[%scan3A_266, %get3A_410, %get3A_411] : memref<2x16x576xf32, #tpu.memory_space<vmem>> -> memref<1x16x576xf32, #tpu.memory_space<vmem>>
      %get3A_413 = tpu.memref_squeeze %get3A_412 : memref<1x16x576xf32, #tpu.memory_space<vmem>> -> memref<16x576xf32, #tpu.memory_space<vmem>>
      %get3A_414 = arith.index_cast %scan3A_398 : i32 to index
      %get3A_415 = arith.constant 16 : index
      %get3A_416 = tpu.vector_load %get3A_413[%get3A_414, %get3A_415] {strides = array<i32>} : memref<16x576xf32, #tpu.memory_space<vmem>>, vector<16xf32>,
      %min3A_417 = arith.minimumf %min3A, %get3A_416 : vector<16xf32>
      %max3A_418 = arith.maximumf %min3A, %get3A_416 : vector<16xf32>
      %min3A_419 = arith.minimumf %min3A_406, %max3A_418 : vector<16xf32>
      %max3A_420 = arith.maximumf %min3A_406, %max3A_418 : vector<16xf32>
      %min3A_421 = arith.minimumf %min3A_408, %max3A_420 : vector<16xf32>
      %max3A_422 = arith.maximumf %max3A_409, %get3A_416 : vector<16xf32>
      %get3A_423 = arith.constant 0 : i32
      %get3A_424 = arith.constant 0 : i32
      %get3A_425 = tpu.memref_slice %arg4[%scan3A_266, %get3A_423, %get3A_424] : memref<2x16x576xf32, #tpu.memory_space<vmem>> -> memref<1x16x576xf32, #tpu.memory_space<vmem>>
      %get3A_426 = tpu.memref_squeeze %get3A_425 : memref<1x16x576xf32, #tpu.memory_space<vmem>> -> memref<16x576xf32, #tpu.memory_space<vmem>>
      %get3A_427 = arith.index_cast %scan3A_398 : i32 to index
      %get3A_428 = arith.constant 32 : index
      %get3A_429 = tpu.vector_load %get3A_426[%get3A_427, %get3A_428] {strides = array<i32>} : memref<16x576xf32, #tpu.memory_space<vmem>>, vector<16xf32>,
      %min3A_430 = arith.minimumf %min3A_417, %get3A_429 : vector<16xf32>
      %max3A_431 = arith.maximumf %min3A_417, %get3A_429 : vector<16xf32>
      %min3A_432 = arith.minimumf %min3A_419, %max3A_431 : vector<16xf32>
      %max3A_433 = arith.maximumf %min3A_419, %max3A_431 : vector<16xf32>
      %min3A_434 = arith.minimumf %min3A_421, %max3A_433 : vector<16xf32>
      %max3A_435 = arith.maximumf %max3A_422, %get3A_429 : vector<16xf32>
      %get3A_436 = arith.constant 0 : i32
      %get3A_437 = arith.constant 0 : i32
      %get3A_438 = tpu.memref_slice %arg4[%scan3A_266, %get3A_436, %get3A_437] : memref<2x16x576xf32, #tpu.memory_space<vmem>> -> memref<1x16x576xf32, #tpu.memory_space<vmem>>
      %get3A_439 = tpu.memref_squeeze %get3A_438 : memref<1x16x576xf32, #tpu.memory_space<vmem>> -> memref<16x576xf32, #tpu.memory_space<vmem>>
      %get3A_440 = arith.index_cast %scan3A_398 : i32 to index
      %get3A_441 = arith.constant 48 : index
      %get3A_442 = tpu.vector_load %get3A_439[%get3A_440, %get3A_441] {strides = array<i32>} : memref<16x576xf32, #tpu.memory_space<vmem>>, vector<16xf32>,
      %min3A_443 = arith.minimumf %min3A_430, %get3A_442 : vector<16xf32>
      %max3A_444 = arith.maximumf %min3A_430, %get3A_442 : vector<16xf32>
      %min3A_445 = arith.minimumf %min3A_432, %max3A_444 : vector<16xf32>
      %max3A_446 = arith.maximumf %min3A_432, %max3A_444 : vector<16xf32>
      %min3A_447 = arith.minimumf %min3A_434, %max3A_446 : vector<16xf32>
      %max3A_448 = arith.maximumf %max3A_435, %get3A_442 : vector<16xf32>
      %get3A_449 = arith.constant 0 : i32
      %get3A_450 = arith.constant 0 : i32
      %get3A_451 = tpu.memref_slice %arg4[%scan3A_266, %get3A_449, %get3A_450] : memref<2x16x576xf32, #tpu.memory_space<vmem>> -> memref<1x16x576xf32, #tpu.memory_space<vmem>>
      %get3A_452 = tpu.memref_squeeze %get3A_451 : memref<1x16x576xf32, #tpu.memory_space<vmem>> -> memref<16x576xf32, #tpu.memory_space<vmem>>
      %get3A_453 = arith.index_cast %scan3A_398 : i32 to index
      %get3A_454 = arith.constant 64 : index
      %get3A_455 = tpu.vector_load %get3A_452[%get3A_453, %get3A_454] {strides = array<i32>} : memref<16x576xf32, #tpu.memory_space<vmem>>, vector<16xf32>,
      %min3A_456 = arith.minimumf %min3A_443, %get3A_455 : vector<16xf32>
      %max3A_457 = arith.maximumf %min3A_443, %get3A_455 : vector<16xf32>
      %min3A_458 = arith.minimumf %min3A_445, %max3A_457 : vector<16xf32>
      %max3A_459 = arith.maximumf %min3A_445, %max3A_457 : vector<16xf32>
      %min3A_460 = arith.minimumf %min3A_447, %max3A_459 : vector<16xf32>
      %max3A_461 = arith.maximumf %max3A_448, %get3A_455 : vector<16xf32>
      %get3A_462 = arith.constant 0 : i32
      %get3A_463 = arith.constant 0 : i32
      %get3A_464 = tpu.memref_slice %arg4[%scan3A_266, %get3A_462, %get3A_463] : memref<2x16x576xf32, #tpu.memory_space<vmem>> -> memref<1x16x576xf32, #tpu.memory_space<vmem>>
      %get3A_465 = tpu.memref_squeeze %get3A_464 : memref<1x16x576xf32, #tpu.memory_space<vmem>> -> memref<16x576xf32, #tpu.memory_space<vmem>>
      %get3A_466 = arith.index_cast %scan3A_398 : i32 to index
      %get3A_467 = arith.constant 80 : index
      %get3A_468 = tpu.vector_load %get3A_465[%get3A_466, %get3A_467] {strides = array<i32>} : memref<16x576xf32, #tpu.memory_space<vmem>>, vector<16xf32>,
      %min3A_469 = arith.minimumf %min3A_456, %get3A_468 : vector<16xf32>
      %max3A_470 = arith.maximumf %min3A_456, %get3A_468 : vector<16xf32>
      %min3A_471 = arith.minimumf %min3A_458, %max3A_470 : vector<16xf32>
      %max3A_472 = arith.maximumf %min3A_458, %max3A_470 : vector<16xf32>
      %min3A_473 = arith.minimumf %min3A_460, %max3A_472 : vector<16xf32>
      %max3A_474 = arith.maximumf %max3A_461, %get3A_468 : vector<16xf32>
      %get3A_475 = arith.constant 0 : i32
      %get3A_476 = arith.constant 0 : i32
      %get3A_477 = tpu.memref_slice %arg4[%scan3A_266, %get3A_475, %get3A_476] : memref<2x16x576xf32, #tpu.memory_space<vmem>> -> memref<1x16x576xf32, #tpu.memory_space<vmem>>
      %get3A_478 = tpu.memref_squeeze %get3A_477 : memref<1x16x576xf32, #tpu.memory_space<vmem>> -> memref<16x576xf32, #tpu.memory_space<vmem>>
      %get3A_479 = arith.index_cast %scan3A_398 : i32 to index
      %get3A_480 = arith.constant 96 : index
      %get3A_481 = tpu.vector_load %get3A_478[%get3A_479, %get3A_480] {strides = array<i32>} : memref<16x576xf32, #tpu.memory_space<vmem>>, vector<16xf32>,
      %min3A_482 = arith.minimumf %min3A_469, %get3A_481 : vector<16xf32>
      %max3A_483 = arith.maximumf %min3A_469, %get3A_481 : vector<16xf32>
      %min3A_484 = arith.minimumf %min3A_471, %max3A_483 : vector<16xf32>
      %max3A_485 = arith.maximumf %min3A_471, %max3A_483 : vector<16xf32>
      %min3A_486 = arith.minimumf %min3A_473, %max3A_485 : vector<16xf32>
      %max3A_487 = arith.maximumf %max3A_474, %get3A_481 : vector<16xf32>
      %get3A_488 = arith.constant 0 : i32
      %get3A_489 = arith.constant 0 : i32
      %get3A_490 = tpu.memref_slice %arg4[%scan3A_266, %get3A_488, %get3A_489] : memref<2x16x576xf32, #tpu.memory_space<vmem>> -> memref<1x16x576xf32, #tpu.memory_space<vmem>>
      %get3A_491 = tpu.memref_squeeze %get3A_490 : memref<1x16x576xf32, #tpu.memory_space<vmem>> -> memref<16x576xf32, #tpu.memory_space<vmem>>
      %get3A_492 = arith.index_cast %scan3A_398 : i32 to index
      %get3A_493 = arith.constant 112 : index
      %get3A_494 = tpu.vector_load %get3A_491[%get3A_492, %get3A_493] {strides = array<i32>} : memref<16x576xf32, #tpu.memory_space<vmem>>, vector<16xf32>,
      %min3A_495 = arith.minimumf %min3A_482, %get3A_494 : vector<16xf32>
      %max3A_496 = arith.maximumf %min3A_482, %get3A_494 : vector<16xf32>
      %min3A_497 = arith.minimumf %min3A_484, %max3A_496 : vector<16xf32>
      %max3A_498 = arith.maximumf %min3A_484, %max3A_496 : vector<16xf32>
      %min3A_499 = arith.minimumf %min3A_486, %max3A_498 : vector<16xf32>
      %max3A_500 = arith.maximumf %max3A_487, %get3A_494 : vector<16xf32>
      %get3A_501 = arith.constant 0 : i32
      %get3A_502 = arith.constant 0 : i32
      %get3A_503 = tpu.memref_slice %arg4[%scan3A_266, %get3A_501, %get3A_502] : memref<2x16x576xf32, #tpu.memory_space<vmem>> -> memref<1x16x576xf32, #tpu.memory_space<vmem>>
      %get3A_504 = tpu.memref_squeeze %get3A_503 : memref<1x16x576xf32, #tpu.memory_space<vmem>> -> memref<16x576xf32, #tpu.memory_space<vmem>>
      %get3A_505 = arith.index_cast %scan3A_398 : i32 to index
      %get3A_506 = arith.constant 128 : index
      %get3A_507 = tpu.vector_load %get3A_504[%get3A_505, %get3A_506] {strides = array<i32>} : memref<16x576xf32, #tpu.memory_space<vmem>>, vector<16xf32>,
      %min3A_508 = arith.minimumf %min3A_495, %get3A_507 : vector<16xf32>
      %max3A_509 = arith.maximumf %min3A_495, %get3A_507 : vector<16xf32>
      %min3A_510 = arith.minimumf %min3A_497, %max3A_509 : vector<16xf32>
      %max3A_511 = arith.maximumf %min3A_497, %max3A_509 : vector<16xf32>
      %min3A_512 = arith.minimumf %min3A_499, %max3A_511 : vector<16xf32>
      %max3A_513 = arith.maximumf %max3A_500, %get3A_507 : vector<16xf32>
      %get3A_514 = arith.constant 0 : i32
      %get3A_515 = arith.constant 0 : i32
      %get3A_516 = tpu.memref_slice %arg4[%scan3A_266, %get3A_514, %get3A_515] : memref<2x16x576xf32, #tpu.memory_space<vmem>> -> memref<1x16x576xf32, #tpu.memory_space<vmem>>
      %get3A_517 = tpu.memref_squeeze %get3A_516 : memref<1x16x576xf32, #tpu.memory_space<vmem>> -> memref<16x576xf32, #tpu.memory_space<vmem>>
      %get3A_518 = arith.index_cast %scan3A_398 : i32 to index
      %get3A_519 = arith.constant 144 : index
      %get3A_520 = tpu.vector_load %get3A_517[%get3A_518, %get3A_519] {strides = array<i32>} : memref<16x576xf32, #tpu.memory_space<vmem>>, vector<16xf32>,
      %min3A_521 = arith.minimumf %min3A_508, %get3A_520 : vector<16xf32>
      %max3A_522 = arith.maximumf %min3A_508, %get3A_520 : vector<16xf32>
      %min3A_523 = arith.minimumf %min3A_510, %max3A_522 : vector<16xf32>
      %max3A_524 = arith.maximumf %min3A_510, %max3A_522 : vector<16xf32>
      %min3A_525 = arith.minimumf %min3A_512, %max3A_524 : vector<16xf32>
      %max3A_526 = arith.maximumf %max3A_513, %get3A_520 : vector<16xf32>
      %get3A_527 = arith.constant 0 : i32
      %get3A_528 = arith.constant 0 : i32
      %get3A_529 = tpu.memref_slice %arg4[%scan3A_266, %get3A_527, %get3A_528] : memref<2x16x576xf32, #tpu.memory_space<vmem>> -> memref<1x16x576xf32, #tpu.memory_space<vmem>>
      %get3A_530 = tpu.memref_squeeze %get3A_529 : memref<1x16x576xf32, #tpu.memory_space<vmem>> -> memref<16x576xf32, #tpu.memory_space<vmem>>
      %get3A_531 = arith.index_cast %scan3A_398 : i32 to index
      %get3A_532 = arith.constant 160 : index
      %get3A_533 = tpu.vector_load %get3A_530[%get3A_531, %get3A_532] {strides = array<i32>} : memref<16x576xf32, #tpu.memory_space<vmem>>, vector<16xf32>,
      %min3A_534 = arith.minimumf %min3A_521, %get3A_533 : vector<16xf32>
      %max3A_535 = arith.maximumf %min3A_521, %get3A_533 : vector<16xf32>
      %min3A_536 = arith.minimumf %min3A_523, %max3A_535 : vector<16xf32>
      %max3A_537 = arith.maximumf %min3A_523, %max3A_535 : vector<16xf32>
      %min3A_538 = arith.minimumf %min3A_525, %max3A_537 : vector<16xf32>
      %max3A_539 = arith.maximumf %max3A_526, %get3A_533 : vector<16xf32>
      %get3A_540 = arith.constant 0 : i32
      %get3A_541 = arith.constant 0 : i32
      %get3A_542 = tpu.memref_slice %arg4[%scan3A_266, %get3A_540, %get3A_541] : memref<2x16x576xf32, #tpu.memory_space<vmem>> -> memref<1x16x576xf32, #tpu.memory_space<vmem>>
      %get3A_543 = tpu.memref_squeeze %get3A_542 : memref<1x16x576xf32, #tpu.memory_space<vmem>> -> memref<16x576xf32, #tpu.memory_space<vmem>>
      %get3A_544 = arith.index_cast %scan3A_398 : i32 to index
      %get3A_545 = arith.constant 176 : index
      %get3A_546 = tpu.vector_load %get3A_543[%get3A_544, %get3A_545] {strides = array<i32>} : memref<16x576xf32, #tpu.memory_space<vmem>>, vector<16xf32>,
      %min3A_547 = arith.minimumf %min3A_534, %get3A_546 : vector<16xf32>
      %max3A_548 = arith.maximumf %min3A_534, %get3A_546 : vector<16xf32>
      %min3A_549 = arith.minimumf %min3A_536, %max3A_548 : vector<16xf32>
      %max3A_550 = arith.maximumf %min3A_536, %max3A_548 : vector<16xf32>
      %min3A_551 = arith.minimumf %min3A_538, %max3A_550 : vector<16xf32>
      %max3A_552 = arith.maximumf %max3A_539, %get3A_546 : vector<16xf32>
      %get3A_553 = arith.constant 0 : i32
      %get3A_554 = arith.constant 0 : i32
      %get3A_555 = tpu.memref_slice %arg4[%scan3A_266, %get3A_553, %get3A_554] : memref<2x16x576xf32, #tpu.memory_space<vmem>> -> memref<1x16x576xf32, #tpu.memory_space<vmem>>
      %get3A_556 = tpu.memref_squeeze %get3A_555 : memref<1x16x576xf32, #tpu.memory_space<vmem>> -> memref<16x576xf32, #tpu.memory_space<vmem>>
      %get3A_557 = arith.index_cast %scan3A_398 : i32 to index
      %get3A_558 = arith.constant 192 : index
      %get3A_559 = tpu.vector_load %get3A_556[%get3A_557, %get3A_558] {strides = array<i32>} : memref<16x576xf32, #tpu.memory_space<vmem>>, vector<16xf32>,
      %min3A_560 = arith.minimumf %min3A_547, %get3A_559 : vector<16xf32>
      %max3A_561 = arith.maximumf %min3A_547, %get3A_559 : vector<16xf32>
      %min3A_562 = arith.minimumf %min3A_549, %max3A_561 : vector<16xf32>
      %max3A_563 = arith.maximumf %min3A_549, %max3A_561 : vector<16xf32>
      %min3A_564 = arith.minimumf %min3A_551, %max3A_563 : vector<16xf32>
      %max3A_565 = arith.maximumf %max3A_552, %get3A_559 : vector<16xf32>
      %get3A_566 = arith.constant 0 : i32
      %get3A_567 = arith.constant 0 : i32
      %get3A_568 = tpu.memref_slice %arg4[%scan3A_266, %get3A_566, %get3A_567] : memref<2x16x576xf32, #tpu.memory_space<vmem>> -> memref<1x16x576xf32, #tpu.memory_space<vmem>>
      %get3A_569 = tpu.memref_squeeze %get3A_568 : memref<1x16x576xf32, #tpu.memory_space<vmem>> -> memref<16x576xf32, #tpu.memory_space<vmem>>
      %get3A_570 = arith.index_cast %scan3A_398 : i32 to index
      %get3A_571 = arith.constant 208 : index
      %get3A_572 = tpu.vector_load %get3A_569[%get3A_570, %get3A_571] {strides = array<i32>} : memref<16x576xf32, #tpu.memory_space<vmem>>, vector<16xf32>,
      %min3A_573 = arith.minimumf %min3A_560, %get3A_572 : vector<16xf32>
      %max3A_574 = arith.maximumf %min3A_560, %get3A_572 : vector<16xf32>
      %min3A_575 = arith.minimumf %min3A_562, %max3A_574 : vector<16xf32>
      %max3A_576 = arith.maximumf %min3A_562, %max3A_574 : vector<16xf32>
      %min3A_577 = arith.minimumf %min3A_564, %max3A_576 : vector<16xf32>
      %max3A_578 = arith.maximumf %max3A_565, %get3A_572 : vector<16xf32>
      %get3A_579 = arith.constant 0 : i32
      %get3A_580 = arith.constant 0 : i32
      %get3A_581 = tpu.memref_slice %arg4[%scan3A_266, %get3A_579, %get3A_580] : memref<2x16x576xf32, #tpu.memory_space<vmem>> -> memref<1x16x576xf32, #tpu.memory_space<vmem>>
      %get3A_582 = tpu.memref_squeeze %get3A_581 : memref<1x16x576xf32, #tpu.memory_space<vmem>> -> memref<16x576xf32, #tpu.memory_space<vmem>>
      %get3A_583 = arith.index_cast %scan3A_398 : i32 to index
      %get3A_584 = arith.constant 224 : index
      %get3A_585 = tpu.vector_load %get3A_582[%get3A_583, %get3A_584] {strides = array<i32>} : memref<16x576xf32, #tpu.memory_space<vmem>>, vector<16xf32>,
      %min3A_586 = arith.minimumf %min3A_573, %get3A_585 : vector<16xf32>
      %max3A_587 = arith.maximumf %min3A_573, %get3A_585 : vector<16xf32>
      %min3A_588 = arith.minimumf %min3A_575, %max3A_587 : vector<16xf32>
      %max3A_589 = arith.maximumf %min3A_575, %max3A_587 : vector<16xf32>
      %min3A_590 = arith.minimumf %min3A_577, %max3A_589 : vector<16xf32>
      %max3A_591 = arith.maximumf %max3A_578, %get3A_585 : vector<16xf32>
      %get3A_592 = arith.constant 0 : i32
      %get3A_593 = arith.constant 0 : i32
      %get3A_594 = tpu.memref_slice %arg4[%scan3A_266, %get3A_592, %get3A_593] : memref<2x16x576xf32, #tpu.memory_space<vmem>> -> memref<1x16x576xf32, #tpu.memory_space<vmem>>
      %get3A_595 = tpu.memref_squeeze %get3A_594 : memref<1x16x576xf32, #tpu.memory_space<vmem>> -> memref<16x576xf32, #tpu.memory_space<vmem>>
      %get3A_596 = arith.index_cast %scan3A_398 : i32 to index
      %get3A_597 = arith.constant 240 : index
      %get3A_598 = tpu.vector_load %get3A_595[%get3A_596, %get3A_597] {strides = array<i32>} : memref<16x576xf32, #tpu.memory_space<vmem>>, vector<16xf32>,
      %min3A_599 = arith.minimumf %min3A_586, %get3A_598 : vector<16xf32>
      %max3A_600 = arith.maximumf %min3A_586, %get3A_598 : vector<16xf32>
      %min3A_601 = arith.minimumf %min3A_588, %max3A_600 : vector<16xf32>
      %max3A_602 = arith.maximumf %min3A_588, %max3A_600 : vector<16xf32>
      %min3A_603 = arith.minimumf %min3A_590, %max3A_602 : vector<16xf32>
      %max3A_604 = arith.maximumf %max3A_591, %get3A_598 : vector<16xf32>
      %get3A_605 = arith.constant 0 : i32
      %get3A_606 = arith.constant 0 : i32
      %get3A_607 = tpu.memref_slice %arg4[%scan3A_266, %get3A_605, %get3A_606] : memref<2x16x576xf32, #tpu.memory_space<vmem>> -> memref<1x16x576xf32, #tpu.memory_space<vmem>>
      %get3A_608 = tpu.memref_squeeze %get3A_607 : memref<1x16x576xf32, #tpu.memory_space<vmem>> -> memref<16x576xf32, #tpu.memory_space<vmem>>
      %get3A_609 = arith.index_cast %scan3A_398 : i32 to index
      %get3A_610 = arith.constant 256 : index
      %get3A_611 = tpu.vector_load %get3A_608[%get3A_609, %get3A_610] {strides = array<i32>} : memref<16x576xf32, #tpu.memory_space<vmem>>, vector<16xf32>,
      %min3A_612 = arith.minimumf %min3A_599, %get3A_611 : vector<16xf32>
      %max3A_613 = arith.maximumf %min3A_599, %get3A_611 : vector<16xf32>
      %min3A_614 = arith.minimumf %min3A_601, %max3A_613 : vector<16xf32>
      %max3A_615 = arith.maximumf %min3A_601, %max3A_613 : vector<16xf32>
      %min3A_616 = arith.minimumf %min3A_603, %max3A_615 : vector<16xf32>
      %max3A_617 = arith.maximumf %max3A_604, %get3A_611 : vector<16xf32>
      %get3A_618 = arith.constant 0 : i32
      %get3A_619 = arith.constant 0 : i32
      %get3A_620 = tpu.memref_slice %arg4[%scan3A_266, %get3A_618, %get3A_619] : memref<2x16x576xf32, #tpu.memory_space<vmem>> -> memref<1x16x576xf32, #tpu.memory_space<vmem>>
      %get3A_621 = tpu.memref_squeeze %get3A_620 : memref<1x16x576xf32, #tpu.memory_space<vmem>> -> memref<16x576xf32, #tpu.memory_space<vmem>>
      %get3A_622 = arith.index_cast %scan3A_398 : i32 to index
      %get3A_623 = arith.constant 272 : index
      %get3A_624 = tpu.vector_load %get3A_621[%get3A_622, %get3A_623] {strides = array<i32>} : memref<16x576xf32, #tpu.memory_space<vmem>>, vector<16xf32>,
      %min3A_625 = arith.minimumf %min3A_612, %get3A_624 : vector<16xf32>
      %max3A_626 = arith.maximumf %min3A_612, %get3A_624 : vector<16xf32>
      %min3A_627 = arith.minimumf %min3A_614, %max3A_626 : vector<16xf32>
      %max3A_628 = arith.maximumf %min3A_614, %max3A_626 : vector<16xf32>
      %min3A_629 = arith.minimumf %min3A_616, %max3A_628 : vector<16xf32>
      %max3A_630 = arith.maximumf %max3A_617, %get3A_624 : vector<16xf32>
      %get3A_631 = arith.constant 0 : i32
      %get3A_632 = arith.constant 0 : i32
      %get3A_633 = tpu.memref_slice %arg4[%scan3A_266, %get3A_631, %get3A_632] : memref<2x16x576xf32, #tpu.memory_space<vmem>> -> memref<1x16x576xf32, #tpu.memory_space<vmem>>
      %get3A_634 = tpu.memref_squeeze %get3A_633 : memref<1x16x576xf32, #tpu.memory_space<vmem>> -> memref<16x576xf32, #tpu.memory_space<vmem>>
      %get3A_635 = arith.index_cast %scan3A_398 : i32 to index
      %get3A_636 = arith.constant 288 : index
      %get3A_637 = tpu.vector_load %get3A_634[%get3A_635, %get3A_636] {strides = array<i32>} : memref<16x576xf32, #tpu.memory_space<vmem>>, vector<16xf32>,
      %min3A_638 = arith.minimumf %min3A_625, %get3A_637 : vector<16xf32>
      %max3A_639 = arith.maximumf %min3A_625, %get3A_637 : vector<16xf32>
      %min3A_640 = arith.minimumf %min3A_627, %max3A_639 : vector<16xf32>
      %max3A_641 = arith.maximumf %min3A_627, %max3A_639 : vector<16xf32>
      %min3A_642 = arith.minimumf %min3A_629, %max3A_641 : vector<16xf32>
      %max3A_643 = arith.maximumf %max3A_630, %get3A_637 : vector<16xf32>
      %get3A_644 = arith.constant 0 : i32
      %get3A_645 = arith.constant 0 : i32
      %get3A_646 = tpu.memref_slice %arg4[%scan3A_266, %get3A_644, %get3A_645] : memref<2x16x576xf32, #tpu.memory_space<vmem>> -> memref<1x16x576xf32, #tpu.memory_space<vmem>>
      %get3A_647 = tpu.memref_squeeze %get3A_646 : memref<1x16x576xf32, #tpu.memory_space<vmem>> -> memref<16x576xf32, #tpu.memory_space<vmem>>
      %get3A_648 = arith.index_cast %scan3A_398 : i32 to index
      %get3A_649 = arith.constant 304 : index
      %get3A_650 = tpu.vector_load %get3A_647[%get3A_648, %get3A_649] {strides = array<i32>} : memref<16x576xf32, #tpu.memory_space<vmem>>, vector<16xf32>,
      %min3A_651 = arith.minimumf %min3A_638, %get3A_650 : vector<16xf32>
      %max3A_652 = arith.maximumf %min3A_638, %get3A_650 : vector<16xf32>
      %min3A_653 = arith.minimumf %min3A_640, %max3A_652 : vector<16xf32>
      %max3A_654 = arith.maximumf %min3A_640, %max3A_652 : vector<16xf32>
      %min3A_655 = arith.minimumf %min3A_642, %max3A_654 : vector<16xf32>
      %max3A_656 = arith.maximumf %max3A_643, %get3A_650 : vector<16xf32>
      %get3A_657 = arith.constant 0 : i32
      %get3A_658 = arith.constant 0 : i32
      %get3A_659 = tpu.memref_slice %arg4[%scan3A_266, %get3A_657, %get3A_658] : memref<2x16x576xf32, #tpu.memory_space<vmem>> -> memref<1x16x576xf32, #tpu.memory_space<vmem>>
      %get3A_660 = tpu.memref_squeeze %get3A_659 : memref<1x16x576xf32, #tpu.memory_space<vmem>> -> memref<16x576xf32, #tpu.memory_space<vmem>>
      %get3A_661 = arith.index_cast %scan3A_398 : i32 to index
      %get3A_662 = arith.constant 320 : index
      %get3A_663 = tpu.vector_load %get3A_660[%get3A_661, %get3A_662] {strides = array<i32>} : memref<16x576xf32, #tpu.memory_space<vmem>>, vector<16xf32>,
      %min3A_664 = arith.minimumf %min3A_651, %get3A_663 : vector<16xf32>
      %max3A_665 = arith.maximumf %min3A_651, %get3A_663 : vector<16xf32>
      %min3A_666 = arith.minimumf %min3A_653, %max3A_665 : vector<16xf32>
      %max3A_667 = arith.maximumf %min3A_653, %max3A_665 : vector<16xf32>
      %min3A_668 = arith.minimumf %min3A_655, %max3A_667 : vector<16xf32>
      %max3A_669 = arith.maximumf %max3A_656, %get3A_663 : vector<16xf32>
      %get3A_670 = arith.constant 0 : i32
      %get3A_671 = arith.constant 0 : i32
      %get3A_672 = tpu.memref_slice %arg4[%scan3A_266, %get3A_670, %get3A_671] : memref<2x16x576xf32, #tpu.memory_space<vmem>> -> memref<1x16x576xf32, #tpu.memory_space<vmem>>
      %get3A_673 = tpu.memref_squeeze %get3A_672 : memref<1x16x576xf32, #tpu.memory_space<vmem>> -> memref<16x576xf32, #tpu.memory_space<vmem>>
      %get3A_674 = arith.index_cast %scan3A_398 : i32 to index
      %get3A_675 = arith.constant 336 : index
      %get3A_676 = tpu.vector_load %get3A_673[%get3A_674, %get3A_675] {strides = array<i32>} : memref<16x576xf32, #tpu.memory_space<vmem>>, vector<16xf32>,
      %min3A_677 = arith.minimumf %min3A_664, %get3A_676 : vector<16xf32>
      %max3A_678 = arith.maximumf %min3A_664, %get3A_676 : vector<16xf32>
      %min3A_679 = arith.minimumf %min3A_666, %max3A_678 : vector<16xf32>
      %max3A_680 = arith.maximumf %min3A_666, %max3A_678 : vector<16xf32>
      %min3A_681 = arith.minimumf %min3A_668, %max3A_680 : vector<16xf32>
      %max3A_682 = arith.maximumf %max3A_669, %get3A_676 : vector<16xf32>
      %get3A_683 = arith.constant 0 : i32
      %get3A_684 = arith.constant 0 : i32
      %get3A_685 = tpu.memref_slice %arg4[%scan3A_266, %get3A_683, %get3A_684] : memref<2x16x576xf32, #tpu.memory_space<vmem>> -> memref<1x16x576xf32, #tpu.memory_space<vmem>>
      %get3A_686 = tpu.memref_squeeze %get3A_685 : memref<1x16x576xf32, #tpu.memory_space<vmem>> -> memref<16x576xf32, #tpu.memory_space<vmem>>
      %get3A_687 = arith.index_cast %scan3A_398 : i32 to index
      %get3A_688 = arith.constant 352 : index
      %get3A_689 = tpu.vector_load %get3A_686[%get3A_687, %get3A_688] {strides = array<i32>} : memref<16x576xf32, #tpu.memory_space<vmem>>, vector<16xf32>,
      %min3A_690 = arith.minimumf %min3A_677, %get3A_689 : vector<16xf32>
      %max3A_691 = arith.maximumf %min3A_677, %get3A_689 : vector<16xf32>
      %min3A_692 = arith.minimumf %min3A_679, %max3A_691 : vector<16xf32>
      %max3A_693 = arith.maximumf %min3A_679, %max3A_691 : vector<16xf32>
      %min3A_694 = arith.minimumf %min3A_681, %max3A_693 : vector<16xf32>
      %max3A_695 = arith.maximumf %max3A_682, %get3A_689 : vector<16xf32>
      %get3A_696 = arith.constant 0 : i32
      %get3A_697 = arith.constant 0 : i32
      %get3A_698 = tpu.memref_slice %arg4[%scan3A_266, %get3A_696, %get3A_697] : memref<2x16x576xf32, #tpu.memory_space<vmem>> -> memref<1x16x576xf32, #tpu.memory_space<vmem>>
      %get3A_699 = tpu.memref_squeeze %get3A_698 : memref<1x16x576xf32, #tpu.memory_space<vmem>> -> memref<16x576xf32, #tpu.memory_space<vmem>>
      %get3A_700 = arith.index_cast %scan3A_398 : i32 to index
      %get3A_701 = arith.constant 368 : index
      %get3A_702 = tpu.vector_load %get3A_699[%get3A_700, %get3A_701] {strides = array<i32>} : memref<16x576xf32, #tpu.memory_space<vmem>>, vector<16xf32>,
      %min3A_703 = arith.minimumf %min3A_690, %get3A_702 : vector<16xf32>
      %max3A_704 = arith.maximumf %min3A_690, %get3A_702 : vector<16xf32>
      %min3A_705 = arith.minimumf %min3A_692, %max3A_704 : vector<16xf32>
      %max3A_706 = arith.maximumf %min3A_692, %max3A_704 : vector<16xf32>
      %min3A_707 = arith.minimumf %min3A_694, %max3A_706 : vector<16xf32>
      %max3A_708 = arith.maximumf %max3A_695, %get3A_702 : vector<16xf32>
      %get3A_709 = arith.constant 0 : i32
      %get3A_710 = arith.constant 0 : i32
      %get3A_711 = tpu.memref_slice %arg4[%scan3A_266, %get3A_709, %get3A_710] : memref<2x16x576xf32, #tpu.memory_space<vmem>> -> memref<1x16x576xf32, #tpu.memory_space<vmem>>
      %get3A_712 = tpu.memref_squeeze %get3A_711 : memref<1x16x576xf32, #tpu.memory_space<vmem>> -> memref<16x576xf32, #tpu.memory_space<vmem>>
      %get3A_713 = arith.index_cast %scan3A_398 : i32 to index
      %get3A_714 = arith.constant 384 : index
      %get3A_715 = tpu.vector_load %get3A_712[%get3A_713, %get3A_714] {strides = array<i32>} : memref<16x576xf32, #tpu.memory_space<vmem>>, vector<16xf32>,
      %min3A_716 = arith.minimumf %min3A_703, %get3A_715 : vector<16xf32>
      %max3A_717 = arith.maximumf %min3A_703, %get3A_715 : vector<16xf32>
      %min3A_718 = arith.minimumf %min3A_705, %max3A_717 : vector<16xf32>
      %max3A_719 = arith.maximumf %min3A_705, %max3A_717 : vector<16xf32>
      %min3A_720 = arith.minimumf %min3A_707, %max3A_719 : vector<16xf32>
      %max3A_721 = arith.maximumf %max3A_708, %get3A_715 : vector<16xf32>
      %get3A_722 = arith.constant 0 : i32
      %get3A_723 = arith.constant 0 : i32
      %get3A_724 = tpu.memref_slice %arg4[%scan3A_266, %get3A_722, %get3A_723] : memref<2x16x576xf32, #tpu.memory_space<vmem>> -> memref<1x16x576xf32, #tpu.memory_space<vmem>>
      %get3A_725 = tpu.memref_squeeze %get3A_724 : memref<1x16x576xf32, #tpu.memory_space<vmem>> -> memref<16x576xf32, #tpu.memory_space<vmem>>
      %get3A_726 = arith.index_cast %scan3A_398 : i32 to index
      %get3A_727 = arith.constant 400 : index
      %get3A_728 = tpu.vector_load %get3A_725[%get3A_726, %get3A_727] {strides = array<i32>} : memref<16x576xf32, #tpu.memory_space<vmem>>, vector<16xf32>,
      %min3A_729 = arith.minimumf %min3A_716, %get3A_728 : vector<16xf32>
      %max3A_730 = arith.maximumf %min3A_716, %get3A_728 : vector<16xf32>
      %min3A_731 = arith.minimumf %min3A_718, %max3A_730 : vector<16xf32>
      %max3A_732 = arith.maximumf %min3A_718, %max3A_730 : vector<16xf32>
      %min3A_733 = arith.minimumf %min3A_720, %max3A_732 : vector<16xf32>
      %max3A_734 = arith.maximumf %max3A_721, %get3A_728 : vector<16xf32>
      %get3A_735 = arith.constant 0 : i32
      %get3A_736 = arith.constant 0 : i32
      %get3A_737 = tpu.memref_slice %arg4[%scan3A_266, %get3A_735, %get3A_736] : memref<2x16x576xf32, #tpu.memory_space<vmem>> -> memref<1x16x576xf32, #tpu.memory_space<vmem>>
      %get3A_738 = tpu.memref_squeeze %get3A_737 : memref<1x16x576xf32, #tpu.memory_space<vmem>> -> memref<16x576xf32, #tpu.memory_space<vmem>>
      %get3A_739 = arith.index_cast %scan3A_398 : i32 to index
      %get3A_740 = arith.constant 416 : index
      %get3A_741 = tpu.vector_load %get3A_738[%get3A_739, %get3A_740] {strides = array<i32>} : memref<16x576xf32, #tpu.memory_space<vmem>>, vector<16xf32>,
      %min3A_742 = arith.minimumf %min3A_729, %get3A_741 : vector<16xf32>
      %max3A_743 = arith.maximumf %min3A_729, %get3A_741 : vector<16xf32>
      %min3A_744 = arith.minimumf %min3A_731, %max3A_743 : vector<16xf32>
      %max3A_745 = arith.maximumf %min3A_731, %max3A_743 : vector<16xf32>
      %min3A_746 = arith.minimumf %min3A_733, %max3A_745 : vector<16xf32>
      %max3A_747 = arith.maximumf %max3A_734, %get3A_741 : vector<16xf32>
      %get3A_748 = arith.constant 0 : i32
      %get3A_749 = arith.constant 0 : i32
      %get3A_750 = tpu.memref_slice %arg4[%scan3A_266, %get3A_748, %get3A_749] : memref<2x16x576xf32, #tpu.memory_space<vmem>> -> memref<1x16x576xf32, #tpu.memory_space<vmem>>
      %get3A_751 = tpu.memref_squeeze %get3A_750 : memref<1x16x576xf32, #tpu.memory_space<vmem>> -> memref<16x576xf32, #tpu.memory_space<vmem>>
      %get3A_752 = arith.index_cast %scan3A_398 : i32 to index
      %get3A_753 = arith.constant 432 : index
      %get3A_754 = tpu.vector_load %get3A_751[%get3A_752, %get3A_753] {strides = array<i32>} : memref<16x576xf32, #tpu.memory_space<vmem>>, vector<16xf32>,
      %min3A_755 = arith.minimumf %min3A_742, %get3A_754 : vector<16xf32>
      %max3A_756 = arith.maximumf %min3A_742, %get3A_754 : vector<16xf32>
      %min3A_757 = arith.minimumf %min3A_744, %max3A_756 : vector<16xf32>
      %max3A_758 = arith.maximumf %min3A_744, %max3A_756 : vector<16xf32>
      %min3A_759 = arith.minimumf %min3A_746, %max3A_758 : vector<16xf32>
      %max3A_760 = arith.maximumf %max3A_747, %get3A_754 : vector<16xf32>
      %get3A_761 = arith.constant 0 : i32
      %get3A_762 = arith.constant 0 : i32
      %get3A_763 = tpu.memref_slice %arg4[%scan3A_266, %get3A_761, %get3A_762] : memref<2x16x576xf32, #tpu.memory_space<vmem>> -> memref<1x16x576xf32, #tpu.memory_space<vmem>>
      %get3A_764 = tpu.memref_squeeze %get3A_763 : memref<1x16x576xf32, #tpu.memory_space<vmem>> -> memref<16x576xf32, #tpu.memory_space<vmem>>
      %get3A_765 = arith.index_cast %scan3A_398 : i32 to index
      %get3A_766 = arith.constant 448 : index
      %get3A_767 = tpu.vector_load %get3A_764[%get3A_765, %get3A_766] {strides = array<i32>} : memref<16x576xf32, #tpu.memory_space<vmem>>, vector<16xf32>,
      %min3A_768 = arith.minimumf %min3A_755, %get3A_767 : vector<16xf32>
      %max3A_769 = arith.maximumf %min3A_755, %get3A_767 : vector<16xf32>
      %min3A_770 = arith.minimumf %min3A_757, %max3A_769 : vector<16xf32>
      %max3A_771 = arith.maximumf %min3A_757, %max3A_769 : vector<16xf32>
      %min3A_772 = arith.minimumf %min3A_759, %max3A_771 : vector<16xf32>
      %max3A_773 = arith.maximumf %max3A_760, %get3A_767 : vector<16xf32>
      %get3A_774 = arith.constant 0 : i32
      %get3A_775 = arith.constant 0 : i32
      %get3A_776 = tpu.memref_slice %arg4[%scan3A_266, %get3A_774, %get3A_775] : memref<2x16x576xf32, #tpu.memory_space<vmem>> -> memref<1x16x576xf32, #tpu.memory_space<vmem>>
      %get3A_777 = tpu.memref_squeeze %get3A_776 : memref<1x16x576xf32, #tpu.memory_space<vmem>> -> memref<16x576xf32, #tpu.memory_space<vmem>>
      %get3A_778 = arith.index_cast %scan3A_398 : i32 to index
      %get3A_779 = arith.constant 464 : index
      %get3A_780 = tpu.vector_load %get3A_777[%get3A_778, %get3A_779] {strides = array<i32>} : memref<16x576xf32, #tpu.memory_space<vmem>>, vector<16xf32>,
      %min3A_781 = arith.minimumf %min3A_768, %get3A_780 : vector<16xf32>
      %max3A_782 = arith.maximumf %min3A_768, %get3A_780 : vector<16xf32>
      %min3A_783 = arith.minimumf %min3A_770, %max3A_782 : vector<16xf32>
      %max3A_784 = arith.maximumf %min3A_770, %max3A_782 : vector<16xf32>
      %min3A_785 = arith.minimumf %min3A_772, %max3A_784 : vector<16xf32>
      %max3A_786 = arith.maximumf %max3A_773, %get3A_780 : vector<16xf32>
      %get3A_787 = arith.constant 0 : i32
      %get3A_788 = arith.constant 0 : i32
      %get3A_789 = tpu.memref_slice %arg4[%scan3A_266, %get3A_787, %get3A_788] : memref<2x16x576xf32, #tpu.memory_space<vmem>> -> memref<1x16x576xf32, #tpu.memory_space<vmem>>
      %get3A_790 = tpu.memref_squeeze %get3A_789 : memref<1x16x576xf32, #tpu.memory_space<vmem>> -> memref<16x576xf32, #tpu.memory_space<vmem>>
      %get3A_791 = arith.index_cast %scan3A_398 : i32 to index
      %get3A_792 = arith.constant 480 : index
      %get3A_793 = tpu.vector_load %get3A_790[%get3A_791, %get3A_792] {strides = array<i32>} : memref<16x576xf32, #tpu.memory_space<vmem>>, vector<16xf32>,
      %min3A_794 = arith.minimumf %min3A_781, %get3A_793 : vector<16xf32>
      %max3A_795 = arith.maximumf %min3A_781, %get3A_793 : vector<16xf32>
      %min3A_796 = arith.minimumf %min3A_783, %max3A_795 : vector<16xf32>
      %max3A_797 = arith.maximumf %min3A_783, %max3A_795 : vector<16xf32>
      %min3A_798 = arith.minimumf %min3A_785, %max3A_797 : vector<16xf32>
      %max3A_799 = arith.maximumf %max3A_786, %get3A_793 : vector<16xf32>
      %get3A_800 = arith.constant 0 : i32
      %get3A_801 = arith.constant 0 : i32
      %get3A_802 = tpu.memref_slice %arg4[%scan3A_266, %get3A_800, %get3A_801] : memref<2x16x576xf32, #tpu.memory_space<vmem>> -> memref<1x16x576xf32, #tpu.memory_space<vmem>>
      %get3A_803 = tpu.memref_squeeze %get3A_802 : memref<1x16x576xf32, #tpu.memory_space<vmem>> -> memref<16x576xf32, #tpu.memory_space<vmem>>
      %get3A_804 = arith.index_cast %scan3A_398 : i32 to index
      %get3A_805 = arith.constant 496 : index
      %get3A_806 = tpu.vector_load %get3A_803[%get3A_804, %get3A_805] {strides = array<i32>} : memref<16x576xf32, #tpu.memory_space<vmem>>, vector<16xf32>,
      %min3A_807 = arith.minimumf %min3A_794, %get3A_806 : vector<16xf32>
      %max3A_808 = arith.maximumf %min3A_794, %get3A_806 : vector<16xf32>
      %min3A_809 = arith.minimumf %min3A_796, %max3A_808 : vector<16xf32>
      %max3A_810 = arith.maximumf %min3A_796, %max3A_808 : vector<16xf32>
      %min3A_811 = arith.minimumf %min3A_798, %max3A_810 : vector<16xf32>
      %max3A_812 = arith.maximumf %max3A_799, %get3A_806 : vector<16xf32>
      %get3A_813 = arith.constant 0 : i32
      %get3A_814 = arith.constant 0 : i32
      %get3A_815 = tpu.memref_slice %arg4[%scan3A_266, %get3A_813, %get3A_814] : memref<2x16x576xf32, #tpu.memory_space<vmem>> -> memref<1x16x576xf32, #tpu.memory_space<vmem>>
      %get3A_816 = tpu.memref_squeeze %get3A_815 : memref<1x16x576xf32, #tpu.memory_space<vmem>> -> memref<16x576xf32, #tpu.memory_space<vmem>>
      %get3A_817 = arith.index_cast %scan3A_398 : i32 to index
      %get3A_818 = arith.constant 512 : index
      %get3A_819 = tpu.vector_load %get3A_816[%get3A_817, %get3A_818] {strides = array<i32>} : memref<16x576xf32, #tpu.memory_space<vmem>>, vector<16xf32>,
      %min3A_820 = arith.minimumf %min3A_807, %get3A_819 : vector<16xf32>
      %max3A_821 = arith.maximumf %min3A_807, %get3A_819 : vector<16xf32>
      %min3A_822 = arith.minimumf %min3A_809, %max3A_821 : vector<16xf32>
      %max3A_823 = arith.maximumf %min3A_809, %max3A_821 : vector<16xf32>
      %min3A_824 = arith.minimumf %min3A_811, %max3A_823 : vector<16xf32>
      %max3A_825 = arith.maximumf %max3A_812, %get3A_819 : vector<16xf32>
      %get3A_826 = arith.constant 0 : i32
      %get3A_827 = arith.constant 0 : i32
      %get3A_828 = tpu.memref_slice %arg4[%scan3A_266, %get3A_826, %get3A_827] : memref<2x16x576xf32, #tpu.memory_space<vmem>> -> memref<1x16x576xf32, #tpu.memory_space<vmem>>
      %get3A_829 = tpu.memref_squeeze %get3A_828 : memref<1x16x576xf32, #tpu.memory_space<vmem>> -> memref<16x576xf32, #tpu.memory_space<vmem>>
      %get3A_830 = arith.index_cast %scan3A_398 : i32 to index
      %get3A_831 = arith.constant 528 : index
      %get3A_832 = tpu.vector_load %get3A_829[%get3A_830, %get3A_831] {strides = array<i32>} : memref<16x576xf32, #tpu.memory_space<vmem>>, vector<16xf32>,
      %min3A_833 = arith.minimumf %min3A_820, %get3A_832 : vector<16xf32>
      %max3A_834 = arith.maximumf %min3A_820, %get3A_832 : vector<16xf32>
      %min3A_835 = arith.minimumf %min3A_822, %max3A_834 : vector<16xf32>
      %max3A_836 = arith.maximumf %min3A_822, %max3A_834 : vector<16xf32>
      %min3A_837 = arith.minimumf %min3A_824, %max3A_836 : vector<16xf32>
      %max3A_838 = arith.maximumf %max3A_825, %get3A_832 : vector<16xf32>
      %get3A_839 = arith.constant 0 : i32
      %get3A_840 = arith.constant 0 : i32
      %get3A_841 = tpu.memref_slice %arg4[%scan3A_266, %get3A_839, %get3A_840] : memref<2x16x576xf32, #tpu.memory_space<vmem>> -> memref<1x16x576xf32, #tpu.memory_space<vmem>>
      %get3A_842 = tpu.memref_squeeze %get3A_841 : memref<1x16x576xf32, #tpu.memory_space<vmem>> -> memref<16x576xf32, #tpu.memory_space<vmem>>
      %get3A_843 = arith.index_cast %scan3A_398 : i32 to index
      %get3A_844 = arith.constant 544 : index
      %get3A_845 = tpu.vector_load %get3A_842[%get3A_843, %get3A_844] {strides = array<i32>} : memref<16x576xf32, #tpu.memory_space<vmem>>, vector<16xf32>,
      %min3A_846 = arith.minimumf %min3A_833, %get3A_845 : vector<16xf32>
      %max3A_847 = arith.maximumf %min3A_833, %get3A_845 : vector<16xf32>
      %min3A_848 = arith.minimumf %min3A_835, %max3A_847 : vector<16xf32>
      %max3A_849 = arith.maximumf %min3A_835, %max3A_847 : vector<16xf32>
      %min3A_850 = arith.minimumf %min3A_837, %max3A_849 : vector<16xf32>
      %max3A_851 = arith.maximumf %max3A_838, %get3A_845 : vector<16xf32>
      %get3A_852 = arith.constant 0 : i32
      %get3A_853 = arith.constant 0 : i32
      %get3A_854 = tpu.memref_slice %arg4[%scan3A_266, %get3A_852, %get3A_853] : memref<2x16x576xf32, #tpu.memory_space<vmem>> -> memref<1x16x576xf32, #tpu.memory_space<vmem>>
      %get3A_855 = tpu.memref_squeeze %get3A_854 : memref<1x16x576xf32, #tpu.memory_space<vmem>> -> memref<16x576xf32, #tpu.memory_space<vmem>>
      %get3A_856 = arith.index_cast %scan3A_398 : i32 to index
      %get3A_857 = arith.constant 560 : index
      %get3A_858 = tpu.vector_load %get3A_855[%get3A_856, %get3A_857] {strides = array<i32>} : memref<16x576xf32, #tpu.memory_space<vmem>>, vector<16xf32>,
      %min3A_859 = arith.minimumf %min3A_846, %get3A_858 : vector<16xf32>
      %max3A_860 = arith.maximumf %min3A_846, %get3A_858 : vector<16xf32>
      %min3A_861 = arith.minimumf %min3A_848, %max3A_860 : vector<16xf32>
      %max3A_862 = arith.maximumf %min3A_848, %max3A_860 : vector<16xf32>
      %min3A_863 = arith.minimumf %min3A_850, %max3A_862 : vector<16xf32>
      %max3A_864 = arith.maximumf %max3A_851, %get3A_858 : vector<16xf32>
      %lt3A = arith.constant 0 : i32
      %lt3A_865 = vector.broadcast %lt3A : i32 to vector<16xi32>
      %lt3A_866 = arith.cmpi slt, %and3A_8, %lt3A_865 : vector<16xi32>
      %add3A_867 = arith.constant 16 : i32
      %add3A_868 = vector.broadcast %add3A_867 : i32 to vector<16xi32>
      %add3A_869 = arith.addi %and3A_8, %add3A_868 : vector<16xi32>
      %select_n3A = arith.select %lt3A_866, %add3A_869, %and3A_8 : vector<16xi1>, vector<16xi32>
      %broadcast_in_dim3A_870 = vector.shape_cast %select_n3A : vector<16xi32> to vector<16x1xi32>
      %gather3A = vector.shape_cast %broadcast_in_dim3A_870 : vector<16x1xi32> to vector<16xi32>
      %gather3A_871 = tpu.dynamic_gather %min3A_859[%gather3A] in [0] : vector<16xf32>, vector<16xi32> -> vector<16xf32>
      %lt3A_872 = arith.constant 0 : i32
      %lt3A_873 = vector.broadcast %lt3A_872 : i32 to vector<16xi32>
      %lt3A_874 = arith.cmpi slt, %and3A_8, %lt3A_873 : vector<16xi32>
      %add3A_875 = arith.constant 16 : i32
      %add3A_876 = vector.broadcast %add3A_875 : i32 to vector<16xi32>
      %add3A_877 = arith.addi %and3A_8, %add3A_876 : vector<16xi32>
      %select_n3A_878 = arith.select %lt3A_874, %add3A_877, %and3A_8 : vector<16xi1>, vector<16xi32>
      %broadcast_in_dim3A_879 = vector.shape_cast %select_n3A_878 : vector<16xi32> to vector<16x1xi32>
      %gather3A_880 = vector.shape_cast %broadcast_in_dim3A_879 : vector<16x1xi32> to vector<16xi32>
      %gather3A_881 = tpu.dynamic_gather %min3A_861[%gather3A_880] in [0] : vector<16xf32>, vector<16xi32> -> vector<16xf32>
      %lt3A_882 = arith.constant 0 : i32
      %lt3A_883 = vector.broadcast %lt3A_882 : i32 to vector<16xi32>
      %lt3A_884 = arith.cmpi slt, %and3A_8, %lt3A_883 : vector<16xi32>
      %add3A_885 = arith.constant 16 : i32
      %add3A_886 = vector.broadcast %add3A_885 : i32 to vector<16xi32>
      %add3A_887 = arith.addi %and3A_8, %add3A_886 : vector<16xi32>
      %select_n3A_888 = arith.select %lt3A_884, %add3A_887, %and3A_8 : vector<16xi1>, vector<16xi32>
      %broadcast_in_dim3A_889 = vector.shape_cast %select_n3A_888 : vector<16xi32> to vector<16x1xi32>
      %gather3A_890 = vector.shape_cast %broadcast_in_dim3A_889 : vector<16x1xi32> to vector<16xi32>
      %gather3A_891 = tpu.dynamic_gather %min3A_863[%gather3A_890] in [0] : vector<16xf32>, vector<16xi32> -> vector<16xf32>
      %lt3A_892 = arith.constant 0 : i32
      %lt3A_893 = vector.broadcast %lt3A_892 : i32 to vector<16xi32>
      %lt3A_894 = arith.cmpi slt, %and3A_8, %lt3A_893 : vector<16xi32>
      %add3A_895 = arith.constant 16 : i32
      %add3A_896 = vector.broadcast %add3A_895 : i32 to vector<16xi32>
      %add3A_897 = arith.addi %and3A_8, %add3A_896 : vector<16xi32>
      %select_n3A_898 = arith.select %lt3A_894, %add3A_897, %and3A_8 : vector<16xi1>, vector<16xi32>
      %broadcast_in_dim3A_899 = vector.shape_cast %select_n3A_898 : vector<16xi32> to vector<16x1xi32>
      %gather3A_900 = vector.shape_cast %broadcast_in_dim3A_899 : vector<16x1xi32> to vector<16xi32>
      %gather3A_901 = tpu.dynamic_gather %max3A_864[%gather3A_900] in [0] : vector<16xf32>, vector<16xi32> -> vector<16xf32>
      %min3A_902 = arith.minimumf %min3A_859, %gather3A_871 : vector<16xf32>
      %max3A_903 = arith.maximumf %min3A_859, %gather3A_871 : vector<16xf32>
      %min3A_904 = arith.minimumf %min3A_861, %max3A_903 : vector<16xf32>
      %max3A_905 = arith.maximumf %min3A_861, %max3A_903 : vector<16xf32>
      %min3A_906 = arith.minimumf %min3A_863, %max3A_905 : vector<16xf32>
      %min3A_907 = arith.minimumf %min3A_902, %gather3A_881 : vector<16xf32>
      %max3A_908 = arith.maximumf %min3A_902, %gather3A_881 : vector<16xf32>
      %min3A_909 = arith.minimumf %min3A_904, %max3A_908 : vector<16xf32>
      %max3A_910 = arith.maximumf %min3A_904, %max3A_908 : vector<16xf32>
      %min3A_911 = arith.minimumf %min3A_906, %max3A_910 : vector<16xf32>
      %min3A_912 = arith.minimumf %min3A_907, %gather3A_891 : vector<16xf32>
      %max3A_913 = arith.maximumf %min3A_907, %gather3A_891 : vector<16xf32>
      %min3A_914 = arith.minimumf %min3A_909, %max3A_913 : vector<16xf32>
      %max3A_915 = arith.maximumf %min3A_909, %max3A_913 : vector<16xf32>
      %min3A_916 = arith.minimumf %min3A_911, %max3A_915 : vector<16xf32>
      %max3A_917 = arith.maximumf %max3A_864, %gather3A_901 : vector<16xf32>
      %lt3A_918 = arith.constant 0 : i32
      %lt3A_919 = vector.broadcast %lt3A_918 : i32 to vector<16xi32>
      %lt3A_920 = arith.cmpi slt, %and3A_14, %lt3A_919 : vector<16xi32>
      %add3A_921 = arith.constant 16 : i32
      %add3A_922 = vector.broadcast %add3A_921 : i32 to vector<16xi32>
      %add3A_923 = arith.addi %and3A_14, %add3A_922 : vector<16xi32>
      %select_n3A_924 = arith.select %lt3A_920, %add3A_923, %and3A_14 : vector<16xi1>, vector<16xi32>
      %broadcast_in_dim3A_925 = vector.shape_cast %select_n3A_924 : vector<16xi32> to vector<16x1xi32>
      %gather3A_926 = vector.shape_cast %broadcast_in_dim3A_925 : vector<16x1xi32> to vector<16xi32>
      %gather3A_927 = tpu.dynamic_gather %min3A_912[%gather3A_926] in [0] : vector<16xf32>, vector<16xi32> -> vector<16xf32>
      %lt3A_928 = arith.constant 0 : i32
      %lt3A_929 = vector.broadcast %lt3A_928 : i32 to vector<16xi32>
      %lt3A_930 = arith.cmpi slt, %and3A_14, %lt3A_929 : vector<16xi32>
      %add3A_931 = arith.constant 16 : i32
      %add3A_932 = vector.broadcast %add3A_931 : i32 to vector<16xi32>
      %add3A_933 = arith.addi %and3A_14, %add3A_932 : vector<16xi32>
      %select_n3A_934 = arith.select %lt3A_930, %add3A_933, %and3A_14 : vector<16xi1>, vector<16xi32>
      %broadcast_in_dim3A_935 = vector.shape_cast %select_n3A_934 : vector<16xi32> to vector<16x1xi32>
      %gather3A_936 = vector.shape_cast %broadcast_in_dim3A_935 : vector<16x1xi32> to vector<16xi32>
      %gather3A_937 = tpu.dynamic_gather %min3A_914[%gather3A_936] in [0] : vector<16xf32>, vector<16xi32> -> vector<16xf32>
      %lt3A_938 = arith.constant 0 : i32
      %lt3A_939 = vector.broadcast %lt3A_938 : i32 to vector<16xi32>
      %lt3A_940 = arith.cmpi slt, %and3A_14, %lt3A_939 : vector<16xi32>
      %add3A_941 = arith.constant 16 : i32
      %add3A_942 = vector.broadcast %add3A_941 : i32 to vector<16xi32>
      %add3A_943 = arith.addi %and3A_14, %add3A_942 : vector<16xi32>
      %select_n3A_944 = arith.select %lt3A_940, %add3A_943, %and3A_14 : vector<16xi1>, vector<16xi32>
      %broadcast_in_dim3A_945 = vector.shape_cast %select_n3A_944 : vector<16xi32> to vector<16x1xi32>
      %gather3A_946 = vector.shape_cast %broadcast_in_dim3A_945 : vector<16x1xi32> to vector<16xi32>
      %gather3A_947 = tpu.dynamic_gather %min3A_916[%gather3A_946] in [0] : vector<16xf32>, vector<16xi32> -> vector<16xf32>
      %lt3A_948 = arith.constant 0 : i32
      %lt3A_949 = vector.broadcast %lt3A_948 : i32 to vector<16xi32>
      %lt3A_950 = arith.cmpi slt, %and3A_14, %lt3A_949 : vector<16xi32>
      %add3A_951 = arith.constant 16 : i32
      %add3A_952 = vector.broadcast %add3A_951 : i32 to vector<16xi32>
      %add3A_953 = arith.addi %and3A_14, %add3A_952 : vector<16xi32>
      %select_n3A_954 = arith.select %lt3A_950, %add3A_953, %and3A_14 : vector<16xi1>, vector<16xi32>
      %broadcast_in_dim3A_955 = vector.shape_cast %select_n3A_954 : vector<16xi32> to vector<16x1xi32>
      %gather3A_956 = vector.shape_cast %broadcast_in_dim3A_955 : vector<16x1xi32> to vector<16xi32>
      %gather3A_957 = tpu.dynamic_gather %max3A_917[%gather3A_956] in [0] : vector<16xf32>, vector<16xi32> -> vector<16xf32>
      %min3A_958 = arith.minimumf %min3A_912, %gather3A_927 : vector<16xf32>
      %max3A_959 = arith.maximumf %min3A_912, %gather3A_927 : vector<16xf32>
      %min3A_960 = arith.minimumf %min3A_914, %max3A_959 : vector<16xf32>
      %max3A_961 = arith.maximumf %min3A_914, %max3A_959 : vector<16xf32>
      %min3A_962 = arith.minimumf %min3A_916, %max3A_961 : vector<16xf32>
      %min3A_963 = arith.minimumf %min3A_958, %gather3A_937 : vector<16xf32>
      %max3A_964 = arith.maximumf %min3A_958, %gather3A_937 : vector<16xf32>
      %min3A_965 = arith.minimumf %min3A_960, %max3A_964 : vector<16xf32>
      %max3A_966 = arith.maximumf %min3A_960, %max3A_964 : vector<16xf32>
      %min3A_967 = arith.minimumf %min3A_962, %max3A_966 : vector<16xf32>
      %min3A_968 = arith.minimumf %min3A_963, %gather3A_947 : vector<16xf32>
      %max3A_969 = arith.maximumf %min3A_963, %gather3A_947 : vector<16xf32>
      %min3A_970 = arith.minimumf %min3A_965, %max3A_969 : vector<16xf32>
      %max3A_971 = arith.maximumf %min3A_965, %max3A_969 : vector<16xf32>
      %min3A_972 = arith.minimumf %min3A_967, %max3A_971 : vector<16xf32>
      %max3A_973 = arith.maximumf %max3A_917, %gather3A_957 : vector<16xf32>
      %lt3A_974 = arith.constant 0 : i32
      %lt3A_975 = vector.broadcast %lt3A_974 : i32 to vector<16xi32>
      %lt3A_976 = arith.cmpi slt, %and3A_20, %lt3A_975 : vector<16xi32>
      %add3A_977 = arith.constant 16 : i32
      %add3A_978 = vector.broadcast %add3A_977 : i32 to vector<16xi32>
      %add3A_979 = arith.addi %and3A_20, %add3A_978 : vector<16xi32>
      %select_n3A_980 = arith.select %lt3A_976, %add3A_979, %and3A_20 : vector<16xi1>, vector<16xi32>
      %broadcast_in_dim3A_981 = vector.shape_cast %select_n3A_980 : vector<16xi32> to vector<16x1xi32>
      %gather3A_982 = vector.shape_cast %broadcast_in_dim3A_981 : vector<16x1xi32> to vector<16xi32>
      %gather3A_983 = tpu.dynamic_gather %min3A_968[%gather3A_982] in [0] : vector<16xf32>, vector<16xi32> -> vector<16xf32>
      %lt3A_984 = arith.constant 0 : i32
      %lt3A_985 = vector.broadcast %lt3A_984 : i32 to vector<16xi32>
      %lt3A_986 = arith.cmpi slt, %and3A_20, %lt3A_985 : vector<16xi32>
      %add3A_987 = arith.constant 16 : i32
      %add3A_988 = vector.broadcast %add3A_987 : i32 to vector<16xi32>
      %add3A_989 = arith.addi %and3A_20, %add3A_988 : vector<16xi32>
      %select_n3A_990 = arith.select %lt3A_986, %add3A_989, %and3A_20 : vector<16xi1>, vector<16xi32>
      %broadcast_in_dim3A_991 = vector.shape_cast %select_n3A_990 : vector<16xi32> to vector<16x1xi32>
      %gather3A_992 = vector.shape_cast %broadcast_in_dim3A_991 : vector<16x1xi32> to vector<16xi32>
      %gather3A_993 = tpu.dynamic_gather %min3A_970[%gather3A_992] in [0] : vector<16xf32>, vector<16xi32> -> vector<16xf32>
      %lt3A_994 = arith.constant 0 : i32
      %lt3A_995 = vector.broadcast %lt3A_994 : i32 to vector<16xi32>
      %lt3A_996 = arith.cmpi slt, %and3A_20, %lt3A_995 : vector<16xi32>
      %add3A_997 = arith.constant 16 : i32
      %add3A_998 = vector.broadcast %add3A_997 : i32 to vector<16xi32>
      %add3A_999 = arith.addi %and3A_20, %add3A_998 : vector<16xi32>
      %select_n3A_1000 = arith.select %lt3A_996, %add3A_999, %and3A_20 : vector<16xi1>, vector<16xi32>
      %broadcast_in_dim3A_1001 = vector.shape_cast %select_n3A_1000 : vector<16xi32> to vector<16x1xi32>
      %gather3A_1002 = vector.shape_cast %broadcast_in_dim3A_1001 : vector<16x1xi32> to vector<16xi32>
      %gather3A_1003 = tpu.dynamic_gather %min3A_972[%gather3A_1002] in [0] : vector<16xf32>, vector<16xi32> -> vector<16xf32>
      %lt3A_1004 = arith.constant 0 : i32
      %lt3A_1005 = vector.broadcast %lt3A_1004 : i32 to vector<16xi32>
      %lt3A_1006 = arith.cmpi slt, %and3A_20, %lt3A_1005 : vector<16xi32>
      %add3A_1007 = arith.constant 16 : i32
      %add3A_1008 = vector.broadcast %add3A_1007 : i32 to vector<16xi32>
      %add3A_1009 = arith.addi %and3A_20, %add3A_1008 : vector<16xi32>
      %select_n3A_1010 = arith.select %lt3A_1006, %add3A_1009, %and3A_20 : vector<16xi1>, vector<16xi32>
      %broadcast_in_dim3A_1011 = vector.shape_cast %select_n3A_1010 : vector<16xi32> to vector<16x1xi32>
      %gather3A_1012 = vector.shape_cast %broadcast_in_dim3A_1011 : vector<16x1xi32> to vector<16xi32>
      %gather3A_1013 = tpu.dynamic_gather %max3A_973[%gather3A_1012] in [0] : vector<16xf32>, vector<16xi32> -> vector<16xf32>
      %min3A_1014 = arith.minimumf %min3A_968, %gather3A_983 : vector<16xf32>
      %max3A_1015 = arith.maximumf %min3A_968, %gather3A_983 : vector<16xf32>
      %min3A_1016 = arith.minimumf %min3A_970, %max3A_1015 : vector<16xf32>
      %max3A_1017 = arith.maximumf %min3A_970, %max3A_1015 : vector<16xf32>
      %min3A_1018 = arith.minimumf %min3A_972, %max3A_1017 : vector<16xf32>
      %min3A_1019 = arith.minimumf %min3A_1014, %gather3A_993 : vector<16xf32>
      %max3A_1020 = arith.maximumf %min3A_1014, %gather3A_993 : vector<16xf32>
      %min3A_1021 = arith.minimumf %min3A_1016, %max3A_1020 : vector<16xf32>
      %max3A_1022 = arith.maximumf %min3A_1016, %max3A_1020 : vector<16xf32>
      %min3A_1023 = arith.minimumf %min3A_1018, %max3A_1022 : vector<16xf32>
      %min3A_1024 = arith.minimumf %min3A_1019, %gather3A_1003 : vector<16xf32>
      %max3A_1025 = arith.maximumf %min3A_1019, %gather3A_1003 : vector<16xf32>
      %min3A_1026 = arith.minimumf %min3A_1021, %max3A_1025 : vector<16xf32>
      %max3A_1027 = arith.maximumf %min3A_1021, %max3A_1025 : vector<16xf32>
      %min3A_1028 = arith.minimumf %min3A_1023, %max3A_1027 : vector<16xf32>
      %max3A_1029 = arith.maximumf %max3A_973, %gather3A_1013 : vector<16xf32>
      %lt3A_1030 = arith.constant 0 : i32
      %lt3A_1031 = vector.broadcast %lt3A_1030 : i32 to vector<16xi32>
      %lt3A_1032 = arith.cmpi slt, %and3A_26, %lt3A_1031 : vector<16xi32>
      %add3A_1033 = arith.constant 16 : i32
      %add3A_1034 = vector.broadcast %add3A_1033 : i32 to vector<16xi32>
      %add3A_1035 = arith.addi %and3A_26, %add3A_1034 : vector<16xi32>
      %select_n3A_1036 = arith.select %lt3A_1032, %add3A_1035, %and3A_26 : vector<16xi1>, vector<16xi32>
      %broadcast_in_dim3A_1037 = vector.shape_cast %select_n3A_1036 : vector<16xi32> to vector<16x1xi32>
      %gather3A_1038 = vector.shape_cast %broadcast_in_dim3A_1037 : vector<16x1xi32> to vector<16xi32>
      %gather3A_1039 = tpu.dynamic_gather %min3A_1024[%gather3A_1038] in [0] : vector<16xf32>, vector<16xi32> -> vector<16xf32>
      %lt3A_1040 = arith.constant 0 : i32
      %lt3A_1041 = vector.broadcast %lt3A_1040 : i32 to vector<16xi32>
      %lt3A_1042 = arith.cmpi slt, %and3A_26, %lt3A_1041 : vector<16xi32>
      %add3A_1043 = arith.constant 16 : i32
      %add3A_1044 = vector.broadcast %add3A_1043 : i32 to vector<16xi32>
      %add3A_1045 = arith.addi %and3A_26, %add3A_1044 : vector<16xi32>
      %select_n3A_1046 = arith.select %lt3A_1042, %add3A_1045, %and3A_26 : vector<16xi1>, vector<16xi32>
      %broadcast_in_dim3A_1047 = vector.shape_cast %select_n3A_1046 : vector<16xi32> to vector<16x1xi32>
      %gather3A_1048 = vector.shape_cast %broadcast_in_dim3A_1047 : vector<16x1xi32> to vector<16xi32>
      %gather3A_1049 = tpu.dynamic_gather %min3A_1026[%gather3A_1048] in [0] : vector<16xf32>, vector<16xi32> -> vector<16xf32>
      %lt3A_1050 = arith.constant 0 : i32
      %lt3A_1051 = vector.broadcast %lt3A_1050 : i32 to vector<16xi32>
      %lt3A_1052 = arith.cmpi slt, %and3A_26, %lt3A_1051 : vector<16xi32>
      %add3A_1053 = arith.constant 16 : i32
      %add3A_1054 = vector.broadcast %add3A_1053 : i32 to vector<16xi32>
      %add3A_1055 = arith.addi %and3A_26, %add3A_1054 : vector<16xi32>
      %select_n3A_1056 = arith.select %lt3A_1052, %add3A_1055, %and3A_26 : vector<16xi1>, vector<16xi32>
      %broadcast_in_dim3A_1057 = vector.shape_cast %select_n3A_1056 : vector<16xi32> to vector<16x1xi32>
      %gather3A_1058 = vector.shape_cast %broadcast_in_dim3A_1057 : vector<16x1xi32> to vector<16xi32>
      %gather3A_1059 = tpu.dynamic_gather %min3A_1028[%gather3A_1058] in [0] : vector<16xf32>, vector<16xi32> -> vector<16xf32>
      %lt3A_1060 = arith.constant 0 : i32
      %lt3A_1061 = vector.broadcast %lt3A_1060 : i32 to vector<16xi32>
      %lt3A_1062 = arith.cmpi slt, %and3A_26, %lt3A_1061 : vector<16xi32>
      %add3A_1063 = arith.constant 16 : i32
      %add3A_1064 = vector.broadcast %add3A_1063 : i32 to vector<16xi32>
      %add3A_1065 = arith.addi %and3A_26, %add3A_1064 : vector<16xi32>
      %select_n3A_1066 = arith.select %lt3A_1062, %add3A_1065, %and3A_26 : vector<16xi1>, vector<16xi32>
      %broadcast_in_dim3A_1067 = vector.shape_cast %select_n3A_1066 : vector<16xi32> to vector<16x1xi32>
      %gather3A_1068 = vector.shape_cast %broadcast_in_dim3A_1067 : vector<16x1xi32> to vector<16xi32>
      %gather3A_1069 = tpu.dynamic_gather %max3A_1029[%gather3A_1068] in [0] : vector<16xf32>, vector<16xi32> -> vector<16xf32>
      %min3A_1070 = arith.minimumf %min3A_1024, %gather3A_1039 : vector<16xf32>
      %max3A_1071 = arith.maximumf %min3A_1024, %gather3A_1039 : vector<16xf32>
      %min3A_1072 = arith.minimumf %min3A_1026, %max3A_1071 : vector<16xf32>
      %max3A_1073 = arith.maximumf %min3A_1026, %max3A_1071 : vector<16xf32>
      %min3A_1074 = arith.minimumf %min3A_1028, %max3A_1073 : vector<16xf32>
      %min3A_1075 = arith.minimumf %min3A_1070, %gather3A_1049 : vector<16xf32>
      %max3A_1076 = arith.maximumf %min3A_1070, %gather3A_1049 : vector<16xf32>
      %min3A_1077 = arith.minimumf %min3A_1072, %max3A_1076 : vector<16xf32>
      %max3A_1078 = arith.maximumf %min3A_1072, %max3A_1076 : vector<16xf32>
      %min3A_1079 = arith.minimumf %min3A_1074, %max3A_1078 : vector<16xf32>
      %min3A_1080 = arith.minimumf %min3A_1075, %gather3A_1059 : vector<16xf32>
      %max3A_1081 = arith.maximumf %min3A_1075, %gather3A_1059 : vector<16xf32>
      %min3A_1082 = arith.minimumf %min3A_1077, %max3A_1081 : vector<16xf32>
      %max3A_1083 = arith.maximumf %min3A_1077, %max3A_1081 : vector<16xf32>
      %min3A_1084 = arith.minimumf %min3A_1079, %max3A_1083 : vector<16xf32>
      %max3A_1085 = arith.maximumf %max3A_1029, %gather3A_1069 : vector<16xf32>
      %div3A = arith.divf %min3A_1082, %min3A_1084 : vector<16xf32>
      %lt3A_1086 = arith.constant 6.000000e-01 : f32
      %lt3A_1087 = vector.broadcast %lt3A_1086 : f32 to vector<16xf32>
      %lt3A_1088 = arith.cmpf olt, %div3A, %lt3A_1087 : vector<16xf32>
      %exp3A = math.exp %min3A_1082 : vector<16xf32>
      %add3A_1089 = arith.constant 1.000000e+00 : f32
      %add3A_1090 = vector.broadcast %add3A_1089 : f32 to vector<16xf32>
      %add3A_1091 = arith.addf %add3A_1090, %exp3A : vector<16xf32>
      %div3A_1092 = arith.constant 2.000000e+00 : f32
      %div3A_1093 = vector.broadcast %div3A_1092 : f32 to vector<16xf32>
      %div3A_1094 = arith.divf %div3A_1093, %add3A_1091 : vector<16xf32>
      %exp3A_1095 = math.exp %max3A_1085 : vector<16xf32>
      %mul3A_1096 = arith.constant 2.000000e+00 : f32
      %mul3A_1097 = vector.broadcast %mul3A_1096 : f32 to vector<16xf32>
      %mul3A_1098 = arith.mulf %mul3A_1097, %exp3A_1095 : vector<16xf32>
      %add3A_1099 = arith.constant 1.000000e+00 : f32
      %add3A_1100 = vector.broadcast %add3A_1099 : f32 to vector<16xf32>
      %add3A_1101 = arith.addf %add3A_1100, %mul3A_1098 : vector<16xf32>
      %div3A_1102 = arith.constant 2.000000e+00 : f32
      %div3A_1103 = vector.broadcast %div3A_1102 : f32 to vector<16xf32>
      %div3A_1104 = arith.divf %div3A_1103, %add3A_1101 : vector<16xf32>
      %select_n3A_1105 = arith.select %lt3A_1088, %div3A_1094, %div3A_1104 : vector<16xi1>, vector<16xf32>
      %eq3A = vector.broadcast %scan3A_398 : i32 to vector<16xi32>
      %eq3A_1106 = arith.cmpi eq, %iota3A, %eq3A : vector<16xi32>
      %select_n3A_1107 = arith.select %eq3A_1106, %select_n3A_1105, %scan3A_399 : vector<16xi1>, vector<16xf32>
      scf.yield %select_n3A_1107 : vector<16xf32>
    }
    %scan3A_272 = arith.constant 16 : i32
    %swap3A_273 = arith.constant 3 : i32
    %swap3A_274 = arith.index_cast %swap3A_273 : i32 to index
    %swap3A_275 = arith.constant 0 : index
    %swap3A_276 = tpu.vector_load %arg5[%swap3A_274, %swap3A_275] {strides = array<i32>} : memref<5x16xf32, #tpu.memory_space<vmem>>, vector<16xf32>,
    tpu.vector_store %arg5[%swap3A_274, %swap3A_275], %scan3A_271 {strides = array<i32>} : memref<5x16xf32, #tpu.memory_space<vmem>>, vector<16xf32>,
    %dma_start3A_277 = arith.constant 3 : i32
    %dma_start3A_278 = arith.constant 0 : i32
    %dma_start3A_279 = tpu.memref_slice %arg5[%dma_start3A_277, %dma_start3A_278] : memref<5x16xf32, #tpu.memory_space<vmem>> -> memref<1x16xf32, #tpu.memory_space<vmem>>
    %dma_start3A_280 = tpu.memref_squeeze %dma_start3A_279 : memref<1x16xf32, #tpu.memory_space<vmem>> -> memref<16xf32, #tpu.memory_space<vmem>>
    %dma_start3A_281 = arith.constant 0 : i32
    %dma_start3A_282 = tpu.memref_slice %arg3[%add3A_229, %dma_start3A_281] : memref<144x16xf32, #tpu.memory_space<hbm>> -> memref<1x16xf32, #tpu.memory_space<hbm>>
    %dma_start3A_283 = tpu.memref_squeeze %dma_start3A_282 : memref<1x16xf32, #tpu.memory_space<hbm>> -> memref<16xf32, #tpu.memory_space<hbm>>
    %dma_start3A_284 = arith.constant 0 : i32
    %dma_start3A_285 = tpu.memref_slice %arg3[%add3A_229, %dma_start3A_284] : memref<144x16xf32, #tpu.memory_space<hbm>> -> memref<1x16xf32, #tpu.memory_space<hbm>>
    %dma_start3A_286 = tpu.memref_squeeze %dma_start3A_285 : memref<1x16xf32, #tpu.memory_space<hbm>> -> memref<16xf32, #tpu.memory_space<hbm>>
    %dma_start3A_287 = arith.constant 0 : i32
    %dma_start3A_288 = tpu.memref_slice %arg5[%dma_start3A_277, %dma_start3A_287] : memref<5x16xf32, #tpu.memory_space<vmem>> -> memref<1x16xf32, #tpu.memory_space<vmem>>
    %dma_start3A_289 = tpu.memref_squeeze %dma_start3A_288 : memref<1x16xf32, #tpu.memory_space<vmem>> -> memref<16xf32, #tpu.memory_space<vmem>>
    tpu.enqueue_dma source(%dma_start3A_289 : memref<16xf32, #tpu.memory_space<vmem>>) target(%dma_start3A_286 : memref<16xf32, #tpu.memory_space<hbm>>) target_semaphore(%arg8 : memref<!tpu.dma_semaphore, #tpu.memory_space<semaphore_mem>>)
    %add3A_290 = arith.constant 112 : i32
    %add3A_291 = arith.addi %add3A_290, %add3A : i32
    %dma_wait3A_292 = arith.constant 0 : i32
    %dma_wait3A_293 = arith.constant 0 : i32
    %dma_wait3A_294 = arith.constant 0 : i32
    %dma_wait3A_295 = tpu.memref_slice %arg4[%dma_wait3A_292, %dma_wait3A_293, %dma_wait3A_294] : memref<2x16x576xf32, #tpu.memory_space<vmem>> -> memref<1x16x576xf32, #tpu.memory_space<vmem>>
    %dma_wait3A_296 = tpu.memref_squeeze %dma_wait3A_295 : memref<1x16x576xf32, #tpu.memory_space<vmem>> -> memref<16x576xf32, #tpu.memory_space<vmem>>
    %dma_wait3A_297 = arith.constant 0 : i32
    %dma_wait3A_298 = arith.constant 0 : i32
    %dma_wait3A_299 = tpu.memref_slice %arg2[%add3A_248, %dma_wait3A_297, %dma_wait3A_298] : memref<144x16x576xf32, #tpu.memory_space<hbm>> -> memref<1x16x576xf32, #tpu.memory_space<hbm>>
    %dma_wait3A_300 = tpu.memref_squeeze %dma_wait3A_299 : memref<1x16x576xf32, #tpu.memory_space<hbm>> -> memref<16x576xf32, #tpu.memory_space<hbm>>
    %dma_wait3A_301 = arith.constant 0 : i32
    %dma_wait3A_302 = arith.constant 0 : i32
    %dma_wait3A_303 = tpu.memref_slice %arg4[%dma_wait3A_292, %dma_wait3A_301, %dma_wait3A_302] : memref<2x16x576xf32, #tpu.memory_space<vmem>> -> memref<1x16x576xf32, #tpu.memory_space<vmem>>
    %dma_wait3A_304 = tpu.memref_squeeze %dma_wait3A_303 : memref<1x16x576xf32, #tpu.memory_space<vmem>> -> memref<16x576xf32, #tpu.memory_space<vmem>>
    %dma_wait3A_305 = arith.constant 0 : i32
    %dma_wait3A_306 = arith.constant 0 : i32
    %dma_wait3A_307 = tpu.memref_slice %arg2[%add3A_248, %dma_wait3A_305, %dma_wait3A_306] : memref<144x16x576xf32, #tpu.memory_space<hbm>> -> memref<1x16x576xf32, #tpu.memory_space<hbm>>
    %dma_wait3A_308 = tpu.memref_squeeze %dma_wait3A_307 : memref<1x16x576xf32, #tpu.memory_space<hbm>> -> memref<16x576xf32, #tpu.memory_space<hbm>>
    tpu.wait_dma2 semaphore(%arg6 : memref<!tpu.dma_semaphore, #tpu.memory_space<semaphore_mem>>) src(%dma_wait3A_308 : memref<16x576xf32, #tpu.memory_space<hbm>>) dst(%dma_wait3A_304 : memref<16x576xf32, #tpu.memory_space<vmem>>)
    %scan3A_309 = arith.constant 0 : i32
    %scan3A_310 = arith.constant 0 : i32
    %scan3A_311 = arith.constant 16 : i32
    %scan3A_312 = arith.addi %scan3A_310, %scan3A_311 : i32
    %scan3A_313 = arith.constant 1 : i32
    %scan3A_314 = scf.for %scan3A_398 = %scan3A_310 to %scan3A_312 step %scan3A_313 iter_args(%scan3A_399 = %broadcast_in_dim3A_3) -> (vector<16xf32>)  : i32 {
      %get3A = arith.constant 0 : i32
      %get3A_400 = arith.constant 0 : i32
      %get3A_401 = tpu.memref_slice %arg4[%scan3A_309, %get3A, %get3A_400] : memref<2x16x576xf32, #tpu.memory_space<vmem>> -> memref<1x16x576xf32, #tpu.memory_space<vmem>>
      %get3A_402 = tpu.memref_squeeze %get3A_401 : memref<1x16x576xf32, #tpu.memory_space<vmem>> -> memref<16x576xf32, #tpu.memory_space<vmem>>
      %get3A_403 = arith.index_cast %scan3A_398 : i32 to index
      %get3A_404 = arith.constant 0 : index
      %get3A_405 = tpu.vector_load %get3A_402[%get3A_403, %get3A_404] {strides = array<i32>} : memref<16x576xf32, #tpu.memory_space<vmem>>, vector<16xf32>,
      %min3A = arith.minimumf %broadcast_in_dim3A_1, %get3A_405 : vector<16xf32>
      %max3A = arith.maximumf %broadcast_in_dim3A_1, %get3A_405 : vector<16xf32>
      %min3A_406 = arith.minimumf %broadcast_in_dim3A_1, %max3A : vector<16xf32>
      %max3A_407 = arith.maximumf %broadcast_in_dim3A_1, %max3A : vector<16xf32>
      %min3A_408 = arith.minimumf %broadcast_in_dim3A_1, %max3A_407 : vector<16xf32>
      %max3A_409 = arith.maximumf %broadcast_in_dim3A_3, %get3A_405 : vector<16xf32>
      %get3A_410 = arith.constant 0 : i32
      %get3A_411 = arith.constant 0 : i32
      %get3A_412 = tpu.memref_slice %arg4[%scan3A_309, %get3A_410, %get3A_411] : memref<2x16x576xf32, #tpu.memory_space<vmem>> -> memref<1x16x576xf32, #tpu.memory_space<vmem>>
      %get3A_413 = tpu.memref_squeeze %get3A_412 : memref<1x16x576xf32, #tpu.memory_space<vmem>> -> memref<16x576xf32, #tpu.memory_space<vmem>>
      %get3A_414 = arith.index_cast %scan3A_398 : i32 to index
      %get3A_415 = arith.constant 16 : index
      %get3A_416 = tpu.vector_load %get3A_413[%get3A_414, %get3A_415] {strides = array<i32>} : memref<16x576xf32, #tpu.memory_space<vmem>>, vector<16xf32>,
      %min3A_417 = arith.minimumf %min3A, %get3A_416 : vector<16xf32>
      %max3A_418 = arith.maximumf %min3A, %get3A_416 : vector<16xf32>
      %min3A_419 = arith.minimumf %min3A_406, %max3A_418 : vector<16xf32>
      %max3A_420 = arith.maximumf %min3A_406, %max3A_418 : vector<16xf32>
      %min3A_421 = arith.minimumf %min3A_408, %max3A_420 : vector<16xf32>
      %max3A_422 = arith.maximumf %max3A_409, %get3A_416 : vector<16xf32>
      %get3A_423 = arith.constant 0 : i32
      %get3A_424 = arith.constant 0 : i32
      %get3A_425 = tpu.memref_slice %arg4[%scan3A_309, %get3A_423, %get3A_424] : memref<2x16x576xf32, #tpu.memory_space<vmem>> -> memref<1x16x576xf32, #tpu.memory_space<vmem>>
      %get3A_426 = tpu.memref_squeeze %get3A_425 : memref<1x16x576xf32, #tpu.memory_space<vmem>> -> memref<16x576xf32, #tpu.memory_space<vmem>>
      %get3A_427 = arith.index_cast %scan3A_398 : i32 to index
      %get3A_428 = arith.constant 32 : index
      %get3A_429 = tpu.vector_load %get3A_426[%get3A_427, %get3A_428] {strides = array<i32>} : memref<16x576xf32, #tpu.memory_space<vmem>>, vector<16xf32>,
      %min3A_430 = arith.minimumf %min3A_417, %get3A_429 : vector<16xf32>
      %max3A_431 = arith.maximumf %min3A_417, %get3A_429 : vector<16xf32>
      %min3A_432 = arith.minimumf %min3A_419, %max3A_431 : vector<16xf32>
      %max3A_433 = arith.maximumf %min3A_419, %max3A_431 : vector<16xf32>
      %min3A_434 = arith.minimumf %min3A_421, %max3A_433 : vector<16xf32>
      %max3A_435 = arith.maximumf %max3A_422, %get3A_429 : vector<16xf32>
      %get3A_436 = arith.constant 0 : i32
      %get3A_437 = arith.constant 0 : i32
      %get3A_438 = tpu.memref_slice %arg4[%scan3A_309, %get3A_436, %get3A_437] : memref<2x16x576xf32, #tpu.memory_space<vmem>> -> memref<1x16x576xf32, #tpu.memory_space<vmem>>
      %get3A_439 = tpu.memref_squeeze %get3A_438 : memref<1x16x576xf32, #tpu.memory_space<vmem>> -> memref<16x576xf32, #tpu.memory_space<vmem>>
      %get3A_440 = arith.index_cast %scan3A_398 : i32 to index
      %get3A_441 = arith.constant 48 : index
      %get3A_442 = tpu.vector_load %get3A_439[%get3A_440, %get3A_441] {strides = array<i32>} : memref<16x576xf32, #tpu.memory_space<vmem>>, vector<16xf32>,
      %min3A_443 = arith.minimumf %min3A_430, %get3A_442 : vector<16xf32>
      %max3A_444 = arith.maximumf %min3A_430, %get3A_442 : vector<16xf32>
      %min3A_445 = arith.minimumf %min3A_432, %max3A_444 : vector<16xf32>
      %max3A_446 = arith.maximumf %min3A_432, %max3A_444 : vector<16xf32>
      %min3A_447 = arith.minimumf %min3A_434, %max3A_446 : vector<16xf32>
      %max3A_448 = arith.maximumf %max3A_435, %get3A_442 : vector<16xf32>
      %get3A_449 = arith.constant 0 : i32
      %get3A_450 = arith.constant 0 : i32
      %get3A_451 = tpu.memref_slice %arg4[%scan3A_309, %get3A_449, %get3A_450] : memref<2x16x576xf32, #tpu.memory_space<vmem>> -> memref<1x16x576xf32, #tpu.memory_space<vmem>>
      %get3A_452 = tpu.memref_squeeze %get3A_451 : memref<1x16x576xf32, #tpu.memory_space<vmem>> -> memref<16x576xf32, #tpu.memory_space<vmem>>
      %get3A_453 = arith.index_cast %scan3A_398 : i32 to index
      %get3A_454 = arith.constant 64 : index
      %get3A_455 = tpu.vector_load %get3A_452[%get3A_453, %get3A_454] {strides = array<i32>} : memref<16x576xf32, #tpu.memory_space<vmem>>, vector<16xf32>,
      %min3A_456 = arith.minimumf %min3A_443, %get3A_455 : vector<16xf32>
      %max3A_457 = arith.maximumf %min3A_443, %get3A_455 : vector<16xf32>
      %min3A_458 = arith.minimumf %min3A_445, %max3A_457 : vector<16xf32>
      %max3A_459 = arith.maximumf %min3A_445, %max3A_457 : vector<16xf32>
      %min3A_460 = arith.minimumf %min3A_447, %max3A_459 : vector<16xf32>
      %max3A_461 = arith.maximumf %max3A_448, %get3A_455 : vector<16xf32>
      %get3A_462 = arith.constant 0 : i32
      %get3A_463 = arith.constant 0 : i32
      %get3A_464 = tpu.memref_slice %arg4[%scan3A_309, %get3A_462, %get3A_463] : memref<2x16x576xf32, #tpu.memory_space<vmem>> -> memref<1x16x576xf32, #tpu.memory_space<vmem>>
      %get3A_465 = tpu.memref_squeeze %get3A_464 : memref<1x16x576xf32, #tpu.memory_space<vmem>> -> memref<16x576xf32, #tpu.memory_space<vmem>>
      %get3A_466 = arith.index_cast %scan3A_398 : i32 to index
      %get3A_467 = arith.constant 80 : index
      %get3A_468 = tpu.vector_load %get3A_465[%get3A_466, %get3A_467] {strides = array<i32>} : memref<16x576xf32, #tpu.memory_space<vmem>>, vector<16xf32>,
      %min3A_469 = arith.minimumf %min3A_456, %get3A_468 : vector<16xf32>
      %max3A_470 = arith.maximumf %min3A_456, %get3A_468 : vector<16xf32>
      %min3A_471 = arith.minimumf %min3A_458, %max3A_470 : vector<16xf32>
      %max3A_472 = arith.maximumf %min3A_458, %max3A_470 : vector<16xf32>
      %min3A_473 = arith.minimumf %min3A_460, %max3A_472 : vector<16xf32>
      %max3A_474 = arith.maximumf %max3A_461, %get3A_468 : vector<16xf32>
      %get3A_475 = arith.constant 0 : i32
      %get3A_476 = arith.constant 0 : i32
      %get3A_477 = tpu.memref_slice %arg4[%scan3A_309, %get3A_475, %get3A_476] : memref<2x16x576xf32, #tpu.memory_space<vmem>> -> memref<1x16x576xf32, #tpu.memory_space<vmem>>
      %get3A_478 = tpu.memref_squeeze %get3A_477 : memref<1x16x576xf32, #tpu.memory_space<vmem>> -> memref<16x576xf32, #tpu.memory_space<vmem>>
      %get3A_479 = arith.index_cast %scan3A_398 : i32 to index
      %get3A_480 = arith.constant 96 : index
      %get3A_481 = tpu.vector_load %get3A_478[%get3A_479, %get3A_480] {strides = array<i32>} : memref<16x576xf32, #tpu.memory_space<vmem>>, vector<16xf32>,
      %min3A_482 = arith.minimumf %min3A_469, %get3A_481 : vector<16xf32>
      %max3A_483 = arith.maximumf %min3A_469, %get3A_481 : vector<16xf32>
      %min3A_484 = arith.minimumf %min3A_471, %max3A_483 : vector<16xf32>
      %max3A_485 = arith.maximumf %min3A_471, %max3A_483 : vector<16xf32>
      %min3A_486 = arith.minimumf %min3A_473, %max3A_485 : vector<16xf32>
      %max3A_487 = arith.maximumf %max3A_474, %get3A_481 : vector<16xf32>
      %get3A_488 = arith.constant 0 : i32
      %get3A_489 = arith.constant 0 : i32
      %get3A_490 = tpu.memref_slice %arg4[%scan3A_309, %get3A_488, %get3A_489] : memref<2x16x576xf32, #tpu.memory_space<vmem>> -> memref<1x16x576xf32, #tpu.memory_space<vmem>>
      %get3A_491 = tpu.memref_squeeze %get3A_490 : memref<1x16x576xf32, #tpu.memory_space<vmem>> -> memref<16x576xf32, #tpu.memory_space<vmem>>
      %get3A_492 = arith.index_cast %scan3A_398 : i32 to index
      %get3A_493 = arith.constant 112 : index
      %get3A_494 = tpu.vector_load %get3A_491[%get3A_492, %get3A_493] {strides = array<i32>} : memref<16x576xf32, #tpu.memory_space<vmem>>, vector<16xf32>,
      %min3A_495 = arith.minimumf %min3A_482, %get3A_494 : vector<16xf32>
      %max3A_496 = arith.maximumf %min3A_482, %get3A_494 : vector<16xf32>
      %min3A_497 = arith.minimumf %min3A_484, %max3A_496 : vector<16xf32>
      %max3A_498 = arith.maximumf %min3A_484, %max3A_496 : vector<16xf32>
      %min3A_499 = arith.minimumf %min3A_486, %max3A_498 : vector<16xf32>
      %max3A_500 = arith.maximumf %max3A_487, %get3A_494 : vector<16xf32>
      %get3A_501 = arith.constant 0 : i32
      %get3A_502 = arith.constant 0 : i32
      %get3A_503 = tpu.memref_slice %arg4[%scan3A_309, %get3A_501, %get3A_502] : memref<2x16x576xf32, #tpu.memory_space<vmem>> -> memref<1x16x576xf32, #tpu.memory_space<vmem>>
      %get3A_504 = tpu.memref_squeeze %get3A_503 : memref<1x16x576xf32, #tpu.memory_space<vmem>> -> memref<16x576xf32, #tpu.memory_space<vmem>>
      %get3A_505 = arith.index_cast %scan3A_398 : i32 to index
      %get3A_506 = arith.constant 128 : index
      %get3A_507 = tpu.vector_load %get3A_504[%get3A_505, %get3A_506] {strides = array<i32>} : memref<16x576xf32, #tpu.memory_space<vmem>>, vector<16xf32>,
      %min3A_508 = arith.minimumf %min3A_495, %get3A_507 : vector<16xf32>
      %max3A_509 = arith.maximumf %min3A_495, %get3A_507 : vector<16xf32>
      %min3A_510 = arith.minimumf %min3A_497, %max3A_509 : vector<16xf32>
      %max3A_511 = arith.maximumf %min3A_497, %max3A_509 : vector<16xf32>
      %min3A_512 = arith.minimumf %min3A_499, %max3A_511 : vector<16xf32>
      %max3A_513 = arith.maximumf %max3A_500, %get3A_507 : vector<16xf32>
      %get3A_514 = arith.constant 0 : i32
      %get3A_515 = arith.constant 0 : i32
      %get3A_516 = tpu.memref_slice %arg4[%scan3A_309, %get3A_514, %get3A_515] : memref<2x16x576xf32, #tpu.memory_space<vmem>> -> memref<1x16x576xf32, #tpu.memory_space<vmem>>
      %get3A_517 = tpu.memref_squeeze %get3A_516 : memref<1x16x576xf32, #tpu.memory_space<vmem>> -> memref<16x576xf32, #tpu.memory_space<vmem>>
      %get3A_518 = arith.index_cast %scan3A_398 : i32 to index
      %get3A_519 = arith.constant 144 : index
      %get3A_520 = tpu.vector_load %get3A_517[%get3A_518, %get3A_519] {strides = array<i32>} : memref<16x576xf32, #tpu.memory_space<vmem>>, vector<16xf32>,
      %min3A_521 = arith.minimumf %min3A_508, %get3A_520 : vector<16xf32>
      %max3A_522 = arith.maximumf %min3A_508, %get3A_520 : vector<16xf32>
      %min3A_523 = arith.minimumf %min3A_510, %max3A_522 : vector<16xf32>
      %max3A_524 = arith.maximumf %min3A_510, %max3A_522 : vector<16xf32>
      %min3A_525 = arith.minimumf %min3A_512, %max3A_524 : vector<16xf32>
      %max3A_526 = arith.maximumf %max3A_513, %get3A_520 : vector<16xf32>
      %get3A_527 = arith.constant 0 : i32
      %get3A_528 = arith.constant 0 : i32
      %get3A_529 = tpu.memref_slice %arg4[%scan3A_309, %get3A_527, %get3A_528] : memref<2x16x576xf32, #tpu.memory_space<vmem>> -> memref<1x16x576xf32, #tpu.memory_space<vmem>>
      %get3A_530 = tpu.memref_squeeze %get3A_529 : memref<1x16x576xf32, #tpu.memory_space<vmem>> -> memref<16x576xf32, #tpu.memory_space<vmem>>
      %get3A_531 = arith.index_cast %scan3A_398 : i32 to index
      %get3A_532 = arith.constant 160 : index
      %get3A_533 = tpu.vector_load %get3A_530[%get3A_531, %get3A_532] {strides = array<i32>} : memref<16x576xf32, #tpu.memory_space<vmem>>, vector<16xf32>,
      %min3A_534 = arith.minimumf %min3A_521, %get3A_533 : vector<16xf32>
      %max3A_535 = arith.maximumf %min3A_521, %get3A_533 : vector<16xf32>
      %min3A_536 = arith.minimumf %min3A_523, %max3A_535 : vector<16xf32>
      %max3A_537 = arith.maximumf %min3A_523, %max3A_535 : vector<16xf32>
      %min3A_538 = arith.minimumf %min3A_525, %max3A_537 : vector<16xf32>
      %max3A_539 = arith.maximumf %max3A_526, %get3A_533 : vector<16xf32>
      %get3A_540 = arith.constant 0 : i32
      %get3A_541 = arith.constant 0 : i32
      %get3A_542 = tpu.memref_slice %arg4[%scan3A_309, %get3A_540, %get3A_541] : memref<2x16x576xf32, #tpu.memory_space<vmem>> -> memref<1x16x576xf32, #tpu.memory_space<vmem>>
      %get3A_543 = tpu.memref_squeeze %get3A_542 : memref<1x16x576xf32, #tpu.memory_space<vmem>> -> memref<16x576xf32, #tpu.memory_space<vmem>>
      %get3A_544 = arith.index_cast %scan3A_398 : i32 to index
      %get3A_545 = arith.constant 176 : index
      %get3A_546 = tpu.vector_load %get3A_543[%get3A_544, %get3A_545] {strides = array<i32>} : memref<16x576xf32, #tpu.memory_space<vmem>>, vector<16xf32>,
      %min3A_547 = arith.minimumf %min3A_534, %get3A_546 : vector<16xf32>
      %max3A_548 = arith.maximumf %min3A_534, %get3A_546 : vector<16xf32>
      %min3A_549 = arith.minimumf %min3A_536, %max3A_548 : vector<16xf32>
      %max3A_550 = arith.maximumf %min3A_536, %max3A_548 : vector<16xf32>
      %min3A_551 = arith.minimumf %min3A_538, %max3A_550 : vector<16xf32>
      %max3A_552 = arith.maximumf %max3A_539, %get3A_546 : vector<16xf32>
      %get3A_553 = arith.constant 0 : i32
      %get3A_554 = arith.constant 0 : i32
      %get3A_555 = tpu.memref_slice %arg4[%scan3A_309, %get3A_553, %get3A_554] : memref<2x16x576xf32, #tpu.memory_space<vmem>> -> memref<1x16x576xf32, #tpu.memory_space<vmem>>
      %get3A_556 = tpu.memref_squeeze %get3A_555 : memref<1x16x576xf32, #tpu.memory_space<vmem>> -> memref<16x576xf32, #tpu.memory_space<vmem>>
      %get3A_557 = arith.index_cast %scan3A_398 : i32 to index
      %get3A_558 = arith.constant 192 : index
      %get3A_559 = tpu.vector_load %get3A_556[%get3A_557, %get3A_558] {strides = array<i32>} : memref<16x576xf32, #tpu.memory_space<vmem>>, vector<16xf32>,
      %min3A_560 = arith.minimumf %min3A_547, %get3A_559 : vector<16xf32>
      %max3A_561 = arith.maximumf %min3A_547, %get3A_559 : vector<16xf32>
      %min3A_562 = arith.minimumf %min3A_549, %max3A_561 : vector<16xf32>
      %max3A_563 = arith.maximumf %min3A_549, %max3A_561 : vector<16xf32>
      %min3A_564 = arith.minimumf %min3A_551, %max3A_563 : vector<16xf32>
      %max3A_565 = arith.maximumf %max3A_552, %get3A_559 : vector<16xf32>
      %get3A_566 = arith.constant 0 : i32
      %get3A_567 = arith.constant 0 : i32
      %get3A_568 = tpu.memref_slice %arg4[%scan3A_309, %get3A_566, %get3A_567] : memref<2x16x576xf32, #tpu.memory_space<vmem>> -> memref<1x16x576xf32, #tpu.memory_space<vmem>>
      %get3A_569 = tpu.memref_squeeze %get3A_568 : memref<1x16x576xf32, #tpu.memory_space<vmem>> -> memref<16x576xf32, #tpu.memory_space<vmem>>
      %get3A_570 = arith.index_cast %scan3A_398 : i32 to index
      %get3A_571 = arith.constant 208 : index
      %get3A_572 = tpu.vector_load %get3A_569[%get3A_570, %get3A_571] {strides = array<i32>} : memref<16x576xf32, #tpu.memory_space<vmem>>, vector<16xf32>,
      %min3A_573 = arith.minimumf %min3A_560, %get3A_572 : vector<16xf32>
      %max3A_574 = arith.maximumf %min3A_560, %get3A_572 : vector<16xf32>
      %min3A_575 = arith.minimumf %min3A_562, %max3A_574 : vector<16xf32>
      %max3A_576 = arith.maximumf %min3A_562, %max3A_574 : vector<16xf32>
      %min3A_577 = arith.minimumf %min3A_564, %max3A_576 : vector<16xf32>
      %max3A_578 = arith.maximumf %max3A_565, %get3A_572 : vector<16xf32>
      %get3A_579 = arith.constant 0 : i32
      %get3A_580 = arith.constant 0 : i32
      %get3A_581 = tpu.memref_slice %arg4[%scan3A_309, %get3A_579, %get3A_580] : memref<2x16x576xf32, #tpu.memory_space<vmem>> -> memref<1x16x576xf32, #tpu.memory_space<vmem>>
      %get3A_582 = tpu.memref_squeeze %get3A_581 : memref<1x16x576xf32, #tpu.memory_space<vmem>> -> memref<16x576xf32, #tpu.memory_space<vmem>>
      %get3A_583 = arith.index_cast %scan3A_398 : i32 to index
      %get3A_584 = arith.constant 224 : index
      %get3A_585 = tpu.vector_load %get3A_582[%get3A_583, %get3A_584] {strides = array<i32>} : memref<16x576xf32, #tpu.memory_space<vmem>>, vector<16xf32>,
      %min3A_586 = arith.minimumf %min3A_573, %get3A_585 : vector<16xf32>
      %max3A_587 = arith.maximumf %min3A_573, %get3A_585 : vector<16xf32>
      %min3A_588 = arith.minimumf %min3A_575, %max3A_587 : vector<16xf32>
      %max3A_589 = arith.maximumf %min3A_575, %max3A_587 : vector<16xf32>
      %min3A_590 = arith.minimumf %min3A_577, %max3A_589 : vector<16xf32>
      %max3A_591 = arith.maximumf %max3A_578, %get3A_585 : vector<16xf32>
      %get3A_592 = arith.constant 0 : i32
      %get3A_593 = arith.constant 0 : i32
      %get3A_594 = tpu.memref_slice %arg4[%scan3A_309, %get3A_592, %get3A_593] : memref<2x16x576xf32, #tpu.memory_space<vmem>> -> memref<1x16x576xf32, #tpu.memory_space<vmem>>
      %get3A_595 = tpu.memref_squeeze %get3A_594 : memref<1x16x576xf32, #tpu.memory_space<vmem>> -> memref<16x576xf32, #tpu.memory_space<vmem>>
      %get3A_596 = arith.index_cast %scan3A_398 : i32 to index
      %get3A_597 = arith.constant 240 : index
      %get3A_598 = tpu.vector_load %get3A_595[%get3A_596, %get3A_597] {strides = array<i32>} : memref<16x576xf32, #tpu.memory_space<vmem>>, vector<16xf32>,
      %min3A_599 = arith.minimumf %min3A_586, %get3A_598 : vector<16xf32>
      %max3A_600 = arith.maximumf %min3A_586, %get3A_598 : vector<16xf32>
      %min3A_601 = arith.minimumf %min3A_588, %max3A_600 : vector<16xf32>
      %max3A_602 = arith.maximumf %min3A_588, %max3A_600 : vector<16xf32>
      %min3A_603 = arith.minimumf %min3A_590, %max3A_602 : vector<16xf32>
      %max3A_604 = arith.maximumf %max3A_591, %get3A_598 : vector<16xf32>
      %get3A_605 = arith.constant 0 : i32
      %get3A_606 = arith.constant 0 : i32
      %get3A_607 = tpu.memref_slice %arg4[%scan3A_309, %get3A_605, %get3A_606] : memref<2x16x576xf32, #tpu.memory_space<vmem>> -> memref<1x16x576xf32, #tpu.memory_space<vmem>>
      %get3A_608 = tpu.memref_squeeze %get3A_607 : memref<1x16x576xf32, #tpu.memory_space<vmem>> -> memref<16x576xf32, #tpu.memory_space<vmem>>
      %get3A_609 = arith.index_cast %scan3A_398 : i32 to index
      %get3A_610 = arith.constant 256 : index
      %get3A_611 = tpu.vector_load %get3A_608[%get3A_609, %get3A_610] {strides = array<i32>} : memref<16x576xf32, #tpu.memory_space<vmem>>, vector<16xf32>,
      %min3A_612 = arith.minimumf %min3A_599, %get3A_611 : vector<16xf32>
      %max3A_613 = arith.maximumf %min3A_599, %get3A_611 : vector<16xf32>
      %min3A_614 = arith.minimumf %min3A_601, %max3A_613 : vector<16xf32>
      %max3A_615 = arith.maximumf %min3A_601, %max3A_613 : vector<16xf32>
      %min3A_616 = arith.minimumf %min3A_603, %max3A_615 : vector<16xf32>
      %max3A_617 = arith.maximumf %max3A_604, %get3A_611 : vector<16xf32>
      %get3A_618 = arith.constant 0 : i32
      %get3A_619 = arith.constant 0 : i32
      %get3A_620 = tpu.memref_slice %arg4[%scan3A_309, %get3A_618, %get3A_619] : memref<2x16x576xf32, #tpu.memory_space<vmem>> -> memref<1x16x576xf32, #tpu.memory_space<vmem>>
      %get3A_621 = tpu.memref_squeeze %get3A_620 : memref<1x16x576xf32, #tpu.memory_space<vmem>> -> memref<16x576xf32, #tpu.memory_space<vmem>>
      %get3A_622 = arith.index_cast %scan3A_398 : i32 to index
      %get3A_623 = arith.constant 272 : index
      %get3A_624 = tpu.vector_load %get3A_621[%get3A_622, %get3A_623] {strides = array<i32>} : memref<16x576xf32, #tpu.memory_space<vmem>>, vector<16xf32>,
      %min3A_625 = arith.minimumf %min3A_612, %get3A_624 : vector<16xf32>
      %max3A_626 = arith.maximumf %min3A_612, %get3A_624 : vector<16xf32>
      %min3A_627 = arith.minimumf %min3A_614, %max3A_626 : vector<16xf32>
      %max3A_628 = arith.maximumf %min3A_614, %max3A_626 : vector<16xf32>
      %min3A_629 = arith.minimumf %min3A_616, %max3A_628 : vector<16xf32>
      %max3A_630 = arith.maximumf %max3A_617, %get3A_624 : vector<16xf32>
      %get3A_631 = arith.constant 0 : i32
      %get3A_632 = arith.constant 0 : i32
      %get3A_633 = tpu.memref_slice %arg4[%scan3A_309, %get3A_631, %get3A_632] : memref<2x16x576xf32, #tpu.memory_space<vmem>> -> memref<1x16x576xf32, #tpu.memory_space<vmem>>
      %get3A_634 = tpu.memref_squeeze %get3A_633 : memref<1x16x576xf32, #tpu.memory_space<vmem>> -> memref<16x576xf32, #tpu.memory_space<vmem>>
      %get3A_635 = arith.index_cast %scan3A_398 : i32 to index
      %get3A_636 = arith.constant 288 : index
      %get3A_637 = tpu.vector_load %get3A_634[%get3A_635, %get3A_636] {strides = array<i32>} : memref<16x576xf32, #tpu.memory_space<vmem>>, vector<16xf32>,
      %min3A_638 = arith.minimumf %min3A_625, %get3A_637 : vector<16xf32>
      %max3A_639 = arith.maximumf %min3A_625, %get3A_637 : vector<16xf32>
      %min3A_640 = arith.minimumf %min3A_627, %max3A_639 : vector<16xf32>
      %max3A_641 = arith.maximumf %min3A_627, %max3A_639 : vector<16xf32>
      %min3A_642 = arith.minimumf %min3A_629, %max3A_641 : vector<16xf32>
      %max3A_643 = arith.maximumf %max3A_630, %get3A_637 : vector<16xf32>
      %get3A_644 = arith.constant 0 : i32
      %get3A_645 = arith.constant 0 : i32
      %get3A_646 = tpu.memref_slice %arg4[%scan3A_309, %get3A_644, %get3A_645] : memref<2x16x576xf32, #tpu.memory_space<vmem>> -> memref<1x16x576xf32, #tpu.memory_space<vmem>>
      %get3A_647 = tpu.memref_squeeze %get3A_646 : memref<1x16x576xf32, #tpu.memory_space<vmem>> -> memref<16x576xf32, #tpu.memory_space<vmem>>
      %get3A_648 = arith.index_cast %scan3A_398 : i32 to index
      %get3A_649 = arith.constant 304 : index
      %get3A_650 = tpu.vector_load %get3A_647[%get3A_648, %get3A_649] {strides = array<i32>} : memref<16x576xf32, #tpu.memory_space<vmem>>, vector<16xf32>,
      %min3A_651 = arith.minimumf %min3A_638, %get3A_650 : vector<16xf32>
      %max3A_652 = arith.maximumf %min3A_638, %get3A_650 : vector<16xf32>
      %min3A_653 = arith.minimumf %min3A_640, %max3A_652 : vector<16xf32>
      %max3A_654 = arith.maximumf %min3A_640, %max3A_652 : vector<16xf32>
      %min3A_655 = arith.minimumf %min3A_642, %max3A_654 : vector<16xf32>
      %max3A_656 = arith.maximumf %max3A_643, %get3A_650 : vector<16xf32>
      %get3A_657 = arith.constant 0 : i32
      %get3A_658 = arith.constant 0 : i32
      %get3A_659 = tpu.memref_slice %arg4[%scan3A_309, %get3A_657, %get3A_658] : memref<2x16x576xf32, #tpu.memory_space<vmem>> -> memref<1x16x576xf32, #tpu.memory_space<vmem>>
      %get3A_660 = tpu.memref_squeeze %get3A_659 : memref<1x16x576xf32, #tpu.memory_space<vmem>> -> memref<16x576xf32, #tpu.memory_space<vmem>>
      %get3A_661 = arith.index_cast %scan3A_398 : i32 to index
      %get3A_662 = arith.constant 320 : index
      %get3A_663 = tpu.vector_load %get3A_660[%get3A_661, %get3A_662] {strides = array<i32>} : memref<16x576xf32, #tpu.memory_space<vmem>>, vector<16xf32>,
      %min3A_664 = arith.minimumf %min3A_651, %get3A_663 : vector<16xf32>
      %max3A_665 = arith.maximumf %min3A_651, %get3A_663 : vector<16xf32>
      %min3A_666 = arith.minimumf %min3A_653, %max3A_665 : vector<16xf32>
      %max3A_667 = arith.maximumf %min3A_653, %max3A_665 : vector<16xf32>
      %min3A_668 = arith.minimumf %min3A_655, %max3A_667 : vector<16xf32>
      %max3A_669 = arith.maximumf %max3A_656, %get3A_663 : vector<16xf32>
      %get3A_670 = arith.constant 0 : i32
      %get3A_671 = arith.constant 0 : i32
      %get3A_672 = tpu.memref_slice %arg4[%scan3A_309, %get3A_670, %get3A_671] : memref<2x16x576xf32, #tpu.memory_space<vmem>> -> memref<1x16x576xf32, #tpu.memory_space<vmem>>
      %get3A_673 = tpu.memref_squeeze %get3A_672 : memref<1x16x576xf32, #tpu.memory_space<vmem>> -> memref<16x576xf32, #tpu.memory_space<vmem>>
      %get3A_674 = arith.index_cast %scan3A_398 : i32 to index
      %get3A_675 = arith.constant 336 : index
      %get3A_676 = tpu.vector_load %get3A_673[%get3A_674, %get3A_675] {strides = array<i32>} : memref<16x576xf32, #tpu.memory_space<vmem>>, vector<16xf32>,
      %min3A_677 = arith.minimumf %min3A_664, %get3A_676 : vector<16xf32>
      %max3A_678 = arith.maximumf %min3A_664, %get3A_676 : vector<16xf32>
      %min3A_679 = arith.minimumf %min3A_666, %max3A_678 : vector<16xf32>
      %max3A_680 = arith.maximumf %min3A_666, %max3A_678 : vector<16xf32>
      %min3A_681 = arith.minimumf %min3A_668, %max3A_680 : vector<16xf32>
      %max3A_682 = arith.maximumf %max3A_669, %get3A_676 : vector<16xf32>
      %get3A_683 = arith.constant 0 : i32
      %get3A_684 = arith.constant 0 : i32
      %get3A_685 = tpu.memref_slice %arg4[%scan3A_309, %get3A_683, %get3A_684] : memref<2x16x576xf32, #tpu.memory_space<vmem>> -> memref<1x16x576xf32, #tpu.memory_space<vmem>>
      %get3A_686 = tpu.memref_squeeze %get3A_685 : memref<1x16x576xf32, #tpu.memory_space<vmem>> -> memref<16x576xf32, #tpu.memory_space<vmem>>
      %get3A_687 = arith.index_cast %scan3A_398 : i32 to index
      %get3A_688 = arith.constant 352 : index
      %get3A_689 = tpu.vector_load %get3A_686[%get3A_687, %get3A_688] {strides = array<i32>} : memref<16x576xf32, #tpu.memory_space<vmem>>, vector<16xf32>,
      %min3A_690 = arith.minimumf %min3A_677, %get3A_689 : vector<16xf32>
      %max3A_691 = arith.maximumf %min3A_677, %get3A_689 : vector<16xf32>
      %min3A_692 = arith.minimumf %min3A_679, %max3A_691 : vector<16xf32>
      %max3A_693 = arith.maximumf %min3A_679, %max3A_691 : vector<16xf32>
      %min3A_694 = arith.minimumf %min3A_681, %max3A_693 : vector<16xf32>
      %max3A_695 = arith.maximumf %max3A_682, %get3A_689 : vector<16xf32>
      %get3A_696 = arith.constant 0 : i32
      %get3A_697 = arith.constant 0 : i32
      %get3A_698 = tpu.memref_slice %arg4[%scan3A_309, %get3A_696, %get3A_697] : memref<2x16x576xf32, #tpu.memory_space<vmem>> -> memref<1x16x576xf32, #tpu.memory_space<vmem>>
      %get3A_699 = tpu.memref_squeeze %get3A_698 : memref<1x16x576xf32, #tpu.memory_space<vmem>> -> memref<16x576xf32, #tpu.memory_space<vmem>>
      %get3A_700 = arith.index_cast %scan3A_398 : i32 to index
      %get3A_701 = arith.constant 368 : index
      %get3A_702 = tpu.vector_load %get3A_699[%get3A_700, %get3A_701] {strides = array<i32>} : memref<16x576xf32, #tpu.memory_space<vmem>>, vector<16xf32>,
      %min3A_703 = arith.minimumf %min3A_690, %get3A_702 : vector<16xf32>
      %max3A_704 = arith.maximumf %min3A_690, %get3A_702 : vector<16xf32>
      %min3A_705 = arith.minimumf %min3A_692, %max3A_704 : vector<16xf32>
      %max3A_706 = arith.maximumf %min3A_692, %max3A_704 : vector<16xf32>
      %min3A_707 = arith.minimumf %min3A_694, %max3A_706 : vector<16xf32>
      %max3A_708 = arith.maximumf %max3A_695, %get3A_702 : vector<16xf32>
      %get3A_709 = arith.constant 0 : i32
      %get3A_710 = arith.constant 0 : i32
      %get3A_711 = tpu.memref_slice %arg4[%scan3A_309, %get3A_709, %get3A_710] : memref<2x16x576xf32, #tpu.memory_space<vmem>> -> memref<1x16x576xf32, #tpu.memory_space<vmem>>
      %get3A_712 = tpu.memref_squeeze %get3A_711 : memref<1x16x576xf32, #tpu.memory_space<vmem>> -> memref<16x576xf32, #tpu.memory_space<vmem>>
      %get3A_713 = arith.index_cast %scan3A_398 : i32 to index
      %get3A_714 = arith.constant 384 : index
      %get3A_715 = tpu.vector_load %get3A_712[%get3A_713, %get3A_714] {strides = array<i32>} : memref<16x576xf32, #tpu.memory_space<vmem>>, vector<16xf32>,
      %min3A_716 = arith.minimumf %min3A_703, %get3A_715 : vector<16xf32>
      %max3A_717 = arith.maximumf %min3A_703, %get3A_715 : vector<16xf32>
      %min3A_718 = arith.minimumf %min3A_705, %max3A_717 : vector<16xf32>
      %max3A_719 = arith.maximumf %min3A_705, %max3A_717 : vector<16xf32>
      %min3A_720 = arith.minimumf %min3A_707, %max3A_719 : vector<16xf32>
      %max3A_721 = arith.maximumf %max3A_708, %get3A_715 : vector<16xf32>
      %get3A_722 = arith.constant 0 : i32
      %get3A_723 = arith.constant 0 : i32
      %get3A_724 = tpu.memref_slice %arg4[%scan3A_309, %get3A_722, %get3A_723] : memref<2x16x576xf32, #tpu.memory_space<vmem>> -> memref<1x16x576xf32, #tpu.memory_space<vmem>>
      %get3A_725 = tpu.memref_squeeze %get3A_724 : memref<1x16x576xf32, #tpu.memory_space<vmem>> -> memref<16x576xf32, #tpu.memory_space<vmem>>
      %get3A_726 = arith.index_cast %scan3A_398 : i32 to index
      %get3A_727 = arith.constant 400 : index
      %get3A_728 = tpu.vector_load %get3A_725[%get3A_726, %get3A_727] {strides = array<i32>} : memref<16x576xf32, #tpu.memory_space<vmem>>, vector<16xf32>,
      %min3A_729 = arith.minimumf %min3A_716, %get3A_728 : vector<16xf32>
      %max3A_730 = arith.maximumf %min3A_716, %get3A_728 : vector<16xf32>
      %min3A_731 = arith.minimumf %min3A_718, %max3A_730 : vector<16xf32>
      %max3A_732 = arith.maximumf %min3A_718, %max3A_730 : vector<16xf32>
      %min3A_733 = arith.minimumf %min3A_720, %max3A_732 : vector<16xf32>
      %max3A_734 = arith.maximumf %max3A_721, %get3A_728 : vector<16xf32>
      %get3A_735 = arith.constant 0 : i32
      %get3A_736 = arith.constant 0 : i32
      %get3A_737 = tpu.memref_slice %arg4[%scan3A_309, %get3A_735, %get3A_736] : memref<2x16x576xf32, #tpu.memory_space<vmem>> -> memref<1x16x576xf32, #tpu.memory_space<vmem>>
      %get3A_738 = tpu.memref_squeeze %get3A_737 : memref<1x16x576xf32, #tpu.memory_space<vmem>> -> memref<16x576xf32, #tpu.memory_space<vmem>>
      %get3A_739 = arith.index_cast %scan3A_398 : i32 to index
      %get3A_740 = arith.constant 416 : index
      %get3A_741 = tpu.vector_load %get3A_738[%get3A_739, %get3A_740] {strides = array<i32>} : memref<16x576xf32, #tpu.memory_space<vmem>>, vector<16xf32>,
      %min3A_742 = arith.minimumf %min3A_729, %get3A_741 : vector<16xf32>
      %max3A_743 = arith.maximumf %min3A_729, %get3A_741 : vector<16xf32>
      %min3A_744 = arith.minimumf %min3A_731, %max3A_743 : vector<16xf32>
      %max3A_745 = arith.maximumf %min3A_731, %max3A_743 : vector<16xf32>
      %min3A_746 = arith.minimumf %min3A_733, %max3A_745 : vector<16xf32>
      %max3A_747 = arith.maximumf %max3A_734, %get3A_741 : vector<16xf32>
      %get3A_748 = arith.constant 0 : i32
      %get3A_749 = arith.constant 0 : i32
      %get3A_750 = tpu.memref_slice %arg4[%scan3A_309, %get3A_748, %get3A_749] : memref<2x16x576xf32, #tpu.memory_space<vmem>> -> memref<1x16x576xf32, #tpu.memory_space<vmem>>
      %get3A_751 = tpu.memref_squeeze %get3A_750 : memref<1x16x576xf32, #tpu.memory_space<vmem>> -> memref<16x576xf32, #tpu.memory_space<vmem>>
      %get3A_752 = arith.index_cast %scan3A_398 : i32 to index
      %get3A_753 = arith.constant 432 : index
      %get3A_754 = tpu.vector_load %get3A_751[%get3A_752, %get3A_753] {strides = array<i32>} : memref<16x576xf32, #tpu.memory_space<vmem>>, vector<16xf32>,
      %min3A_755 = arith.minimumf %min3A_742, %get3A_754 : vector<16xf32>
      %max3A_756 = arith.maximumf %min3A_742, %get3A_754 : vector<16xf32>
      %min3A_757 = arith.minimumf %min3A_744, %max3A_756 : vector<16xf32>
      %max3A_758 = arith.maximumf %min3A_744, %max3A_756 : vector<16xf32>
      %min3A_759 = arith.minimumf %min3A_746, %max3A_758 : vector<16xf32>
      %max3A_760 = arith.maximumf %max3A_747, %get3A_754 : vector<16xf32>
      %get3A_761 = arith.constant 0 : i32
      %get3A_762 = arith.constant 0 : i32
      %get3A_763 = tpu.memref_slice %arg4[%scan3A_309, %get3A_761, %get3A_762] : memref<2x16x576xf32, #tpu.memory_space<vmem>> -> memref<1x16x576xf32, #tpu.memory_space<vmem>>
      %get3A_764 = tpu.memref_squeeze %get3A_763 : memref<1x16x576xf32, #tpu.memory_space<vmem>> -> memref<16x576xf32, #tpu.memory_space<vmem>>
      %get3A_765 = arith.index_cast %scan3A_398 : i32 to index
      %get3A_766 = arith.constant 448 : index
      %get3A_767 = tpu.vector_load %get3A_764[%get3A_765, %get3A_766] {strides = array<i32>} : memref<16x576xf32, #tpu.memory_space<vmem>>, vector<16xf32>,
      %min3A_768 = arith.minimumf %min3A_755, %get3A_767 : vector<16xf32>
      %max3A_769 = arith.maximumf %min3A_755, %get3A_767 : vector<16xf32>
      %min3A_770 = arith.minimumf %min3A_757, %max3A_769 : vector<16xf32>
      %max3A_771 = arith.maximumf %min3A_757, %max3A_769 : vector<16xf32>
      %min3A_772 = arith.minimumf %min3A_759, %max3A_771 : vector<16xf32>
      %max3A_773 = arith.maximumf %max3A_760, %get3A_767 : vector<16xf32>
      %get3A_774 = arith.constant 0 : i32
      %get3A_775 = arith.constant 0 : i32
      %get3A_776 = tpu.memref_slice %arg4[%scan3A_309, %get3A_774, %get3A_775] : memref<2x16x576xf32, #tpu.memory_space<vmem>> -> memref<1x16x576xf32, #tpu.memory_space<vmem>>
      %get3A_777 = tpu.memref_squeeze %get3A_776 : memref<1x16x576xf32, #tpu.memory_space<vmem>> -> memref<16x576xf32, #tpu.memory_space<vmem>>
      %get3A_778 = arith.index_cast %scan3A_398 : i32 to index
      %get3A_779 = arith.constant 464 : index
      %get3A_780 = tpu.vector_load %get3A_777[%get3A_778, %get3A_779] {strides = array<i32>} : memref<16x576xf32, #tpu.memory_space<vmem>>, vector<16xf32>,
      %min3A_781 = arith.minimumf %min3A_768, %get3A_780 : vector<16xf32>
      %max3A_782 = arith.maximumf %min3A_768, %get3A_780 : vector<16xf32>
      %min3A_783 = arith.minimumf %min3A_770, %max3A_782 : vector<16xf32>
      %max3A_784 = arith.maximumf %min3A_770, %max3A_782 : vector<16xf32>
      %min3A_785 = arith.minimumf %min3A_772, %max3A_784 : vector<16xf32>
      %max3A_786 = arith.maximumf %max3A_773, %get3A_780 : vector<16xf32>
      %get3A_787 = arith.constant 0 : i32
      %get3A_788 = arith.constant 0 : i32
      %get3A_789 = tpu.memref_slice %arg4[%scan3A_309, %get3A_787, %get3A_788] : memref<2x16x576xf32, #tpu.memory_space<vmem>> -> memref<1x16x576xf32, #tpu.memory_space<vmem>>
      %get3A_790 = tpu.memref_squeeze %get3A_789 : memref<1x16x576xf32, #tpu.memory_space<vmem>> -> memref<16x576xf32, #tpu.memory_space<vmem>>
      %get3A_791 = arith.index_cast %scan3A_398 : i32 to index
      %get3A_792 = arith.constant 480 : index
      %get3A_793 = tpu.vector_load %get3A_790[%get3A_791, %get3A_792] {strides = array<i32>} : memref<16x576xf32, #tpu.memory_space<vmem>>, vector<16xf32>,
      %min3A_794 = arith.minimumf %min3A_781, %get3A_793 : vector<16xf32>
      %max3A_795 = arith.maximumf %min3A_781, %get3A_793 : vector<16xf32>
      %min3A_796 = arith.minimumf %min3A_783, %max3A_795 : vector<16xf32>
      %max3A_797 = arith.maximumf %min3A_783, %max3A_795 : vector<16xf32>
      %min3A_798 = arith.minimumf %min3A_785, %max3A_797 : vector<16xf32>
      %max3A_799 = arith.maximumf %max3A_786, %get3A_793 : vector<16xf32>
      %get3A_800 = arith.constant 0 : i32
      %get3A_801 = arith.constant 0 : i32
      %get3A_802 = tpu.memref_slice %arg4[%scan3A_309, %get3A_800, %get3A_801] : memref<2x16x576xf32, #tpu.memory_space<vmem>> -> memref<1x16x576xf32, #tpu.memory_space<vmem>>
      %get3A_803 = tpu.memref_squeeze %get3A_802 : memref<1x16x576xf32, #tpu.memory_space<vmem>> -> memref<16x576xf32, #tpu.memory_space<vmem>>
      %get3A_804 = arith.index_cast %scan3A_398 : i32 to index
      %get3A_805 = arith.constant 496 : index
      %get3A_806 = tpu.vector_load %get3A_803[%get3A_804, %get3A_805] {strides = array<i32>} : memref<16x576xf32, #tpu.memory_space<vmem>>, vector<16xf32>,
      %min3A_807 = arith.minimumf %min3A_794, %get3A_806 : vector<16xf32>
      %max3A_808 = arith.maximumf %min3A_794, %get3A_806 : vector<16xf32>
      %min3A_809 = arith.minimumf %min3A_796, %max3A_808 : vector<16xf32>
      %max3A_810 = arith.maximumf %min3A_796, %max3A_808 : vector<16xf32>
      %min3A_811 = arith.minimumf %min3A_798, %max3A_810 : vector<16xf32>
      %max3A_812 = arith.maximumf %max3A_799, %get3A_806 : vector<16xf32>
      %get3A_813 = arith.constant 0 : i32
      %get3A_814 = arith.constant 0 : i32
      %get3A_815 = tpu.memref_slice %arg4[%scan3A_309, %get3A_813, %get3A_814] : memref<2x16x576xf32, #tpu.memory_space<vmem>> -> memref<1x16x576xf32, #tpu.memory_space<vmem>>
      %get3A_816 = tpu.memref_squeeze %get3A_815 : memref<1x16x576xf32, #tpu.memory_space<vmem>> -> memref<16x576xf32, #tpu.memory_space<vmem>>
      %get3A_817 = arith.index_cast %scan3A_398 : i32 to index
      %get3A_818 = arith.constant 512 : index
      %get3A_819 = tpu.vector_load %get3A_816[%get3A_817, %get3A_818] {strides = array<i32>} : memref<16x576xf32, #tpu.memory_space<vmem>>, vector<16xf32>,
      %min3A_820 = arith.minimumf %min3A_807, %get3A_819 : vector<16xf32>
      %max3A_821 = arith.maximumf %min3A_807, %get3A_819 : vector<16xf32>
      %min3A_822 = arith.minimumf %min3A_809, %max3A_821 : vector<16xf32>
      %max3A_823 = arith.maximumf %min3A_809, %max3A_821 : vector<16xf32>
      %min3A_824 = arith.minimumf %min3A_811, %max3A_823 : vector<16xf32>
      %max3A_825 = arith.maximumf %max3A_812, %get3A_819 : vector<16xf32>
      %get3A_826 = arith.constant 0 : i32
      %get3A_827 = arith.constant 0 : i32
      %get3A_828 = tpu.memref_slice %arg4[%scan3A_309, %get3A_826, %get3A_827] : memref<2x16x576xf32, #tpu.memory_space<vmem>> -> memref<1x16x576xf32, #tpu.memory_space<vmem>>
      %get3A_829 = tpu.memref_squeeze %get3A_828 : memref<1x16x576xf32, #tpu.memory_space<vmem>> -> memref<16x576xf32, #tpu.memory_space<vmem>>
      %get3A_830 = arith.index_cast %scan3A_398 : i32 to index
      %get3A_831 = arith.constant 528 : index
      %get3A_832 = tpu.vector_load %get3A_829[%get3A_830, %get3A_831] {strides = array<i32>} : memref<16x576xf32, #tpu.memory_space<vmem>>, vector<16xf32>,
      %min3A_833 = arith.minimumf %min3A_820, %get3A_832 : vector<16xf32>
      %max3A_834 = arith.maximumf %min3A_820, %get3A_832 : vector<16xf32>
      %min3A_835 = arith.minimumf %min3A_822, %max3A_834 : vector<16xf32>
      %max3A_836 = arith.maximumf %min3A_822, %max3A_834 : vector<16xf32>
      %min3A_837 = arith.minimumf %min3A_824, %max3A_836 : vector<16xf32>
      %max3A_838 = arith.maximumf %max3A_825, %get3A_832 : vector<16xf32>
      %get3A_839 = arith.constant 0 : i32
      %get3A_840 = arith.constant 0 : i32
      %get3A_841 = tpu.memref_slice %arg4[%scan3A_309, %get3A_839, %get3A_840] : memref<2x16x576xf32, #tpu.memory_space<vmem>> -> memref<1x16x576xf32, #tpu.memory_space<vmem>>
      %get3A_842 = tpu.memref_squeeze %get3A_841 : memref<1x16x576xf32, #tpu.memory_space<vmem>> -> memref<16x576xf32, #tpu.memory_space<vmem>>
      %get3A_843 = arith.index_cast %scan3A_398 : i32 to index
      %get3A_844 = arith.constant 544 : index
      %get3A_845 = tpu.vector_load %get3A_842[%get3A_843, %get3A_844] {strides = array<i32>} : memref<16x576xf32, #tpu.memory_space<vmem>>, vector<16xf32>,
      %min3A_846 = arith.minimumf %min3A_833, %get3A_845 : vector<16xf32>
      %max3A_847 = arith.maximumf %min3A_833, %get3A_845 : vector<16xf32>
      %min3A_848 = arith.minimumf %min3A_835, %max3A_847 : vector<16xf32>
      %max3A_849 = arith.maximumf %min3A_835, %max3A_847 : vector<16xf32>
      %min3A_850 = arith.minimumf %min3A_837, %max3A_849 : vector<16xf32>
      %max3A_851 = arith.maximumf %max3A_838, %get3A_845 : vector<16xf32>
      %get3A_852 = arith.constant 0 : i32
      %get3A_853 = arith.constant 0 : i32
      %get3A_854 = tpu.memref_slice %arg4[%scan3A_309, %get3A_852, %get3A_853] : memref<2x16x576xf32, #tpu.memory_space<vmem>> -> memref<1x16x576xf32, #tpu.memory_space<vmem>>
      %get3A_855 = tpu.memref_squeeze %get3A_854 : memref<1x16x576xf32, #tpu.memory_space<vmem>> -> memref<16x576xf32, #tpu.memory_space<vmem>>
      %get3A_856 = arith.index_cast %scan3A_398 : i32 to index
      %get3A_857 = arith.constant 560 : index
      %get3A_858 = tpu.vector_load %get3A_855[%get3A_856, %get3A_857] {strides = array<i32>} : memref<16x576xf32, #tpu.memory_space<vmem>>, vector<16xf32>,
      %min3A_859 = arith.minimumf %min3A_846, %get3A_858 : vector<16xf32>
      %max3A_860 = arith.maximumf %min3A_846, %get3A_858 : vector<16xf32>
      %min3A_861 = arith.minimumf %min3A_848, %max3A_860 : vector<16xf32>
      %max3A_862 = arith.maximumf %min3A_848, %max3A_860 : vector<16xf32>
      %min3A_863 = arith.minimumf %min3A_850, %max3A_862 : vector<16xf32>
      %max3A_864 = arith.maximumf %max3A_851, %get3A_858 : vector<16xf32>
      %lt3A = arith.constant 0 : i32
      %lt3A_865 = vector.broadcast %lt3A : i32 to vector<16xi32>
      %lt3A_866 = arith.cmpi slt, %and3A_8, %lt3A_865 : vector<16xi32>
      %add3A_867 = arith.constant 16 : i32
      %add3A_868 = vector.broadcast %add3A_867 : i32 to vector<16xi32>
      %add3A_869 = arith.addi %and3A_8, %add3A_868 : vector<16xi32>
      %select_n3A = arith.select %lt3A_866, %add3A_869, %and3A_8 : vector<16xi1>, vector<16xi32>
      %broadcast_in_dim3A_870 = vector.shape_cast %select_n3A : vector<16xi32> to vector<16x1xi32>
      %gather3A = vector.shape_cast %broadcast_in_dim3A_870 : vector<16x1xi32> to vector<16xi32>
      %gather3A_871 = tpu.dynamic_gather %min3A_859[%gather3A] in [0] : vector<16xf32>, vector<16xi32> -> vector<16xf32>
      %lt3A_872 = arith.constant 0 : i32
      %lt3A_873 = vector.broadcast %lt3A_872 : i32 to vector<16xi32>
      %lt3A_874 = arith.cmpi slt, %and3A_8, %lt3A_873 : vector<16xi32>
      %add3A_875 = arith.constant 16 : i32
      %add3A_876 = vector.broadcast %add3A_875 : i32 to vector<16xi32>
      %add3A_877 = arith.addi %and3A_8, %add3A_876 : vector<16xi32>
      %select_n3A_878 = arith.select %lt3A_874, %add3A_877, %and3A_8 : vector<16xi1>, vector<16xi32>
      %broadcast_in_dim3A_879 = vector.shape_cast %select_n3A_878 : vector<16xi32> to vector<16x1xi32>
      %gather3A_880 = vector.shape_cast %broadcast_in_dim3A_879 : vector<16x1xi32> to vector<16xi32>
      %gather3A_881 = tpu.dynamic_gather %min3A_861[%gather3A_880] in [0] : vector<16xf32>, vector<16xi32> -> vector<16xf32>
      %lt3A_882 = arith.constant 0 : i32
      %lt3A_883 = vector.broadcast %lt3A_882 : i32 to vector<16xi32>
      %lt3A_884 = arith.cmpi slt, %and3A_8, %lt3A_883 : vector<16xi32>
      %add3A_885 = arith.constant 16 : i32
      %add3A_886 = vector.broadcast %add3A_885 : i32 to vector<16xi32>
      %add3A_887 = arith.addi %and3A_8, %add3A_886 : vector<16xi32>
      %select_n3A_888 = arith.select %lt3A_884, %add3A_887, %and3A_8 : vector<16xi1>, vector<16xi32>
      %broadcast_in_dim3A_889 = vector.shape_cast %select_n3A_888 : vector<16xi32> to vector<16x1xi32>
      %gather3A_890 = vector.shape_cast %broadcast_in_dim3A_889 : vector<16x1xi32> to vector<16xi32>
      %gather3A_891 = tpu.dynamic_gather %min3A_863[%gather3A_890] in [0] : vector<16xf32>, vector<16xi32> -> vector<16xf32>
      %lt3A_892 = arith.constant 0 : i32
      %lt3A_893 = vector.broadcast %lt3A_892 : i32 to vector<16xi32>
      %lt3A_894 = arith.cmpi slt, %and3A_8, %lt3A_893 : vector<16xi32>
      %add3A_895 = arith.constant 16 : i32
      %add3A_896 = vector.broadcast %add3A_895 : i32 to vector<16xi32>
      %add3A_897 = arith.addi %and3A_8, %add3A_896 : vector<16xi32>
      %select_n3A_898 = arith.select %lt3A_894, %add3A_897, %and3A_8 : vector<16xi1>, vector<16xi32>
      %broadcast_in_dim3A_899 = vector.shape_cast %select_n3A_898 : vector<16xi32> to vector<16x1xi32>
      %gather3A_900 = vector.shape_cast %broadcast_in_dim3A_899 : vector<16x1xi32> to vector<16xi32>
      %gather3A_901 = tpu.dynamic_gather %max3A_864[%gather3A_900] in [0] : vector<16xf32>, vector<16xi32> -> vector<16xf32>
      %min3A_902 = arith.minimumf %min3A_859, %gather3A_871 : vector<16xf32>
      %max3A_903 = arith.maximumf %min3A_859, %gather3A_871 : vector<16xf32>
      %min3A_904 = arith.minimumf %min3A_861, %max3A_903 : vector<16xf32>
      %max3A_905 = arith.maximumf %min3A_861, %max3A_903 : vector<16xf32>
      %min3A_906 = arith.minimumf %min3A_863, %max3A_905 : vector<16xf32>
      %min3A_907 = arith.minimumf %min3A_902, %gather3A_881 : vector<16xf32>
      %max3A_908 = arith.maximumf %min3A_902, %gather3A_881 : vector<16xf32>
      %min3A_909 = arith.minimumf %min3A_904, %max3A_908 : vector<16xf32>
      %max3A_910 = arith.maximumf %min3A_904, %max3A_908 : vector<16xf32>
      %min3A_911 = arith.minimumf %min3A_906, %max3A_910 : vector<16xf32>
      %min3A_912 = arith.minimumf %min3A_907, %gather3A_891 : vector<16xf32>
      %max3A_913 = arith.maximumf %min3A_907, %gather3A_891 : vector<16xf32>
      %min3A_914 = arith.minimumf %min3A_909, %max3A_913 : vector<16xf32>
      %max3A_915 = arith.maximumf %min3A_909, %max3A_913 : vector<16xf32>
      %min3A_916 = arith.minimumf %min3A_911, %max3A_915 : vector<16xf32>
      %max3A_917 = arith.maximumf %max3A_864, %gather3A_901 : vector<16xf32>
      %lt3A_918 = arith.constant 0 : i32
      %lt3A_919 = vector.broadcast %lt3A_918 : i32 to vector<16xi32>
      %lt3A_920 = arith.cmpi slt, %and3A_14, %lt3A_919 : vector<16xi32>
      %add3A_921 = arith.constant 16 : i32
      %add3A_922 = vector.broadcast %add3A_921 : i32 to vector<16xi32>
      %add3A_923 = arith.addi %and3A_14, %add3A_922 : vector<16xi32>
      %select_n3A_924 = arith.select %lt3A_920, %add3A_923, %and3A_14 : vector<16xi1>, vector<16xi32>
      %broadcast_in_dim3A_925 = vector.shape_cast %select_n3A_924 : vector<16xi32> to vector<16x1xi32>
      %gather3A_926 = vector.shape_cast %broadcast_in_dim3A_925 : vector<16x1xi32> to vector<16xi32>
      %gather3A_927 = tpu.dynamic_gather %min3A_912[%gather3A_926] in [0] : vector<16xf32>, vector<16xi32> -> vector<16xf32>
      %lt3A_928 = arith.constant 0 : i32
      %lt3A_929 = vector.broadcast %lt3A_928 : i32 to vector<16xi32>
      %lt3A_930 = arith.cmpi slt, %and3A_14, %lt3A_929 : vector<16xi32>
      %add3A_931 = arith.constant 16 : i32
      %add3A_932 = vector.broadcast %add3A_931 : i32 to vector<16xi32>
      %add3A_933 = arith.addi %and3A_14, %add3A_932 : vector<16xi32>
      %select_n3A_934 = arith.select %lt3A_930, %add3A_933, %and3A_14 : vector<16xi1>, vector<16xi32>
      %broadcast_in_dim3A_935 = vector.shape_cast %select_n3A_934 : vector<16xi32> to vector<16x1xi32>
      %gather3A_936 = vector.shape_cast %broadcast_in_dim3A_935 : vector<16x1xi32> to vector<16xi32>
      %gather3A_937 = tpu.dynamic_gather %min3A_914[%gather3A_936] in [0] : vector<16xf32>, vector<16xi32> -> vector<16xf32>
      %lt3A_938 = arith.constant 0 : i32
      %lt3A_939 = vector.broadcast %lt3A_938 : i32 to vector<16xi32>
      %lt3A_940 = arith.cmpi slt, %and3A_14, %lt3A_939 : vector<16xi32>
      %add3A_941 = arith.constant 16 : i32
      %add3A_942 = vector.broadcast %add3A_941 : i32 to vector<16xi32>
      %add3A_943 = arith.addi %and3A_14, %add3A_942 : vector<16xi32>
      %select_n3A_944 = arith.select %lt3A_940, %add3A_943, %and3A_14 : vector<16xi1>, vector<16xi32>
      %broadcast_in_dim3A_945 = vector.shape_cast %select_n3A_944 : vector<16xi32> to vector<16x1xi32>
      %gather3A_946 = vector.shape_cast %broadcast_in_dim3A_945 : vector<16x1xi32> to vector<16xi32>
      %gather3A_947 = tpu.dynamic_gather %min3A_916[%gather3A_946] in [0] : vector<16xf32>, vector<16xi32> -> vector<16xf32>
      %lt3A_948 = arith.constant 0 : i32
      %lt3A_949 = vector.broadcast %lt3A_948 : i32 to vector<16xi32>
      %lt3A_950 = arith.cmpi slt, %and3A_14, %lt3A_949 : vector<16xi32>
      %add3A_951 = arith.constant 16 : i32
      %add3A_952 = vector.broadcast %add3A_951 : i32 to vector<16xi32>
      %add3A_953 = arith.addi %and3A_14, %add3A_952 : vector<16xi32>
      %select_n3A_954 = arith.select %lt3A_950, %add3A_953, %and3A_14 : vector<16xi1>, vector<16xi32>
      %broadcast_in_dim3A_955 = vector.shape_cast %select_n3A_954 : vector<16xi32> to vector<16x1xi32>
      %gather3A_956 = vector.shape_cast %broadcast_in_dim3A_955 : vector<16x1xi32> to vector<16xi32>
      %gather3A_957 = tpu.dynamic_gather %max3A_917[%gather3A_956] in [0] : vector<16xf32>, vector<16xi32> -> vector<16xf32>
      %min3A_958 = arith.minimumf %min3A_912, %gather3A_927 : vector<16xf32>
      %max3A_959 = arith.maximumf %min3A_912, %gather3A_927 : vector<16xf32>
      %min3A_960 = arith.minimumf %min3A_914, %max3A_959 : vector<16xf32>
      %max3A_961 = arith.maximumf %min3A_914, %max3A_959 : vector<16xf32>
      %min3A_962 = arith.minimumf %min3A_916, %max3A_961 : vector<16xf32>
      %min3A_963 = arith.minimumf %min3A_958, %gather3A_937 : vector<16xf32>
      %max3A_964 = arith.maximumf %min3A_958, %gather3A_937 : vector<16xf32>
      %min3A_965 = arith.minimumf %min3A_960, %max3A_964 : vector<16xf32>
      %max3A_966 = arith.maximumf %min3A_960, %max3A_964 : vector<16xf32>
      %min3A_967 = arith.minimumf %min3A_962, %max3A_966 : vector<16xf32>
      %min3A_968 = arith.minimumf %min3A_963, %gather3A_947 : vector<16xf32>
      %max3A_969 = arith.maximumf %min3A_963, %gather3A_947 : vector<16xf32>
      %min3A_970 = arith.minimumf %min3A_965, %max3A_969 : vector<16xf32>
      %max3A_971 = arith.maximumf %min3A_965, %max3A_969 : vector<16xf32>
      %min3A_972 = arith.minimumf %min3A_967, %max3A_971 : vector<16xf32>
      %max3A_973 = arith.maximumf %max3A_917, %gather3A_957 : vector<16xf32>
      %lt3A_974 = arith.constant 0 : i32
      %lt3A_975 = vector.broadcast %lt3A_974 : i32 to vector<16xi32>
      %lt3A_976 = arith.cmpi slt, %and3A_20, %lt3A_975 : vector<16xi32>
      %add3A_977 = arith.constant 16 : i32
      %add3A_978 = vector.broadcast %add3A_977 : i32 to vector<16xi32>
      %add3A_979 = arith.addi %and3A_20, %add3A_978 : vector<16xi32>
      %select_n3A_980 = arith.select %lt3A_976, %add3A_979, %and3A_20 : vector<16xi1>, vector<16xi32>
      %broadcast_in_dim3A_981 = vector.shape_cast %select_n3A_980 : vector<16xi32> to vector<16x1xi32>
      %gather3A_982 = vector.shape_cast %broadcast_in_dim3A_981 : vector<16x1xi32> to vector<16xi32>
      %gather3A_983 = tpu.dynamic_gather %min3A_968[%gather3A_982] in [0] : vector<16xf32>, vector<16xi32> -> vector<16xf32>
      %lt3A_984 = arith.constant 0 : i32
      %lt3A_985 = vector.broadcast %lt3A_984 : i32 to vector<16xi32>
      %lt3A_986 = arith.cmpi slt, %and3A_20, %lt3A_985 : vector<16xi32>
      %add3A_987 = arith.constant 16 : i32
      %add3A_988 = vector.broadcast %add3A_987 : i32 to vector<16xi32>
      %add3A_989 = arith.addi %and3A_20, %add3A_988 : vector<16xi32>
      %select_n3A_990 = arith.select %lt3A_986, %add3A_989, %and3A_20 : vector<16xi1>, vector<16xi32>
      %broadcast_in_dim3A_991 = vector.shape_cast %select_n3A_990 : vector<16xi32> to vector<16x1xi32>
      %gather3A_992 = vector.shape_cast %broadcast_in_dim3A_991 : vector<16x1xi32> to vector<16xi32>
      %gather3A_993 = tpu.dynamic_gather %min3A_970[%gather3A_992] in [0] : vector<16xf32>, vector<16xi32> -> vector<16xf32>
      %lt3A_994 = arith.constant 0 : i32
      %lt3A_995 = vector.broadcast %lt3A_994 : i32 to vector<16xi32>
      %lt3A_996 = arith.cmpi slt, %and3A_20, %lt3A_995 : vector<16xi32>
      %add3A_997 = arith.constant 16 : i32
      %add3A_998 = vector.broadcast %add3A_997 : i32 to vector<16xi32>
      %add3A_999 = arith.addi %and3A_20, %add3A_998 : vector<16xi32>
      %select_n3A_1000 = arith.select %lt3A_996, %add3A_999, %and3A_20 : vector<16xi1>, vector<16xi32>
      %broadcast_in_dim3A_1001 = vector.shape_cast %select_n3A_1000 : vector<16xi32> to vector<16x1xi32>
      %gather3A_1002 = vector.shape_cast %broadcast_in_dim3A_1001 : vector<16x1xi32> to vector<16xi32>
      %gather3A_1003 = tpu.dynamic_gather %min3A_972[%gather3A_1002] in [0] : vector<16xf32>, vector<16xi32> -> vector<16xf32>
      %lt3A_1004 = arith.constant 0 : i32
      %lt3A_1005 = vector.broadcast %lt3A_1004 : i32 to vector<16xi32>
      %lt3A_1006 = arith.cmpi slt, %and3A_20, %lt3A_1005 : vector<16xi32>
      %add3A_1007 = arith.constant 16 : i32
      %add3A_1008 = vector.broadcast %add3A_1007 : i32 to vector<16xi32>
      %add3A_1009 = arith.addi %and3A_20, %add3A_1008 : vector<16xi32>
      %select_n3A_1010 = arith.select %lt3A_1006, %add3A_1009, %and3A_20 : vector<16xi1>, vector<16xi32>
      %broadcast_in_dim3A_1011 = vector.shape_cast %select_n3A_1010 : vector<16xi32> to vector<16x1xi32>
      %gather3A_1012 = vector.shape_cast %broadcast_in_dim3A_1011 : vector<16x1xi32> to vector<16xi32>
      %gather3A_1013 = tpu.dynamic_gather %max3A_973[%gather3A_1012] in [0] : vector<16xf32>, vector<16xi32> -> vector<16xf32>
      %min3A_1014 = arith.minimumf %min3A_968, %gather3A_983 : vector<16xf32>
      %max3A_1015 = arith.maximumf %min3A_968, %gather3A_983 : vector<16xf32>
      %min3A_1016 = arith.minimumf %min3A_970, %max3A_1015 : vector<16xf32>
      %max3A_1017 = arith.maximumf %min3A_970, %max3A_1015 : vector<16xf32>
      %min3A_1018 = arith.minimumf %min3A_972, %max3A_1017 : vector<16xf32>
      %min3A_1019 = arith.minimumf %min3A_1014, %gather3A_993 : vector<16xf32>
      %max3A_1020 = arith.maximumf %min3A_1014, %gather3A_993 : vector<16xf32>
      %min3A_1021 = arith.minimumf %min3A_1016, %max3A_1020 : vector<16xf32>
      %max3A_1022 = arith.maximumf %min3A_1016, %max3A_1020 : vector<16xf32>
      %min3A_1023 = arith.minimumf %min3A_1018, %max3A_1022 : vector<16xf32>
      %min3A_1024 = arith.minimumf %min3A_1019, %gather3A_1003 : vector<16xf32>
      %max3A_1025 = arith.maximumf %min3A_1019, %gather3A_1003 : vector<16xf32>
      %min3A_1026 = arith.minimumf %min3A_1021, %max3A_1025 : vector<16xf32>
      %max3A_1027 = arith.maximumf %min3A_1021, %max3A_1025 : vector<16xf32>
      %min3A_1028 = arith.minimumf %min3A_1023, %max3A_1027 : vector<16xf32>
      %max3A_1029 = arith.maximumf %max3A_973, %gather3A_1013 : vector<16xf32>
      %lt3A_1030 = arith.constant 0 : i32
      %lt3A_1031 = vector.broadcast %lt3A_1030 : i32 to vector<16xi32>
      %lt3A_1032 = arith.cmpi slt, %and3A_26, %lt3A_1031 : vector<16xi32>
      %add3A_1033 = arith.constant 16 : i32
      %add3A_1034 = vector.broadcast %add3A_1033 : i32 to vector<16xi32>
      %add3A_1035 = arith.addi %and3A_26, %add3A_1034 : vector<16xi32>
      %select_n3A_1036 = arith.select %lt3A_1032, %add3A_1035, %and3A_26 : vector<16xi1>, vector<16xi32>
      %broadcast_in_dim3A_1037 = vector.shape_cast %select_n3A_1036 : vector<16xi32> to vector<16x1xi32>
      %gather3A_1038 = vector.shape_cast %broadcast_in_dim3A_1037 : vector<16x1xi32> to vector<16xi32>
      %gather3A_1039 = tpu.dynamic_gather %min3A_1024[%gather3A_1038] in [0] : vector<16xf32>, vector<16xi32> -> vector<16xf32>
      %lt3A_1040 = arith.constant 0 : i32
      %lt3A_1041 = vector.broadcast %lt3A_1040 : i32 to vector<16xi32>
      %lt3A_1042 = arith.cmpi slt, %and3A_26, %lt3A_1041 : vector<16xi32>
      %add3A_1043 = arith.constant 16 : i32
      %add3A_1044 = vector.broadcast %add3A_1043 : i32 to vector<16xi32>
      %add3A_1045 = arith.addi %and3A_26, %add3A_1044 : vector<16xi32>
      %select_n3A_1046 = arith.select %lt3A_1042, %add3A_1045, %and3A_26 : vector<16xi1>, vector<16xi32>
      %broadcast_in_dim3A_1047 = vector.shape_cast %select_n3A_1046 : vector<16xi32> to vector<16x1xi32>
      %gather3A_1048 = vector.shape_cast %broadcast_in_dim3A_1047 : vector<16x1xi32> to vector<16xi32>
      %gather3A_1049 = tpu.dynamic_gather %min3A_1026[%gather3A_1048] in [0] : vector<16xf32>, vector<16xi32> -> vector<16xf32>
      %lt3A_1050 = arith.constant 0 : i32
      %lt3A_1051 = vector.broadcast %lt3A_1050 : i32 to vector<16xi32>
      %lt3A_1052 = arith.cmpi slt, %and3A_26, %lt3A_1051 : vector<16xi32>
      %add3A_1053 = arith.constant 16 : i32
      %add3A_1054 = vector.broadcast %add3A_1053 : i32 to vector<16xi32>
      %add3A_1055 = arith.addi %and3A_26, %add3A_1054 : vector<16xi32>
      %select_n3A_1056 = arith.select %lt3A_1052, %add3A_1055, %and3A_26 : vector<16xi1>, vector<16xi32>
      %broadcast_in_dim3A_1057 = vector.shape_cast %select_n3A_1056 : vector<16xi32> to vector<16x1xi32>
      %gather3A_1058 = vector.shape_cast %broadcast_in_dim3A_1057 : vector<16x1xi32> to vector<16xi32>
      %gather3A_1059 = tpu.dynamic_gather %min3A_1028[%gather3A_1058] in [0] : vector<16xf32>, vector<16xi32> -> vector<16xf32>
      %lt3A_1060 = arith.constant 0 : i32
      %lt3A_1061 = vector.broadcast %lt3A_1060 : i32 to vector<16xi32>
      %lt3A_1062 = arith.cmpi slt, %and3A_26, %lt3A_1061 : vector<16xi32>
      %add3A_1063 = arith.constant 16 : i32
      %add3A_1064 = vector.broadcast %add3A_1063 : i32 to vector<16xi32>
      %add3A_1065 = arith.addi %and3A_26, %add3A_1064 : vector<16xi32>
      %select_n3A_1066 = arith.select %lt3A_1062, %add3A_1065, %and3A_26 : vector<16xi1>, vector<16xi32>
      %broadcast_in_dim3A_1067 = vector.shape_cast %select_n3A_1066 : vector<16xi32> to vector<16x1xi32>
      %gather3A_1068 = vector.shape_cast %broadcast_in_dim3A_1067 : vector<16x1xi32> to vector<16xi32>
      %gather3A_1069 = tpu.dynamic_gather %max3A_1029[%gather3A_1068] in [0] : vector<16xf32>, vector<16xi32> -> vector<16xf32>
      %min3A_1070 = arith.minimumf %min3A_1024, %gather3A_1039 : vector<16xf32>
      %max3A_1071 = arith.maximumf %min3A_1024, %gather3A_1039 : vector<16xf32>
      %min3A_1072 = arith.minimumf %min3A_1026, %max3A_1071 : vector<16xf32>
      %max3A_1073 = arith.maximumf %min3A_1026, %max3A_1071 : vector<16xf32>
      %min3A_1074 = arith.minimumf %min3A_1028, %max3A_1073 : vector<16xf32>
      %min3A_1075 = arith.minimumf %min3A_1070, %gather3A_1049 : vector<16xf32>
      %max3A_1076 = arith.maximumf %min3A_1070, %gather3A_1049 : vector<16xf32>
      %min3A_1077 = arith.minimumf %min3A_1072, %max3A_1076 : vector<16xf32>
      %max3A_1078 = arith.maximumf %min3A_1072, %max3A_1076 : vector<16xf32>
      %min3A_1079 = arith.minimumf %min3A_1074, %max3A_1078 : vector<16xf32>
      %min3A_1080 = arith.minimumf %min3A_1075, %gather3A_1059 : vector<16xf32>
      %max3A_1081 = arith.maximumf %min3A_1075, %gather3A_1059 : vector<16xf32>
      %min3A_1082 = arith.minimumf %min3A_1077, %max3A_1081 : vector<16xf32>
      %max3A_1083 = arith.maximumf %min3A_1077, %max3A_1081 : vector<16xf32>
      %min3A_1084 = arith.minimumf %min3A_1079, %max3A_1083 : vector<16xf32>
      %max3A_1085 = arith.maximumf %max3A_1029, %gather3A_1069 : vector<16xf32>
      %div3A = arith.divf %min3A_1082, %min3A_1084 : vector<16xf32>
      %lt3A_1086 = arith.constant 6.000000e-01 : f32
      %lt3A_1087 = vector.broadcast %lt3A_1086 : f32 to vector<16xf32>
      %lt3A_1088 = arith.cmpf olt, %div3A, %lt3A_1087 : vector<16xf32>
      %exp3A = math.exp %min3A_1082 : vector<16xf32>
      %add3A_1089 = arith.constant 1.000000e+00 : f32
      %add3A_1090 = vector.broadcast %add3A_1089 : f32 to vector<16xf32>
      %add3A_1091 = arith.addf %add3A_1090, %exp3A : vector<16xf32>
      %div3A_1092 = arith.constant 2.000000e+00 : f32
      %div3A_1093 = vector.broadcast %div3A_1092 : f32 to vector<16xf32>
      %div3A_1094 = arith.divf %div3A_1093, %add3A_1091 : vector<16xf32>
      %exp3A_1095 = math.exp %max3A_1085 : vector<16xf32>
      %mul3A_1096 = arith.constant 2.000000e+00 : f32
      %mul3A_1097 = vector.broadcast %mul3A_1096 : f32 to vector<16xf32>
      %mul3A_1098 = arith.mulf %mul3A_1097, %exp3A_1095 : vector<16xf32>
      %add3A_1099 = arith.constant 1.000000e+00 : f32
      %add3A_1100 = vector.broadcast %add3A_1099 : f32 to vector<16xf32>
      %add3A_1101 = arith.addf %add3A_1100, %mul3A_1098 : vector<16xf32>
      %div3A_1102 = arith.constant 2.000000e+00 : f32
      %div3A_1103 = vector.broadcast %div3A_1102 : f32 to vector<16xf32>
      %div3A_1104 = arith.divf %div3A_1103, %add3A_1101 : vector<16xf32>
      %select_n3A_1105 = arith.select %lt3A_1088, %div3A_1094, %div3A_1104 : vector<16xi1>, vector<16xf32>
      %eq3A = vector.broadcast %scan3A_398 : i32 to vector<16xi32>
      %eq3A_1106 = arith.cmpi eq, %iota3A, %eq3A : vector<16xi32>
      %select_n3A_1107 = arith.select %eq3A_1106, %select_n3A_1105, %scan3A_399 : vector<16xi1>, vector<16xf32>
      scf.yield %select_n3A_1107 : vector<16xf32>
    }
    %scan3A_315 = arith.constant 16 : i32
    %swap3A_316 = arith.constant 4 : i32
    %swap3A_317 = arith.index_cast %swap3A_316 : i32 to index
    %swap3A_318 = arith.constant 0 : index
    %swap3A_319 = tpu.vector_load %arg5[%swap3A_317, %swap3A_318] {strides = array<i32>} : memref<5x16xf32, #tpu.memory_space<vmem>>, vector<16xf32>,
    tpu.vector_store %arg5[%swap3A_317, %swap3A_318], %scan3A_314 {strides = array<i32>} : memref<5x16xf32, #tpu.memory_space<vmem>>, vector<16xf32>,
    %dma_start3A_320 = arith.constant 4 : i32
    %dma_start3A_321 = arith.constant 0 : i32
    %dma_start3A_322 = tpu.memref_slice %arg5[%dma_start3A_320, %dma_start3A_321] : memref<5x16xf32, #tpu.memory_space<vmem>> -> memref<1x16xf32, #tpu.memory_space<vmem>>
    %dma_start3A_323 = tpu.memref_squeeze %dma_start3A_322 : memref<1x16xf32, #tpu.memory_space<vmem>> -> memref<16xf32, #tpu.memory_space<vmem>>
    %dma_start3A_324 = arith.constant 0 : i32
    %dma_start3A_325 = tpu.memref_slice %arg3[%add3A_291, %dma_start3A_324] : memref<144x16xf32, #tpu.memory_space<hbm>> -> memref<1x16xf32, #tpu.memory_space<hbm>>
    %dma_start3A_326 = tpu.memref_squeeze %dma_start3A_325 : memref<1x16xf32, #tpu.memory_space<hbm>> -> memref<16xf32, #tpu.memory_space<hbm>>
    %dma_start3A_327 = arith.constant 0 : i32
    %dma_start3A_328 = tpu.memref_slice %arg3[%add3A_291, %dma_start3A_327] : memref<144x16xf32, #tpu.memory_space<hbm>> -> memref<1x16xf32, #tpu.memory_space<hbm>>
    %dma_start3A_329 = tpu.memref_squeeze %dma_start3A_328 : memref<1x16xf32, #tpu.memory_space<hbm>> -> memref<16xf32, #tpu.memory_space<hbm>>
    %dma_start3A_330 = arith.constant 0 : i32
    %dma_start3A_331 = tpu.memref_slice %arg5[%dma_start3A_320, %dma_start3A_330] : memref<5x16xf32, #tpu.memory_space<vmem>> -> memref<1x16xf32, #tpu.memory_space<vmem>>
    %dma_start3A_332 = tpu.memref_squeeze %dma_start3A_331 : memref<1x16xf32, #tpu.memory_space<vmem>> -> memref<16xf32, #tpu.memory_space<vmem>>
    tpu.enqueue_dma source(%dma_start3A_332 : memref<16xf32, #tpu.memory_space<vmem>>) target(%dma_start3A_329 : memref<16xf32, #tpu.memory_space<hbm>>) target_semaphore(%arg8 : memref<!tpu.dma_semaphore, #tpu.memory_space<semaphore_mem>>)
    %dma_wait3A_333 = arith.constant 0 : i32
    %dma_wait3A_334 = arith.constant 0 : i32
    %dma_wait3A_335 = tpu.memref_slice %arg5[%dma_wait3A_333, %dma_wait3A_334] : memref<5x16xf32, #tpu.memory_space<vmem>> -> memref<1x16xf32, #tpu.memory_space<vmem>>
    %dma_wait3A_336 = tpu.memref_squeeze %dma_wait3A_335 : memref<1x16xf32, #tpu.memory_space<vmem>> -> memref<16xf32, #tpu.memory_space<vmem>>
    %dma_wait3A_337 = arith.constant 0 : i32
    %dma_wait3A_338 = tpu.memref_slice %arg3[%add3A_46, %dma_wait3A_337] : memref<144x16xf32, #tpu.memory_space<hbm>> -> memref<1x16xf32, #tpu.memory_space<hbm>>
    %dma_wait3A_339 = tpu.memref_squeeze %dma_wait3A_338 : memref<1x16xf32, #tpu.memory_space<hbm>> -> memref<16xf32, #tpu.memory_space<hbm>>
    %dma_wait3A_340 = arith.constant 0 : i32
    %dma_wait3A_341 = tpu.memref_slice %arg3[%add3A_46, %dma_wait3A_340] : memref<144x16xf32, #tpu.memory_space<hbm>> -> memref<1x16xf32, #tpu.memory_space<hbm>>
    %dma_wait3A_342 = tpu.memref_squeeze %dma_wait3A_341 : memref<1x16xf32, #tpu.memory_space<hbm>> -> memref<16xf32, #tpu.memory_space<hbm>>
    %dma_wait3A_343 = arith.constant 0 : i32
    %dma_wait3A_344 = tpu.memref_slice %arg5[%dma_wait3A_333, %dma_wait3A_343] : memref<5x16xf32, #tpu.memory_space<vmem>> -> memref<1x16xf32, #tpu.memory_space<vmem>>
    %dma_wait3A_345 = tpu.memref_squeeze %dma_wait3A_344 : memref<1x16xf32, #tpu.memory_space<vmem>> -> memref<16xf32, #tpu.memory_space<vmem>>
    tpu.wait_dma2 semaphore(%arg8 : memref<!tpu.dma_semaphore, #tpu.memory_space<semaphore_mem>>) src(%dma_wait3A_345 : memref<16xf32, #tpu.memory_space<vmem>>) dst(%dma_wait3A_342 : memref<16xf32, #tpu.memory_space<hbm>>)
    %dma_wait3A_346 = arith.constant 1 : i32
    %dma_wait3A_347 = arith.constant 0 : i32
    %dma_wait3A_348 = tpu.memref_slice %arg5[%dma_wait3A_346, %dma_wait3A_347] : memref<5x16xf32, #tpu.memory_space<vmem>> -> memref<1x16xf32, #tpu.memory_space<vmem>>
    %dma_wait3A_349 = tpu.memref_squeeze %dma_wait3A_348 : memref<1x16xf32, #tpu.memory_space<vmem>> -> memref<16xf32, #tpu.memory_space<vmem>>
    %dma_wait3A_350 = arith.constant 0 : i32
    %dma_wait3A_351 = tpu.memref_slice %arg3[%add3A_105, %dma_wait3A_350] : memref<144x16xf32, #tpu.memory_space<hbm>> -> memref<1x16xf32, #tpu.memory_space<hbm>>
    %dma_wait3A_352 = tpu.memref_squeeze %dma_wait3A_351 : memref<1x16xf32, #tpu.memory_space<hbm>> -> memref<16xf32, #tpu.memory_space<hbm>>
    %dma_wait3A_353 = arith.constant 0 : i32
    %dma_wait3A_354 = tpu.memref_slice %arg3[%add3A_105, %dma_wait3A_353] : memref<144x16xf32, #tpu.memory_space<hbm>> -> memref<1x16xf32, #tpu.memory_space<hbm>>
    %dma_wait3A_355 = tpu.memref_squeeze %dma_wait3A_354 : memref<1x16xf32, #tpu.memory_space<hbm>> -> memref<16xf32, #tpu.memory_space<hbm>>
    %dma_wait3A_356 = arith.constant 0 : i32
    %dma_wait3A_357 = tpu.memref_slice %arg5[%dma_wait3A_346, %dma_wait3A_356] : memref<5x16xf32, #tpu.memory_space<vmem>> -> memref<1x16xf32, #tpu.memory_space<vmem>>
    %dma_wait3A_358 = tpu.memref_squeeze %dma_wait3A_357 : memref<1x16xf32, #tpu.memory_space<vmem>> -> memref<16xf32, #tpu.memory_space<vmem>>
    tpu.wait_dma2 semaphore(%arg8 : memref<!tpu.dma_semaphore, #tpu.memory_space<semaphore_mem>>) src(%dma_wait3A_358 : memref<16xf32, #tpu.memory_space<vmem>>) dst(%dma_wait3A_355 : memref<16xf32, #tpu.memory_space<hbm>>)
    %dma_wait3A_359 = arith.constant 2 : i32
    %dma_wait3A_360 = arith.constant 0 : i32
    %dma_wait3A_361 = tpu.memref_slice %arg5[%dma_wait3A_359, %dma_wait3A_360] : memref<5x16xf32, #tpu.memory_space<vmem>> -> memref<1x16xf32, #tpu.memory_space<vmem>>
    %dma_wait3A_362 = tpu.memref_squeeze %dma_wait3A_361 : memref<1x16xf32, #tpu.memory_space<vmem>> -> memref<16xf32, #tpu.memory_space<vmem>>
    %dma_wait3A_363 = arith.constant 0 : i32
    %dma_wait3A_364 = tpu.memref_slice %arg3[%add3A_167, %dma_wait3A_363] : memref<144x16xf32, #tpu.memory_space<hbm>> -> memref<1x16xf32, #tpu.memory_space<hbm>>
    %dma_wait3A_365 = tpu.memref_squeeze %dma_wait3A_364 : memref<1x16xf32, #tpu.memory_space<hbm>> -> memref<16xf32, #tpu.memory_space<hbm>>
    %dma_wait3A_366 = arith.constant 0 : i32
    %dma_wait3A_367 = tpu.memref_slice %arg3[%add3A_167, %dma_wait3A_366] : memref<144x16xf32, #tpu.memory_space<hbm>> -> memref<1x16xf32, #tpu.memory_space<hbm>>
    %dma_wait3A_368 = tpu.memref_squeeze %dma_wait3A_367 : memref<1x16xf32, #tpu.memory_space<hbm>> -> memref<16xf32, #tpu.memory_space<hbm>>
    %dma_wait3A_369 = arith.constant 0 : i32
    %dma_wait3A_370 = tpu.memref_slice %arg5[%dma_wait3A_359, %dma_wait3A_369] : memref<5x16xf32, #tpu.memory_space<vmem>> -> memref<1x16xf32, #tpu.memory_space<vmem>>
    %dma_wait3A_371 = tpu.memref_squeeze %dma_wait3A_370 : memref<1x16xf32, #tpu.memory_space<vmem>> -> memref<16xf32, #tpu.memory_space<vmem>>
    tpu.wait_dma2 semaphore(%arg8 : memref<!tpu.dma_semaphore, #tpu.memory_space<semaphore_mem>>) src(%dma_wait3A_371 : memref<16xf32, #tpu.memory_space<vmem>>) dst(%dma_wait3A_368 : memref<16xf32, #tpu.memory_space<hbm>>)
    %dma_wait3A_372 = arith.constant 3 : i32
    %dma_wait3A_373 = arith.constant 0 : i32
    %dma_wait3A_374 = tpu.memref_slice %arg5[%dma_wait3A_372, %dma_wait3A_373] : memref<5x16xf32, #tpu.memory_space<vmem>> -> memref<1x16xf32, #tpu.memory_space<vmem>>
    %dma_wait3A_375 = tpu.memref_squeeze %dma_wait3A_374 : memref<1x16xf32, #tpu.memory_space<vmem>> -> memref<16xf32, #tpu.memory_space<vmem>>
    %dma_wait3A_376 = arith.constant 0 : i32
    %dma_wait3A_377 = tpu.memref_slice %arg3[%add3A_229, %dma_wait3A_376] : memref<144x16xf32, #tpu.memory_space<hbm>> -> memref<1x16xf32, #tpu.memory_space<hbm>>
    %dma_wait3A_378 = tpu.memref_squeeze %dma_wait3A_377 : memref<1x16xf32, #tpu.memory_space<hbm>> -> memref<16xf32, #tpu.memory_space<hbm>>
    %dma_wait3A_379 = arith.constant 0 : i32
    %dma_wait3A_380 = tpu.memref_slice %arg3[%add3A_229, %dma_wait3A_379] : memref<144x16xf32, #tpu.memory_space<hbm>> -> memref<1x16xf32, #tpu.memory_space<hbm>>
    %dma_wait3A_381 = tpu.memref_squeeze %dma_wait3A_380 : memref<1x16xf32, #tpu.memory_space<hbm>> -> memref<16xf32, #tpu.memory_space<hbm>>
    %dma_wait3A_382 = arith.constant 0 : i32
    %dma_wait3A_383 = tpu.memref_slice %arg5[%dma_wait3A_372, %dma_wait3A_382] : memref<5x16xf32, #tpu.memory_space<vmem>> -> memref<1x16xf32, #tpu.memory_space<vmem>>
    %dma_wait3A_384 = tpu.memref_squeeze %dma_wait3A_383 : memref<1x16xf32, #tpu.memory_space<vmem>> -> memref<16xf32, #tpu.memory_space<vmem>>
    tpu.wait_dma2 semaphore(%arg8 : memref<!tpu.dma_semaphore, #tpu.memory_space<semaphore_mem>>) src(%dma_wait3A_384 : memref<16xf32, #tpu.memory_space<vmem>>) dst(%dma_wait3A_381 : memref<16xf32, #tpu.memory_space<hbm>>)
    %dma_wait3A_385 = arith.constant 4 : i32
    %dma_wait3A_386 = arith.constant 0 : i32
    %dma_wait3A_387 = tpu.memref_slice %arg5[%dma_wait3A_385, %dma_wait3A_386] : memref<5x16xf32, #tpu.memory_space<vmem>> -> memref<1x16xf32, #tpu.memory_space<vmem>>
    %dma_wait3A_388 = tpu.memref_squeeze %dma_wait3A_387 : memref<1x16xf32, #tpu.memory_space<vmem>> -> memref<16xf32, #tpu.memory_space<vmem>>
    %dma_wait3A_389 = arith.constant 0 : i32
    %dma_wait3A_390 = tpu.memref_slice %arg3[%add3A_291, %dma_wait3A_389] : memref<144x16xf32, #tpu.memory_space<hbm>> -> memref<1x16xf32, #tpu.memory_space<hbm>>
    %dma_wait3A_391 = tpu.memref_squeeze %dma_wait3A_390 : memref<1x16xf32, #tpu.memory_space<hbm>> -> memref<16xf32, #tpu.memory_space<hbm>>
    %dma_wait3A_392 = arith.constant 0 : i32
    %dma_wait3A_393 = tpu.memref_slice %arg3[%add3A_291, %dma_wait3A_392] : memref<144x16xf32, #tpu.memory_space<hbm>> -> memref<1x16xf32, #tpu.memory_space<hbm>>
    %dma_wait3A_394 = tpu.memref_squeeze %dma_wait3A_393 : memref<1x16xf32, #tpu.memory_space<hbm>> -> memref<16xf32, #tpu.memory_space<hbm>>
    %dma_wait3A_395 = arith.constant 0 : i32
    %dma_wait3A_396 = tpu.memref_slice %arg5[%dma_wait3A_385, %dma_wait3A_395] : memref<5x16xf32, #tpu.memory_space<vmem>> -> memref<1x16xf32, #tpu.memory_space<vmem>>
    %dma_wait3A_397 = tpu.memref_squeeze %dma_wait3A_396 : memref<1x16xf32, #tpu.memory_space<vmem>> -> memref<16xf32, #tpu.memory_space<vmem>>
    tpu.wait_dma2 semaphore(%arg8 : memref<!tpu.dma_semaphore, #tpu.memory_space<semaphore_mem>>) src(%dma_wait3A_397 : memref<16xf32, #tpu.memory_space<vmem>>) dst(%dma_wait3A_394 : memref<16xf32, #tpu.memory_space<hbm>>)
    return
  }
}

module attributes {stable_mosaic.version = 14 : i64} {
  func.func @_dist_body(%arg0: i32, %arg1: memref<1x576x384xf32, #tpu.memory_space<vmem>>, %arg2: memref<1x576x576xf32, #tpu.memory_space<vmem>>) attributes {dimension_semantics = [#tpu.dimension_semantics<arbitrary>], iteration_bounds = array<i64: 4>, scalar_prefetch = 0 : i64, scratch_operands = 0 : i64, tpu.core_type = #tpu.core_type<tc>, window_params = [{transform_indices = @transform_0, window_bounds = array<i64: 1, 576, 384>}, {transform_indices = @transform_1, window_bounds = array<i64: 1, 576, 576>}]} {
    %get3A = arith.constant 0 : index
    %get3A_0 = arith.constant 0 : index
    %get3A_1 = arith.constant 0 : index
    %get3A_2 = vector.load %arg1[%get3A, %get3A_0, %get3A_1] : memref<1x576x384xf32, #tpu.memory_space<vmem>>, vector<1x576x384xf32>
    %get3A_3 = vector.shape_cast %get3A_2 : vector<1x576x384xf32> to vector<576x384xf32>
    %mul3A = arith.mulf %get3A_3, %get3A_3 : vector<576x384xf32>
    %reduce_sum3A = arith.constant dense<0.000000e+00> : vector<576xf32>
    %reduce_sum3A_4 = vector.multi_reduction <add>, %mul3A, %reduce_sum3A [1] : vector<576x384xf32> to vector<576xf32>
    %broadcast_in_dim3A = vector.shape_cast %reduce_sum3A_4 : vector<576xf32> to vector<576x1xf32>
    %dot_general3A = arith.constant dense<0.000000e+00> : vector<576x576xf32>
    %dot_general3A_5 = tpu.matmul %get3A_3, %get3A_3, %dot_general3A {dimension_numbers = #tpu.dot_dimension_numbers<[1], [1], [0], [0], [0, 0, 1, 0], [], []>, transpose_lhs_hint = false} : vector<576x384xf32>, vector<576x384xf32>, vector<576x576xf32> -> vector<576x576xf32>
    %transpose3A = tpu.transpose %broadcast_in_dim3A, [1, 0] : vector<576x1xf32> -> vector<1x576xf32>
    %add3A = vector.broadcast %broadcast_in_dim3A : vector<576x1xf32> to vector<576x576xf32>
    %add3A_6 = vector.broadcast %transpose3A : vector<1x576xf32> to vector<576x576xf32>
    %add3A_7 = arith.addf %add3A, %add3A_6 : vector<576x576xf32>
    %mul3A_8 = arith.constant 2.000000e+00 : f32
    %mul3A_9 = vector.broadcast %mul3A_8 : f32 to vector<576x576xf32>
    %mul3A_10 = arith.mulf %mul3A_9, %dot_general3A_5 : vector<576x576xf32>
    %sub3A = arith.subf %add3A_7, %mul3A_10 : vector<576x576xf32>
    %max3A = arith.constant 9.99999996E-13 : f32
    %max3A_11 = vector.broadcast %max3A : f32 to vector<576x576xf32>
    %max3A_12 = arith.maximumf %sub3A, %max3A_11 : vector<576x576xf32>
    %sqrt3A = math.sqrt %max3A_12 : vector<576x576xf32>
    %swap3A = arith.constant 0 : index
    %swap3A_13 = arith.constant 0 : index
    %swap3A_14 = arith.constant 0 : index
    %swap3A_15 = vector.load %arg2[%swap3A, %swap3A_13, %swap3A_14] : memref<1x576x576xf32, #tpu.memory_space<vmem>>, vector<1x576x576xf32>
    %swap3A_16 = vector.shape_cast %swap3A_15 : vector<1x576x576xf32> to vector<576x576xf32>
    %swap3A_17 = vector.shape_cast %sqrt3A : vector<576x576xf32> to vector<1x576x576xf32>
    tpu.vector_store %arg2[%swap3A, %swap3A_13, %swap3A_14], %swap3A_17 {strides = array<i32>} : memref<1x576x576xf32, #tpu.memory_space<vmem>>, vector<1x576x576xf32>,
    return
  }
  func.func @transform_0(%arg0: i32) -> (i32, i32, i32) {
    %c0_i32 = arith.constant 0 : i32
    %c0_i32_0 = arith.constant 0 : i32
    %c0_i32_1 = arith.constant 0 : i32
    return %arg0, %c0_i32, %c0_i32_0 : i32, i32, i32
  }
  func.func @transform_1(%arg0: i32) -> (i32, i32, i32) {
    %c0_i32 = arith.constant 0 : i32
    %c0_i32_0 = arith.constant 0 : i32
    %c0_i32_1 = arith.constant 0 : i32
    return %arg0, %c0_i32, %c0_i32_0 : i32, i32, i32
  }
}

</mosaic_0001>

<sc_bundles>
// kernel: kernel.4.cloned.1.call-start
scs
__scs_entry_jumppad:
0x0: {  	(pc) =	sbr.rel $0x88, $3  }
0x1: {  	(tag) =	ssettag $0x0;
	lr =	simm.s32 $0x1  }
0x2: {  	[smem:$0x3FA0] =	sst lr;
	_ =	strace $0xD0000000  }
0x3: {  	_ = 	snop  }
0x4: {  	_ = 	snop  }
0x5: {  	_ = 	snop  }
0x6: {  	_ = 	snop  }
0x7: {  	_ = 	snop  }
__scs_overlays_trampoline_lowered:
0x8: {  	[smem:$0x3FAF] =	sst s0  }
0x9: {  	[smem:$0x3FB0] =	sst s1  }
0xa: {  	[smem:$0x3FB1] =	sst s2  }
0xb: {  	[smem:$0x3FB2] =	sst s3  }
0xc: {  	[smem:$0x3FB3] =	sst s4  }
0xd: {  	[smem:$0x3FB4] =	sst s5  }
0xe: {  	[smem:$0x3FB5] =	sst s6  }
0xf: {  	[smem:$0x3FB6] =	sst s7  }
0x10: {  	[smem:$0x3FB7] =	sst s8  }
0x11: {  	[smem:$0x3FB8] =	sst s9;
	s0 =	simm.s32 @!p0 $0x0  }
0x12: {  	s1 =	sld [smem:$0x3F9E];
	s0 =	simm.s32 @p0 $0x1  }
0x13: {  	[smem:$0x3FB9] =	sst s0;
	s0 =	simm.s32 @!p1 $0x0  }
0x14: {  	s2 =	sld [smem:$0x3F9D];
	s0 =	simm.s32 @p1 $0x1  }
0x15: {  	[smem:$0x3FBA] =	sst s0;
	s0 =	simm.s32 @!p2 $0x0  }
0x16: {  	s3 =	sld [smem:$0x3FDB];
	s0 =	simm.s32 @p2 $0x1  }
0x17: {  	s4 =	simm.s32 $0x1BF5;
	[smem:$0x3FBC] =	sst s0  }
0x18: {  	s0 =	sld [smem:$0x3F9F];
	_ =	swait.ge [sflag:s4], $0x0  }
0x19: {  	s7 =	sld [smem:$0x3FA0]  }
0x1a: {  	s8 =	sadd.s32 $0xFFFFE003, lr  }
0x1b: {  	s9 =	sadd.s32 $0xFFFFFEF7, lr;
	s5 =	simm.s32 $0xFFFFFFFF;
	p2 =	slt.u32 s8, $0xFFFFF086  }
0x1c: {  	p1 =	slt.u32 s9, $0xF7A;
	s5 =	simm.s32 @!p2 $0x0  }
0x1d: {  	s5 =	simm.s32 @p1 $0x1;
	p0 =	seq.s32 s7, s2  }
0x1e: {  	s7 =	smul.u32 @!p0 $0xF7A, s2;
	p2 =	seq.s32 @!p0 s5, $0x0  }
0x1f: {  	s9 =	smul.u32 $0xF7A, s1;
	s8 =	simm.s32 @!p0 $0x1BF5;
	p2 =	por !p2, p0  }
0x20: {  	[sflag:s8] =	ssyncset.s32 @!p0 $0xFFFFF086;
	s6 =	sadd.s32 @!p0 s3, s7;
	s7 =	simm.s32 @!p0 $0x108  }
0x21: {  	s3 =	sadd.s32 s3, s9;
	s6 =	sadd.s32 @!p0 $0x88, s6;
	s7 =	simm.s32 @p2 $0x1082  }
0x22: {  	[simem:s7], [sflag:s8] =	dma.local @!p0 [hbm:s6], $0xF7A  }
0x23: {  	s9 =	sor.u32 $0xD0000000, s2;
	s6 =	simm.s32 $0x108;
	_ =	swait.ge @!p0 [sflag:s8], $0x0  }
0x24: {  	s3 =	sadd.s32 $0x88, s3;
	s6 =	simm.s32 @!p1 $0x1082;
	[sflag:s4] =	ssyncset.s32 $0xFFFFF086  }
0x25: {  	[simem:s6], [sflag:s4] =	dma.local [hbm:s3], $0xF7A  }
0x26: {  	[smem:$0x3FA0] =	sst s1;
	(tag) =	ssettag s2;
	_ =	strace s9  }
0x27: {  	s1 =	sld [smem:$0x3FB0]  }
0x28: {  	s2 =	sld [smem:$0x3FB1]  }
0x29: {  	s4 =	sld [smem:$0x3FB3]  }
0x2a: {  	p0 =	seq.s32 s5, $0x0;
	s5 =	sld [smem:$0x3FB4]  }
0x2b: {  	s6 =	sld [smem:$0x3FB5]  }
0x2c: {  	s7 =	sld [smem:$0x3FB6]  }
0x2d: {  	s3 =	simm.s32 $0x108;
	s8 =	sld [smem:$0x3FB7]  }
0x2e: {  	s3 =	simm.s32 @!p0 $0x1082;
	s9 =	sld [smem:$0x3FB8]  }
0x2f: {  	lr =	sadd.s32 s0, s3;
	s0 =	sld [smem:$0x3FAF]  }
0x30: {  	s3 =	sld [smem:$0x3FB2]  }
0x31: {  	[smem:$0x3FBB] =	sst s10  }
0x32: {  	s10 =	sld [smem:$0x3FB9];
	_ =	sdelay $0x3  }
0x33: {  	p0 =	seq.s32 s10, $0x1;
	s10 =	sld [smem:$0x3FBB];
	_ =	sdelay $0x3  }
0x34: {  	[smem:$0x3FBB] =	sst s10  }
0x35: {  	s10 =	sld [smem:$0x3FBA];
	_ =	sdelay $0x3  }
0x36: {  	p1 =	seq.s32 s10, $0x1;
	s10 =	sld [smem:$0x3FBB];
	_ =	sdelay $0x3  }
0x37: {  	[smem:$0x3FBB] =	sst s10  }
0x38: {  	s10 =	sld [smem:$0x3FBC]  }
0x39: {  	_ = 	snop;
	(pc) =	sbr.ind lr, $3  }
0x3a: {  	_ = 	snop  }
0x3b: {  	_ = 	snop  }
0x3c: {  	p2 =	seq.s32 s10, $0x1;
	s10 =	sld [smem:$0x3FBB]  }
0x3d: {  	_ =	shalt  }
0x3e: {  	_ =	shalt  }
0x3f: {  	_ =	shalt  }
0x40: {  	_ =	shalt  }
0x41: {  	_ =	shalt  }
0x42: {  	_ =	shalt  }
0x43: {  	_ =	shalt  }
0x44: {  	_ =	shalt  }
0x45: {  	_ =	shalt  }
0x46: {  	_ =	shalt  }
0x47: {  	_ =	shalt  }
0x48: {  	_ =	shalt  }
0x49: {  	_ =	shalt  }
0x4a: {  	_ =	shalt  }
0x4b: {  	_ =	shalt  }
0x4c: {  	_ =	shalt  }
0x4d: {  	_ =	shalt  }
0x4e: {  	_ =	shalt  }
0x4f: {  	_ =	shalt  }
0x50: {  	_ =	shalt  }
0x51: {  	_ =	shalt  }
0x52: {  	_ =	shalt  }
0x53: {  	_ =	shalt  }
0x54: {  	_ =	shalt  }
0x55: {  	_ =	shalt  }
0x56: {  	_ =	shalt  }
0x57: {  	_ =	shalt  }
0x58: {  	_ =	shalt  }
0x59: {  	_ =	shalt  }
0x5a: {  	_ =	shalt  }
0x5b: {  	_ =	shalt  }
0x5c: {  	_ =	shalt  }
0x5d: {  	_ =	shalt  }
0x5e: {  	_ =	shalt  }
0x5f: {  	_ =	shalt  }
0x60: {  	_ =	shalt  }
0x61: {  	_ =	shalt  }
0x62: {  	_ =	shalt  }
0x63: {  	_ =	shalt  }
0x64: {  	_ =	shalt  }
0x65: {  	_ =	shalt  }
0x66: {  	_ =	shalt  }
0x67: {  	_ =	shalt  }
0x68: {  	_ =	shalt  }
0x69: {  	_ =	shalt  }
0x6a: {  	_ =	shalt  }
0x6b: {  	_ =	shalt  }
0x6c: {  	_ =	shalt  }
0x6d: {  	_ =	shalt  }
0x6e: {  	_ =	shalt  }
0x6f: {  	_ =	shalt  }
0x70: {  	_ =	shalt  }
0x71: {  	_ =	shalt  }
0x72: {  	_ =	shalt  }
0x73: {  	_ =	shalt  }
0x74: {  	_ =	shalt  }
0x75: {  	_ =	shalt  }
0x76: {  	_ =	shalt  }
0x77: {  	_ =	shalt  }
0x78: {  	_ =	shalt  }
0x79: {  	_ =	shalt  }
0x7a: {  	_ =	shalt  }
0x7b: {  	_ =	shalt  }
0x7c: {  	_ =	shalt  }
0x7d: {  	_ =	shalt  }
0x7e: {  	_ =	shalt  }
0x7f: {  	_ =	shalt  }
0x80: {  	_ =	shalt  }
0x81: {  	_ =	shalt  }
0x82: {  	_ =	shalt  }
0x83: {  	_ =	shalt  }
0x84: {  	_ =	shalt  }
0x85: {  	_ =	shalt  }
0x86: {  	_ =	shalt  }
0x87: {  	_ =	shalt  }
.Lfunc_end0:
.L_simem_size_0:
called_computation_lowered:
.L_overlay_start_0:
0x88: {  	s2 =	sld [smem:$0x3FD9]  }
0x89: {  	s3 =	sld [smem:$0x3FFE];
	_ =	sdelay $0x1  }
0x8a: {  	s1 =	srdreg.scid  }
0x8b: {  	s0 =	sand.u32 $0x1, s1  }
0x8c: {  	s16 =	sshll.u32 s0, $0xA;
	s2 =	sadd.s32 s3, s2  }
0x8d: {  	s2 =	sadd.s32 s2, s16  }
0x8e: {  	[smem:$0x3FC7] =	sst s2  }
0x8f: {  	_ = 	snop  }
0x90: {  	(tm) =	ssettm $0x1  }
0x91: {  	s17 =	sld [smem:$0x3FFB];
	_ =	sdelay $0x3  }
0x92: {  	_ =	strace s17  }
0x93: {  	s2 =	sld [smem:$0x3FFC];
	_ =	sdelay $0x3  }
0x94: {  	_ =	strace s2  }
0x95: {  	s2 =	sld [smem:$0x3FFD];
	_ =	sdelay $0x3  }
0x96: {  	_ =	strace s2  }
0x97: {  	_ =	strace $0x8FFFFFFF  }
0x98: {  	s18 =	sld [smem:$0x3FDB];
	_ =	sdelay $0x1  }
0x99: {  	s19 =	simm.s32 $_scs_section_size  }
0x9a: {  	s4 =	simm.s32 $_size__tile_overlayer_lowered;
	s5 =	simm.s32 $_tile_overlayer_lowered  }
0x9b: {  	s22 =	simm.s32 $0x1BFF;
	s21 =	sshll.u32 s5, $0x1;
	s2 =	sadd.s32 s19, s18  }
0x9c: {  	s6 =	simm.s32 $0x0;
	s20 =	sshll.u32 s4, $0x1;
	s4 =	sadd.s32 s21, s2  }
0x9d: {  	[timem:s6], [sflag:s22] =	dma.local [hbm:s4], s20  }
0x9e: {  	_ =	swait.ge [sflag:s22], s20  }
0x9f: {  	s3 =	ssub.s32 $0x0, s20;
	[sflag:s22] =	ssyncset.done $0x0  }
0xa0: {  	[sflag:s22] =	ssyncadd.s32 s3;
	_ =	sdelay $0x1  }
0xa1: {  	s23 =	simm.s32 $0x1B8B  }
0xa2: {  	_ =	swait.ge [sflag:s23], $0x1  }
0xa3: {  	[sflag:s23] =	ssyncset.done $0x0  }
0xa4: {  	s25 =	simm.s32 $0x1B8E;
	s24 =	sld [smem:$0x3FFE];
	[sflag:s23] =	ssyncadd.s32 $0xFFFFFFFF  }
0xa5: {  	s26 =	simm.s32 $execute0_lowered;
	[smem:$0x3FD2] =	sst s25  }
0xa6: {  	s4 =	sshll.u32 s26, $0x1;
	_ =	strace $0x80000046;
	[dreg:$0x1] =	wrdreg $0xFFFFFFFF  }
0xa7: {  	s28 =	simm.s32 $_size_execute0_lowered;
	s2 =	sadd.s32 s2, s4;
	[dreg:$0x0] =	wrdreg $0x0  }
0xa8: {  	s4 =	sshll.u32 s28, $0x1;
	[dreg:$0x2] =	wrdreg s2  }
0xa9: {  	[dreg:$0x3] =	wrdreg s4  }
0xaa: {  	[dreg:$0x4] =	wrdreg $0xC0  }
0xab: {  	_ =	task [dreg:s6], $0x5FFFF  }
0xac: {  	[dreg:$0x1] =	wrdreg $0xFFFFFFFF  }
0xad: {  	[dreg:$0x0] =	wrdreg $0x60  }
0xae: {  	[dreg:$0x2] =	wrdreg s24  }
0xaf: {  	[dreg:$0x3] =	wrdreg $0x9  }
0xb0: {  	_ =	task.clear_ibuf [dreg:s6], $0x4FFFF;
	_ =	strace $0x90000046  }
0xb1: {  	s29 =	simm.s32 $0x9;
	_ =	strace $0x80000048  }
0xb2: {  	_ =	swait.ge [sflag:s29], $0x1  }
0xb3: {  	[sflag:s29] =	ssyncadd.s32 $0xFFFFFFFF  }
0xb4: {  	_ =	strace $0x90000048  }
0xb5: {  	_ =	sfence  }
0xb6: {  	s30 =	sld [smem:$0x0];
	_ =	sdelay $0x2  }
0xb7: {  	s31 =	sshll.u32 s1, $0xD;
	s1 =	sshrl.u32 s1, $0x2  }
0xb8: {  	s3 =	sand.u32 $0x4000, s31;
	s1 =	sadd.s32 s1, s30  }
0xb9: {  	s0 =	sor.u32 s3, s0;
	s1 =	sshll.u32 s1, $0x11  }
0xba: {  	s0 =	sor.u32 s1, s0  }
0xbb: {  	s0 =	sadd.s32 $0x8F2B, s0  }
0xbc: {  	[sflag:s0] =	ssyncadd.remote.s32 $0x1  }
0xbd: {  	_ =	sfence.sel $0xFFFF  }
0xbe: {  	[dreg:$0x0] =	wrdreg $0xFFFFFFFF;
	(pc) =	sbr.abs _section_cstart, $3  }
0xbf: {  	[dreg:$0x1] =	wrdreg $0xFFFFFFFF  }
0xc0: {  	_ =	task.clear_ibuf [dreg:s6], $0x2FFFF;
	_ =	strace $0x9FFFFFFF  }
0xc1: {  	(tm) =	ssettm $0x7FFFFFFF  }
tec
execute0_lowered:
.L_overlay_start_1:
0x0: {  	(tag) =	ssettag $0x1  }
0x1: {  	s3 =	rddreg [dreg:$0x0]  }
0x2: {  	s0 =	rddreg [dreg:$0x1]  }
0x3: {  	s2 =	simm.s32 $0x0;
	s4 =	srdreg.scid;
	s1 =	stileid.u32  }
0x4: {  	s16 =	simm.s32 $0x5000;
	s17 =	simm.s32 $0x2;
	s18 =	simm.s32 $0x5080  }
0x5: {  	s19 =	simm.s32 $0x5100;
	s20 =	simm.s32 $0x5180;
	s21 =	simm.s32 $0x5200  }
0x6: {  	s22 =	simm.s32 $0x3;
	s23 =	simm.s32 $0x0;
	[smem:$0x7FF] =	sst s2  }
0x7: {  	s4 =	sand.u32 $0x1, s4;
	s5 =	sshll.u32 s1, $0x1;
	s8 =	sadd.s32 $0x800, s3  }
0x8: {  	s12 =	sadd.s32 $0x2D800, s3;
	_ =	strace $0x80000047;
	s6 =	sor.u32 s4, s5  }
0x9: {  	s4 =	ssub.s32 $0x2, s4;
	s5 =	smul.u32 $0x500, s6;
	s7 =	sor.u32 $0x20, s6  }
0xa: {  	v0 =	vimm.s32 $0xFEDCBA98;
	v1 =	vimm.s32 $0x76543210;
	s24 =	sshrl.u32 s4, $0x1;
	s10 =	sshll.u32 s6, $0x7;
	s25 =	sor.u32 $0x40, s6  }
0xb: {  	v2 =	vimm.s32 $0x3210FEDC;
	v3 =	vimm.s32 $0xBA987654;
	s26 =	sshll.u32 s6, $0x4;
	s15 =	sor.u32 $0x60, s6;
	s9 =	smul.u32 $0x500, s7  }
0xc: {  	v4 =	vimm.s32 $0x10FEDCBA;
	v5 =	vimm.s32 $0x98765432;
	s13 =	ssub.s32 s4, s24;
	s11 =	sand.u32 $0x380, s10;
	s14 =	smul.u32 $0x500, s25  }
0xd: {  	v6 =	vimm.s32 $0xFEDCBA9;
	v7 =	vimm.s32 $0x87654321;
	s7 =	sshll.u32 s7, $0x7;
	s28 =	smul.u32 $0x500, s15;
	s15 =	sshll.u32 s15, $0x7  }
0xe: {  	v0 =	vunpack.c.l.s4.s8 v0;
	v1 =	vunpack.c.l.s4.s8 v1;
	v2 =	vunpack.c.l.s4.s8 v2;
	s10 =	sadd.s32 $0x3800, s10;
	s3 =	sadd.s32 s8, s5;
	s5 =	sadd.s32 s12, s26  }
0xf: {  	v3 =	vunpack.c.l.s4.s8 v3;
	v4 =	vunpack.c.l.s4.s8 v4;
	v5 =	vunpack.c.l.s4.s8 v5;
	s7 =	sand.u32 $0x1C00, s7;
	s15 =	sand.u32 $0x3C00, s15;
	s10 =	sand.u32 $0x7C00, s10  }
0x10: {  	v6 =	vunpack.c.l.s4.s8 v6;
	v7 =	vunpack.c.l.s4.s8 v7;
	v0 =	vunpack.c.0.s8.s32 v0;
	s13 =	smax.u32 s13, $0x1;
	s4 =	sadd.s32 s8, s9;
	s6 =	sadd.s32 s8, s14  }
0x11: {  	v2 =	vunpack.c.0.s8.s32 v2;
	v3 =	vunpack.c.0.s8.s32 v3;
	v4 =	vunpack.c.0.s8.s32 v4;
	s7 =	sor.u32 s11, s7;
	s9 =	sshll.u32 s25, $0x7;
	s8 =	sadd.s32 s8, s28  }
0x12: {  	v5 =	vunpack.c.0.s8.s32 v5;
	v6 =	vunpack.c.0.s8.s32 v6;
	v7 =	vunpack.c.0.s8.s32 v7;
	s29 =	sor.u32 s11, s15;
	s30 =	sor.u32 s11, s10;
	s10 =	sadd.s32 $0x23000, s3  }
0x13: {  	v1 =	vunpack.c.0.s8.s32 v1;
	v2 =	vcombine.low v3, v2;
	s15 =	simm.s32 $0x2800;
	s7 =	sshrl.u32 s7, $0x3;
	s9 =	sand.u32 $0x2C00, s9  }
0x14: {  	v3 =	vcombine.low v5, v4;
	v4 =	vcombine.low v7, v6;
	v0 =	vand.u32 $0xF, v0;
	s14 =	sshrl.u32 s29, $0x3;
	s31 =	sshrl.u32 s30, $0x3;
	s9 =	sor.u32 s11, s9  }
0x15: {  	v0 =	vcombine.low v0, v1;
	v1 =	vand.u32 $0xF, v2;
	s7 =	sadd.s32 s12, s7;
	s11 =	sadd.s32 s12, s14;
	s9 =	sshrl.u32 s9, $0x3  }
0x16: {  	v2 =	vand.u32 $0xF, v3;
	v3 =	vand.u32 $0xF, v4;
	v4 =	vlaneseq.u32;
	s14 =	simm.s32 $0x1;
	s9 =	sadd.s32 s12, s9;
	s12 =	sadd.s32 s12, s31  }
.LBB2_1:
0x17: {  	[tilespmem:s2], [sflag:$0x1] =	stream.linear.gather [hbm4b:s3+s2], $0x2800, $0x38;
	[tilespmem:$0x5400] =	vst v63  }
0x18: {  	s24 =	simm.s32 $0x0  }
0x19: {  	_ =	swait.ge [sflag:s14], $0x2800;
	s24 =	smul.u32 $0x5000, s24  }
0x1a: {  	[sflag:s14] =	ssyncset.done $0x0  }
0x1b: {  	s25 =	sand.u32 $0x380, s2;
	[sflag:s14] =	ssyncadd.s32 $0xFFFFD800;
	s24 =	sshra.s32 s24, $0x2  }
0x1c: {  	[tilespmem:s15], [sflag:$0x2] =	stream.linear.gather [hbm4b:s4+s2], $0x2800, $0x38;
	[tilespmem:$0x5400] =	vst v63  }
0x1d: {  	s25 =	sor.u32 s25, s24  }
0x1e: {  	v6 =	vld [tilespmem:s25+$0x0]  }
0x1f: {  	v7 =	vld [tilespmem:s25+$0x10];
	_ =	sdelay $0x1  }
0x20: {  	v8 =	vld [tilespmem:s25+$0x20];
	_ =	sdelay $0x1  }
0x21: {  	v9 =	vld [tilespmem:s25+$0x30];
	v10 =	vmax.f32 v6, $+Inf  }
0x22: {  	v11 =	vmax.f32 v6, $0.0e+00;
	v12 =	vmin.f32 v6, v7;
	v6 =	vmax.f32 v6, v7  }
0x23: {  	v7 =	vmax.f32 v11, v7;
	v11 =	vld [tilespmem:s25+$0x40];
	v13 =	vmin.f32 v10, v6;
	v6 =	vmax.f32 v10, v6  }
0x24: {  	v14 =	vmin.f32 v12, v8;
	v12 =	vmax.f32 v12, v8;
	v7 =	vmax.f32 v7, v8  }
0x25: {  	v6 =	vmin.f32 v10, v6;
	v8 =	vld [tilespmem:s25+$0x50];
	v10 =	vmin.f32 v13, v12;
	v12 =	vmax.f32 v13, v12  }
0x26: {  	v13 =	vmin.f32 v14, v9;
	v14 =	vmax.f32 v14, v9;
	v7 =	vmax.f32 v7, v9  }
0x27: {  	v6 =	vmin.f32 v6, v12;
	v9 =	vld [tilespmem:s25+$0x60];
	v12 =	vmin.f32 v10, v14;
	v10 =	vmax.f32 v10, v14  }
0x28: {  	v6 =	vmin.f32 v6, v10;
	v14 =	vmin.f32 v13, v11;
	v13 =	vmax.f32 v13, v11  }
0x29: {  	v10 =	vld [tilespmem:s25+$0x70];
	v7 =	vmax.f32 v7, v11;
	v11 =	vmin.f32 v12, v13;
	v12 =	vmax.f32 v12, v13  }
0x2a: {  	v13 =	vmin.f32 v14, v8;
	v14 =	vmax.f32 v14, v8;
	v7 =	vmax.f32 v7, v8  }
0x2b: {  	v8 =	vld [tilespmem:s25+$0x400];
	v6 =	vmin.f32 v6, v12;
	v12 =	vmin.f32 v11, v14;
	v11 =	vmax.f32 v11, v14  }
0x2c: {  	v14 =	vmin.f32 v13, v9;
	v13 =	vmax.f32 v13, v9;
	v7 =	vmax.f32 v7, v9  }
0x2d: {  	v9 =	vld [tilespmem:s25+$0x410];
	v6 =	vmin.f32 v6, v11;
	v11 =	vmin.f32 v12, v13;
	v12 =	vmax.f32 v12, v13  }
0x2e: {  	v13 =	vmin.f32 v14, v10;
	v14 =	vmax.f32 v14, v10;
	v7 =	vmax.f32 v7, v10  }
0x2f: {  	v10 =	vld [tilespmem:s25+$0x420];
	v6 =	vmin.f32 v6, v12;
	v12 =	vmin.f32 v11, v14;
	v11 =	vmax.f32 v11, v14  }
0x30: {  	v6 =	vmin.f32 v6, v11;
	v14 =	vmin.f32 v13, v8;
	v13 =	vmax.f32 v13, v8  }
0x31: {  	v7 =	vmax.f32 v7, v8;
	v11 =	vmin.f32 v12, v13;
	v12 =	vmax.f32 v12, v13  }
0x32: {  	v8 =	vld [tilespmem:s25+$0x430];
	v13 =	vmin.f32 v14, v9;
	v14 =	vmax.f32 v14, v9;
	v7 =	vmax.f32 v7, v9  }
0x33: {  	v9 =	vld [tilespmem:s25+$0x440];
	v6 =	vmin.f32 v6, v12;
	v12 =	vmin.f32 v11, v14;
	v11 =	vmax.f32 v11, v14  }
0x34: {  	v14 =	vmin.f32 v13, v10;
	v13 =	vmax.f32 v13, v10;
	v7 =	vmax.f32 v7, v10  }
0x35: {  	v10 =	vld [tilespmem:s25+$0x450];
	v6 =	vmin.f32 v6, v11;
	v11 =	vmin.f32 v12, v13;
	v12 =	vmax.f32 v12, v13  }
0x36: {  	v5 =	vimm.f32 $0.0e+00;
	v6 =	vmin.f32 v6, v12  }
0x37: {  	v13 =	vmin.f32 v14, v8;
	v14 =	vmax.f32 v14, v8;
	v7 =	vmax.f32 v7, v8;
	v8 =	vld [tilespmem:s25+$0x460]  }
0x38: {  	v12 =	vmin.f32 v11, v14;
	v11 =	vmax.f32 v11, v14;
	v14 =	vmin.f32 v13, v9  }
0x39: {  	v7 =	vmax.f32 v7, v9;
	v6 =	vmin.f32 v6, v11;
	v11 =	vmax.f32 v13, v9;
	v9 =	vld [tilespmem:s25+$0x470]  }
0x3a: {  	v7 =	vmax.f32 v7, v10;
	v13 =	vmin.f32 v12, v11;
	v11 =	vmax.f32 v12, v11  }
0x3b: {  	v12 =	vmin.f32 v14, v10;
	v6 =	vmin.f32 v6, v11;
	v11 =	vmax.f32 v14, v10;
	v14 =	vld [tilespmem:s25+$0x800]  }
0x3c: {  	v10 =	vmin.f32 v13, v11;
	v11 =	vmax.f32 v13, v11;
	v13 =	vmin.f32 v12, v8  }
0x3d: {  	v7 =	vmax.f32 v7, v8;
	v6 =	vmin.f32 v6, v11;
	v11 =	vmax.f32 v12, v8;
	v8 =	vld [tilespmem:s25+$0x810]  }
0x3e: {  	v12 =	vmin.f32 v10, v11;
	v10 =	vmax.f32 v10, v11;
	v15 =	vmin.f32 v13, v9  }
0x3f: {  	v13 =	vmax.f32 v13, v9;
	v7 =	vmax.f32 v7, v9;
	v11 =	vmin.f32 v6, v10;
	v6 =	vld [tilespmem:s25+$0x820]  }
0x40: {  	v10 =	vmin.f32 v12, v13;
	v12 =	vmax.f32 v12, v13;
	v9 =	vmin.f32 v15, v14  }
0x41: {  	s26 =	simm.s32 $0x1;
	s28 =	simm.s32 $0x0;
	s24 =	simm.s32 $0x0;
	v11 =	vmin.f32 v11, v12;
	v13 =	vmax.f32 v15, v14;
	v12 =	vmax.f32 v7, v14;
	v7 =	vld [tilespmem:s25+$0x830]  }
.LBB2_2:
0x42: {  	p0 =	sne.s32 s26, $0xF;
	v14 =	vmin.f32 v10, v13;
	v10 =	vmax.f32 v10, v13;
	v13 =	vmin.f32 v9, v8  }
0x43: {  	v9 =	vmax.f32 v9, v8;
	v8 =	vmax.f32 v12, v8;
	v10 =	vmin.f32 v11, v10;
	v11 =	vld [tilespmem:s25+$0x840]  }
0x44: {  	v12 =	vmin.f32 v14, v9;
	v9 =	vmax.f32 v14, v9;
	v14 =	vmin.f32 v13, v6  }
0x45: {  	v9 =	vmin.f32 v10, v9;
	v10 =	vmax.f32 v13, v6;
	v6 =	vmax.f32 v8, v6;
	v8 =	vld [tilespmem:s25+$0x850]  }
0x46: {  	v13 =	vmin.f32 v12, v10;
	v10 =	vmax.f32 v12, v10;
	v12 =	vmin.f32 v14, v7  }
0x47: {  	v9 =	vmin.f32 v9, v10;
	v10 =	vmax.f32 v14, v7;
	v6 =	vmax.f32 v6, v7;
	v7 =	vld [tilespmem:s25+$0x860]  }
0x48: {  	v14 =	vmin.f32 v13, v10;
	v10 =	vmax.f32 v13, v10;
	v13 =	vmin.f32 v12, v11  }
0x49: {  	v9 =	vmin.f32 v9, v10;
	v10 =	vmax.f32 v12, v11;
	v6 =	vmax.f32 v6, v11;
	v11 =	vld [tilespmem:s25+$0x870]  }
0x4a: {  	v12 =	vmin.f32 v14, v10;
	v10 =	vmax.f32 v14, v10;
	v14 =	vmin.f32 v13, v8  }
0x4b: {  	v9 =	vmin.f32 v9, v10;
	v10 =	vmax.f32 v13, v8;
	v6 =	vmax.f32 v6, v8;
	v8 =	vld [tilespmem:s25+$0xC00]  }
0x4c: {  	v13 =	vmin.f32 v12, v10;
	v10 =	vmax.f32 v12, v10;
	v12 =	vmin.f32 v14, v7  }
0x4d: {  	v9 =	vmin.f32 v9, v10;
	v10 =	vmax.f32 v14, v7;
	v6 =	vmax.f32 v6, v7;
	v7 =	vld [tilespmem:s25+$0xC10]  }
0x4e: {  	v14 =	vmin.f32 v13, v10;
	v10 =	vmax.f32 v13, v10;
	v13 =	vmin.f32 v12, v11  }
0x4f: {  	v9 =	vmin.f32 v9, v10;
	v10 =	vmax.f32 v12, v11;
	v6 =	vmax.f32 v6, v11;
	v11 =	vld [tilespmem:s25+$0xC20]  }
0x50: {  	v12 =	vmin.f32 v14, v10;
	v10 =	vmax.f32 v14, v10;
	v14 =	vmin.f32 v13, v8  }
0x51: {  	v9 =	vmin.f32 v9, v10;
	v10 =	vmax.f32 v13, v8;
	v6 =	vmax.f32 v6, v8;
	v8 =	vld [tilespmem:s25+$0xC30]  }
0x52: {  	v13 =	vmin.f32 v12, v10;
	v10 =	vmax.f32 v12, v10;
	v12 =	vmin.f32 v14, v7  }
0x53: {  	v9 =	vmin.f32 v9, v10;
	v10 =	vmax.f32 v14, v7;
	v6 =	vmax.f32 v6, v7;
	v7 =	vld [tilespmem:s25+$0xC40]  }
0x54: {  	v14 =	vmin.f32 v13, v10;
	v10 =	vmax.f32 v13, v10;
	v13 =	vmin.f32 v12, v11  }
0x55: {  	v9 =	vmin.f32 v9, v10;
	v10 =	vmax.f32 v12, v11;
	v6 =	vmax.f32 v6, v11;
	v11 =	vld [tilespmem:s25+$0xC50]  }
0x56: {  	v12 =	vmin.f32 v14, v10;
	v10 =	vmax.f32 v14, v10;
	v14 =	vmin.f32 v13, v8  }
0x57: {  	v9 =	vmin.f32 v9, v10;
	v10 =	vmax.f32 v13, v8;
	v6 =	vmax.f32 v6, v8;
	v8 =	vld [tilespmem:s25+$0xC60]  }
0x58: {  	v13 =	vmin.f32 v12, v10;
	v10 =	vmax.f32 v12, v10;
	v12 =	vmin.f32 v14, v7  }
0x59: {  	v9 =	vmin.f32 v9, v10;
	v10 =	vmax.f32 v14, v7;
	v6 =	vmax.f32 v6, v7;
	v7 =	vld [tilespmem:s25+$0xC70]  }
0x5a: {  	v14 =	vmin.f32 v13, v10;
	v10 =	vmax.f32 v13, v10;
	v13 =	vmin.f32 v12, v11  }
0x5b: {  	v9 =	vmin.f32 v9, v10;
	v10 =	vmax.f32 v12, v11;
	v6 =	vmax.f32 v6, v11;
	v11 =	vld [tilespmem:s25+$0x1000]  }
0x5c: {  	v12 =	vmin.f32 v14, v10;
	v10 =	vmax.f32 v14, v10;
	v14 =	vmin.f32 v13, v8  }
0x5d: {  	v9 =	vmin.f32 v9, v10;
	v10 =	vmax.f32 v13, v8;
	v6 =	vmax.f32 v6, v8;
	v8 =	vld [tilespmem:s25+$0x1010]  }
0x5e: {  	v13 =	vmin.f32 v12, v10;
	v10 =	vmax.f32 v12, v10;
	v12 =	vmin.f32 v14, v7  }
0x5f: {  	v9 =	vmin.f32 v9, v10;
	v10 =	vmax.f32 v14, v7;
	v6 =	vmax.f32 v6, v7;
	v7 =	vld [tilespmem:s25+$0x1020]  }
0x60: {  	v14 =	vmin.f32 v13, v10;
	v10 =	vmax.f32 v13, v10;
	v13 =	vmin.f32 v12, v11  }
0x61: {  	v9 =	vmin.f32 v9, v10;
	v10 =	vmax.f32 v12, v11;
	v6 =	vmax.f32 v6, v11;
	v11 =	vld [tilespmem:s25+$0x1030]  }
0x62: {  	v12 =	vmin.f32 v14, v10;
	v10 =	vmax.f32 v14, v10;
	v14 =	vmin.f32 v13, v8  }
0x63: {  	v9 =	vmin.f32 v9, v10;
	v10 =	vmax.f32 v13, v8;
	v6 =	vmax.f32 v6, v8  }
0x64: {  	v8 =	vmin.f32 v12, v10;
	v10 =	vmax.f32 v12, v10;
	v12 =	vmin.f32 v14, v7  }
0x65: {  	v9 =	vmin.f32 v9, v10;
	v10 =	vmax.f32 v14, v7;
	v6 =	vmax.f32 v6, v7  }
0x66: {  	v7 =	vmin.f32 v8, v10;
	v8 =	vmax.f32 v8, v10;
	v10 =	vmin.f32 v12, v11  }
0x67: {  	v8 =	vmin.f32 v9, v8;
	v9 =	vmax.f32 v12, v11;
	v6 =	vmax.f32 v6, v11  }
0x68: {  	v11 =	vmin.f32 v7, v9;
	v7 =	vmax.f32 v7, v9;
	v9 =	vperm.xlane v10, v0  }
0x69: {  	v12 =	vperm.xlane v6, v0;
	v7 =	vmin.f32 v8, v7;
	v8 =	vperm.xlane v11, v0  }
0x6a: {  	v13 =	vperm.xlane v7, v0;
	v14 =	vmin.f32 v10, v9;
	v9 =	vmax.f32 v10, v9  }
0x6b: {  	v6 =	vmax.f32 v6, v12;
	v10 =	vmin.f32 v11, v9;
	v9 =	vmax.f32 v11, v9  }
0x6c: {  	v11 =	vmin.f32 v14, v8;
	v8 =	vmax.f32 v14, v8;
	v12 =	vperm.xlane v6, v1  }
0x6d: {  	v7 =	vmin.f32 v7, v9;
	v9 =	vmin.f32 v10, v8;
	v8 =	vmax.f32 v10, v8  }
0x6e: {  	v10 =	vmax.f32 v11, v13;
	v7 =	vmin.f32 v7, v8;
	v8 =	vmin.f32 v11, v13  }
0x6f: {  	v11 =	vmin.f32 v9, v10;
	v9 =	vmax.f32 v9, v10;
	v10 =	vperm.xlane v8, v1  }
0x70: {  	v6 =	vmax.f32 v6, v12;
	v7 =	vmin.f32 v7, v9;
	v9 =	vperm.xlane v11, v1  }
0x71: {  	v14 =	vperm.xlane v6, v2;
	v12 =	vperm.xlane v7, v1;
	v13 =	vmax.f32 v8, v10  }
0x72: {  	v8 =	vmin.f32 v8, v10;
	v10 =	vmin.f32 v11, v13;
	v11 =	vmax.f32 v11, v13  }
0x73: {  	v6 =	vmax.f32 v6, v14;
	v13 =	vmin.f32 v8, v9;
	v8 =	vmax.f32 v8, v9  }
0x74: {  	v7 =	vmin.f32 v7, v11;
	v9 =	vmin.f32 v10, v8;
	v8 =	vmax.f32 v10, v8  }
0x75: {  	v10 =	vmin.f32 v13, v12;
	v11 =	vmax.f32 v13, v12;
	v12 =	vperm.xlane v6, v3  }
0x76: {  	v7 =	vmin.f32 v7, v8;
	v8 =	vmax.f32 v9, v11;
	v13 =	vperm.xlane v10, v2  }
0x77: {  	v9 =	vmin.f32 v9, v11;
	v7 =	vmin.f32 v7, v8  }
0x78: {  	v8 =	vperm.xlane v9, v2;
	v6 =	vmax.f32 v6, v12;
	v11 =	vmax.f32 v10, v13  }
0x79: {  	s25 =	sshrl.u32 s26, $0x3;
	v12 =	vperm.xlane v7, v2;
	v10 =	vmin.f32 v10, v13;
	v13 =	vmin.f32 v9, v11  }
0x7a: {  	s25 =	smul.u32 $0x5000, s25;
	v9 =	vmax.f32 v9, v11;
	v11 =	vmin.f32 v10, v8;
	v8 =	vmax.f32 v10, v8  }
0x7b: {  	s28 =	sadd.s32 $0x80, s28;
	v7 =	vmin.f32 v7, v9;
	v9 =	vmin.f32 v13, v8;
	v8 =	vmax.f32 v13, v8  }
0x7c: {  	s29 =	sand.u32 $0x380, s28;
	s25 =	sshra.s32 s25, $0x2;
	v10 =	vmax.f32 v11, v12;
	v7 =	vmin.f32 v7, v8;
	v8 =	vmin.f32 v11, v12  }
0x7d: {  	s25 =	sor.u32 s29, s25;
	v11 =	vmin.f32 v9, v10;
	v9 =	vmax.f32 v9, v10;
	v10 =	vperm.xlane v8, v3  }
0x7e: {  	v6 =	vmul.f32 $1.442695020e+00, v6;
	v7 =	vmin.f32 v7, v9;
	v9 =	vperm.xlane v11, v3;
	v12 =	vld [tilespmem:s25+$0x0]  }
0x7f: {  	v14 =	vperm.xlane v7, v3;
	v15 =	vmin.f32 v8, v10;
	v8 =	vmax.f32 v8, v10;
	v13 =	vld [tilespmem:s25+$0x10]  }
0x80: {  	v10 =	vmin.f32 v11, v8;
	v16 =	vmin.f32 v15, v9;
	v9 =	vmax.f32 v15, v9  }
0x81: {  	v17 =	vmin.f32 v10, v9;
	v14 =	vmax.f32 v16, v14;
	v16 =	vmov s24;
	s24 =	smov.u32 s26;
	v15 =	vld [tilespmem:s25+$0x20]  }
0x82: {  	v18 =	vmin.f32 v17, v14;
	vm0 =	veq.s32 v16, v4;
	(erf) = vpow2.f32 v6  }
0x83: {  	v20 =	vmul.f32 $1.442695020e+00, v18;
	v6 =	vmax.f32 v12, $+Inf;
	v16 =	vmax.f32 v12, $0.0e+00;
	v19 =	vld [tilespmem:s25+$0x30]  }
0x84: {  	v21 =	vmin.f32 v12, v13;
	v12 =	vmax.f32 v12, v13;
	v13 =	vmax.f32 v16, v13  }
0x85: {  	v16 =	vmin.f32 v6, v12;
	v12 =	vmax.f32 v6, v12;
	v22 =	vld [tilespmem:s25+$0x40];
	(erf) = vpow2.f32 v20  }
0x86: {  	v20 =	vmin.f32 v21, v15;
	v21 =	vmax.f32 v21, v15;
	v13 =	vmax.f32 v13, v15  }
0x87: {  	v6 =	vmin.f32 v6, v12;
	v12 =	vmin.f32 v16, v21;
	v15 =	vmax.f32 v16, v21  }
0x88: {  	v16 =	vmin.f32 v20, v19;
	v20 =	vmax.f32 v20, v19;
	v13 =	vmax.f32 v13, v19  }
0x89: {  	v6 =	vmin.f32 v6, v15;
	v15 =	vmin.f32 v12, v20;
	v12 =	vmax.f32 v12, v20  }
0x8a: {  	v8 =	vmax.f32 v11, v8;
	v19 =	vmin.f32 v16, v22;
	v16 =	vmax.f32 v16, v22;
	v20 =	vld [tilespmem:s25+$0x50]  }
0x8b: {  	v7 =	vmin.f32 v7, v8;
	v8 =	vmax.f32 v10, v9;
	v11 =	vmax.f32 v13, v22;
	v9 =	vpop (erf)  }
0x8c: {  	v21 =	vmin.f32 v7, v8;
	v8 =	vmax.f32 v17, v14;
	v9 =	vadd.f32 v9, v9  }
0x8d: {  	v6 =	vmin.f32 v6, v12;
	v13 =	vmin.f32 v21, v8;
	v10 =	vmin.f32 v15, v16;
	v12 =	vld [tilespmem:s25+$0x60]  }
0x8e: {  	v8 =	vmax.f32 v15, v16;
	v9 =	vadd.f32 $1.000000000e+00, v9;
	(erf) = vrcp.f32 v13;
	v7 =	vpop (erf)  }
0x8f: {  	v13 =	vmin.f32 v19, v20;
	v14 =	vmax.f32 v19, v20;
	v15 =	vld [tilespmem:s25+$0x70];
	v7 =	vadd.f32 $1.000000000e+00, v7  }
0x90: {  	v6 =	vmin.f32 v6, v8;
	v8 =	vmax.f32 v11, v20;
	(erf) = vrcp.f32 v9  }
0x91: {  	v9 =	vmin.f32 v10, v14;
	v10 =	vmax.f32 v10, v14;
	v11 =	vld [tilespmem:s25+$0x400];
	(erf) = vrcp.f32 v7  }
0x92: {  	v7 =	vmin.f32 v13, v12;
	v13 =	vmax.f32 v13, v12;
	v8 =	vmax.f32 v8, v12  }
0x93: {  	v6 =	vmin.f32 v6, v10;
	v10 =	vmin.f32 v9, v13;
	v9 =	vmax.f32 v9, v13;
	v12 =	vld [tilespmem:s25+$0x410]  }
0x94: {  	v13 =	vmin.f32 v7, v15;
	v7 =	vmax.f32 v7, v15;
	v8 =	vmax.f32 v8, v15  }
0x95: {  	v6 =	vmin.f32 v6, v9;
	v9 =	vmin.f32 v10, v7;
	v7 =	vmax.f32 v10, v7;
	v10 =	vld [tilespmem:s25+$0x420]  }
0x96: {  	v14 =	vmin.f32 v13, v11;
	v13 =	vmax.f32 v13, v11;
	v8 =	vmax.f32 v8, v11  }
0x97: {  	v6 =	vmin.f32 v6, v7;
	v7 =	vmin.f32 v9, v13;
	v9 =	vmax.f32 v9, v13;
	v11 =	vpop (erf)  }
0x98: {  	v13 =	vmin.f32 v14, v12;
	v14 =	vmax.f32 v14, v12;
	v15 =	vld [tilespmem:s25+$0x430];
	v17 =	vmul.f32 v11, v18  }
0x99: {  	v6 =	vmin.f32 v6, v9;
	v8 =	vmax.f32 v8, v12;
	v9 =	vmin.f32 v7, v14;
	v12 =	vpop (erf)  }
0x9a: {  	v7 =	vmax.f32 v7, v14;
	v14 =	vmin.f32 v13, v10;
	v16 =	vld [tilespmem:s25+$0x440];
	vm1 =	vlt.f32 v17, $6.000000240e-01;
	v11 =	vpop (erf)  }
0x9b: {  	v13 =	vmax.f32 v13, v10;
	v8 =	vmax.f32 v8, v10;
	v10 =	vsel vm1, v11, v12  }
0x9c: {  	v6 =	vmin.f32 v6, v7;
	v7 =	vmin.f32 v9, v13;
	v11 =	vld [tilespmem:s25+$0x450];
	v10 =	vadd.f32 v10, v10  }
0x9d: {  	v9 =	vmax.f32 v9, v13;
	v12 =	vmin.f32 v14, v15;
	v13 =	vmax.f32 v14, v15  }
0x9e: {  	v6 =	vmin.f32 v6, v9;
	v8 =	vmax.f32 v8, v15;
	v9 =	vld [tilespmem:s25+$0x460];
	v5 =	vsel vm0, v10, v5  }
0x9f: {  	v10 =	vmin.f32 v7, v13;
	v7 =	vmax.f32 v7, v13;
	v13 =	vmin.f32 v12, v16  }
0xa0: {  	v6 =	vmin.f32 v6, v7;
	v7 =	vmax.f32 v12, v16;
	v8 =	vmax.f32 v8, v16;
	v12 =	vld [tilespmem:s25+$0x470]  }
0xa1: {  	v14 =	vmin.f32 v10, v7;
	v7 =	vmax.f32 v10, v7;
	v10 =	vmin.f32 v13, v11  }
0xa2: {  	v6 =	vmin.f32 v6, v7;
	v7 =	vmax.f32 v13, v11;
	v8 =	vmax.f32 v8, v11;
	v15 =	vld [tilespmem:s25+$0x800]  }
0xa3: {  	v11 =	vmin.f32 v14, v7;
	v7 =	vmax.f32 v14, v7;
	v13 =	vmin.f32 v10, v9  }
.Ltmp0:
0xa4: {  	v6 =	vmin.f32 v6, v7;
	v7 =	vmax.f32 v10, v9;
	v9 =	vmax.f32 v8, v9;
	v8 =	vld [tilespmem:s25+$0x810];
	(pc) =	sbr.rel @p0 .LBB2_2-.Ltmp0, $4  }
0xa5: {  	v14 =	vmin.f32 v11, v7;
	v7 =	vmax.f32 v11, v7;
	v16 =	vmin.f32 v13, v12  }
0xa6: {  	v7 =	vmin.f32 v6, v7;
	v11 =	vmax.f32 v13, v12;
	v12 =	vmax.f32 v9, v12;
	v6 =	vld [tilespmem:s25+$0x820]  }
0xa7: {  	v10 =	vmin.f32 v14, v11;
	v11 =	vmax.f32 v14, v11;
	v9 =	vmin.f32 v16, v15  }
0xa8: {  	s26 =	sadd.s32 $0x1, s26;
	v11 =	vmin.f32 v7, v11;
	v13 =	vmax.f32 v16, v15;
	v12 =	vmax.f32 v12, v15;
	v7 =	vld [tilespmem:s25+$0x830]  }
0xa9: {  	v14 =	vmin.f32 v10, v13;
	v10 =	vmax.f32 v10, v13  }
0xaa: {  	v13 =	vmin.f32 v9, v8;
	v9 =	vmax.f32 v9, v8;
	v8 =	vmax.f32 v12, v8  }
0xab: {  	v10 =	vmin.f32 v11, v10;
	v11 =	vld [tilespmem:s25+$0x840];
	v12 =	vmin.f32 v14, v9;
	v9 =	vmax.f32 v14, v9  }
0xac: {  	v14 =	vmin.f32 v13, v6;
	v9 =	vmin.f32 v10, v9;
	v10 =	vmax.f32 v13, v6  }
0xad: {  	v6 =	vmax.f32 v8, v6;
	v8 =	vld [tilespmem:s25+$0x850];
	v13 =	vmin.f32 v12, v10;
	v10 =	vmax.f32 v12, v10  }
0xae: {  	v12 =	vmin.f32 v14, v7;
	v9 =	vmin.f32 v9, v10;
	v10 =	vmax.f32 v14, v7  }
0xaf: {  	v6 =	vmax.f32 v6, v7;
	v7 =	vld [tilespmem:s25+$0x860];
	v14 =	vmin.f32 v13, v10;
	v10 =	vmax.f32 v13, v10  }
0xb0: {  	v13 =	vmin.f32 v12, v11;
	v9 =	vmin.f32 v9, v10;
	v10 =	vmax.f32 v12, v11  }
0xb1: {  	v6 =	vmax.f32 v6, v11;
	v11 =	vld [tilespmem:s25+$0x870];
	v12 =	vmin.f32 v14, v10;
	v10 =	vmax.f32 v14, v10  }
0xb2: {  	v14 =	vmin.f32 v13, v8;
	v9 =	vmin.f32 v9, v10;
	v10 =	vmax.f32 v13, v8  }
0xb3: {  	v6 =	vmax.f32 v6, v8;
	v8 =	vld [tilespmem:s25+$0xC00];
	v13 =	vmin.f32 v12, v10;
	v10 =	vmax.f32 v12, v10  }
0xb4: {  	v12 =	vmin.f32 v14, v7;
	v9 =	vmin.f32 v9, v10;
	v10 =	vmax.f32 v14, v7  }
0xb5: {  	v6 =	vmax.f32 v6, v7;
	v7 =	vld [tilespmem:s25+$0xC10];
	v14 =	vmin.f32 v13, v10;
	v10 =	vmax.f32 v13, v10  }
0xb6: {  	v13 =	vmin.f32 v12, v11;
	v9 =	vmin.f32 v9, v10;
	v10 =	vmax.f32 v12, v11  }
0xb7: {  	v6 =	vmax.f32 v6, v11;
	v11 =	vld [tilespmem:s25+$0xC20];
	v12 =	vmin.f32 v14, v10;
	v10 =	vmax.f32 v14, v10  }
0xb8: {  	v14 =	vmin.f32 v13, v8;
	v9 =	vmin.f32 v9, v10;
	v10 =	vmax.f32 v13, v8  }
0xb9: {  	v6 =	vmax.f32 v6, v8;
	v8 =	vld [tilespmem:s25+$0xC30];
	v13 =	vmin.f32 v12, v10;
	v10 =	vmax.f32 v12, v10  }
0xba: {  	v12 =	vmin.f32 v14, v7;
	v9 =	vmin.f32 v9, v10;
	v10 =	vmax.f32 v14, v7  }
0xbb: {  	v6 =	vmax.f32 v6, v7;
	v7 =	vld [tilespmem:s25+$0xC40];
	v14 =	vmin.f32 v13, v10;
	v10 =	vmax.f32 v13, v10  }
0xbc: {  	v13 =	vmin.f32 v12, v11;
	v9 =	vmin.f32 v9, v10;
	v10 =	vmax.f32 v12, v11  }
0xbd: {  	v6 =	vmax.f32 v6, v11;
	v11 =	vld [tilespmem:s25+$0xC50];
	v12 =	vmin.f32 v14, v10;
	v10 =	vmax.f32 v14, v10  }
0xbe: {  	v14 =	vmin.f32 v13, v8;
	v9 =	vmin.f32 v9, v10;
	v10 =	vmax.f32 v13, v8  }
0xbf: {  	v6 =	vmax.f32 v6, v8;
	v8 =	vld [tilespmem:s25+$0xC60];
	v13 =	vmin.f32 v12, v10;
	v10 =	vmax.f32 v12, v10  }
0xc0: {  	v12 =	vmin.f32 v14, v7;
	v9 =	vmin.f32 v9, v10;
	v10 =	vmax.f32 v14, v7  }
0xc1: {  	v6 =	vmax.f32 v6, v7;
	v7 =	vld [tilespmem:s25+$0xC70];
	v14 =	vmin.f32 v13, v10;
	v10 =	vmax.f32 v13, v10  }
0xc2: {  	v13 =	vmin.f32 v12, v11;
	v9 =	vmin.f32 v9, v10;
	v10 =	vmax.f32 v12, v11  }
0xc3: {  	v6 =	vmax.f32 v6, v11;
	v11 =	vld [tilespmem:s25+$0x1000];
	v12 =	vmin.f32 v14, v10;
	v10 =	vmax.f32 v14, v10  }
0xc4: {  	v14 =	vmin.f32 v13, v8;
	v9 =	vmin.f32 v9, v10;
	v10 =	vmax.f32 v13, v8  }
0xc5: {  	v6 =	vmax.f32 v6, v8;
	v8 =	vld [tilespmem:s25+$0x1010];
	v13 =	vmin.f32 v12, v10;
	v10 =	vmax.f32 v12, v10  }
0xc6: {  	v12 =	vmin.f32 v14, v7;
	v9 =	vmin.f32 v9, v10;
	v10 =	vmax.f32 v14, v7  }
0xc7: {  	v6 =	vmax.f32 v6, v7;
	v7 =	vld [tilespmem:s25+$0x1020];
	v14 =	vmin.f32 v13, v10;
	v10 =	vmax.f32 v13, v10  }
0xc8: {  	v13 =	vmin.f32 v12, v11;
	v9 =	vmin.f32 v9, v10;
	v10 =	vmax.f32 v12, v11  }
0xc9: {  	v6 =	vmax.f32 v6, v11;
	v11 =	vld [tilespmem:s25+$0x1030];
	v12 =	vmin.f32 v14, v10;
	v10 =	vmax.f32 v14, v10  }
0xca: {  	v14 =	vmin.f32 v13, v8;
	v9 =	vmin.f32 v9, v10;
	v10 =	vmax.f32 v13, v8  }
0xcb: {  	v6 =	vmax.f32 v6, v8;
	v8 =	vmin.f32 v12, v10;
	v10 =	vmax.f32 v12, v10  }
0xcc: {  	v9 =	vmin.f32 v9, v10;
	v10 =	vmax.f32 v14, v7  }
0xcd: {  	v12 =	vmin.f32 v14, v7;
	v6 =	vmax.f32 v6, v7;
	v7 =	vmin.f32 v8, v10  }
0xce: {  	v8 =	vmax.f32 v8, v10;
	v10 =	vmin.f32 v12, v11;
	v6 =	vmax.f32 v6, v11  }
0xcf: {  	v8 =	vmin.f32 v9, v8;
	v9 =	vmax.f32 v12, v11;
	v12 =	vperm.xlane v6, v0  }
0xd0: {  	v11 =	vmin.f32 v7, v9;
	v7 =	vmax.f32 v7, v9;
	v9 =	vperm.xlane v10, v0  }
0xd1: {  	v7 =	vmin.f32 v8, v7;
	v8 =	vperm.xlane v11, v0;
	v6 =	vmax.f32 v6, v12  }
0xd2: {  	v13 =	vperm.xlane v7, v0;
	v14 =	vmin.f32 v10, v9;
	v9 =	vmax.f32 v10, v9  }
0xd3: {  	v12 =	vperm.xlane v6, v1;
	v10 =	vmin.f32 v11, v9;
	v9 =	vmax.f32 v11, v9  }
0xd4: {  	v11 =	vmin.f32 v14, v8;
	v8 =	vmax.f32 v14, v8;
	v7 =	vmin.f32 v7, v9  }
0xd5: {  	v9 =	vmin.f32 v10, v8;
	v8 =	vmax.f32 v10, v8;
	v10 =	vmax.f32 v11, v13  }
0xd6: {  	v6 =	vmax.f32 v6, v12;
	v7 =	vmin.f32 v7, v8;
	v8 =	vmin.f32 v11, v13  }
0xd7: {  	v11 =	vmin.f32 v9, v10;
	v9 =	vmax.f32 v9, v10;
	v10 =	vperm.xlane v8, v1  }
0xd8: {  	v14 =	vperm.xlane v6, v2;
	v7 =	vmin.f32 v7, v9  }
0xd9: {  	v9 =	vperm.xlane v11, v1;
	v12 =	vperm.xlane v7, v1;
	v13 =	vmax.f32 v8, v10  }
0xda: {  	v6 =	vmax.f32 v6, v14;
	v8 =	vmin.f32 v8, v10;
	v10 =	vmin.f32 v11, v13  }
0xdb: {  	v11 =	vmax.f32 v11, v13;
	v13 =	vmin.f32 v8, v9;
	v8 =	vmax.f32 v8, v9  }
0xdc: {  	v7 =	vmin.f32 v7, v11;
	v9 =	vmin.f32 v10, v8;
	v8 =	vmax.f32 v10, v8  }
0xdd: {  	v10 =	vmin.f32 v13, v12;
	v11 =	vmax.f32 v13, v12;
	v12 =	vperm.xlane v6, v3  }
0xde: {  	v7 =	vmin.f32 v7, v8;
	v8 =	vmax.f32 v9, v11;
	v13 =	vperm.xlane v10, v2  }
0xdf: {  	v9 =	vmin.f32 v9, v11;
	v7 =	vmin.f32 v7, v8  }
0xe0: {  	v8 =	vperm.xlane v9, v2;
	v6 =	vmax.f32 v6, v12;
	v11 =	vmax.f32 v10, v13  }
0xe1: {  	v12 =	vperm.xlane v7, v2;
	v10 =	vmin.f32 v10, v13;
	v13 =	vmin.f32 v9, v11  }
0xe2: {  	v9 =	vmax.f32 v9, v11;
	v11 =	vmin.f32 v10, v8;
	v8 =	vmax.f32 v10, v8  }
0xe3: {  	v7 =	vmin.f32 v7, v9;
	v9 =	vmin.f32 v13, v8;
	v8 =	vmax.f32 v13, v8  }
0xe4: {  	v10 =	vmax.f32 v11, v12;
	v7 =	vmin.f32 v7, v8;
	v8 =	vmin.f32 v11, v12  }
0xe5: {  	v11 =	vmin.f32 v9, v10;
	v9 =	vmax.f32 v9, v10;
	v10 =	vperm.xlane v8, v3  }
0xe6: {  	v6 =	vmul.f32 $1.442695020e+00, v6;
	v7 =	vmin.f32 v7, v9;
	v9 =	vperm.xlane v11, v3  }
0xe7: {  	v12 =	vperm.xlane v7, v3;
	v13 =	vmin.f32 v8, v10;
	v8 =	vmax.f32 v8, v10  }
0xe8: {  	v10 =	vmin.f32 v11, v8;
	v14 =	vmin.f32 v13, v9;
	v9 =	vmax.f32 v13, v9  }
0xe9: {  	v13 =	vmin.f32 v10, v9;
	v12 =	vmax.f32 v14, v12  }
0xea: {  	(erf) = vpow2.f32 v6;
	v14 =	vmin.f32 v13, v12  }
0xeb: {  	v6 =	vmul.f32 $1.442695020e+00, v14;
	_ =	sdelay $0x1  }
0xec: {  	(erf) = vpow2.f32 v6;
	_ =	sdelay $0x2  }
0xed: {  	v6 =	vmax.f32 v11, v8  }
0xee: {  	v6 =	vmin.f32 v7, v6;
	v7 =	vmax.f32 v10, v9  }
0xef: {  	v6 =	vmin.f32 v6, v7;
	v7 =	vmax.f32 v13, v12  }
0xf0: {  	v8 =	vpop (erf);
	v6 =	vmin.f32 v6, v7  }
0xf1: {  	v8 =	vadd.f32 v8, v8;
	(erf) = vrcp.f32 v6;
	_ =	sdelay $0x1  }
0xf2: {  	v7 =	vadd.f32 $1.000000000e+00, v8;
	v6 =	vpop (erf)  }
0xf3: {  	v6 =	vadd.f32 $1.000000000e+00, v6  }
0xf4: {  	(erf) = vrcp.f32 v7  }
0xf5: {  	(erf) = vrcp.f32 v6;
	_ =	sdelay $0x3  }
0xf6: {  	v6 =	vpop (erf)  }
0xf7: {  	v6 =	vmul.f32 v6, v14;
	_ =	sdelay $0x2  }
0xf8: {  	v7 =	vpop (erf)  }
0xf9: {  	vm0 =	vlt.f32 v6, $6.000000240e-01;
	v6 =	vpop (erf)  }
0xfa: {  	v6 =	vsel vm0, v6, v7  }
0xfb: {  	v7 =	vmov s24;
	v6 =	vadd.f32 v6, v6  }
0xfc: {  	vm15 =	veq.s32 v7, v4  }
0xfd: {  	s31 =	simm.s32 $0x0;
	v5 =	vsel vm15, v6, v5  }
0xfe: {  	s25 =	simm.s32 $0x0;
	s24 =	smul.u32 $0x5000, s31;
	[tilespmem:$0x5000] =	vst v5  }
0xff: {  	[hbm4b:s5+s25] =	stream.linear.scatter [tilespmem:s16], [sflag:$0x3], $0x80, $0x38;
	[tilespmem:$0x5400] =	vst v63  }
0x100: {  	_ =	swait.ge [sflag:s17], $0x2800  }
0x101: {  	s26 =	sand.u32 $0x380, s25;
	s24 =	sshra.s32 s24, $0x2;
	[sflag:s17] =	ssyncset.done $0x0  }
0x102: {  	s26 =	sor.u32 s26, s24;
	[sflag:s17] =	ssyncadd.s32 $0xFFFFD800  }
0x103: {  	[tilespmem:s25], [sflag:$0x1] =	stream.linear.gather [hbm4b:s6+s25], $0x2800, $0x38;
	[tilespmem:$0x5400] =	vst v63  }
0x104: {  	v6 =	vld [tilespmem:s26+$0x2800]  }
0x105: {  	v7 =	vld [tilespmem:s26+$0x2810];
	_ =	sdelay $0x1  }
0x106: {  	v8 =	vld [tilespmem:s26+$0x2820];
	_ =	sdelay $0x1  }
0x107: {  	v9 =	vld [tilespmem:s26+$0x2830];
	v10 =	vmax.f32 v6, $+Inf  }
0x108: {  	v11 =	vmax.f32 v6, $0.0e+00;
	v12 =	vmin.f32 v6, v7;
	v6 =	vmax.f32 v6, v7  }
0x109: {  	v7 =	vmax.f32 v11, v7;
	v11 =	vld [tilespmem:s26+$0x2840];
	v13 =	vmin.f32 v10, v6;
	v6 =	vmax.f32 v10, v6  }
0x10a: {  	v14 =	vmin.f32 v12, v8;
	v12 =	vmax.f32 v12, v8;
	v7 =	vmax.f32 v7, v8  }
0x10b: {  	v6 =	vmin.f32 v10, v6;
	v8 =	vld [tilespmem:s26+$0x2850];
	v10 =	vmin.f32 v13, v12;
	v12 =	vmax.f32 v13, v12  }
0x10c: {  	v13 =	vmin.f32 v14, v9;
	v14 =	vmax.f32 v14, v9;
	v7 =	vmax.f32 v7, v9  }
0x10d: {  	v6 =	vmin.f32 v6, v12;
	v9 =	vld [tilespmem:s26+$0x2860];
	v12 =	vmin.f32 v10, v14;
	v10 =	vmax.f32 v10, v14  }
0x10e: {  	v6 =	vmin.f32 v6, v10;
	v14 =	vmin.f32 v13, v11;
	v13 =	vmax.f32 v13, v11  }
0x10f: {  	v10 =	vld [tilespmem:s26+$0x2870];
	v7 =	vmax.f32 v7, v11;
	v11 =	vmin.f32 v12, v13;
	v12 =	vmax.f32 v12, v13  }
0x110: {  	v13 =	vmin.f32 v14, v8;
	v14 =	vmax.f32 v14, v8;
	v7 =	vmax.f32 v7, v8  }
0x111: {  	v8 =	vld [tilespmem:s26+$0x2C00];
	v6 =	vmin.f32 v6, v12;
	v12 =	vmin.f32 v11, v14;
	v11 =	vmax.f32 v11, v14  }
0x112: {  	v14 =	vmin.f32 v13, v9;
	v13 =	vmax.f32 v13, v9;
	v7 =	vmax.f32 v7, v9  }
0x113: {  	v9 =	vld [tilespmem:s26+$0x2C10];
	v6 =	vmin.f32 v6, v11;
	v11 =	vmin.f32 v12, v13;
	v12 =	vmax.f32 v12, v13  }
0x114: {  	v13 =	vmin.f32 v14, v10;
	v14 =	vmax.f32 v14, v10;
	v7 =	vmax.f32 v7, v10  }
0x115: {  	v10 =	vld [tilespmem:s26+$0x2C20];
	v6 =	vmin.f32 v6, v12;
	v12 =	vmin.f32 v11, v14;
	v11 =	vmax.f32 v11, v14  }
0x116: {  	v6 =	vmin.f32 v6, v11;
	v14 =	vmin.f32 v13, v8;
	v13 =	vmax.f32 v13, v8  }
0x117: {  	v7 =	vmax.f32 v7, v8;
	v11 =	vmin.f32 v12, v13;
	v12 =	vmax.f32 v12, v13  }
0x118: {  	v8 =	vld [tilespmem:s26+$0x2C30];
	v13 =	vmax.f32 v14, v9;
	v14 =	vmin.f32 v14, v9;
	v7 =	vmax.f32 v7, v9  }
0x119: {  	v15 =	vld [tilespmem:s26+$0x2C40];
	v6 =	vmin.f32 v6, v12;
	v12 =	vmin.f32 v11, v13;
	v9 =	vmax.f32 v11, v13  }
0x11a: {  	v11 =	vmin.f32 v14, v10;
	v13 =	vmax.f32 v14, v10;
	v7 =	vmax.f32 v7, v10  }
0x11b: {  	v6 =	vmin.f32 v6, v9;
	v9 =	vld [tilespmem:s26+$0x2C50];
	v10 =	vmin.f32 v12, v13;
	v12 =	vmax.f32 v12, v13  }
0x11c: {  	v5 =	vimm.f32 $0.0e+00;
	v6 =	vmin.f32 v6, v12  }
0x11d: {  	v13 =	vmin.f32 v11, v8;
	v11 =	vmax.f32 v11, v8;
	v7 =	vmax.f32 v7, v8;
	v8 =	vld [tilespmem:s26+$0x2C60]  }
0x11e: {  	v12 =	vmin.f32 v10, v11;
	v10 =	vmax.f32 v10, v11;
	v11 =	vmin.f32 v13, v15  }
0x11f: {  	v7 =	vmax.f32 v7, v15;
	v6 =	vmin.f32 v6, v10;
	v10 =	vmax.f32 v13, v15;
	v13 =	vld [tilespmem:s26+$0x2C70]  }
0x120: {  	v14 =	vmin.f32 v12, v10;
	v10 =	vmax.f32 v12, v10;
	v12 =	vmin.f32 v11, v9  }
0x121: {  	v15 =	vld [tilespmem:s26+$0x3000];
	v7 =	vmax.f32 v7, v9;
	v6 =	vmin.f32 v6, v10;
	v10 =	vmax.f32 v11, v9  }
0x122: {  	v9 =	vmin.f32 v14, v10;
	v10 =	vmax.f32 v14, v10;
	v11 =	vmin.f32 v12, v8  }
0x123: {  	v7 =	vmax.f32 v7, v8;
	v6 =	vmin.f32 v6, v10;
	v10 =	vmax.f32 v12, v8;
	v8 =	vld [tilespmem:s26+$0x3010]  }
0x124: {  	v12 =	vmin.f32 v9, v10;
	v9 =	vmax.f32 v9, v10;
	v14 =	vmin.f32 v11, v13  }
0x125: {  	v7 =	vmax.f32 v7, v13;
	v16 =	vmin.f32 v6, v9;
	v9 =	vmax.f32 v11, v13;
	v6 =	vld [tilespmem:s26+$0x3020]  }
0x126: {  	v13 =	vmax.f32 v14, v15;
	v10 =	vmin.f32 v12, v9;
	v11 =	vmax.f32 v12, v9  }
0x127: {  	s28 =	simm.s32 $0x1;
	s24 =	simm.s32 $0x0;
	v9 =	vmin.f32 v14, v15;
	v12 =	vmax.f32 v7, v15;
	v7 =	vld [tilespmem:s26+$0x3030];
	v11 =	vmin.f32 v16, v11  }
.LBB2_4:
0x128: {  	p0 =	sne.s32 s28, $0xF;
	v14 =	vmin.f32 v10, v13;
	v10 =	vmax.f32 v10, v13;
	v13 =	vmin.f32 v9, v8  }
0x129: {  	v9 =	vmax.f32 v9, v8;
	v8 =	vmax.f32 v12, v8;
	v10 =	vmin.f32 v11, v10;
	v11 =	vld [tilespmem:s26+$0x3040]  }
0x12a: {  	v12 =	vmin.f32 v14, v9;
	v9 =	vmax.f32 v14, v9;
	v14 =	vmin.f32 v13, v6  }
0x12b: {  	v9 =	vmin.f32 v10, v9;
	v10 =	vmax.f32 v13, v6;
	v6 =	vmax.f32 v8, v6;
	v8 =	vld [tilespmem:s26+$0x3050]  }
0x12c: {  	v13 =	vmin.f32 v12, v10;
	v10 =	vmax.f32 v12, v10;
	v12 =	vmin.f32 v14, v7  }
0x12d: {  	v9 =	vmin.f32 v9, v10;
	v10 =	vmax.f32 v14, v7;
	v6 =	vmax.f32 v6, v7;
	v7 =	vld [tilespmem:s26+$0x3060]  }
0x12e: {  	v14 =	vmin.f32 v13, v10;
	v10 =	vmax.f32 v13, v10;
	v13 =	vmin.f32 v12, v11  }
0x12f: {  	v9 =	vmin.f32 v9, v10;
	v10 =	vmax.f32 v12, v11;
	v6 =	vmax.f32 v6, v11;
	v11 =	vld [tilespmem:s26+$0x3070]  }
0x130: {  	v12 =	vmin.f32 v14, v10;
	v10 =	vmax.f32 v14, v10;
	v14 =	vmin.f32 v13, v8  }
0x131: {  	v9 =	vmin.f32 v9, v10;
	v10 =	vmax.f32 v13, v8;
	v6 =	vmax.f32 v6, v8;
	v8 =	vld [tilespmem:s26+$0x3400]  }
0x132: {  	v13 =	vmin.f32 v12, v10;
	v10 =	vmax.f32 v12, v10;
	v12 =	vmin.f32 v14, v7  }
0x133: {  	v9 =	vmin.f32 v9, v10;
	v10 =	vmax.f32 v14, v7;
	v6 =	vmax.f32 v6, v7;
	v7 =	vld [tilespmem:s26+$0x3410]  }
0x134: {  	v14 =	vmin.f32 v13, v10;
	v10 =	vmax.f32 v13, v10;
	v13 =	vmin.f32 v12, v11  }
0x135: {  	v9 =	vmin.f32 v9, v10;
	v10 =	vmax.f32 v12, v11;
	v6 =	vmax.f32 v6, v11;
	v11 =	vld [tilespmem:s26+$0x3420]  }
0x136: {  	v12 =	vmin.f32 v14, v10;
	v10 =	vmax.f32 v14, v10;
	v14 =	vmin.f32 v13, v8  }
0x137: {  	v9 =	vmin.f32 v9, v10;
	v10 =	vmax.f32 v13, v8;
	v6 =	vmax.f32 v6, v8;
	v8 =	vld [tilespmem:s26+$0x3430]  }
0x138: {  	v13 =	vmin.f32 v12, v10;
	v10 =	vmax.f32 v12, v10;
	v12 =	vmin.f32 v14, v7  }
0x139: {  	v9 =	vmin.f32 v9, v10;
	v10 =	vmax.f32 v14, v7;
	v6 =	vmax.f32 v6, v7;
	v7 =	vld [tilespmem:s26+$0x3440]  }
0x13a: {  	v14 =	vmin.f32 v13, v10;
	v10 =	vmax.f32 v13, v10;
	v13 =	vmin.f32 v12, v11  }
0x13b: {  	v9 =	vmin.f32 v9, v10;
	v10 =	vmax.f32 v12, v11;
	v6 =	vmax.f32 v6, v11;
	v11 =	vld [tilespmem:s26+$0x3450]  }
0x13c: {  	v12 =	vmin.f32 v14, v10;
	v10 =	vmax.f32 v14, v10;
	v14 =	vmin.f32 v13, v8  }
0x13d: {  	v9 =	vmin.f32 v9, v10;
	v10 =	vmax.f32 v13, v8;
	v6 =	vmax.f32 v6, v8;
	v8 =	vld [tilespmem:s26+$0x3460]  }
0x13e: {  	v13 =	vmin.f32 v12, v10;
	v10 =	vmax.f32 v12, v10;
	v12 =	vmin.f32 v14, v7  }
0x13f: {  	v9 =	vmin.f32 v9, v10;
	v10 =	vmax.f32 v14, v7;
	v6 =	vmax.f32 v6, v7;
	v7 =	vld [tilespmem:s26+$0x3470]  }
0x140: {  	v14 =	vmin.f32 v13, v10;
	v10 =	vmax.f32 v13, v10;
	v13 =	vmin.f32 v12, v11  }
0x141: {  	v9 =	vmin.f32 v9, v10;
	v10 =	vmax.f32 v12, v11;
	v6 =	vmax.f32 v6, v11;
	v11 =	vld [tilespmem:s26+$0x3800]  }
0x142: {  	v12 =	vmin.f32 v14, v10;
	v10 =	vmax.f32 v14, v10;
	v14 =	vmin.f32 v13, v8  }
0x143: {  	v9 =	vmin.f32 v9, v10;
	v10 =	vmax.f32 v13, v8;
	v6 =	vmax.f32 v6, v8;
	v8 =	vld [tilespmem:s26+$0x3810]  }
0x144: {  	v13 =	vmin.f32 v12, v10;
	v10 =	vmax.f32 v12, v10;
	v12 =	vmin.f32 v14, v7  }
0x145: {  	v9 =	vmin.f32 v9, v10;
	v10 =	vmax.f32 v14, v7;
	v6 =	vmax.f32 v6, v7;
	v7 =	vld [tilespmem:s26+$0x3820]  }
0x146: {  	v14 =	vmin.f32 v13, v10;
	v10 =	vmax.f32 v13, v10;
	v13 =	vmin.f32 v12, v11  }
0x147: {  	v9 =	vmin.f32 v9, v10;
	v10 =	vmax.f32 v12, v11;
	v6 =	vmax.f32 v6, v11;
	v11 =	vld [tilespmem:s26+$0x3830]  }
0x148: {  	v12 =	vmin.f32 v14, v10;
	v10 =	vmax.f32 v14, v10;
	v14 =	vmin.f32 v13, v8  }
0x149: {  	v9 =	vmin.f32 v9, v10;
	v10 =	vmax.f32 v13, v8;
	v6 =	vmax.f32 v6, v8  }
0x14a: {  	v8 =	vmin.f32 v12, v10;
	v10 =	vmax.f32 v12, v10;
	v12 =	vmin.f32 v14, v7  }
0x14b: {  	v9 =	vmin.f32 v9, v10;
	v10 =	vmax.f32 v14, v7;
	v6 =	vmax.f32 v6, v7  }
0x14c: {  	v7 =	vmin.f32 v8, v10;
	v8 =	vmax.f32 v8, v10;
	v10 =	vmin.f32 v12, v11  }
0x14d: {  	v8 =	vmin.f32 v9, v8;
	v9 =	vmax.f32 v12, v11;
	v6 =	vmax.f32 v6, v11  }
0x14e: {  	v11 =	vmin.f32 v7, v9;
	v7 =	vmax.f32 v7, v9;
	v9 =	vperm.xlane v10, v0  }
0x14f: {  	v12 =	vperm.xlane v6, v0;
	v7 =	vmin.f32 v8, v7;
	v8 =	vperm.xlane v11, v0  }
0x150: {  	v13 =	vperm.xlane v7, v0;
	v14 =	vmin.f32 v10, v9;
	v9 =	vmax.f32 v10, v9  }
0x151: {  	v6 =	vmax.f32 v6, v12;
	v10 =	vmin.f32 v11, v9;
	v9 =	vmax.f32 v11, v9  }
0x152: {  	v11 =	vmin.f32 v14, v8;
	v8 =	vmax.f32 v14, v8;
	v12 =	vperm.xlane v6, v1  }
0x153: {  	v7 =	vmin.f32 v7, v9;
	v9 =	vmin.f32 v10, v8;
	v8 =	vmax.f32 v10, v8  }
0x154: {  	v10 =	vmax.f32 v11, v13;
	v7 =	vmin.f32 v7, v8;
	v8 =	vmin.f32 v11, v13  }
0x155: {  	v11 =	vmin.f32 v9, v10;
	v9 =	vmax.f32 v9, v10;
	v10 =	vperm.xlane v8, v1  }
0x156: {  	v6 =	vmax.f32 v6, v12;
	v7 =	vmin.f32 v7, v9;
	v9 =	vperm.xlane v11, v1  }
0x157: {  	v14 =	vperm.xlane v6, v2;
	v12 =	vperm.xlane v7, v1;
	v13 =	vmax.f32 v8, v10  }
0x158: {  	v8 =	vmin.f32 v8, v10;
	v10 =	vmin.f32 v11, v13;
	v11 =	vmax.f32 v11, v13  }
0x159: {  	v6 =	vmax.f32 v6, v14;
	v13 =	vmin.f32 v8, v9;
	v8 =	vmax.f32 v8, v9  }
0x15a: {  	v7 =	vmin.f32 v7, v11;
	v9 =	vmin.f32 v10, v8;
	v8 =	vmax.f32 v10, v8  }
0x15b: {  	v10 =	vmin.f32 v13, v12;
	v11 =	vmax.f32 v13, v12;
	v12 =	vperm.xlane v6, v3  }
0x15c: {  	v7 =	vmin.f32 v7, v8;
	v8 =	vmax.f32 v9, v11;
	v13 =	vperm.xlane v10, v2  }
0x15d: {  	v9 =	vmin.f32 v9, v11;
	v7 =	vmin.f32 v7, v8  }
0x15e: {  	v8 =	vperm.xlane v9, v2;
	v6 =	vmax.f32 v6, v12;
	v11 =	vmax.f32 v10, v13  }
0x15f: {  	s26 =	sshrl.u32 s28, $0x3;
	v12 =	vperm.xlane v7, v2;
	v10 =	vmin.f32 v10, v13;
	v13 =	vmin.f32 v9, v11  }
0x160: {  	s26 =	smul.u32 $0x5000, s26;
	v9 =	vmax.f32 v9, v11;
	v11 =	vmin.f32 v10, v8;
	v8 =	vmax.f32 v10, v8  }
0x161: {  	s25 =	sadd.s32 $0x80, s25;
	v7 =	vmin.f32 v7, v9;
	v9 =	vmin.f32 v13, v8;
	v8 =	vmax.f32 v13, v8  }
0x162: {  	s29 =	sand.u32 $0x380, s25;
	s26 =	sshra.s32 s26, $0x2;
	v10 =	vmax.f32 v11, v12;
	v7 =	vmin.f32 v7, v8;
	v8 =	vmin.f32 v11, v12  }
0x163: {  	s26 =	sor.u32 s29, s26;
	v11 =	vmin.f32 v9, v10;
	v9 =	vmax.f32 v9, v10;
	v10 =	vperm.xlane v8, v3  }
0x164: {  	v6 =	vmul.f32 $1.442695020e+00, v6;
	v7 =	vmin.f32 v7, v9;
	v9 =	vperm.xlane v11, v3;
	v12 =	vld [tilespmem:s26+$0x2800]  }
0x165: {  	v14 =	vperm.xlane v7, v3;
	v15 =	vmin.f32 v8, v10;
	v8 =	vmax.f32 v8, v10;
	v13 =	vld [tilespmem:s26+$0x2810]  }
0x166: {  	v10 =	vmin.f32 v11, v8;
	v16 =	vmin.f32 v15, v9;
	v9 =	vmax.f32 v15, v9  }
0x167: {  	v17 =	vmin.f32 v10, v9;
	v14 =	vmax.f32 v16, v14;
	v16 =	vmov s24;
	s24 =	smov.u32 s28;
	v15 =	vld [tilespmem:s26+$0x2820]  }
0x168: {  	v18 =	vmin.f32 v17, v14;
	vm0 =	veq.s32 v16, v4;
	(erf) = vpow2.f32 v6  }
0x169: {  	v20 =	vmul.f32 $1.442695020e+00, v18;
	v6 =	vmax.f32 v12, $+Inf;
	v16 =	vmax.f32 v12, $0.0e+00;
	v19 =	vld [tilespmem:s26+$0x2830]  }
0x16a: {  	v21 =	vmin.f32 v12, v13;
	v12 =	vmax.f32 v12, v13;
	v13 =	vmax.f32 v16, v13  }
0x16b: {  	v16 =	vmin.f32 v6, v12;
	v12 =	vmax.f32 v6, v12;
	v22 =	vld [tilespmem:s26+$0x2840];
	(erf) = vpow2.f32 v20  }
0x16c: {  	v20 =	vmin.f32 v21, v15;
	v21 =	vmax.f32 v21, v15;
	v13 =	vmax.f32 v13, v15  }
0x16d: {  	v6 =	vmin.f32 v6, v12;
	v12 =	vmin.f32 v16, v21;
	v15 =	vmax.f32 v16, v21  }
0x16e: {  	v16 =	vmin.f32 v20, v19;
	v20 =	vmax.f32 v20, v19;
	v13 =	vmax.f32 v13, v19  }
0x16f: {  	v6 =	vmin.f32 v6, v15;
	v15 =	vmin.f32 v12, v20;
	v12 =	vmax.f32 v12, v20  }
0x170: {  	v8 =	vmax.f32 v11, v8;
	v19 =	vmin.f32 v16, v22;
	v16 =	vmax.f32 v16, v22;
	v20 =	vld [tilespmem:s26+$0x2850]  }
0x171: {  	v7 =	vmin.f32 v7, v8;
	v8 =	vmax.f32 v10, v9;
	v11 =	vmax.f32 v13, v22;
	v9 =	vpop (erf)  }
0x172: {  	v21 =	vmin.f32 v7, v8;
	v8 =	vmax.f32 v17, v14;
	v9 =	vadd.f32 v9, v9  }
0x173: {  	v6 =	vmin.f32 v6, v12;
	v13 =	vmin.f32 v21, v8;
	v10 =	vmin.f32 v15, v16;
	v12 =	vld [tilespmem:s26+$0x2860]  }
0x174: {  	v8 =	vmax.f32 v15, v16;
	v9 =	vadd.f32 $1.000000000e+00, v9;
	(erf) = vrcp.f32 v13;
	v7 =	vpop (erf)  }
0x175: {  	v13 =	vmin.f32 v19, v20;
	v14 =	vmax.f32 v19, v20;
	v15 =	vld [tilespmem:s26+$0x2870];
	v7 =	vadd.f32 $1.000000000e+00, v7  }
0x176: {  	v6 =	vmin.f32 v6, v8;
	v8 =	vmax.f32 v11, v20;
	(erf) = vrcp.f32 v9  }
0x177: {  	v9 =	vmin.f32 v10, v14;
	v10 =	vmax.f32 v10, v14;
	v11 =	vld [tilespmem:s26+$0x2C00];
	(erf) = vrcp.f32 v7  }
0x178: {  	v7 =	vmin.f32 v13, v12;
	v13 =	vmax.f32 v13, v12;
	v8 =	vmax.f32 v8, v12  }
0x179: {  	v6 =	vmin.f32 v6, v10;
	v10 =	vmin.f32 v9, v13;
	v9 =	vmax.f32 v9, v13;
	v12 =	vld [tilespmem:s26+$0x2C10]  }
0x17a: {  	v13 =	vmin.f32 v7, v15;
	v7 =	vmax.f32 v7, v15;
	v8 =	vmax.f32 v8, v15  }
0x17b: {  	v6 =	vmin.f32 v6, v9;
	v9 =	vmin.f32 v10, v7;
	v7 =	vmax.f32 v10, v7;
	v10 =	vld [tilespmem:s26+$0x2C20]  }
0x17c: {  	v14 =	vmin.f32 v13, v11;
	v13 =	vmax.f32 v13, v11;
	v8 =	vmax.f32 v8, v11  }
0x17d: {  	v6 =	vmin.f32 v6, v7;
	v7 =	vmin.f32 v9, v13;
	v9 =	vmax.f32 v9, v13;
	v11 =	vpop (erf)  }
0x17e: {  	v13 =	vmin.f32 v14, v12;
	v14 =	vmax.f32 v14, v12;
	v15 =	vld [tilespmem:s26+$0x2C30];
	v17 =	vmul.f32 v11, v18  }
0x17f: {  	v6 =	vmin.f32 v6, v9;
	v8 =	vmax.f32 v8, v12;
	v9 =	vmin.f32 v7, v14;
	v12 =	vpop (erf)  }
0x180: {  	v7 =	vmax.f32 v7, v14;
	v14 =	vmin.f32 v13, v10;
	v16 =	vld [tilespmem:s26+$0x2C40];
	vm1 =	vlt.f32 v17, $6.000000240e-01;
	v11 =	vpop (erf)  }
0x181: {  	v13 =	vmax.f32 v13, v10;
	v8 =	vmax.f32 v8, v10;
	v10 =	vsel vm1, v11, v12  }
0x182: {  	v6 =	vmin.f32 v6, v7;
	v7 =	vmin.f32 v9, v13;
	v11 =	vld [tilespmem:s26+$0x2C50];
	v10 =	vadd.f32 v10, v10  }
0x183: {  	v9 =	vmax.f32 v9, v13;
	v12 =	vmin.f32 v14, v15;
	v13 =	vmax.f32 v14, v15  }
0x184: {  	v6 =	vmin.f32 v6, v9;
	v8 =	vmax.f32 v8, v15;
	v9 =	vld [tilespmem:s26+$0x2C60];
	v5 =	vsel vm0, v10, v5  }
0x185: {  	v10 =	vmin.f32 v7, v13;
	v7 =	vmax.f32 v7, v13;
	v13 =	vmin.f32 v12, v16  }
0x186: {  	v6 =	vmin.f32 v6, v7;
	v7 =	vmax.f32 v12, v16;
	v8 =	vmax.f32 v8, v16;
	v12 =	vld [tilespmem:s26+$0x2C70]  }
0x187: {  	v14 =	vmin.f32 v10, v7;
	v7 =	vmax.f32 v10, v7;
	v10 =	vmin.f32 v13, v11  }
0x188: {  	v6 =	vmin.f32 v6, v7;
	v7 =	vmax.f32 v13, v11;
	v8 =	vmax.f32 v8, v11;
	v15 =	vld [tilespmem:s26+$0x3000]  }
0x189: {  	v11 =	vmin.f32 v14, v7;
	v7 =	vmax.f32 v14, v7;
	v13 =	vmin.f32 v10, v9  }
.Ltmp1:
0x18a: {  	v6 =	vmin.f32 v6, v7;
	v7 =	vmax.f32 v10, v9;
	v9 =	vmax.f32 v8, v9;
	v8 =	vld [tilespmem:s26+$0x3010];
	(pc) =	sbr.rel @p0 .LBB2_4-.Ltmp1, $4  }
0x18b: {  	v14 =	vmin.f32 v11, v7;
	v7 =	vmax.f32 v11, v7;
	v16 =	vmin.f32 v13, v12  }
0x18c: {  	v7 =	vmin.f32 v6, v7;
	v11 =	vmax.f32 v13, v12;
	v12 =	vmax.f32 v9, v12;
	v6 =	vld [tilespmem:s26+$0x3020]  }
0x18d: {  	v10 =	vmin.f32 v14, v11;
	v11 =	vmax.f32 v14, v11;
	v9 =	vmin.f32 v16, v15  }
0x18e: {  	s28 =	sadd.s32 $0x1, s28;
	v11 =	vmin.f32 v7, v11;
	v13 =	vmax.f32 v16, v15;
	v12 =	vmax.f32 v12, v15;
	v7 =	vld [tilespmem:s26+$0x3030]  }
0x18f: {  	v14 =	vmin.f32 v10, v13;
	v10 =	vmax.f32 v10, v13  }
0x190: {  	v13 =	vmin.f32 v9, v8;
	v9 =	vmax.f32 v9, v8;
	v8 =	vmax.f32 v12, v8  }
0x191: {  	v10 =	vmin.f32 v11, v10;
	v11 =	vld [tilespmem:s26+$0x3040];
	v12 =	vmin.f32 v14, v9;
	v9 =	vmax.f32 v14, v9  }
0x192: {  	v14 =	vmin.f32 v13, v6;
	v9 =	vmin.f32 v10, v9;
	v10 =	vmax.f32 v13, v6  }
0x193: {  	v6 =	vmax.f32 v8, v6;
	v8 =	vld [tilespmem:s26+$0x3050];
	v13 =	vmin.f32 v12, v10;
	v10 =	vmax.f32 v12, v10  }
0x194: {  	v12 =	vmin.f32 v14, v7;
	v9 =	vmin.f32 v9, v10;
	v10 =	vmax.f32 v14, v7  }
0x195: {  	v6 =	vmax.f32 v6, v7;
	v7 =	vld [tilespmem:s26+$0x3060];
	v14 =	vmin.f32 v13, v10;
	v10 =	vmax.f32 v13, v10  }
0x196: {  	v13 =	vmin.f32 v12, v11;
	v9 =	vmin.f32 v9, v10;
	v10 =	vmax.f32 v12, v11  }
0x197: {  	v6 =	vmax.f32 v6, v11;
	v11 =	vld [tilespmem:s26+$0x3070];
	v12 =	vmin.f32 v14, v10;
	v10 =	vmax.f32 v14, v10  }
0x198: {  	v14 =	vmin.f32 v13, v8;
	v9 =	vmin.f32 v9, v10;
	v10 =	vmax.f32 v13, v8  }
0x199: {  	v6 =	vmax.f32 v6, v8;
	v8 =	vld [tilespmem:s26+$0x3400];
	v13 =	vmin.f32 v12, v10;
	v10 =	vmax.f32 v12, v10  }
0x19a: {  	v12 =	vmin.f32 v14, v7;
	v9 =	vmin.f32 v9, v10;
	v10 =	vmax.f32 v14, v7  }
0x19b: {  	v6 =	vmax.f32 v6, v7;
	v7 =	vld [tilespmem:s26+$0x3410];
	v14 =	vmin.f32 v13, v10;
	v10 =	vmax.f32 v13, v10  }
0x19c: {  	v13 =	vmin.f32 v12, v11;
	v9 =	vmin.f32 v9, v10;
	v10 =	vmax.f32 v12, v11  }
0x19d: {  	v6 =	vmax.f32 v6, v11;
	v11 =	vld [tilespmem:s26+$0x3420];
	v12 =	vmin.f32 v14, v10;
	v10 =	vmax.f32 v14, v10  }
0x19e: {  	v14 =	vmin.f32 v13, v8;
	v9 =	vmin.f32 v9, v10;
	v10 =	vmax.f32 v13, v8  }
0x19f: {  	v6 =	vmax.f32 v6, v8;
	v8 =	vld [tilespmem:s26+$0x3430];
	v13 =	vmin.f32 v12, v10;
	v10 =	vmax.f32 v12, v10  }
0x1a0: {  	v12 =	vmin.f32 v14, v7;
	v9 =	vmin.f32 v9, v10;
	v10 =	vmax.f32 v14, v7  }
0x1a1: {  	v6 =	vmax.f32 v6, v7;
	v7 =	vld [tilespmem:s26+$0x3440];
	v14 =	vmin.f32 v13, v10;
	v10 =	vmax.f32 v13, v10  }
0x1a2: {  	v13 =	vmin.f32 v12, v11;
	v9 =	vmin.f32 v9, v10;
	v10 =	vmax.f32 v12, v11  }
0x1a3: {  	v6 =	vmax.f32 v6, v11;
	v11 =	vld [tilespmem:s26+$0x3450];
	v12 =	vmin.f32 v14, v10;
	v10 =	vmax.f32 v14, v10  }
0x1a4: {  	v14 =	vmin.f32 v13, v8;
	v9 =	vmin.f32 v9, v10;
	v10 =	vmax.f32 v13, v8  }
0x1a5: {  	v6 =	vmax.f32 v6, v8;
	v8 =	vld [tilespmem:s26+$0x3460];
	v13 =	vmin.f32 v12, v10;
	v10 =	vmax.f32 v12, v10  }
0x1a6: {  	v12 =	vmin.f32 v14, v7;
	v9 =	vmin.f32 v9, v10;
	v10 =	vmax.f32 v14, v7  }
0x1a7: {  	v6 =	vmax.f32 v6, v7;
	v7 =	vld [tilespmem:s26+$0x3470];
	v14 =	vmin.f32 v13, v10;
	v10 =	vmax.f32 v13, v10  }
0x1a8: {  	v13 =	vmin.f32 v12, v11;
	v9 =	vmin.f32 v9, v10;
	v10 =	vmax.f32 v12, v11  }
0x1a9: {  	v6 =	vmax.f32 v6, v11;
	v11 =	vld [tilespmem:s26+$0x3800];
	v12 =	vmin.f32 v14, v10;
	v10 =	vmax.f32 v14, v10  }
0x1aa: {  	v14 =	vmin.f32 v13, v8;
	v9 =	vmin.f32 v9, v10;
	v10 =	vmax.f32 v13, v8  }
0x1ab: {  	v6 =	vmax.f32 v6, v8;
	v8 =	vld [tilespmem:s26+$0x3810];
	v13 =	vmin.f32 v12, v10;
	v10 =	vmax.f32 v12, v10  }
0x1ac: {  	v12 =	vmin.f32 v14, v7;
	v9 =	vmin.f32 v9, v10;
	v10 =	vmax.f32 v14, v7  }
0x1ad: {  	v6 =	vmax.f32 v6, v7;
	v7 =	vld [tilespmem:s26+$0x3820];
	v14 =	vmin.f32 v13, v10;
	v10 =	vmax.f32 v13, v10  }
0x1ae: {  	v13 =	vmin.f32 v12, v11;
	v9 =	vmin.f32 v9, v10;
	v10 =	vmax.f32 v12, v11  }
0x1af: {  	v6 =	vmax.f32 v6, v11;
	v11 =	vld [tilespmem:s26+$0x3830];
	v12 =	vmin.f32 v14, v10;
	v10 =	vmax.f32 v14, v10  }
0x1b0: {  	v14 =	vmin.f32 v13, v8;
	v9 =	vmin.f32 v9, v10;
	v10 =	vmax.f32 v13, v8  }
0x1b1: {  	v6 =	vmax.f32 v6, v8;
	v8 =	vmin.f32 v12, v10;
	v10 =	vmax.f32 v12, v10  }
0x1b2: {  	v9 =	vmin.f32 v9, v10;
	v10 =	vmax.f32 v14, v7  }
0x1b3: {  	v12 =	vmin.f32 v14, v7;
	v6 =	vmax.f32 v6, v7;
	v7 =	vmin.f32 v8, v10  }
0x1b4: {  	v8 =	vmax.f32 v8, v10;
	v10 =	vmin.f32 v12, v11;
	v6 =	vmax.f32 v6, v11  }
0x1b5: {  	v8 =	vmin.f32 v9, v8;
	v9 =	vmax.f32 v12, v11;
	v12 =	vperm.xlane v6, v0  }
0x1b6: {  	v11 =	vmin.f32 v7, v9;
	v7 =	vmax.f32 v7, v9;
	v9 =	vperm.xlane v10, v0  }
0x1b7: {  	v7 =	vmin.f32 v8, v7;
	v8 =	vperm.xlane v11, v0;
	v6 =	vmax.f32 v6, v12  }
0x1b8: {  	v13 =	vperm.xlane v7, v0;
	v14 =	vmin.f32 v10, v9;
	v9 =	vmax.f32 v10, v9  }
0x1b9: {  	v12 =	vperm.xlane v6, v1;
	v10 =	vmin.f32 v11, v9;
	v9 =	vmax.f32 v11, v9  }
0x1ba: {  	v11 =	vmin.f32 v14, v8;
	v8 =	vmax.f32 v14, v8;
	v7 =	vmin.f32 v7, v9  }
0x1bb: {  	v9 =	vmin.f32 v10, v8;
	v8 =	vmax.f32 v10, v8;
	v10 =	vmax.f32 v11, v13  }
0x1bc: {  	v6 =	vmax.f32 v6, v12;
	v7 =	vmin.f32 v7, v8;
	v8 =	vmin.f32 v11, v13  }
0x1bd: {  	v11 =	vmin.f32 v9, v10;
	v9 =	vmax.f32 v9, v10;
	v10 =	vperm.xlane v8, v1  }
0x1be: {  	v14 =	vperm.xlane v6, v2;
	v7 =	vmin.f32 v7, v9  }
0x1bf: {  	v9 =	vperm.xlane v11, v1;
	v12 =	vperm.xlane v7, v1;
	v13 =	vmax.f32 v8, v10  }
0x1c0: {  	v6 =	vmax.f32 v6, v14;
	v8 =	vmin.f32 v8, v10;
	v10 =	vmin.f32 v11, v13  }
0x1c1: {  	v11 =	vmax.f32 v11, v13;
	v13 =	vmin.f32 v8, v9;
	v8 =	vmax.f32 v8, v9  }
0x1c2: {  	v7 =	vmin.f32 v7, v11;
	v9 =	vmin.f32 v10, v8;
	v8 =	vmax.f32 v10, v8  }
0x1c3: {  	v10 =	vmin.f32 v13, v12;
	v11 =	vmax.f32 v13, v12;
	v12 =	vperm.xlane v6, v3  }
0x1c4: {  	v7 =	vmin.f32 v7, v8;
	v8 =	vmax.f32 v9, v11;
	v13 =	vperm.xlane v10, v2  }
0x1c5: {  	v9 =	vmin.f32 v9, v11;
	v7 =	vmin.f32 v7, v8  }
0x1c6: {  	v8 =	vperm.xlane v9, v2;
	v6 =	vmax.f32 v6, v12;
	v11 =	vmax.f32 v10, v13  }
0x1c7: {  	v12 =	vperm.xlane v7, v2;
	v10 =	vmin.f32 v10, v13;
	v13 =	vmin.f32 v9, v11  }
0x1c8: {  	v9 =	vmax.f32 v9, v11;
	v11 =	vmin.f32 v10, v8;
	v8 =	vmax.f32 v10, v8  }
0x1c9: {  	v7 =	vmin.f32 v7, v9;
	v9 =	vmin.f32 v13, v8;
	v8 =	vmax.f32 v13, v8  }
0x1ca: {  	v10 =	vmax.f32 v11, v12;
	v7 =	vmin.f32 v7, v8;
	v8 =	vmin.f32 v11, v12  }
0x1cb: {  	v11 =	vmin.f32 v9, v10;
	v9 =	vmax.f32 v9, v10;
	v10 =	vperm.xlane v8, v3  }
0x1cc: {  	v6 =	vmul.f32 $1.442695020e+00, v6;
	v7 =	vmin.f32 v7, v9;
	v9 =	vperm.xlane v11, v3  }
0x1cd: {  	v12 =	vperm.xlane v7, v3;
	v13 =	vmin.f32 v8, v10;
	v8 =	vmax.f32 v8, v10  }
0x1ce: {  	v10 =	vmin.f32 v11, v8;
	v14 =	vmin.f32 v13, v9;
	v9 =	vmax.f32 v13, v9  }
0x1cf: {  	v13 =	vmin.f32 v10, v9;
	v12 =	vmax.f32 v14, v12  }
0x1d0: {  	(erf) = vpow2.f32 v6;
	v14 =	vmin.f32 v13, v12  }
0x1d1: {  	v6 =	vmul.f32 $1.442695020e+00, v14;
	_ =	sdelay $0x1  }
0x1d2: {  	(erf) = vpow2.f32 v6;
	_ =	sdelay $0x2  }
0x1d3: {  	v6 =	vmax.f32 v11, v8  }
0x1d4: {  	v6 =	vmin.f32 v7, v6;
	v7 =	vmax.f32 v10, v9  }
0x1d5: {  	v6 =	vmin.f32 v6, v7;
	v7 =	vmax.f32 v13, v12  }
0x1d6: {  	v8 =	vpop (erf);
	v6 =	vmin.f32 v6, v7  }
0x1d7: {  	v8 =	vadd.f32 v8, v8;
	(erf) = vrcp.f32 v6;
	_ =	sdelay $0x1  }
0x1d8: {  	v7 =	vadd.f32 $1.000000000e+00, v8;
	v6 =	vpop (erf)  }
0x1d9: {  	v6 =	vadd.f32 $1.000000000e+00, v6  }
0x1da: {  	(erf) = vrcp.f32 v7  }
0x1db: {  	(erf) = vrcp.f32 v6;
	_ =	sdelay $0x3  }
0x1dc: {  	v6 =	vpop (erf)  }
0x1dd: {  	v6 =	vmul.f32 v6, v14;
	_ =	sdelay $0x2  }
0x1de: {  	v7 =	vpop (erf)  }
0x1df: {  	vm0 =	vlt.f32 v6, $6.000000240e-01;
	v6 =	vpop (erf)  }
0x1e0: {  	v6 =	vsel vm0, v6, v7  }
0x1e1: {  	v7 =	vmov s24;
	v6 =	vadd.f32 v6, v6  }
0x1e2: {  	vm15 =	veq.s32 v7, v4  }
0x1e3: {  	s30 =	simm.s32 $0x0;
	v5 =	vsel vm15, v6, v5  }
0x1e4: {  	s25 =	simm.s32 $0x0;
	s24 =	smul.u32 $0x5000, s30;
	[tilespmem:$0x5080] =	vst v5  }
0x1e5: {  	[hbm4b:s7+s25] =	stream.linear.scatter [tilespmem:s18], [sflag:$0x3], $0x80, $0x38;
	[tilespmem:$0x5400] =	vst v63  }
0x1e6: {  	_ =	swait.ge [sflag:s14], $0x2800  }
0x1e7: {  	s31 =	sand.u32 $0x380, s25;
	s24 =	sshra.s32 s24, $0x2;
	[sflag:s14] =	ssyncset.done $0x0  }
0x1e8: {  	s26 =	sor.u32 s31, s24;
	[sflag:s14] =	ssyncadd.s32 $0xFFFFD800  }
0x1e9: {  	[tilespmem:s15], [sflag:$0x2] =	stream.linear.gather [hbm4b:s8+s25], $0x2800, $0x38;
	[tilespmem:$0x5400] =	vst v63  }
0x1ea: {  	v6 =	vld [tilespmem:s26+$0x0]  }
0x1eb: {  	v7 =	vld [tilespmem:s26+$0x10];
	_ =	sdelay $0x1  }
0x1ec: {  	v8 =	vld [tilespmem:s26+$0x20];
	_ =	sdelay $0x1  }
0x1ed: {  	v9 =	vld [tilespmem:s26+$0x30];
	v10 =	vmax.f32 v6, $+Inf  }
0x1ee: {  	v11 =	vmax.f32 v6, $0.0e+00;
	v12 =	vmin.f32 v6, v7;
	v6 =	vmax.f32 v6, v7  }
0x1ef: {  	v7 =	vmax.f32 v11, v7;
	v11 =	vld [tilespmem:s26+$0x40];
	v13 =	vmin.f32 v10, v6;
	v6 =	vmax.f32 v10, v6  }
0x1f0: {  	v14 =	vmin.f32 v12, v8;
	v12 =	vmax.f32 v12, v8;
	v7 =	vmax.f32 v7, v8  }
0x1f1: {  	v6 =	vmin.f32 v10, v6;
	v8 =	vld [tilespmem:s26+$0x50];
	v10 =	vmin.f32 v13, v12;
	v12 =	vmax.f32 v13, v12  }
0x1f2: {  	v13 =	vmin.f32 v14, v9;
	v14 =	vmax.f32 v14, v9;
	v7 =	vmax.f32 v7, v9  }
0x1f3: {  	v6 =	vmin.f32 v6, v12;
	v9 =	vld [tilespmem:s26+$0x60];
	v12 =	vmin.f32 v10, v14;
	v10 =	vmax.f32 v10, v14  }
0x1f4: {  	v6 =	vmin.f32 v6, v10;
	v14 =	vmin.f32 v13, v11;
	v13 =	vmax.f32 v13, v11  }
0x1f5: {  	v10 =	vld [tilespmem:s26+$0x70];
	v7 =	vmax.f32 v7, v11;
	v11 =	vmin.f32 v12, v13;
	v12 =	vmax.f32 v12, v13  }
0x1f6: {  	v13 =	vmin.f32 v14, v8;
	v14 =	vmax.f32 v14, v8;
	v7 =	vmax.f32 v7, v8  }
0x1f7: {  	v8 =	vld [tilespmem:s26+$0x400];
	v6 =	vmin.f32 v6, v12;
	v12 =	vmin.f32 v11, v14;
	v11 =	vmax.f32 v11, v14  }
0x1f8: {  	v14 =	vmin.f32 v13, v9;
	v13 =	vmax.f32 v13, v9;
	v7 =	vmax.f32 v7, v9  }
0x1f9: {  	v9 =	vld [tilespmem:s26+$0x410];
	v6 =	vmin.f32 v6, v11;
	v11 =	vmin.f32 v12, v13;
	v12 =	vmax.f32 v12, v13  }
0x1fa: {  	v13 =	vmin.f32 v14, v10;
	v14 =	vmax.f32 v14, v10;
	v7 =	vmax.f32 v7, v10  }
0x1fb: {  	v10 =	vld [tilespmem:s26+$0x420];
	v6 =	vmin.f32 v6, v12;
	v12 =	vmin.f32 v11, v14;
	v11 =	vmax.f32 v11, v14  }
0x1fc: {  	v6 =	vmin.f32 v6, v11;
	v14 =	vmin.f32 v13, v8;
	v13 =	vmax.f32 v13, v8  }
0x1fd: {  	v7 =	vmax.f32 v7, v8;
	v11 =	vmin.f32 v12, v13;
	v12 =	vmax.f32 v12, v13  }
0x1fe: {  	v8 =	vld [tilespmem:s26+$0x430];
	v13 =	vmax.f32 v14, v9;
	v14 =	vmin.f32 v14, v9;
	v7 =	vmax.f32 v7, v9  }
0x1ff: {  	v15 =	vld [tilespmem:s26+$0x440];
	v6 =	vmin.f32 v6, v12;
	v12 =	vmin.f32 v11, v13;
	v9 =	vmax.f32 v11, v13  }
0x200: {  	v11 =	vmin.f32 v14, v10;
	v13 =	vmax.f32 v14, v10;
	v7 =	vmax.f32 v7, v10  }
0x201: {  	v6 =	vmin.f32 v6, v9;
	v9 =	vld [tilespmem:s26+$0x450];
	v10 =	vmin.f32 v12, v13;
	v12 =	vmax.f32 v12, v13  }
0x202: {  	v5 =	vimm.f32 $0.0e+00;
	v6 =	vmin.f32 v6, v12  }
0x203: {  	v13 =	vmin.f32 v11, v8;
	v11 =	vmax.f32 v11, v8;
	v7 =	vmax.f32 v7, v8;
	v8 =	vld [tilespmem:s26+$0x460]  }
0x204: {  	v12 =	vmin.f32 v10, v11;
	v10 =	vmax.f32 v10, v11;
	v11 =	vmin.f32 v13, v15  }
0x205: {  	v7 =	vmax.f32 v7, v15;
	v6 =	vmin.f32 v6, v10;
	v10 =	vmax.f32 v13, v15;
	v13 =	vld [tilespmem:s26+$0x470]  }
0x206: {  	v14 =	vmin.f32 v12, v10;
	v10 =	vmax.f32 v12, v10;
	v12 =	vmin.f32 v11, v9  }
0x207: {  	v15 =	vld [tilespmem:s26+$0x800];
	v7 =	vmax.f32 v7, v9;
	v6 =	vmin.f32 v6, v10;
	v10 =	vmax.f32 v11, v9  }
0x208: {  	v9 =	vmin.f32 v14, v10;
	v10 =	vmax.f32 v14, v10;
	v11 =	vmin.f32 v12, v8  }
0x209: {  	v7 =	vmax.f32 v7, v8;
	v6 =	vmin.f32 v6, v10;
	v10 =	vmax.f32 v12, v8;
	v8 =	vld [tilespmem:s26+$0x810]  }
0x20a: {  	v12 =	vmin.f32 v9, v10;
	v9 =	vmax.f32 v9, v10;
	v14 =	vmin.f32 v11, v13  }
0x20b: {  	v7 =	vmax.f32 v7, v13;
	v16 =	vmin.f32 v6, v9;
	v9 =	vmax.f32 v11, v13;
	v6 =	vld [tilespmem:s26+$0x820]  }
0x20c: {  	v13 =	vmax.f32 v14, v15;
	v10 =	vmin.f32 v12, v9;
	v11 =	vmax.f32 v12, v9  }
0x20d: {  	s28 =	simm.s32 $0x1;
	s24 =	simm.s32 $0x0;
	v9 =	vmin.f32 v14, v15;
	v12 =	vmax.f32 v7, v15;
	v7 =	vld [tilespmem:s26+$0x830];
	v11 =	vmin.f32 v16, v11  }
.LBB2_6:
0x20e: {  	p0 =	sne.s32 s28, $0xF;
	v14 =	vmin.f32 v10, v13;
	v10 =	vmax.f32 v10, v13;
	v13 =	vmin.f32 v9, v8  }
0x20f: {  	v9 =	vmax.f32 v9, v8;
	v8 =	vmax.f32 v12, v8;
	v10 =	vmin.f32 v11, v10;
	v11 =	vld [tilespmem:s26+$0x840]  }
0x210: {  	v12 =	vmin.f32 v14, v9;
	v9 =	vmax.f32 v14, v9;
	v14 =	vmin.f32 v13, v6  }
0x211: {  	v9 =	vmin.f32 v10, v9;
	v10 =	vmax.f32 v13, v6;
	v6 =	vmax.f32 v8, v6;
	v8 =	vld [tilespmem:s26+$0x850]  }
0x212: {  	v13 =	vmin.f32 v12, v10;
	v10 =	vmax.f32 v12, v10;
	v12 =	vmin.f32 v14, v7  }
0x213: {  	v9 =	vmin.f32 v9, v10;
	v10 =	vmax.f32 v14, v7;
	v6 =	vmax.f32 v6, v7;
	v7 =	vld [tilespmem:s26+$0x860]  }
0x214: {  	v14 =	vmin.f32 v13, v10;
	v10 =	vmax.f32 v13, v10;
	v13 =	vmin.f32 v12, v11  }
0x215: {  	v9 =	vmin.f32 v9, v10;
	v10 =	vmax.f32 v12, v11;
	v6 =	vmax.f32 v6, v11;
	v11 =	vld [tilespmem:s26+$0x870]  }
0x216: {  	v12 =	vmin.f32 v14, v10;
	v10 =	vmax.f32 v14, v10;
	v14 =	vmin.f32 v13, v8  }
0x217: {  	v9 =	vmin.f32 v9, v10;
	v10 =	vmax.f32 v13, v8;
	v6 =	vmax.f32 v6, v8;
	v8 =	vld [tilespmem:s26+$0xC00]  }
0x218: {  	v13 =	vmin.f32 v12, v10;
	v10 =	vmax.f32 v12, v10;
	v12 =	vmin.f32 v14, v7  }
0x219: {  	v9 =	vmin.f32 v9, v10;
	v10 =	vmax.f32 v14, v7;
	v6 =	vmax.f32 v6, v7;
	v7 =	vld [tilespmem:s26+$0xC10]  }
0x21a: {  	v14 =	vmin.f32 v13, v10;
	v10 =	vmax.f32 v13, v10;
	v13 =	vmin.f32 v12, v11  }
0x21b: {  	v9 =	vmin.f32 v9, v10;
	v10 =	vmax.f32 v12, v11;
	v6 =	vmax.f32 v6, v11;
	v11 =	vld [tilespmem:s26+$0xC20]  }
0x21c: {  	v12 =	vmin.f32 v14, v10;
	v10 =	vmax.f32 v14, v10;
	v14 =	vmin.f32 v13, v8  }
0x21d: {  	v9 =	vmin.f32 v9, v10;
	v10 =	vmax.f32 v13, v8;
	v6 =	vmax.f32 v6, v8;
	v8 =	vld [tilespmem:s26+$0xC30]  }
0x21e: {  	v13 =	vmin.f32 v12, v10;
	v10 =	vmax.f32 v12, v10;
	v12 =	vmin.f32 v14, v7  }
0x21f: {  	v9 =	vmin.f32 v9, v10;
	v10 =	vmax.f32 v14, v7;
	v6 =	vmax.f32 v6, v7;
	v7 =	vld [tilespmem:s26+$0xC40]  }
0x220: {  	v14 =	vmin.f32 v13, v10;
	v10 =	vmax.f32 v13, v10;
	v13 =	vmin.f32 v12, v11  }
0x221: {  	v9 =	vmin.f32 v9, v10;
	v10 =	vmax.f32 v12, v11;
	v6 =	vmax.f32 v6, v11;
	v11 =	vld [tilespmem:s26+$0xC50]  }
0x222: {  	v12 =	vmin.f32 v14, v10;
	v10 =	vmax.f32 v14, v10;
	v14 =	vmin.f32 v13, v8  }
0x223: {  	v9 =	vmin.f32 v9, v10;
	v10 =	vmax.f32 v13, v8;
	v6 =	vmax.f32 v6, v8;
	v8 =	vld [tilespmem:s26+$0xC60]  }
0x224: {  	v13 =	vmin.f32 v12, v10;
	v10 =	vmax.f32 v12, v10;
	v12 =	vmin.f32 v14, v7  }
0x225: {  	v9 =	vmin.f32 v9, v10;
	v10 =	vmax.f32 v14, v7;
	v6 =	vmax.f32 v6, v7;
	v7 =	vld [tilespmem:s26+$0xC70]  }
0x226: {  	v14 =	vmin.f32 v13, v10;
	v10 =	vmax.f32 v13, v10;
	v13 =	vmin.f32 v12, v11  }
0x227: {  	v9 =	vmin.f32 v9, v10;
	v10 =	vmax.f32 v12, v11;
	v6 =	vmax.f32 v6, v11;
	v11 =	vld [tilespmem:s26+$0x1000]  }
0x228: {  	v12 =	vmin.f32 v14, v10;
	v10 =	vmax.f32 v14, v10;
	v14 =	vmin.f32 v13, v8  }
0x229: {  	v9 =	vmin.f32 v9, v10;
	v10 =	vmax.f32 v13, v8;
	v6 =	vmax.f32 v6, v8;
	v8 =	vld [tilespmem:s26+$0x1010]  }
0x22a: {  	v13 =	vmin.f32 v12, v10;
	v10 =	vmax.f32 v12, v10;
	v12 =	vmin.f32 v14, v7  }
0x22b: {  	v9 =	vmin.f32 v9, v10;
	v10 =	vmax.f32 v14, v7;
	v6 =	vmax.f32 v6, v7;
	v7 =	vld [tilespmem:s26+$0x1020]  }
0x22c: {  	v14 =	vmin.f32 v13, v10;
	v10 =	vmax.f32 v13, v10;
	v13 =	vmin.f32 v12, v11  }
0x22d: {  	v9 =	vmin.f32 v9, v10;
	v10 =	vmax.f32 v12, v11;
	v6 =	vmax.f32 v6, v11;
	v11 =	vld [tilespmem:s26+$0x1030]  }
0x22e: {  	v12 =	vmin.f32 v14, v10;
	v10 =	vmax.f32 v14, v10;
	v14 =	vmin.f32 v13, v8  }
0x22f: {  	v9 =	vmin.f32 v9, v10;
	v10 =	vmax.f32 v13, v8;
	v6 =	vmax.f32 v6, v8  }
0x230: {  	v8 =	vmin.f32 v12, v10;
	v10 =	vmax.f32 v12, v10;
	v12 =	vmin.f32 v14, v7  }
0x231: {  	v9 =	vmin.f32 v9, v10;
	v10 =	vmax.f32 v14, v7;
	v6 =	vmax.f32 v6, v7  }
0x232: {  	v7 =	vmin.f32 v8, v10;
	v8 =	vmax.f32 v8, v10;
	v10 =	vmin.f32 v12, v11  }
0x233: {  	v8 =	vmin.f32 v9, v8;
	v9 =	vmax.f32 v12, v11;
	v6 =	vmax.f32 v6, v11  }
0x234: {  	v11 =	vmin.f32 v7, v9;
	v7 =	vmax.f32 v7, v9;
	v9 =	vperm.xlane v10, v0  }
0x235: {  	v12 =	vperm.xlane v6, v0;
	v7 =	vmin.f32 v8, v7;
	v8 =	vperm.xlane v11, v0  }
0x236: {  	v13 =	vperm.xlane v7, v0;
	v14 =	vmin.f32 v10, v9;
	v9 =	vmax.f32 v10, v9  }
0x237: {  	v6 =	vmax.f32 v6, v12;
	v10 =	vmin.f32 v11, v9;
	v9 =	vmax.f32 v11, v9  }
0x238: {  	v11 =	vmin.f32 v14, v8;
	v8 =	vmax.f32 v14, v8;
	v12 =	vperm.xlane v6, v1  }
0x239: {  	v7 =	vmin.f32 v7, v9;
	v9 =	vmin.f32 v10, v8;
	v8 =	vmax.f32 v10, v8  }
0x23a: {  	v10 =	vmax.f32 v11, v13;
	v7 =	vmin.f32 v7, v8;
	v8 =	vmin.f32 v11, v13  }
0x23b: {  	v11 =	vmin.f32 v9, v10;
	v9 =	vmax.f32 v9, v10;
	v10 =	vperm.xlane v8, v1  }
0x23c: {  	v6 =	vmax.f32 v6, v12;
	v7 =	vmin.f32 v7, v9;
	v9 =	vperm.xlane v11, v1  }
0x23d: {  	v14 =	vperm.xlane v6, v2;
	v12 =	vperm.xlane v7, v1;
	v13 =	vmax.f32 v8, v10  }
0x23e: {  	v8 =	vmin.f32 v8, v10;
	v10 =	vmin.f32 v11, v13;
	v11 =	vmax.f32 v11, v13  }
0x23f: {  	v6 =	vmax.f32 v6, v14;
	v13 =	vmin.f32 v8, v9;
	v8 =	vmax.f32 v8, v9  }
0x240: {  	v7 =	vmin.f32 v7, v11;
	v9 =	vmin.f32 v10, v8;
	v8 =	vmax.f32 v10, v8  }
0x241: {  	v10 =	vmin.f32 v13, v12;
	v11 =	vmax.f32 v13, v12;
	v12 =	vperm.xlane v6, v3  }
0x242: {  	v7 =	vmin.f32 v7, v8;
	v8 =	vmax.f32 v9, v11;
	v13 =	vperm.xlane v10, v2  }
0x243: {  	v9 =	vmin.f32 v9, v11;
	v7 =	vmin.f32 v7, v8  }
0x244: {  	v8 =	vperm.xlane v9, v2;
	v6 =	vmax.f32 v6, v12;
	v11 =	vmax.f32 v10, v13  }
0x245: {  	s26 =	sshrl.u32 s28, $0x3;
	v12 =	vperm.xlane v7, v2;
	v10 =	vmin.f32 v10, v13;
	v13 =	vmin.f32 v9, v11  }
0x246: {  	s26 =	smul.u32 $0x5000, s26;
	v9 =	vmax.f32 v9, v11;
	v11 =	vmin.f32 v10, v8;
	v8 =	vmax.f32 v10, v8  }
0x247: {  	s25 =	sadd.s32 $0x80, s25;
	v7 =	vmin.f32 v7, v9;
	v9 =	vmin.f32 v13, v8;
	v8 =	vmax.f32 v13, v8  }
0x248: {  	s29 =	sand.u32 $0x380, s25;
	s26 =	sshra.s32 s26, $0x2;
	v10 =	vmax.f32 v11, v12;
	v7 =	vmin.f32 v7, v8;
	v8 =	vmin.f32 v11, v12  }
0x249: {  	s26 =	sor.u32 s29, s26;
	v11 =	vmin.f32 v9, v10;
	v9 =	vmax.f32 v9, v10;
	v10 =	vperm.xlane v8, v3  }
0x24a: {  	v6 =	vmul.f32 $1.442695020e+00, v6;
	v7 =	vmin.f32 v7, v9;
	v9 =	vperm.xlane v11, v3;
	v12 =	vld [tilespmem:s26+$0x0]  }
0x24b: {  	v14 =	vperm.xlane v7, v3;
	v15 =	vmin.f32 v8, v10;
	v8 =	vmax.f32 v8, v10;
	v13 =	vld [tilespmem:s26+$0x10]  }
0x24c: {  	v10 =	vmin.f32 v11, v8;
	v16 =	vmin.f32 v15, v9;
	v9 =	vmax.f32 v15, v9  }
0x24d: {  	v17 =	vmin.f32 v10, v9;
	v14 =	vmax.f32 v16, v14;
	v16 =	vmov s24;
	s24 =	smov.u32 s28;
	v15 =	vld [tilespmem:s26+$0x20]  }
0x24e: {  	v18 =	vmin.f32 v17, v14;
	vm0 =	veq.s32 v16, v4;
	(erf) = vpow2.f32 v6  }
0x24f: {  	v20 =	vmul.f32 $1.442695020e+00, v18;
	v6 =	vmax.f32 v12, $+Inf;
	v16 =	vmax.f32 v12, $0.0e+00;
	v19 =	vld [tilespmem:s26+$0x30]  }
0x250: {  	v21 =	vmin.f32 v12, v13;
	v12 =	vmax.f32 v12, v13;
	v13 =	vmax.f32 v16, v13  }
0x251: {  	v16 =	vmin.f32 v6, v12;
	v12 =	vmax.f32 v6, v12;
	v22 =	vld [tilespmem:s26+$0x40];
	(erf) = vpow2.f32 v20  }
0x252: {  	v20 =	vmin.f32 v21, v15;
	v21 =	vmax.f32 v21, v15;
	v13 =	vmax.f32 v13, v15  }
0x253: {  	v6 =	vmin.f32 v6, v12;
	v12 =	vmin.f32 v16, v21;
	v15 =	vmax.f32 v16, v21  }
0x254: {  	v16 =	vmin.f32 v20, v19;
	v20 =	vmax.f32 v20, v19;
	v13 =	vmax.f32 v13, v19  }
0x255: {  	v6 =	vmin.f32 v6, v15;
	v15 =	vmin.f32 v12, v20;
	v12 =	vmax.f32 v12, v20  }
0x256: {  	v8 =	vmax.f32 v11, v8;
	v19 =	vmin.f32 v16, v22;
	v16 =	vmax.f32 v16, v22;
	v20 =	vld [tilespmem:s26+$0x50]  }
0x257: {  	v7 =	vmin.f32 v7, v8;
	v8 =	vmax.f32 v10, v9;
	v11 =	vmax.f32 v13, v22;
	v9 =	vpop (erf)  }
0x258: {  	v21 =	vmin.f32 v7, v8;
	v8 =	vmax.f32 v17, v14;
	v9 =	vadd.f32 v9, v9  }
0x259: {  	v6 =	vmin.f32 v6, v12;
	v13 =	vmin.f32 v21, v8;
	v10 =	vmin.f32 v15, v16;
	v12 =	vld [tilespmem:s26+$0x60]  }
0x25a: {  	v8 =	vmax.f32 v15, v16;
	v9 =	vadd.f32 $1.000000000e+00, v9;
	(erf) = vrcp.f32 v13;
	v7 =	vpop (erf)  }
0x25b: {  	v13 =	vmin.f32 v19, v20;
	v14 =	vmax.f32 v19, v20;
	v15 =	vld [tilespmem:s26+$0x70];
	v7 =	vadd.f32 $1.000000000e+00, v7  }
0x25c: {  	v6 =	vmin.f32 v6, v8;
	v8 =	vmax.f32 v11, v20;
	(erf) = vrcp.f32 v9  }
0x25d: {  	v9 =	vmin.f32 v10, v14;
	v10 =	vmax.f32 v10, v14;
	v11 =	vld [tilespmem:s26+$0x400];
	(erf) = vrcp.f32 v7  }
0x25e: {  	v7 =	vmin.f32 v13, v12;
	v13 =	vmax.f32 v13, v12;
	v8 =	vmax.f32 v8, v12  }
0x25f: {  	v6 =	vmin.f32 v6, v10;
	v10 =	vmin.f32 v9, v13;
	v9 =	vmax.f32 v9, v13;
	v12 =	vld [tilespmem:s26+$0x410]  }
0x260: {  	v13 =	vmin.f32 v7, v15;
	v7 =	vmax.f32 v7, v15;
	v8 =	vmax.f32 v8, v15  }
0x261: {  	v6 =	vmin.f32 v6, v9;
	v9 =	vmin.f32 v10, v7;
	v7 =	vmax.f32 v10, v7;
	v10 =	vld [tilespmem:s26+$0x420]  }
0x262: {  	v14 =	vmin.f32 v13, v11;
	v13 =	vmax.f32 v13, v11;
	v8 =	vmax.f32 v8, v11  }
0x263: {  	v6 =	vmin.f32 v6, v7;
	v7 =	vmin.f32 v9, v13;
	v9 =	vmax.f32 v9, v13;
	v11 =	vpop (erf)  }
0x264: {  	v13 =	vmin.f32 v14, v12;
	v14 =	vmax.f32 v14, v12;
	v15 =	vld [tilespmem:s26+$0x430];
	v17 =	vmul.f32 v11, v18  }
0x265: {  	v6 =	vmin.f32 v6, v9;
	v8 =	vmax.f32 v8, v12;
	v9 =	vmin.f32 v7, v14;
	v12 =	vpop (erf)  }
0x266: {  	v7 =	vmax.f32 v7, v14;
	v14 =	vmin.f32 v13, v10;
	v16 =	vld [tilespmem:s26+$0x440];
	vm1 =	vlt.f32 v17, $6.000000240e-01;
	v11 =	vpop (erf)  }
0x267: {  	v13 =	vmax.f32 v13, v10;
	v8 =	vmax.f32 v8, v10;
	v10 =	vsel vm1, v11, v12  }
0x268: {  	v6 =	vmin.f32 v6, v7;
	v7 =	vmin.f32 v9, v13;
	v11 =	vld [tilespmem:s26+$0x450];
	v10 =	vadd.f32 v10, v10  }
0x269: {  	v9 =	vmax.f32 v9, v13;
	v12 =	vmin.f32 v14, v15;
	v13 =	vmax.f32 v14, v15  }
0x26a: {  	v6 =	vmin.f32 v6, v9;
	v8 =	vmax.f32 v8, v15;
	v9 =	vld [tilespmem:s26+$0x460];
	v5 =	vsel vm0, v10, v5  }
0x26b: {  	v10 =	vmin.f32 v7, v13;
	v7 =	vmax.f32 v7, v13;
	v13 =	vmin.f32 v12, v16  }
0x26c: {  	v6 =	vmin.f32 v6, v7;
	v7 =	vmax.f32 v12, v16;
	v8 =	vmax.f32 v8, v16;
	v12 =	vld [tilespmem:s26+$0x470]  }
0x26d: {  	v14 =	vmin.f32 v10, v7;
	v7 =	vmax.f32 v10, v7;
	v10 =	vmin.f32 v13, v11  }
0x26e: {  	v6 =	vmin.f32 v6, v7;
	v7 =	vmax.f32 v13, v11;
	v8 =	vmax.f32 v8, v11;
	v15 =	vld [tilespmem:s26+$0x800]  }
0x26f: {  	v11 =	vmin.f32 v14, v7;
	v7 =	vmax.f32 v14, v7;
	v13 =	vmin.f32 v10, v9  }
.Ltmp2:
0x270: {  	v6 =	vmin.f32 v6, v7;
	v7 =	vmax.f32 v10, v9;
	v9 =	vmax.f32 v8, v9;
	v8 =	vld [tilespmem:s26+$0x810];
	(pc) =	sbr.rel @p0 .LBB2_6-.Ltmp2, $4  }
0x271: {  	v14 =	vmin.f32 v11, v7;
	v7 =	vmax.f32 v11, v7;
	v16 =	vmin.f32 v13, v12  }
0x272: {  	v7 =	vmin.f32 v6, v7;
	v11 =	vmax.f32 v13, v12;
	v12 =	vmax.f32 v9, v12;
	v6 =	vld [tilespmem:s26+$0x820]  }
0x273: {  	v10 =	vmin.f32 v14, v11;
	v11 =	vmax.f32 v14, v11;
	v9 =	vmin.f32 v16, v15  }
0x274: {  	s28 =	sadd.s32 $0x1, s28;
	v11 =	vmin.f32 v7, v11;
	v13 =	vmax.f32 v16, v15;
	v12 =	vmax.f32 v12, v15;
	v7 =	vld [tilespmem:s26+$0x830]  }
0x275: {  	v14 =	vmin.f32 v10, v13;
	v10 =	vmax.f32 v10, v13  }
0x276: {  	v13 =	vmin.f32 v9, v8;
	v9 =	vmax.f32 v9, v8;
	v8 =	vmax.f32 v12, v8  }
0x277: {  	v10 =	vmin.f32 v11, v10;
	v11 =	vld [tilespmem:s26+$0x840];
	v12 =	vmin.f32 v14, v9;
	v9 =	vmax.f32 v14, v9  }
0x278: {  	v14 =	vmin.f32 v13, v6;
	v9 =	vmin.f32 v10, v9;
	v10 =	vmax.f32 v13, v6  }
0x279: {  	v6 =	vmax.f32 v8, v6;
	v8 =	vld [tilespmem:s26+$0x850];
	v13 =	vmin.f32 v12, v10;
	v10 =	vmax.f32 v12, v10  }
0x27a: {  	v12 =	vmin.f32 v14, v7;
	v9 =	vmin.f32 v9, v10;
	v10 =	vmax.f32 v14, v7  }
0x27b: {  	v6 =	vmax.f32 v6, v7;
	v7 =	vld [tilespmem:s26+$0x860];
	v14 =	vmin.f32 v13, v10;
	v10 =	vmax.f32 v13, v10  }
0x27c: {  	v13 =	vmin.f32 v12, v11;
	v9 =	vmin.f32 v9, v10;
	v10 =	vmax.f32 v12, v11  }
0x27d: {  	v6 =	vmax.f32 v6, v11;
	v11 =	vld [tilespmem:s26+$0x870];
	v12 =	vmin.f32 v14, v10;
	v10 =	vmax.f32 v14, v10  }
0x27e: {  	v14 =	vmin.f32 v13, v8;
	v9 =	vmin.f32 v9, v10;
	v10 =	vmax.f32 v13, v8  }
0x27f: {  	v6 =	vmax.f32 v6, v8;
	v8 =	vld [tilespmem:s26+$0xC00];
	v13 =	vmin.f32 v12, v10;
	v10 =	vmax.f32 v12, v10  }
0x280: {  	v12 =	vmin.f32 v14, v7;
	v9 =	vmin.f32 v9, v10;
	v10 =	vmax.f32 v14, v7  }
0x281: {  	v6 =	vmax.f32 v6, v7;
	v7 =	vld [tilespmem:s26+$0xC10];
	v14 =	vmin.f32 v13, v10;
	v10 =	vmax.f32 v13, v10  }
0x282: {  	v13 =	vmin.f32 v12, v11;
	v9 =	vmin.f32 v9, v10;
	v10 =	vmax.f32 v12, v11  }
0x283: {  	v6 =	vmax.f32 v6, v11;
	v11 =	vld [tilespmem:s26+$0xC20];
	v12 =	vmin.f32 v14, v10;
	v10 =	vmax.f32 v14, v10  }
0x284: {  	v14 =	vmin.f32 v13, v8;
	v9 =	vmin.f32 v9, v10;
	v10 =	vmax.f32 v13, v8  }
0x285: {  	v6 =	vmax.f32 v6, v8;
	v8 =	vld [tilespmem:s26+$0xC30];
	v13 =	vmin.f32 v12, v10;
	v10 =	vmax.f32 v12, v10  }
0x286: {  	v12 =	vmin.f32 v14, v7;
	v9 =	vmin.f32 v9, v10;
	v10 =	vmax.f32 v14, v7  }
0x287: {  	v6 =	vmax.f32 v6, v7;
	v7 =	vld [tilespmem:s26+$0xC40];
	v14 =	vmin.f32 v13, v10;
	v10 =	vmax.f32 v13, v10  }
0x288: {  	v13 =	vmin.f32 v12, v11;
	v9 =	vmin.f32 v9, v10;
	v10 =	vmax.f32 v12, v11  }
0x289: {  	v6 =	vmax.f32 v6, v11;
	v11 =	vld [tilespmem:s26+$0xC50];
	v12 =	vmin.f32 v14, v10;
	v10 =	vmax.f32 v14, v10  }
0x28a: {  	v14 =	vmin.f32 v13, v8;
	v9 =	vmin.f32 v9, v10;
	v10 =	vmax.f32 v13, v8  }
0x28b: {  	v6 =	vmax.f32 v6, v8;
	v8 =	vld [tilespmem:s26+$0xC60];
	v13 =	vmin.f32 v12, v10;
	v10 =	vmax.f32 v12, v10  }
0x28c: {  	v12 =	vmin.f32 v14, v7;
	v9 =	vmin.f32 v9, v10;
	v10 =	vmax.f32 v14, v7  }
0x28d: {  	v6 =	vmax.f32 v6, v7;
	v7 =	vld [tilespmem:s26+$0xC70];
	v14 =	vmin.f32 v13, v10;
	v10 =	vmax.f32 v13, v10  }
0x28e: {  	v13 =	vmin.f32 v12, v11;
	v9 =	vmin.f32 v9, v10;
	v10 =	vmax.f32 v12, v11  }
0x28f: {  	v6 =	vmax.f32 v6, v11;
	v11 =	vld [tilespmem:s26+$0x1000];
	v12 =	vmin.f32 v14, v10;
	v10 =	vmax.f32 v14, v10  }
0x290: {  	v14 =	vmin.f32 v13, v8;
	v9 =	vmin.f32 v9, v10;
	v10 =	vmax.f32 v13, v8  }
0x291: {  	v6 =	vmax.f32 v6, v8;
	v8 =	vld [tilespmem:s26+$0x1010];
	v13 =	vmin.f32 v12, v10;
	v10 =	vmax.f32 v12, v10  }
0x292: {  	v12 =	vmin.f32 v14, v7;
	v9 =	vmin.f32 v9, v10;
	v10 =	vmax.f32 v14, v7  }
0x293: {  	v6 =	vmax.f32 v6, v7;
	v7 =	vld [tilespmem:s26+$0x1020];
	v14 =	vmin.f32 v13, v10;
	v10 =	vmax.f32 v13, v10  }
0x294: {  	v13 =	vmin.f32 v12, v11;
	v9 =	vmin.f32 v9, v10;
	v10 =	vmax.f32 v12, v11  }
0x295: {  	v6 =	vmax.f32 v6, v11;
	v11 =	vld [tilespmem:s26+$0x1030];
	v12 =	vmin.f32 v14, v10;
	v10 =	vmax.f32 v14, v10  }
0x296: {  	v14 =	vmin.f32 v13, v8;
	v9 =	vmin.f32 v9, v10;
	v10 =	vmax.f32 v13, v8  }
0x297: {  	v6 =	vmax.f32 v6, v8;
	v8 =	vmin.f32 v12, v10;
	v10 =	vmax.f32 v12, v10  }
0x298: {  	v9 =	vmin.f32 v9, v10;
	v10 =	vmax.f32 v14, v7  }
0x299: {  	v12 =	vmin.f32 v14, v7;
	v6 =	vmax.f32 v6, v7;
	v7 =	vmin.f32 v8, v10  }
0x29a: {  	v8 =	vmax.f32 v8, v10;
	v10 =	vmin.f32 v12, v11;
	v6 =	vmax.f32 v6, v11  }
0x29b: {  	v8 =	vmin.f32 v9, v8;
	v9 =	vmax.f32 v12, v11;
	v12 =	vperm.xlane v6, v0  }
0x29c: {  	v11 =	vmin.f32 v7, v9;
	v7 =	vmax.f32 v7, v9;
	v9 =	vperm.xlane v10, v0  }
0x29d: {  	v7 =	vmin.f32 v8, v7;
	v8 =	vperm.xlane v11, v0;
	v6 =	vmax.f32 v6, v12  }
0x29e: {  	v13 =	vperm.xlane v7, v0;
	v14 =	vmin.f32 v10, v9;
	v9 =	vmax.f32 v10, v9  }
0x29f: {  	v12 =	vperm.xlane v6, v1;
	v10 =	vmin.f32 v11, v9;
	v9 =	vmax.f32 v11, v9  }
0x2a0: {  	v11 =	vmin.f32 v14, v8;
	v8 =	vmax.f32 v14, v8;
	v7 =	vmin.f32 v7, v9  }
0x2a1: {  	v9 =	vmin.f32 v10, v8;
	v8 =	vmax.f32 v10, v8;
	v10 =	vmax.f32 v11, v13  }
0x2a2: {  	v6 =	vmax.f32 v6, v12;
	v7 =	vmin.f32 v7, v8;
	v8 =	vmin.f32 v11, v13  }
0x2a3: {  	v11 =	vmin.f32 v9, v10;
	v9 =	vmax.f32 v9, v10;
	v10 =	vperm.xlane v8, v1  }
0x2a4: {  	v14 =	vperm.xlane v6, v2;
	v7 =	vmin.f32 v7, v9  }
0x2a5: {  	v9 =	vperm.xlane v11, v1;
	v12 =	vperm.xlane v7, v1;
	v13 =	vmax.f32 v8, v10  }
0x2a6: {  	v6 =	vmax.f32 v6, v14;
	v8 =	vmin.f32 v8, v10;
	v10 =	vmin.f32 v11, v13  }
0x2a7: {  	v11 =	vmax.f32 v11, v13;
	v13 =	vmin.f32 v8, v9;
	v8 =	vmax.f32 v8, v9  }
0x2a8: {  	v7 =	vmin.f32 v7, v11;
	v9 =	vmin.f32 v10, v8;
	v8 =	vmax.f32 v10, v8  }
0x2a9: {  	v10 =	vmin.f32 v13, v12;
	v11 =	vmax.f32 v13, v12;
	v12 =	vperm.xlane v6, v3  }
0x2aa: {  	v7 =	vmin.f32 v7, v8;
	v8 =	vmax.f32 v9, v11;
	v13 =	vperm.xlane v10, v2  }
0x2ab: {  	v9 =	vmin.f32 v9, v11;
	v7 =	vmin.f32 v7, v8  }
0x2ac: {  	v8 =	vperm.xlane v9, v2;
	v6 =	vmax.f32 v6, v12;
	v11 =	vmax.f32 v10, v13  }
0x2ad: {  	v12 =	vperm.xlane v7, v2;
	v10 =	vmin.f32 v10, v13;
	v13 =	vmin.f32 v9, v11  }
0x2ae: {  	v9 =	vmax.f32 v9, v11;
	v11 =	vmin.f32 v10, v8;
	v8 =	vmax.f32 v10, v8  }
0x2af: {  	v7 =	vmin.f32 v7, v9;
	v9 =	vmin.f32 v13, v8;
	v8 =	vmax.f32 v13, v8  }
0x2b0: {  	v10 =	vmax.f32 v11, v12;
	v7 =	vmin.f32 v7, v8;
	v8 =	vmin.f32 v11, v12  }
0x2b1: {  	v11 =	vmin.f32 v9, v10;
	v9 =	vmax.f32 v9, v10;
	v10 =	vperm.xlane v8, v3  }
0x2b2: {  	v6 =	vmul.f32 $1.442695020e+00, v6;
	v7 =	vmin.f32 v7, v9;
	v9 =	vperm.xlane v11, v3  }
0x2b3: {  	v12 =	vperm.xlane v7, v3;
	v13 =	vmin.f32 v8, v10;
	v8 =	vmax.f32 v8, v10  }
0x2b4: {  	v10 =	vmin.f32 v11, v8;
	v14 =	vmin.f32 v13, v9;
	v9 =	vmax.f32 v13, v9  }
0x2b5: {  	v13 =	vmin.f32 v10, v9;
	v12 =	vmax.f32 v14, v12  }
0x2b6: {  	(erf) = vpow2.f32 v6;
	v14 =	vmin.f32 v13, v12  }
0x2b7: {  	v6 =	vmul.f32 $1.442695020e+00, v14;
	_ =	sdelay $0x1  }
0x2b8: {  	(erf) = vpow2.f32 v6;
	_ =	sdelay $0x2  }
0x2b9: {  	v6 =	vmax.f32 v11, v8  }
0x2ba: {  	v6 =	vmin.f32 v7, v6;
	v7 =	vmax.f32 v10, v9  }
0x2bb: {  	v6 =	vmin.f32 v6, v7;
	v7 =	vmax.f32 v13, v12  }
0x2bc: {  	v8 =	vpop (erf);
	v6 =	vmin.f32 v6, v7  }
0x2bd: {  	v8 =	vadd.f32 v8, v8;
	(erf) = vrcp.f32 v6;
	_ =	sdelay $0x1  }
0x2be: {  	v7 =	vadd.f32 $1.000000000e+00, v8;
	v6 =	vpop (erf)  }
0x2bf: {  	v6 =	vadd.f32 $1.000000000e+00, v6  }
0x2c0: {  	(erf) = vrcp.f32 v7  }
0x2c1: {  	(erf) = vrcp.f32 v6;
	_ =	sdelay $0x3  }
0x2c2: {  	v6 =	vpop (erf)  }
0x2c3: {  	v6 =	vmul.f32 v6, v14;
	_ =	sdelay $0x2  }
0x2c4: {  	v7 =	vpop (erf)  }
0x2c5: {  	vm0 =	vlt.f32 v6, $6.000000240e-01;
	v6 =	vpop (erf)  }
0x2c6: {  	v6 =	vsel vm0, v6, v7  }
0x2c7: {  	v7 =	vmov s24;
	v6 =	vadd.f32 v6, v6  }
0x2c8: {  	vm15 =	veq.s32 v7, v4  }
0x2c9: {  	s30 =	simm.s32 $0x0;
	v5 =	vsel vm15, v6, v5  }
0x2ca: {  	s25 =	simm.s32 $0x0;
	s24 =	smul.u32 $0x5000, s30;
	[tilespmem:$0x5100] =	vst v5  }
0x2cb: {  	[hbm4b:s9+s25] =	stream.linear.scatter [tilespmem:s19], [sflag:$0x3], $0x80, $0x38;
	[tilespmem:$0x5400] =	vst v63  }
0x2cc: {  	_ =	swait.ge [sflag:s17], $0x2800  }
0x2cd: {  	s31 =	sand.u32 $0x380, s25;
	s24 =	sshra.s32 s24, $0x2;
	[sflag:s17] =	ssyncset.done $0x0  }
0x2ce: {  	s26 =	sor.u32 s31, s24;
	[sflag:s17] =	ssyncadd.s32 $0xFFFFD800  }
0x2cf: {  	[tilespmem:s25], [sflag:$0x1] =	stream.linear.gather [hbm4b:s10+s25], $0x2800, $0x38;
	[tilespmem:$0x5400] =	vst v63  }
0x2d0: {  	v6 =	vld [tilespmem:s26+$0x2800]  }
0x2d1: {  	v7 =	vld [tilespmem:s26+$0x2810];
	_ =	sdelay $0x1  }
0x2d2: {  	v8 =	vld [tilespmem:s26+$0x2820];
	_ =	sdelay $0x1  }
0x2d3: {  	v9 =	vld [tilespmem:s26+$0x2830];
	v10 =	vmax.f32 v6, $+Inf  }
0x2d4: {  	v11 =	vmax.f32 v6, $0.0e+00;
	v12 =	vmin.f32 v6, v7;
	v6 =	vmax.f32 v6, v7  }
0x2d5: {  	v7 =	vmax.f32 v11, v7;
	v11 =	vld [tilespmem:s26+$0x2840];
	v13 =	vmin.f32 v10, v6;
	v6 =	vmax.f32 v10, v6  }
0x2d6: {  	v14 =	vmin.f32 v12, v8;
	v12 =	vmax.f32 v12, v8;
	v7 =	vmax.f32 v7, v8  }
0x2d7: {  	v6 =	vmin.f32 v10, v6;
	v8 =	vld [tilespmem:s26+$0x2850];
	v10 =	vmin.f32 v13, v12;
	v12 =	vmax.f32 v13, v12  }
0x2d8: {  	v13 =	vmin.f32 v14, v9;
	v14 =	vmax.f32 v14, v9;
	v7 =	vmax.f32 v7, v9  }
0x2d9: {  	v6 =	vmin.f32 v6, v12;
	v9 =	vld [tilespmem:s26+$0x2860];
	v12 =	vmin.f32 v10, v14;
	v10 =	vmax.f32 v10, v14  }
0x2da: {  	v6 =	vmin.f32 v6, v10;
	v14 =	vmin.f32 v13, v11;
	v13 =	vmax.f32 v13, v11  }
0x2db: {  	v10 =	vld [tilespmem:s26+$0x2870];
	v7 =	vmax.f32 v7, v11;
	v11 =	vmin.f32 v12, v13;
	v12 =	vmax.f32 v12, v13  }
0x2dc: {  	v13 =	vmin.f32 v14, v8;
	v14 =	vmax.f32 v14, v8;
	v7 =	vmax.f32 v7, v8  }
0x2dd: {  	v8 =	vld [tilespmem:s26+$0x2C00];
	v6 =	vmin.f32 v6, v12;
	v12 =	vmin.f32 v11, v14;
	v11 =	vmax.f32 v11, v14  }
0x2de: {  	v14 =	vmin.f32 v13, v9;
	v13 =	vmax.f32 v13, v9;
	v7 =	vmax.f32 v7, v9  }
0x2df: {  	v9 =	vld [tilespmem:s26+$0x2C10];
	v6 =	vmin.f32 v6, v11;
	v11 =	vmin.f32 v12, v13;
	v12 =	vmax.f32 v12, v13  }
0x2e0: {  	v13 =	vmin.f32 v14, v10;
	v14 =	vmax.f32 v14, v10;
	v7 =	vmax.f32 v7, v10  }
0x2e1: {  	v10 =	vld [tilespmem:s26+$0x2C20];
	v6 =	vmin.f32 v6, v12;
	v12 =	vmin.f32 v11, v14;
	v11 =	vmax.f32 v11, v14  }
0x2e2: {  	v6 =	vmin.f32 v6, v11;
	v14 =	vmin.f32 v13, v8;
	v13 =	vmax.f32 v13, v8  }
0x2e3: {  	v7 =	vmax.f32 v7, v8;
	v11 =	vmin.f32 v12, v13;
	v12 =	vmax.f32 v12, v13  }
0x2e4: {  	v8 =	vld [tilespmem:s26+$0x2C30];
	v13 =	vmax.f32 v14, v9;
	v14 =	vmin.f32 v14, v9;
	v7 =	vmax.f32 v7, v9  }
0x2e5: {  	v15 =	vld [tilespmem:s26+$0x2C40];
	v6 =	vmin.f32 v6, v12;
	v12 =	vmin.f32 v11, v13;
	v9 =	vmax.f32 v11, v13  }
0x2e6: {  	v11 =	vmin.f32 v14, v10;
	v13 =	vmax.f32 v14, v10;
	v7 =	vmax.f32 v7, v10  }
0x2e7: {  	v6 =	vmin.f32 v6, v9;
	v9 =	vld [tilespmem:s26+$0x2C50];
	v10 =	vmin.f32 v12, v13;
	v12 =	vmax.f32 v12, v13  }
0x2e8: {  	v5 =	vimm.f32 $0.0e+00;
	v6 =	vmin.f32 v6, v12  }
0x2e9: {  	v13 =	vmin.f32 v11, v8;
	v11 =	vmax.f32 v11, v8;
	v7 =	vmax.f32 v7, v8;
	v8 =	vld [tilespmem:s26+$0x2C60]  }
0x2ea: {  	v12 =	vmin.f32 v10, v11;
	v10 =	vmax.f32 v10, v11;
	v11 =	vmin.f32 v13, v15  }
0x2eb: {  	v7 =	vmax.f32 v7, v15;
	v6 =	vmin.f32 v6, v10;
	v10 =	vmax.f32 v13, v15;
	v13 =	vld [tilespmem:s26+$0x2C70]  }
0x2ec: {  	v14 =	vmin.f32 v12, v10;
	v10 =	vmax.f32 v12, v10;
	v12 =	vmin.f32 v11, v9  }
0x2ed: {  	v15 =	vld [tilespmem:s26+$0x3000];
	v7 =	vmax.f32 v7, v9;
	v6 =	vmin.f32 v6, v10;
	v10 =	vmax.f32 v11, v9  }
0x2ee: {  	v9 =	vmin.f32 v14, v10;
	v10 =	vmax.f32 v14, v10;
	v11 =	vmin.f32 v12, v8  }
0x2ef: {  	v7 =	vmax.f32 v7, v8;
	v6 =	vmin.f32 v6, v10;
	v10 =	vmax.f32 v12, v8;
	v8 =	vld [tilespmem:s26+$0x3010]  }
0x2f0: {  	v12 =	vmin.f32 v9, v10;
	v9 =	vmax.f32 v9, v10;
	v14 =	vmin.f32 v11, v13  }
0x2f1: {  	v7 =	vmax.f32 v7, v13;
	v16 =	vmin.f32 v6, v9;
	v9 =	vmax.f32 v11, v13;
	v6 =	vld [tilespmem:s26+$0x3020]  }
0x2f2: {  	v13 =	vmax.f32 v14, v15;
	v10 =	vmin.f32 v12, v9;
	v11 =	vmax.f32 v12, v9  }
0x2f3: {  	s28 =	simm.s32 $0x1;
	s24 =	simm.s32 $0x0;
	v9 =	vmin.f32 v14, v15;
	v12 =	vmax.f32 v7, v15;
	v7 =	vld [tilespmem:s26+$0x3030];
	v11 =	vmin.f32 v16, v11  }
.LBB2_8:
0x2f4: {  	p0 =	sne.s32 s28, $0xF;
	v14 =	vmin.f32 v10, v13;
	v10 =	vmax.f32 v10, v13;
	v13 =	vmin.f32 v9, v8  }
0x2f5: {  	v9 =	vmax.f32 v9, v8;
	v8 =	vmax.f32 v12, v8;
	v10 =	vmin.f32 v11, v10;
	v11 =	vld [tilespmem:s26+$0x3040]  }
0x2f6: {  	v12 =	vmin.f32 v14, v9;
	v9 =	vmax.f32 v14, v9;
	v14 =	vmin.f32 v13, v6  }
0x2f7: {  	v9 =	vmin.f32 v10, v9;
	v10 =	vmax.f32 v13, v6;
	v6 =	vmax.f32 v8, v6;
	v8 =	vld [tilespmem:s26+$0x3050]  }
0x2f8: {  	v13 =	vmin.f32 v12, v10;
	v10 =	vmax.f32 v12, v10;
	v12 =	vmin.f32 v14, v7  }
0x2f9: {  	v9 =	vmin.f32 v9, v10;
	v10 =	vmax.f32 v14, v7;
	v6 =	vmax.f32 v6, v7;
	v7 =	vld [tilespmem:s26+$0x3060]  }
0x2fa: {  	v14 =	vmin.f32 v13, v10;
	v10 =	vmax.f32 v13, v10;
	v13 =	vmin.f32 v12, v11  }
0x2fb: {  	v9 =	vmin.f32 v9, v10;
	v10 =	vmax.f32 v12, v11;
	v6 =	vmax.f32 v6, v11;
	v11 =	vld [tilespmem:s26+$0x3070]  }
0x2fc: {  	v12 =	vmin.f32 v14, v10;
	v10 =	vmax.f32 v14, v10;
	v14 =	vmin.f32 v13, v8  }
0x2fd: {  	v9 =	vmin.f32 v9, v10;
	v10 =	vmax.f32 v13, v8;
	v6 =	vmax.f32 v6, v8;
	v8 =	vld [tilespmem:s26+$0x3400]  }
0x2fe: {  	v13 =	vmin.f32 v12, v10;
	v10 =	vmax.f32 v12, v10;
	v12 =	vmin.f32 v14, v7  }
0x2ff: {  	v9 =	vmin.f32 v9, v10;
	v10 =	vmax.f32 v14, v7;
	v6 =	vmax.f32 v6, v7;
	v7 =	vld [tilespmem:s26+$0x3410]  }
0x300: {  	v14 =	vmin.f32 v13, v10;
	v10 =	vmax.f32 v13, v10;
	v13 =	vmin.f32 v12, v11  }
0x301: {  	v9 =	vmin.f32 v9, v10;
	v10 =	vmax.f32 v12, v11;
	v6 =	vmax.f32 v6, v11;
	v11 =	vld [tilespmem:s26+$0x3420]  }
0x302: {  	v12 =	vmin.f32 v14, v10;
	v10 =	vmax.f32 v14, v10;
	v14 =	vmin.f32 v13, v8  }
0x303: {  	v9 =	vmin.f32 v9, v10;
	v10 =	vmax.f32 v13, v8;
	v6 =	vmax.f32 v6, v8;
	v8 =	vld [tilespmem:s26+$0x3430]  }
0x304: {  	v13 =	vmin.f32 v12, v10;
	v10 =	vmax.f32 v12, v10;
	v12 =	vmin.f32 v14, v7  }
0x305: {  	v9 =	vmin.f32 v9, v10;
	v10 =	vmax.f32 v14, v7;
	v6 =	vmax.f32 v6, v7;
	v7 =	vld [tilespmem:s26+$0x3440]  }
0x306: {  	v14 =	vmin.f32 v13, v10;
	v10 =	vmax.f32 v13, v10;
	v13 =	vmin.f32 v12, v11  }
0x307: {  	v9 =	vmin.f32 v9, v10;
	v10 =	vmax.f32 v12, v11;
	v6 =	vmax.f32 v6, v11;
	v11 =	vld [tilespmem:s26+$0x3450]  }
0x308: {  	v12 =	vmin.f32 v14, v10;
	v10 =	vmax.f32 v14, v10;
	v14 =	vmin.f32 v13, v8  }
0x309: {  	v9 =	vmin.f32 v9, v10;
	v10 =	vmax.f32 v13, v8;
	v6 =	vmax.f32 v6, v8;
	v8 =	vld [tilespmem:s26+$0x3460]  }
0x30a: {  	v13 =	vmin.f32 v12, v10;
	v10 =	vmax.f32 v12, v10;
	v12 =	vmin.f32 v14, v7  }
0x30b: {  	v9 =	vmin.f32 v9, v10;
	v10 =	vmax.f32 v14, v7;
	v6 =	vmax.f32 v6, v7;
	v7 =	vld [tilespmem:s26+$0x3470]  }
0x30c: {  	v14 =	vmin.f32 v13, v10;
	v10 =	vmax.f32 v13, v10;
	v13 =	vmin.f32 v12, v11  }
0x30d: {  	v9 =	vmin.f32 v9, v10;
	v10 =	vmax.f32 v12, v11;
	v6 =	vmax.f32 v6, v11;
	v11 =	vld [tilespmem:s26+$0x3800]  }
0x30e: {  	v12 =	vmin.f32 v14, v10;
	v10 =	vmax.f32 v14, v10;
	v14 =	vmin.f32 v13, v8  }
0x30f: {  	v9 =	vmin.f32 v9, v10;
	v10 =	vmax.f32 v13, v8;
	v6 =	vmax.f32 v6, v8;
	v8 =	vld [tilespmem:s26+$0x3810]  }
0x310: {  	v13 =	vmin.f32 v12, v10;
	v10 =	vmax.f32 v12, v10;
	v12 =	vmin.f32 v14, v7  }
0x311: {  	v9 =	vmin.f32 v9, v10;
	v10 =	vmax.f32 v14, v7;
	v6 =	vmax.f32 v6, v7;
	v7 =	vld [tilespmem:s26+$0x3820]  }
0x312: {  	v14 =	vmin.f32 v13, v10;
	v10 =	vmax.f32 v13, v10;
	v13 =	vmin.f32 v12, v11  }
0x313: {  	v9 =	vmin.f32 v9, v10;
	v10 =	vmax.f32 v12, v11;
	v6 =	vmax.f32 v6, v11;
	v11 =	vld [tilespmem:s26+$0x3830]  }
0x314: {  	v12 =	vmin.f32 v14, v10;
	v10 =	vmax.f32 v14, v10;
	v14 =	vmin.f32 v13, v8  }
0x315: {  	v9 =	vmin.f32 v9, v10;
	v10 =	vmax.f32 v13, v8;
	v6 =	vmax.f32 v6, v8  }
0x316: {  	v8 =	vmin.f32 v12, v10;
	v10 =	vmax.f32 v12, v10;
	v12 =	vmin.f32 v14, v7  }
0x317: {  	v9 =	vmin.f32 v9, v10;
	v10 =	vmax.f32 v14, v7;
	v6 =	vmax.f32 v6, v7  }
0x318: {  	v7 =	vmin.f32 v8, v10;
	v8 =	vmax.f32 v8, v10;
	v10 =	vmin.f32 v12, v11  }
0x319: {  	v8 =	vmin.f32 v9, v8;
	v9 =	vmax.f32 v12, v11;
	v6 =	vmax.f32 v6, v11  }
0x31a: {  	v11 =	vmin.f32 v7, v9;
	v7 =	vmax.f32 v7, v9;
	v9 =	vperm.xlane v10, v0  }
0x31b: {  	v12 =	vperm.xlane v6, v0;
	v7 =	vmin.f32 v8, v7;
	v8 =	vperm.xlane v11, v0  }
0x31c: {  	v13 =	vperm.xlane v7, v0;
	v14 =	vmin.f32 v10, v9;
	v9 =	vmax.f32 v10, v9  }
0x31d: {  	v6 =	vmax.f32 v6, v12;
	v10 =	vmin.f32 v11, v9;
	v9 =	vmax.f32 v11, v9  }
0x31e: {  	v11 =	vmin.f32 v14, v8;
	v8 =	vmax.f32 v14, v8;
	v12 =	vperm.xlane v6, v1  }
0x31f: {  	v7 =	vmin.f32 v7, v9;
	v9 =	vmin.f32 v10, v8;
	v8 =	vmax.f32 v10, v8  }
0x320: {  	v10 =	vmax.f32 v11, v13;
	v7 =	vmin.f32 v7, v8;
	v8 =	vmin.f32 v11, v13  }
0x321: {  	v11 =	vmin.f32 v9, v10;
	v9 =	vmax.f32 v9, v10;
	v10 =	vperm.xlane v8, v1  }
0x322: {  	v6 =	vmax.f32 v6, v12;
	v7 =	vmin.f32 v7, v9;
	v9 =	vperm.xlane v11, v1  }
0x323: {  	v14 =	vperm.xlane v6, v2;
	v12 =	vperm.xlane v7, v1;
	v13 =	vmax.f32 v8, v10  }
0x324: {  	v8 =	vmin.f32 v8, v10;
	v10 =	vmin.f32 v11, v13;
	v11 =	vmax.f32 v11, v13  }
0x325: {  	v6 =	vmax.f32 v6, v14;
	v13 =	vmin.f32 v8, v9;
	v8 =	vmax.f32 v8, v9  }
0x326: {  	v7 =	vmin.f32 v7, v11;
	v9 =	vmin.f32 v10, v8;
	v8 =	vmax.f32 v10, v8  }
0x327: {  	v10 =	vmin.f32 v13, v12;
	v11 =	vmax.f32 v13, v12;
	v12 =	vperm.xlane v6, v3  }
0x328: {  	v7 =	vmin.f32 v7, v8;
	v8 =	vmax.f32 v9, v11;
	v13 =	vperm.xlane v10, v2  }
0x329: {  	v9 =	vmin.f32 v9, v11;
	v7 =	vmin.f32 v7, v8  }
0x32a: {  	v8 =	vperm.xlane v9, v2;
	v6 =	vmax.f32 v6, v12;
	v11 =	vmax.f32 v10, v13  }
0x32b: {  	s26 =	sshrl.u32 s28, $0x3;
	v12 =	vperm.xlane v7, v2;
	v10 =	vmin.f32 v10, v13;
	v13 =	vmin.f32 v9, v11  }
0x32c: {  	s26 =	smul.u32 $0x5000, s26;
	v9 =	vmax.f32 v9, v11;
	v11 =	vmin.f32 v10, v8;
	v8 =	vmax.f32 v10, v8  }
0x32d: {  	s25 =	sadd.s32 $0x80, s25;
	v7 =	vmin.f32 v7, v9;
	v9 =	vmin.f32 v13, v8;
	v8 =	vmax.f32 v13, v8  }
0x32e: {  	s29 =	sand.u32 $0x380, s25;
	s26 =	sshra.s32 s26, $0x2;
	v10 =	vmax.f32 v11, v12;
	v7 =	vmin.f32 v7, v8;
	v8 =	vmin.f32 v11, v12  }
0x32f: {  	s26 =	sor.u32 s29, s26;
	v11 =	vmin.f32 v9, v10;
	v9 =	vmax.f32 v9, v10;
	v10 =	vperm.xlane v8, v3  }
0x330: {  	v6 =	vmul.f32 $1.442695020e+00, v6;
	v7 =	vmin.f32 v7, v9;
	v9 =	vperm.xlane v11, v3;
	v12 =	vld [tilespmem:s26+$0x2800]  }
0x331: {  	v14 =	vperm.xlane v7, v3;
	v15 =	vmin.f32 v8, v10;
	v8 =	vmax.f32 v8, v10;
	v13 =	vld [tilespmem:s26+$0x2810]  }
0x332: {  	v10 =	vmin.f32 v11, v8;
	v16 =	vmin.f32 v15, v9;
	v9 =	vmax.f32 v15, v9  }
0x333: {  	v17 =	vmin.f32 v10, v9;
	v14 =	vmax.f32 v16, v14;
	v16 =	vmov s24;
	s24 =	smov.u32 s28;
	v15 =	vld [tilespmem:s26+$0x2820]  }
0x334: {  	v18 =	vmin.f32 v17, v14;
	vm0 =	veq.s32 v16, v4;
	(erf) = vpow2.f32 v6  }
0x335: {  	v20 =	vmul.f32 $1.442695020e+00, v18;
	v6 =	vmax.f32 v12, $+Inf;
	v16 =	vmax.f32 v12, $0.0e+00;
	v19 =	vld [tilespmem:s26+$0x2830]  }
0x336: {  	v21 =	vmin.f32 v12, v13;
	v12 =	vmax.f32 v12, v13;
	v13 =	vmax.f32 v16, v13  }
0x337: {  	v16 =	vmin.f32 v6, v12;
	v12 =	vmax.f32 v6, v12;
	v22 =	vld [tilespmem:s26+$0x2840];
	(erf) = vpow2.f32 v20  }
0x338: {  	v20 =	vmin.f32 v21, v15;
	v21 =	vmax.f32 v21, v15;
	v13 =	vmax.f32 v13, v15  }
0x339: {  	v6 =	vmin.f32 v6, v12;
	v12 =	vmin.f32 v16, v21;
	v15 =	vmax.f32 v16, v21  }
0x33a: {  	v16 =	vmin.f32 v20, v19;
	v20 =	vmax.f32 v20, v19;
	v13 =	vmax.f32 v13, v19  }
0x33b: {  	v6 =	vmin.f32 v6, v15;
	v15 =	vmin.f32 v12, v20;
	v12 =	vmax.f32 v12, v20  }
0x33c: {  	v8 =	vmax.f32 v11, v8;
	v19 =	vmin.f32 v16, v22;
	v16 =	vmax.f32 v16, v22;
	v20 =	vld [tilespmem:s26+$0x2850]  }
0x33d: {  	v7 =	vmin.f32 v7, v8;
	v8 =	vmax.f32 v10, v9;
	v11 =	vmax.f32 v13, v22;
	v9 =	vpop (erf)  }
0x33e: {  	v21 =	vmin.f32 v7, v8;
	v8 =	vmax.f32 v17, v14;
	v9 =	vadd.f32 v9, v9  }
0x33f: {  	v6 =	vmin.f32 v6, v12;
	v13 =	vmin.f32 v21, v8;
	v10 =	vmin.f32 v15, v16;
	v12 =	vld [tilespmem:s26+$0x2860]  }
0x340: {  	v8 =	vmax.f32 v15, v16;
	v9 =	vadd.f32 $1.000000000e+00, v9;
	(erf) = vrcp.f32 v13;
	v7 =	vpop (erf)  }
0x341: {  	v13 =	vmin.f32 v19, v20;
	v14 =	vmax.f32 v19, v20;
	v15 =	vld [tilespmem:s26+$0x2870];
	v7 =	vadd.f32 $1.000000000e+00, v7  }
0x342: {  	v6 =	vmin.f32 v6, v8;
	v8 =	vmax.f32 v11, v20;
	(erf) = vrcp.f32 v9  }
0x343: {  	v9 =	vmin.f32 v10, v14;
	v10 =	vmax.f32 v10, v14;
	v11 =	vld [tilespmem:s26+$0x2C00];
	(erf) = vrcp.f32 v7  }
0x344: {  	v7 =	vmin.f32 v13, v12;
	v13 =	vmax.f32 v13, v12;
	v8 =	vmax.f32 v8, v12  }
0x345: {  	v6 =	vmin.f32 v6, v10;
	v10 =	vmin.f32 v9, v13;
	v9 =	vmax.f32 v9, v13;
	v12 =	vld [tilespmem:s26+$0x2C10]  }
0x346: {  	v13 =	vmin.f32 v7, v15;
	v7 =	vmax.f32 v7, v15;
	v8 =	vmax.f32 v8, v15  }
0x347: {  	v6 =	vmin.f32 v6, v9;
	v9 =	vmin.f32 v10, v7;
	v7 =	vmax.f32 v10, v7;
	v10 =	vld [tilespmem:s26+$0x2C20]  }
0x348: {  	v14 =	vmin.f32 v13, v11;
	v13 =	vmax.f32 v13, v11;
	v8 =	vmax.f32 v8, v11  }
0x349: {  	v6 =	vmin.f32 v6, v7;
	v7 =	vmin.f32 v9, v13;
	v9 =	vmax.f32 v9, v13;
	v11 =	vpop (erf)  }
0x34a: {  	v13 =	vmin.f32 v14, v12;
	v14 =	vmax.f32 v14, v12;
	v15 =	vld [tilespmem:s26+$0x2C30];
	v17 =	vmul.f32 v11, v18  }
0x34b: {  	v6 =	vmin.f32 v6, v9;
	v8 =	vmax.f32 v8, v12;
	v9 =	vmin.f32 v7, v14;
	v12 =	vpop (erf)  }
0x34c: {  	v7 =	vmax.f32 v7, v14;
	v14 =	vmin.f32 v13, v10;
	v16 =	vld [tilespmem:s26+$0x2C40];
	vm1 =	vlt.f32 v17, $6.000000240e-01;
	v11 =	vpop (erf)  }
0x34d: {  	v13 =	vmax.f32 v13, v10;
	v8 =	vmax.f32 v8, v10;
	v10 =	vsel vm1, v11, v12  }
0x34e: {  	v6 =	vmin.f32 v6, v7;
	v7 =	vmin.f32 v9, v13;
	v11 =	vld [tilespmem:s26+$0x2C50];
	v10 =	vadd.f32 v10, v10  }
0x34f: {  	v9 =	vmax.f32 v9, v13;
	v12 =	vmin.f32 v14, v15;
	v13 =	vmax.f32 v14, v15  }
0x350: {  	v6 =	vmin.f32 v6, v9;
	v8 =	vmax.f32 v8, v15;
	v9 =	vld [tilespmem:s26+$0x2C60];
	v5 =	vsel vm0, v10, v5  }
0x351: {  	v10 =	vmin.f32 v7, v13;
	v7 =	vmax.f32 v7, v13;
	v13 =	vmin.f32 v12, v16  }
0x352: {  	v6 =	vmin.f32 v6, v7;
	v7 =	vmax.f32 v12, v16;
	v8 =	vmax.f32 v8, v16;
	v12 =	vld [tilespmem:s26+$0x2C70]  }
0x353: {  	v14 =	vmin.f32 v10, v7;
	v7 =	vmax.f32 v10, v7;
	v10 =	vmin.f32 v13, v11  }
0x354: {  	v6 =	vmin.f32 v6, v7;
	v7 =	vmax.f32 v13, v11;
	v8 =	vmax.f32 v8, v11;
	v15 =	vld [tilespmem:s26+$0x3000]  }
0x355: {  	v11 =	vmin.f32 v14, v7;
	v7 =	vmax.f32 v14, v7;
	v13 =	vmin.f32 v10, v9  }
.Ltmp3:
0x356: {  	v6 =	vmin.f32 v6, v7;
	v7 =	vmax.f32 v10, v9;
	v9 =	vmax.f32 v8, v9;
	v8 =	vld [tilespmem:s26+$0x3010];
	(pc) =	sbr.rel @p0 .LBB2_8-.Ltmp3, $4  }
0x357: {  	v14 =	vmin.f32 v11, v7;
	v7 =	vmax.f32 v11, v7;
	v16 =	vmin.f32 v13, v12  }
0x358: {  	v7 =	vmin.f32 v6, v7;
	v11 =	vmax.f32 v13, v12;
	v12 =	vmax.f32 v9, v12;
	v6 =	vld [tilespmem:s26+$0x3020]  }
0x359: {  	v10 =	vmin.f32 v14, v11;
	v11 =	vmax.f32 v14, v11;
	v9 =	vmin.f32 v16, v15  }
0x35a: {  	s28 =	sadd.s32 $0x1, s28;
	v11 =	vmin.f32 v7, v11;
	v13 =	vmax.f32 v16, v15;
	v12 =	vmax.f32 v12, v15;
	v7 =	vld [tilespmem:s26+$0x3030]  }
0x35b: {  	v14 =	vmin.f32 v10, v13;
	v10 =	vmax.f32 v10, v13  }
0x35c: {  	v13 =	vmin.f32 v9, v8;
	v9 =	vmax.f32 v9, v8;
	v8 =	vmax.f32 v12, v8  }
0x35d: {  	v10 =	vmin.f32 v11, v10;
	v11 =	vld [tilespmem:s26+$0x3040];
	v12 =	vmin.f32 v14, v9;
	v9 =	vmax.f32 v14, v9  }
0x35e: {  	v14 =	vmin.f32 v13, v6;
	v9 =	vmin.f32 v10, v9;
	v10 =	vmax.f32 v13, v6  }
0x35f: {  	v6 =	vmax.f32 v8, v6;
	v8 =	vld [tilespmem:s26+$0x3050];
	v13 =	vmin.f32 v12, v10;
	v10 =	vmax.f32 v12, v10  }
0x360: {  	v12 =	vmin.f32 v14, v7;
	v9 =	vmin.f32 v9, v10;
	v10 =	vmax.f32 v14, v7  }
0x361: {  	v6 =	vmax.f32 v6, v7;
	v7 =	vld [tilespmem:s26+$0x3060];
	v14 =	vmin.f32 v13, v10;
	v10 =	vmax.f32 v13, v10  }
0x362: {  	v13 =	vmin.f32 v12, v11;
	v9 =	vmin.f32 v9, v10;
	v10 =	vmax.f32 v12, v11  }
0x363: {  	v6 =	vmax.f32 v6, v11;
	v11 =	vld [tilespmem:s26+$0x3070];
	v12 =	vmin.f32 v14, v10;
	v10 =	vmax.f32 v14, v10  }
0x364: {  	v14 =	vmin.f32 v13, v8;
	v9 =	vmin.f32 v9, v10;
	v10 =	vmax.f32 v13, v8  }
0x365: {  	v6 =	vmax.f32 v6, v8;
	v8 =	vld [tilespmem:s26+$0x3400];
	v13 =	vmin.f32 v12, v10;
	v10 =	vmax.f32 v12, v10  }
0x366: {  	v12 =	vmin.f32 v14, v7;
	v9 =	vmin.f32 v9, v10;
	v10 =	vmax.f32 v14, v7  }
0x367: {  	v6 =	vmax.f32 v6, v7;
	v7 =	vld [tilespmem:s26+$0x3410];
	v14 =	vmin.f32 v13, v10;
	v10 =	vmax.f32 v13, v10  }
0x368: {  	v13 =	vmin.f32 v12, v11;
	v9 =	vmin.f32 v9, v10;
	v10 =	vmax.f32 v12, v11  }
0x369: {  	v6 =	vmax.f32 v6, v11;
	v11 =	vld [tilespmem:s26+$0x3420];
	v12 =	vmin.f32 v14, v10;
	v10 =	vmax.f32 v14, v10  }
0x36a: {  	v14 =	vmin.f32 v13, v8;
	v9 =	vmin.f32 v9, v10;
	v10 =	vmax.f32 v13, v8  }
0x36b: {  	v6 =	vmax.f32 v6, v8;
	v8 =	vld [tilespmem:s26+$0x3430];
	v13 =	vmin.f32 v12, v10;
	v10 =	vmax.f32 v12, v10  }
0x36c: {  	v12 =	vmin.f32 v14, v7;
	v9 =	vmin.f32 v9, v10;
	v10 =	vmax.f32 v14, v7  }
0x36d: {  	v6 =	vmax.f32 v6, v7;
	v7 =	vld [tilespmem:s26+$0x3440];
	v14 =	vmin.f32 v13, v10;
	v10 =	vmax.f32 v13, v10  }
0x36e: {  	v13 =	vmin.f32 v12, v11;
	v9 =	vmin.f32 v9, v10;
	v10 =	vmax.f32 v12, v11  }
0x36f: {  	v6 =	vmax.f32 v6, v11;
	v11 =	vld [tilespmem:s26+$0x3450];
	v12 =	vmin.f32 v14, v10;
	v10 =	vmax.f32 v14, v10  }
0x370: {  	v14 =	vmin.f32 v13, v8;
	v9 =	vmin.f32 v9, v10;
	v10 =	vmax.f32 v13, v8  }
0x371: {  	v6 =	vmax.f32 v6, v8;
	v8 =	vld [tilespmem:s26+$0x3460];
	v13 =	vmin.f32 v12, v10;
	v10 =	vmax.f32 v12, v10  }
0x372: {  	v12 =	vmin.f32 v14, v7;
	v9 =	vmin.f32 v9, v10;
	v10 =	vmax.f32 v14, v7  }
0x373: {  	v6 =	vmax.f32 v6, v7;
	v7 =	vld [tilespmem:s26+$0x3470];
	v14 =	vmin.f32 v13, v10;
	v10 =	vmax.f32 v13, v10  }
0x374: {  	v13 =	vmin.f32 v12, v11;
	v9 =	vmin.f32 v9, v10;
	v10 =	vmax.f32 v12, v11  }
0x375: {  	v6 =	vmax.f32 v6, v11;
	v11 =	vld [tilespmem:s26+$0x3800];
	v12 =	vmin.f32 v14, v10;
	v10 =	vmax.f32 v14, v10  }
0x376: {  	v14 =	vmin.f32 v13, v8;
	v9 =	vmin.f32 v9, v10;
	v10 =	vmax.f32 v13, v8  }
0x377: {  	v6 =	vmax.f32 v6, v8;
	v8 =	vld [tilespmem:s26+$0x3810];
	v13 =	vmin.f32 v12, v10;
	v10 =	vmax.f32 v12, v10  }
0x378: {  	v12 =	vmin.f32 v14, v7;
	v9 =	vmin.f32 v9, v10;
	v10 =	vmax.f32 v14, v7  }
0x379: {  	v6 =	vmax.f32 v6, v7;
	v7 =	vld [tilespmem:s26+$0x3820];
	v14 =	vmin.f32 v13, v10;
	v10 =	vmax.f32 v13, v10  }
0x37a: {  	v13 =	vmin.f32 v12, v11;
	v9 =	vmin.f32 v9, v10;
	v10 =	vmax.f32 v12, v11  }
0x37b: {  	v6 =	vmax.f32 v6, v11;
	v11 =	vld [tilespmem:s26+$0x3830];
	v12 =	vmin.f32 v14, v10;
	v10 =	vmax.f32 v14, v10  }
0x37c: {  	v14 =	vmin.f32 v13, v8;
	v9 =	vmin.f32 v9, v10;
	v10 =	vmax.f32 v13, v8  }
0x37d: {  	v6 =	vmax.f32 v6, v8;
	v8 =	vmin.f32 v12, v10;
	v10 =	vmax.f32 v12, v10  }
0x37e: {  	v9 =	vmin.f32 v9, v10;
	v10 =	vmax.f32 v14, v7  }
0x37f: {  	v12 =	vmin.f32 v14, v7;
	v6 =	vmax.f32 v6, v7;
	v7 =	vmin.f32 v8, v10  }
0x380: {  	v8 =	vmax.f32 v8, v10;
	v10 =	vmin.f32 v12, v11;
	v6 =	vmax.f32 v6, v11  }
0x381: {  	v8 =	vmin.f32 v9, v8;
	v9 =	vmax.f32 v12, v11;
	v12 =	vperm.xlane v6, v0  }
0x382: {  	v11 =	vmin.f32 v7, v9;
	v7 =	vmax.f32 v7, v9;
	v9 =	vperm.xlane v10, v0  }
0x383: {  	v7 =	vmin.f32 v8, v7;
	v8 =	vperm.xlane v11, v0;
	v6 =	vmax.f32 v6, v12  }
0x384: {  	v13 =	vperm.xlane v7, v0;
	v14 =	vmin.f32 v10, v9;
	v9 =	vmax.f32 v10, v9  }
0x385: {  	v12 =	vperm.xlane v6, v1;
	v10 =	vmin.f32 v11, v9;
	v9 =	vmax.f32 v11, v9  }
0x386: {  	v11 =	vmin.f32 v14, v8;
	v8 =	vmax.f32 v14, v8;
	v7 =	vmin.f32 v7, v9  }
0x387: {  	v9 =	vmin.f32 v10, v8;
	v8 =	vmax.f32 v10, v8;
	v10 =	vmax.f32 v11, v13  }
0x388: {  	v6 =	vmax.f32 v6, v12;
	v7 =	vmin.f32 v7, v8;
	v8 =	vmin.f32 v11, v13  }
0x389: {  	v11 =	vmin.f32 v9, v10;
	v9 =	vmax.f32 v9, v10;
	v10 =	vperm.xlane v8, v1  }
0x38a: {  	v14 =	vperm.xlane v6, v2;
	v7 =	vmin.f32 v7, v9  }
0x38b: {  	v9 =	vperm.xlane v11, v1;
	v12 =	vperm.xlane v7, v1;
	v13 =	vmax.f32 v8, v10  }
0x38c: {  	v6 =	vmax.f32 v6, v14;
	v8 =	vmin.f32 v8, v10;
	v10 =	vmin.f32 v11, v13  }
0x38d: {  	v11 =	vmax.f32 v11, v13;
	v13 =	vmin.f32 v8, v9;
	v8 =	vmax.f32 v8, v9  }
0x38e: {  	v7 =	vmin.f32 v7, v11;
	v9 =	vmin.f32 v10, v8;
	v8 =	vmax.f32 v10, v8  }
0x38f: {  	v10 =	vmin.f32 v13, v12;
	v11 =	vmax.f32 v13, v12;
	v12 =	vperm.xlane v6, v3  }
0x390: {  	v7 =	vmin.f32 v7, v8;
	v8 =	vmax.f32 v9, v11;
	v13 =	vperm.xlane v10, v2  }
0x391: {  	v9 =	vmin.f32 v9, v11;
	v7 =	vmin.f32 v7, v8  }
0x392: {  	v8 =	vperm.xlane v9, v2;
	v6 =	vmax.f32 v6, v12;
	v11 =	vmax.f32 v10, v13  }
0x393: {  	v12 =	vperm.xlane v7, v2;
	v10 =	vmin.f32 v10, v13;
	v13 =	vmin.f32 v9, v11  }
0x394: {  	v9 =	vmax.f32 v9, v11;
	v11 =	vmin.f32 v10, v8;
	v8 =	vmax.f32 v10, v8  }
0x395: {  	v7 =	vmin.f32 v7, v9;
	v9 =	vmin.f32 v13, v8;
	v8 =	vmax.f32 v13, v8  }
0x396: {  	v10 =	vmax.f32 v11, v12;
	v7 =	vmin.f32 v7, v8;
	v8 =	vmin.f32 v11, v12  }
0x397: {  	v11 =	vmin.f32 v9, v10;
	v9 =	vmax.f32 v9, v10;
	v10 =	vperm.xlane v8, v3  }
0x398: {  	v6 =	vmul.f32 $1.442695020e+00, v6;
	v7 =	vmin.f32 v7, v9;
	v9 =	vperm.xlane v11, v3  }
0x399: {  	v12 =	vperm.xlane v7, v3;
	v13 =	vmin.f32 v8, v10;
	v8 =	vmax.f32 v8, v10  }
0x39a: {  	v10 =	vmin.f32 v11, v8;
	v14 =	vmin.f32 v13, v9;
	v9 =	vmax.f32 v13, v9  }
0x39b: {  	v13 =	vmin.f32 v10, v9;
	v12 =	vmax.f32 v14, v12  }
0x39c: {  	(erf) = vpow2.f32 v6;
	v14 =	vmin.f32 v13, v12  }
0x39d: {  	v6 =	vmul.f32 $1.442695020e+00, v14;
	_ =	sdelay $0x1  }
0x39e: {  	(erf) = vpow2.f32 v6;
	_ =	sdelay $0x2  }
0x39f: {  	v6 =	vmax.f32 v11, v8  }
0x3a0: {  	v6 =	vmin.f32 v7, v6;
	v7 =	vmax.f32 v10, v9  }
0x3a1: {  	v6 =	vmin.f32 v6, v7;
	v7 =	vmax.f32 v13, v12  }
0x3a2: {  	v8 =	vpop (erf);
	v6 =	vmin.f32 v6, v7  }
0x3a3: {  	v8 =	vadd.f32 v8, v8;
	(erf) = vrcp.f32 v6;
	_ =	sdelay $0x1  }
0x3a4: {  	v7 =	vadd.f32 $1.000000000e+00, v8;
	v6 =	vpop (erf)  }
0x3a5: {  	v6 =	vadd.f32 $1.000000000e+00, v6  }
0x3a6: {  	(erf) = vrcp.f32 v7  }
0x3a7: {  	(erf) = vrcp.f32 v6;
	_ =	sdelay $0x3  }
0x3a8: {  	v6 =	vpop (erf)  }
0x3a9: {  	v6 =	vmul.f32 v6, v14;
	_ =	sdelay $0x2  }
0x3aa: {  	v7 =	vpop (erf)  }
0x3ab: {  	vm0 =	vlt.f32 v6, $6.000000240e-01;
	v6 =	vpop (erf)  }
0x3ac: {  	v6 =	vsel vm0, v6, v7  }
0x3ad: {  	v7 =	vmov s24;
	v6 =	vadd.f32 v6, v6  }
0x3ae: {  	vm15 =	veq.s32 v7, v4  }
0x3af: {  	s30 =	simm.s32 $0x0;
	v5 =	vsel vm15, v6, v5  }
0x3b0: {  	s25 =	simm.s32 $0x0;
	s24 =	smul.u32 $0x5000, s30;
	[tilespmem:$0x5180] =	vst v5  }
0x3b1: {  	[hbm4b:s11+s25] =	stream.linear.scatter [tilespmem:s20], [sflag:$0x3], $0x80, $0x38;
	[tilespmem:$0x5400] =	vst v63  }
0x3b2: {  	_ =	swait.ge [sflag:s14], $0x2800  }
0x3b3: {  	s31 =	sand.u32 $0x380, s25;
	s24 =	sshra.s32 s24, $0x2;
	[sflag:s14] =	ssyncset.done $0x0  }
0x3b4: {  	s26 =	sor.u32 s31, s24;
	[sflag:s14] =	ssyncadd.s32 $0xFFFFD800  }
0x3b5: {  	v6 =	vld [tilespmem:s26+$0x0]  }
0x3b6: {  	v7 =	vld [tilespmem:s26+$0x10];
	_ =	sdelay $0x1  }
0x3b7: {  	v8 =	vld [tilespmem:s26+$0x20];
	_ =	sdelay $0x1  }
0x3b8: {  	v9 =	vld [tilespmem:s26+$0x30];
	v10 =	vmax.f32 v6, $+Inf  }
0x3b9: {  	v11 =	vmax.f32 v6, $0.0e+00;
	v12 =	vmin.f32 v6, v7;
	v6 =	vmax.f32 v6, v7  }
0x3ba: {  	v7 =	vmax.f32 v11, v7;
	v11 =	vld [tilespmem:s26+$0x40];
	v13 =	vmin.f32 v10, v6;
	v6 =	vmax.f32 v10, v6  }
0x3bb: {  	v14 =	vmin.f32 v12, v8;
	v12 =	vmax.f32 v12, v8;
	v7 =	vmax.f32 v7, v8  }
0x3bc: {  	v6 =	vmin.f32 v10, v6;
	v8 =	vld [tilespmem:s26+$0x50];
	v10 =	vmin.f32 v13, v12;
	v12 =	vmax.f32 v13, v12  }
0x3bd: {  	v13 =	vmin.f32 v14, v9;
	v14 =	vmax.f32 v14, v9;
	v7 =	vmax.f32 v7, v9  }
0x3be: {  	v6 =	vmin.f32 v6, v12;
	v9 =	vld [tilespmem:s26+$0x60];
	v12 =	vmin.f32 v10, v14;
	v10 =	vmax.f32 v10, v14  }
0x3bf: {  	v6 =	vmin.f32 v6, v10;
	v14 =	vmin.f32 v13, v11;
	v13 =	vmax.f32 v13, v11  }
0x3c0: {  	v10 =	vld [tilespmem:s26+$0x70];
	v7 =	vmax.f32 v7, v11;
	v11 =	vmin.f32 v12, v13;
	v12 =	vmax.f32 v12, v13  }
0x3c1: {  	v13 =	vmin.f32 v14, v8;
	v14 =	vmax.f32 v14, v8;
	v7 =	vmax.f32 v7, v8  }
0x3c2: {  	v8 =	vld [tilespmem:s26+$0x400];
	v6 =	vmin.f32 v6, v12;
	v12 =	vmin.f32 v11, v14;
	v11 =	vmax.f32 v11, v14  }
0x3c3: {  	v14 =	vmin.f32 v13, v9;
	v13 =	vmax.f32 v13, v9;
	v7 =	vmax.f32 v7, v9  }
0x3c4: {  	v9 =	vld [tilespmem:s26+$0x410];
	v6 =	vmin.f32 v6, v11;
	v11 =	vmin.f32 v12, v13;
	v12 =	vmax.f32 v12, v13  }
0x3c5: {  	v13 =	vmin.f32 v14, v10;
	v14 =	vmax.f32 v14, v10;
	v7 =	vmax.f32 v7, v10  }
0x3c6: {  	v10 =	vld [tilespmem:s26+$0x420];
	v6 =	vmin.f32 v6, v12;
	v12 =	vmin.f32 v11, v14;
	v11 =	vmax.f32 v11, v14  }
0x3c7: {  	v6 =	vmin.f32 v6, v11;
	v14 =	vmin.f32 v13, v8;
	v13 =	vmax.f32 v13, v8  }
0x3c8: {  	v7 =	vmax.f32 v7, v8;
	v11 =	vmin.f32 v12, v13;
	v12 =	vmax.f32 v12, v13  }
0x3c9: {  	v8 =	vld [tilespmem:s26+$0x430];
	v13 =	vmax.f32 v14, v9;
	v14 =	vmin.f32 v14, v9;
	v7 =	vmax.f32 v7, v9  }
0x3ca: {  	v15 =	vld [tilespmem:s26+$0x440];
	v6 =	vmin.f32 v6, v12;
	v12 =	vmin.f32 v11, v13;
	v9 =	vmax.f32 v11, v13  }
0x3cb: {  	v11 =	vmin.f32 v14, v10;
	v13 =	vmax.f32 v14, v10;
	v7 =	vmax.f32 v7, v10  }
0x3cc: {  	v6 =	vmin.f32 v6, v9;
	v9 =	vld [tilespmem:s26+$0x450];
	v10 =	vmin.f32 v12, v13;
	v12 =	vmax.f32 v12, v13  }
0x3cd: {  	v5 =	vimm.f32 $0.0e+00;
	v6 =	vmin.f32 v6, v12  }
0x3ce: {  	v13 =	vmin.f32 v11, v8;
	v11 =	vmax.f32 v11, v8;
	v7 =	vmax.f32 v7, v8;
	v8 =	vld [tilespmem:s26+$0x460]  }
0x3cf: {  	v12 =	vmin.f32 v10, v11;
	v10 =	vmax.f32 v10, v11;
	v11 =	vmin.f32 v13, v15  }
0x3d0: {  	v7 =	vmax.f32 v7, v15;
	v6 =	vmin.f32 v6, v10;
	v10 =	vmax.f32 v13, v15;
	v13 =	vld [tilespmem:s26+$0x470]  }
0x3d1: {  	v14 =	vmin.f32 v12, v10;
	v10 =	vmax.f32 v12, v10;
	v12 =	vmin.f32 v11, v9  }
0x3d2: {  	v15 =	vld [tilespmem:s26+$0x800];
	v7 =	vmax.f32 v7, v9;
	v6 =	vmin.f32 v6, v10;
	v10 =	vmax.f32 v11, v9  }
0x3d3: {  	v9 =	vmin.f32 v14, v10;
	v10 =	vmax.f32 v14, v10;
	v11 =	vmin.f32 v12, v8  }
0x3d4: {  	v7 =	vmax.f32 v7, v8;
	v6 =	vmin.f32 v6, v10;
	v10 =	vmax.f32 v12, v8;
	v8 =	vld [tilespmem:s26+$0x810]  }
0x3d5: {  	v12 =	vmin.f32 v9, v10;
	v9 =	vmax.f32 v9, v10;
	v14 =	vmin.f32 v11, v13  }
0x3d6: {  	v7 =	vmax.f32 v7, v13;
	v16 =	vmin.f32 v6, v9;
	v9 =	vmax.f32 v11, v13;
	v6 =	vld [tilespmem:s26+$0x820]  }
0x3d7: {  	v13 =	vmax.f32 v14, v15;
	v10 =	vmin.f32 v12, v9;
	v11 =	vmax.f32 v12, v9  }
0x3d8: {  	s28 =	simm.s32 $0x1;
	s24 =	simm.s32 $0x0;
	v9 =	vmin.f32 v14, v15;
	v12 =	vmax.f32 v7, v15;
	v7 =	vld [tilespmem:s26+$0x830];
	v11 =	vmin.f32 v16, v11  }
.LBB2_10:
0x3d9: {  	p0 =	sne.s32 s28, $0xF;
	v14 =	vmin.f32 v10, v13;
	v10 =	vmax.f32 v10, v13;
	v13 =	vmin.f32 v9, v8  }
0x3da: {  	v9 =	vmax.f32 v9, v8;
	v8 =	vmax.f32 v12, v8;
	v10 =	vmin.f32 v11, v10;
	v11 =	vld [tilespmem:s26+$0x840]  }
0x3db: {  	v12 =	vmin.f32 v14, v9;
	v9 =	vmax.f32 v14, v9;
	v14 =	vmin.f32 v13, v6  }
0x3dc: {  	v9 =	vmin.f32 v10, v9;
	v10 =	vmax.f32 v13, v6;
	v6 =	vmax.f32 v8, v6;
	v8 =	vld [tilespmem:s26+$0x850]  }
0x3dd: {  	v13 =	vmin.f32 v12, v10;
	v10 =	vmax.f32 v12, v10;
	v12 =	vmin.f32 v14, v7  }
0x3de: {  	v9 =	vmin.f32 v9, v10;
	v10 =	vmax.f32 v14, v7;
	v6 =	vmax.f32 v6, v7;
	v7 =	vld [tilespmem:s26+$0x860]  }
0x3df: {  	v14 =	vmin.f32 v13, v10;
	v10 =	vmax.f32 v13, v10;
	v13 =	vmin.f32 v12, v11  }
0x3e0: {  	v9 =	vmin.f32 v9, v10;
	v10 =	vmax.f32 v12, v11;
	v6 =	vmax.f32 v6, v11;
	v11 =	vld [tilespmem:s26+$0x870]  }
0x3e1: {  	v12 =	vmin.f32 v14, v10;
	v10 =	vmax.f32 v14, v10;
	v14 =	vmin.f32 v13, v8  }
0x3e2: {  	v9 =	vmin.f32 v9, v10;
	v10 =	vmax.f32 v13, v8;
	v6 =	vmax.f32 v6, v8;
	v8 =	vld [tilespmem:s26+$0xC00]  }
0x3e3: {  	v13 =	vmin.f32 v12, v10;
	v10 =	vmax.f32 v12, v10;
	v12 =	vmin.f32 v14, v7  }
0x3e4: {  	v9 =	vmin.f32 v9, v10;
	v10 =	vmax.f32 v14, v7;
	v6 =	vmax.f32 v6, v7;
	v7 =	vld [tilespmem:s26+$0xC10]  }
0x3e5: {  	v14 =	vmin.f32 v13, v10;
	v10 =	vmax.f32 v13, v10;
	v13 =	vmin.f32 v12, v11  }
0x3e6: {  	v9 =	vmin.f32 v9, v10;
	v10 =	vmax.f32 v12, v11;
	v6 =	vmax.f32 v6, v11;
	v11 =	vld [tilespmem:s26+$0xC20]  }
0x3e7: {  	v12 =	vmin.f32 v14, v10;
	v10 =	vmax.f32 v14, v10;
	v14 =	vmin.f32 v13, v8  }
0x3e8: {  	v9 =	vmin.f32 v9, v10;
	v10 =	vmax.f32 v13, v8;
	v6 =	vmax.f32 v6, v8;
	v8 =	vld [tilespmem:s26+$0xC30]  }
0x3e9: {  	v13 =	vmin.f32 v12, v10;
	v10 =	vmax.f32 v12, v10;
	v12 =	vmin.f32 v14, v7  }
0x3ea: {  	v9 =	vmin.f32 v9, v10;
	v10 =	vmax.f32 v14, v7;
	v6 =	vmax.f32 v6, v7;
	v7 =	vld [tilespmem:s26+$0xC40]  }
0x3eb: {  	v14 =	vmin.f32 v13, v10;
	v10 =	vmax.f32 v13, v10;
	v13 =	vmin.f32 v12, v11  }
0x3ec: {  	v9 =	vmin.f32 v9, v10;
	v10 =	vmax.f32 v12, v11;
	v6 =	vmax.f32 v6, v11;
	v11 =	vld [tilespmem:s26+$0xC50]  }
0x3ed: {  	v12 =	vmin.f32 v14, v10;
	v10 =	vmax.f32 v14, v10;
	v14 =	vmin.f32 v13, v8  }
0x3ee: {  	v9 =	vmin.f32 v9, v10;
	v10 =	vmax.f32 v13, v8;
	v6 =	vmax.f32 v6, v8;
	v8 =	vld [tilespmem:s26+$0xC60]  }
0x3ef: {  	v13 =	vmin.f32 v12, v10;
	v10 =	vmax.f32 v12, v10;
	v12 =	vmin.f32 v14, v7  }
0x3f0: {  	v9 =	vmin.f32 v9, v10;
	v10 =	vmax.f32 v14, v7;
	v6 =	vmax.f32 v6, v7;
	v7 =	vld [tilespmem:s26+$0xC70]  }
0x3f1: {  	v14 =	vmin.f32 v13, v10;
	v10 =	vmax.f32 v13, v10;
	v13 =	vmin.f32 v12, v11  }
0x3f2: {  	v9 =	vmin.f32 v9, v10;
	v10 =	vmax.f32 v12, v11;
	v6 =	vmax.f32 v6, v11;
	v11 =	vld [tilespmem:s26+$0x1000]  }
0x3f3: {  	v12 =	vmin.f32 v14, v10;
	v10 =	vmax.f32 v14, v10;
	v14 =	vmin.f32 v13, v8  }
0x3f4: {  	v9 =	vmin.f32 v9, v10;
	v10 =	vmax.f32 v13, v8;
	v6 =	vmax.f32 v6, v8;
	v8 =	vld [tilespmem:s26+$0x1010]  }
0x3f5: {  	v13 =	vmin.f32 v12, v10;
	v10 =	vmax.f32 v12, v10;
	v12 =	vmin.f32 v14, v7  }
0x3f6: {  	v9 =	vmin.f32 v9, v10;
	v10 =	vmax.f32 v14, v7;
	v6 =	vmax.f32 v6, v7;
	v7 =	vld [tilespmem:s26+$0x1020]  }
0x3f7: {  	v14 =	vmin.f32 v13, v10;
	v10 =	vmax.f32 v13, v10;
	v13 =	vmin.f32 v12, v11  }
0x3f8: {  	v9 =	vmin.f32 v9, v10;
	v10 =	vmax.f32 v12, v11;
	v6 =	vmax.f32 v6, v11;
	v11 =	vld [tilespmem:s26+$0x1030]  }
0x3f9: {  	v12 =	vmin.f32 v14, v10;
	v10 =	vmax.f32 v14, v10;
	v14 =	vmin.f32 v13, v8  }
0x3fa: {  	v9 =	vmin.f32 v9, v10;
	v10 =	vmax.f32 v13, v8;
	v6 =	vmax.f32 v6, v8  }
0x3fb: {  	v8 =	vmin.f32 v12, v10;
	v10 =	vmax.f32 v12, v10;
	v12 =	vmin.f32 v14, v7  }
0x3fc: {  	v9 =	vmin.f32 v9, v10;
	v10 =	vmax.f32 v14, v7;
	v6 =	vmax.f32 v6, v7  }
0x3fd: {  	v7 =	vmin.f32 v8, v10;
	v8 =	vmax.f32 v8, v10;
	v10 =	vmin.f32 v12, v11  }
0x3fe: {  	v8 =	vmin.f32 v9, v8;
	v9 =	vmax.f32 v12, v11;
	v6 =	vmax.f32 v6, v11  }
0x3ff: {  	v11 =	vmin.f32 v7, v9;
	v7 =	vmax.f32 v7, v9;
	v9 =	vperm.xlane v10, v0  }
0x400: {  	v12 =	vperm.xlane v6, v0;
	v7 =	vmin.f32 v8, v7;
	v8 =	vperm.xlane v11, v0  }
0x401: {  	v13 =	vperm.xlane v7, v0;
	v14 =	vmin.f32 v10, v9;
	v9 =	vmax.f32 v10, v9  }
0x402: {  	v6 =	vmax.f32 v6, v12;
	v10 =	vmin.f32 v11, v9;
	v9 =	vmax.f32 v11, v9  }
0x403: {  	v11 =	vmin.f32 v14, v8;
	v8 =	vmax.f32 v14, v8;
	v12 =	vperm.xlane v6, v1  }
0x404: {  	v7 =	vmin.f32 v7, v9;
	v9 =	vmin.f32 v10, v8;
	v8 =	vmax.f32 v10, v8  }
0x405: {  	v10 =	vmax.f32 v11, v13;
	v7 =	vmin.f32 v7, v8;
	v8 =	vmin.f32 v11, v13  }
0x406: {  	v11 =	vmin.f32 v9, v10;
	v9 =	vmax.f32 v9, v10;
	v10 =	vperm.xlane v8, v1  }
0x407: {  	v6 =	vmax.f32 v6, v12;
	v7 =	vmin.f32 v7, v9;
	v9 =	vperm.xlane v11, v1  }
0x408: {  	v14 =	vperm.xlane v6, v2;
	v12 =	vperm.xlane v7, v1;
	v13 =	vmax.f32 v8, v10  }
0x409: {  	v8 =	vmin.f32 v8, v10;
	v10 =	vmin.f32 v11, v13;
	v11 =	vmax.f32 v11, v13  }
0x40a: {  	v6 =	vmax.f32 v6, v14;
	v13 =	vmin.f32 v8, v9;
	v8 =	vmax.f32 v8, v9  }
0x40b: {  	v7 =	vmin.f32 v7, v11;
	v9 =	vmin.f32 v10, v8;
	v8 =	vmax.f32 v10, v8  }
0x40c: {  	v10 =	vmin.f32 v13, v12;
	v11 =	vmax.f32 v13, v12;
	v12 =	vperm.xlane v6, v3  }
0x40d: {  	v7 =	vmin.f32 v7, v8;
	v8 =	vmax.f32 v9, v11;
	v13 =	vperm.xlane v10, v2  }
0x40e: {  	v9 =	vmin.f32 v9, v11;
	v7 =	vmin.f32 v7, v8  }
0x40f: {  	v8 =	vperm.xlane v9, v2;
	v6 =	vmax.f32 v6, v12;
	v11 =	vmax.f32 v10, v13  }
0x410: {  	s26 =	sshrl.u32 s28, $0x3;
	v12 =	vperm.xlane v7, v2;
	v10 =	vmin.f32 v10, v13;
	v13 =	vmin.f32 v9, v11  }
0x411: {  	s26 =	smul.u32 $0x5000, s26;
	v9 =	vmax.f32 v9, v11;
	v11 =	vmin.f32 v10, v8;
	v8 =	vmax.f32 v10, v8  }
0x412: {  	s25 =	sadd.s32 $0x80, s25;
	v7 =	vmin.f32 v7, v9;
	v9 =	vmin.f32 v13, v8;
	v8 =	vmax.f32 v13, v8  }
0x413: {  	s29 =	sand.u32 $0x380, s25;
	s26 =	sshra.s32 s26, $0x2;
	v10 =	vmax.f32 v11, v12;
	v7 =	vmin.f32 v7, v8;
	v8 =	vmin.f32 v11, v12  }
0x414: {  	s26 =	sor.u32 s29, s26;
	v11 =	vmin.f32 v9, v10;
	v9 =	vmax.f32 v9, v10;
	v10 =	vperm.xlane v8, v3  }
0x415: {  	v6 =	vmul.f32 $1.442695020e+00, v6;
	v7 =	vmin.f32 v7, v9;
	v9 =	vperm.xlane v11, v3;
	v12 =	vld [tilespmem:s26+$0x0]  }
0x416: {  	v14 =	vperm.xlane v7, v3;
	v15 =	vmin.f32 v8, v10;
	v8 =	vmax.f32 v8, v10;
	v13 =	vld [tilespmem:s26+$0x10]  }
0x417: {  	v10 =	vmin.f32 v11, v8;
	v16 =	vmin.f32 v15, v9;
	v9 =	vmax.f32 v15, v9  }
0x418: {  	v17 =	vmin.f32 v10, v9;
	v14 =	vmax.f32 v16, v14;
	v16 =	vmov s24;
	s24 =	smov.u32 s28;
	v15 =	vld [tilespmem:s26+$0x20]  }
0x419: {  	v18 =	vmin.f32 v17, v14;
	vm0 =	veq.s32 v16, v4;
	(erf) = vpow2.f32 v6  }
0x41a: {  	v20 =	vmul.f32 $1.442695020e+00, v18;
	v6 =	vmax.f32 v12, $+Inf;
	v16 =	vmax.f32 v12, $0.0e+00;
	v19 =	vld [tilespmem:s26+$0x30]  }
0x41b: {  	v21 =	vmin.f32 v12, v13;
	v12 =	vmax.f32 v12, v13;
	v13 =	vmax.f32 v16, v13  }
0x41c: {  	v16 =	vmin.f32 v6, v12;
	v12 =	vmax.f32 v6, v12;
	v22 =	vld [tilespmem:s26+$0x40];
	(erf) = vpow2.f32 v20  }
0x41d: {  	v20 =	vmin.f32 v21, v15;
	v21 =	vmax.f32 v21, v15;
	v13 =	vmax.f32 v13, v15  }
0x41e: {  	v6 =	vmin.f32 v6, v12;
	v12 =	vmin.f32 v16, v21;
	v15 =	vmax.f32 v16, v21  }
0x41f: {  	v16 =	vmin.f32 v20, v19;
	v20 =	vmax.f32 v20, v19;
	v13 =	vmax.f32 v13, v19  }
0x420: {  	v6 =	vmin.f32 v6, v15;
	v15 =	vmin.f32 v12, v20;
	v12 =	vmax.f32 v12, v20  }
0x421: {  	v8 =	vmax.f32 v11, v8;
	v19 =	vmin.f32 v16, v22;
	v16 =	vmax.f32 v16, v22;
	v20 =	vld [tilespmem:s26+$0x50]  }
0x422: {  	v7 =	vmin.f32 v7, v8;
	v8 =	vmax.f32 v10, v9;
	v11 =	vmax.f32 v13, v22;
	v9 =	vpop (erf)  }
0x423: {  	v21 =	vmin.f32 v7, v8;
	v8 =	vmax.f32 v17, v14;
	v9 =	vadd.f32 v9, v9  }
0x424: {  	v6 =	vmin.f32 v6, v12;
	v13 =	vmin.f32 v21, v8;
	v10 =	vmin.f32 v15, v16;
	v12 =	vld [tilespmem:s26+$0x60]  }
0x425: {  	v8 =	vmax.f32 v15, v16;
	v9 =	vadd.f32 $1.000000000e+00, v9;
	(erf) = vrcp.f32 v13;
	v7 =	vpop (erf)  }
0x426: {  	v13 =	vmin.f32 v19, v20;
	v14 =	vmax.f32 v19, v20;
	v15 =	vld [tilespmem:s26+$0x70];
	v7 =	vadd.f32 $1.000000000e+00, v7  }
0x427: {  	v6 =	vmin.f32 v6, v8;
	v8 =	vmax.f32 v11, v20;
	(erf) = vrcp.f32 v9  }
0x428: {  	v9 =	vmin.f32 v10, v14;
	v10 =	vmax.f32 v10, v14;
	v11 =	vld [tilespmem:s26+$0x400];
	(erf) = vrcp.f32 v7  }
0x429: {  	v7 =	vmin.f32 v13, v12;
	v13 =	vmax.f32 v13, v12;
	v8 =	vmax.f32 v8, v12  }
0x42a: {  	v6 =	vmin.f32 v6, v10;
	v10 =	vmin.f32 v9, v13;
	v9 =	vmax.f32 v9, v13;
	v12 =	vld [tilespmem:s26+$0x410]  }
0x42b: {  	v13 =	vmin.f32 v7, v15;
	v7 =	vmax.f32 v7, v15;
	v8 =	vmax.f32 v8, v15  }
0x42c: {  	v6 =	vmin.f32 v6, v9;
	v9 =	vmin.f32 v10, v7;
	v7 =	vmax.f32 v10, v7;
	v10 =	vld [tilespmem:s26+$0x420]  }
0x42d: {  	v14 =	vmin.f32 v13, v11;
	v13 =	vmax.f32 v13, v11;
	v8 =	vmax.f32 v8, v11  }
0x42e: {  	v6 =	vmin.f32 v6, v7;
	v7 =	vmin.f32 v9, v13;
	v9 =	vmax.f32 v9, v13;
	v11 =	vpop (erf)  }
0x42f: {  	v13 =	vmin.f32 v14, v12;
	v14 =	vmax.f32 v14, v12;
	v15 =	vld [tilespmem:s26+$0x430];
	v17 =	vmul.f32 v11, v18  }
0x430: {  	v6 =	vmin.f32 v6, v9;
	v8 =	vmax.f32 v8, v12;
	v9 =	vmin.f32 v7, v14;
	v12 =	vpop (erf)  }
0x431: {  	v7 =	vmax.f32 v7, v14;
	v14 =	vmin.f32 v13, v10;
	v16 =	vld [tilespmem:s26+$0x440];
	vm1 =	vlt.f32 v17, $6.000000240e-01;
	v11 =	vpop (erf)  }
0x432: {  	v13 =	vmax.f32 v13, v10;
	v8 =	vmax.f32 v8, v10;
	v10 =	vsel vm1, v11, v12  }
0x433: {  	v6 =	vmin.f32 v6, v7;
	v7 =	vmin.f32 v9, v13;
	v11 =	vld [tilespmem:s26+$0x450];
	v10 =	vadd.f32 v10, v10  }
0x434: {  	v9 =	vmax.f32 v9, v13;
	v12 =	vmin.f32 v14, v15;
	v13 =	vmax.f32 v14, v15  }
0x435: {  	v6 =	vmin.f32 v6, v9;
	v8 =	vmax.f32 v8, v15;
	v9 =	vld [tilespmem:s26+$0x460];
	v5 =	vsel vm0, v10, v5  }
0x436: {  	v10 =	vmin.f32 v7, v13;
	v7 =	vmax.f32 v7, v13;
	v13 =	vmin.f32 v12, v16  }
0x437: {  	v6 =	vmin.f32 v6, v7;
	v7 =	vmax.f32 v12, v16;
	v8 =	vmax.f32 v8, v16;
	v12 =	vld [tilespmem:s26+$0x470]  }
0x438: {  	v14 =	vmin.f32 v10, v7;
	v7 =	vmax.f32 v10, v7;
	v10 =	vmin.f32 v13, v11  }
0x439: {  	v6 =	vmin.f32 v6, v7;
	v7 =	vmax.f32 v13, v11;
	v8 =	vmax.f32 v8, v11;
	v15 =	vld [tilespmem:s26+$0x800]  }
0x43a: {  	v11 =	vmin.f32 v14, v7;
	v7 =	vmax.f32 v14, v7;
	v13 =	vmin.f32 v10, v9  }
.Ltmp4:
0x43b: {  	v6 =	vmin.f32 v6, v7;
	v7 =	vmax.f32 v10, v9;
	v9 =	vmax.f32 v8, v9;
	v8 =	vld [tilespmem:s26+$0x810];
	(pc) =	sbr.rel @p0 .LBB2_10-.Ltmp4, $4  }
0x43c: {  	v14 =	vmin.f32 v11, v7;
	v7 =	vmax.f32 v11, v7;
	v16 =	vmin.f32 v13, v12  }
0x43d: {  	v7 =	vmin.f32 v6, v7;
	v11 =	vmax.f32 v13, v12;
	v12 =	vmax.f32 v9, v12;
	v6 =	vld [tilespmem:s26+$0x820]  }
0x43e: {  	v10 =	vmin.f32 v14, v11;
	v11 =	vmax.f32 v14, v11;
	v9 =	vmin.f32 v16, v15  }
0x43f: {  	s28 =	sadd.s32 $0x1, s28;
	v11 =	vmin.f32 v7, v11;
	v13 =	vmax.f32 v16, v15;
	v12 =	vmax.f32 v12, v15;
	v7 =	vld [tilespmem:s26+$0x830]  }
0x440: {  	v14 =	vmin.f32 v10, v13;
	v23 =	vmax.f32 v10, v13;
	v24 =	vmin.f32 v9, v8  }
0x441: {  	v25 =	vmax.f32 v9, v8;
	v26 =	vmax.f32 v12, v8;
	v27 =	vld [tilespmem:s26+$0x840];
	v10 =	vmin.f32 v11, v23  }
0x442: {  	v28 =	vmin.f32 v14, v25;
	v9 =	vmax.f32 v14, v25;
	v29 =	vmin.f32 v24, v6  }
0x443: {  	v31 =	vld [tilespmem:s26+$0x850];
	v9 =	vmin.f32 v10, v9;
	v30 =	vmax.f32 v24, v6;
	v6 =	vmax.f32 v26, v6  }
0x444: {  	v13 =	vmin.f32 v28, v30;
	v10 =	vmax.f32 v28, v30;
	v32 =	vmin.f32 v29, v7  }
0x445: {  	v9 =	vmin.f32 v9, v10;
	v33 =	vmax.f32 v29, v7;
	v6 =	vmax.f32 v6, v7  }
0x446: {  	v7 =	vld [tilespmem:s26+$0x860];
	v14 =	vmin.f32 v13, v33;
	v10 =	vmax.f32 v13, v33;
	v34 =	vmin.f32 v32, v27  }
0x447: {  	v36 =	vld [tilespmem:s26+$0x870];
	v35 =	vmax.f32 v32, v27;
	v6 =	vmax.f32 v6, v27;
	v9 =	vmin.f32 v9, v10  }
0x448: {  	v12 =	vmin.f32 v14, v35;
	v10 =	vmax.f32 v14, v35;
	v38 =	vmax.f32 v34, v31  }
0x449: {  	v39 =	vld [tilespmem:s26+$0xC00];
	v37 =	vmin.f32 v34, v31;
	v9 =	vmin.f32 v9, v10;
	v10 =	vmax.f32 v12, v38  }
0x44a: {  	v6 =	vmax.f32 v6, v31;
	v13 =	vmin.f32 v12, v38;
	v9 =	vmin.f32 v9, v10  }
0x44b: {  	v40 =	vmin.f32 v37, v7;
	v41 =	vmax.f32 v37, v7;
	v6 =	vmax.f32 v6, v7  }
0x44c: {  	v7 =	vld [tilespmem:s26+$0xC10];
	v14 =	vmin.f32 v13, v41;
	v10 =	vmax.f32 v13, v41;
	v42 =	vmin.f32 v40, v36  }
0x44d: {  	v44 =	vld [tilespmem:s26+$0xC20];
	v43 =	vmax.f32 v40, v36;
	v6 =	vmax.f32 v6, v36;
	v9 =	vmin.f32 v9, v10  }
0x44e: {  	v12 =	vmin.f32 v14, v43;
	v10 =	vmax.f32 v14, v43;
	v46 =	vmax.f32 v42, v39  }
0x44f: {  	v47 =	vld [tilespmem:s26+$0xC30];
	v45 =	vmin.f32 v42, v39;
	v9 =	vmin.f32 v9, v10;
	v10 =	vmax.f32 v12, v46  }
0x450: {  	v6 =	vmax.f32 v6, v39;
	v13 =	vmin.f32 v12, v46;
	v9 =	vmin.f32 v9, v10  }
0x451: {  	v48 =	vmin.f32 v45, v7;
	v49 =	vmax.f32 v45, v7;
	v6 =	vmax.f32 v6, v7  }
0x452: {  	v7 =	vld [tilespmem:s26+$0xC40];
	v14 =	vmin.f32 v13, v49;
	v10 =	vmax.f32 v13, v49;
	v50 =	vmin.f32 v48, v44  }
0x453: {  	v52 =	vld [tilespmem:s26+$0xC50];
	v51 =	vmax.f32 v48, v44;
	v6 =	vmax.f32 v6, v44;
	v9 =	vmin.f32 v9, v10  }
0x454: {  	v12 =	vmin.f32 v14, v51;
	v10 =	vmax.f32 v14, v51;
	v54 =	vmax.f32 v50, v47  }
0x455: {  	v55 =	vld [tilespmem:s26+$0xC60];
	v53 =	vmin.f32 v50, v47;
	v9 =	vmin.f32 v9, v10;
	v10 =	vmax.f32 v12, v54  }
0x456: {  	v6 =	vmax.f32 v6, v47;
	v13 =	vmin.f32 v12, v54;
	v9 =	vmin.f32 v9, v10  }
0x457: {  	v56 =	vmin.f32 v53, v7;
	v57 =	vmax.f32 v53, v7;
	v6 =	vmax.f32 v6, v7  }
0x458: {  	v7 =	vld [tilespmem:s26+$0xC70];
	v14 =	vmin.f32 v13, v57;
	v10 =	vmax.f32 v13, v57;
	v58 =	vmin.f32 v56, v52  }
0x459: {  	v60 =	vld [tilespmem:s26+$0x1000];
	v59 =	vmax.f32 v56, v52;
	v6 =	vmax.f32 v6, v52;
	v9 =	vmin.f32 v9, v10  }
0x45a: {  	v12 =	vmin.f32 v14, v59;
	v10 =	vmax.f32 v14, v59;
	v62 =	vmax.f32 v58, v55  }
0x45b: {  	v63 =	vld [tilespmem:s26+$0x1010];
	v61 =	vmin.f32 v58, v55;
	v9 =	vmin.f32 v9, v10;
	v10 =	vmax.f32 v12, v62  }
0x45c: {  	v6 =	vmax.f32 v6, v55;
	v13 =	vmin.f32 v12, v62;
	v9 =	vmin.f32 v9, v10  }
0x45d: {  	v16 =	vmin.f32 v61, v7;
	v17 =	vmax.f32 v61, v7;
	v6 =	vmax.f32 v6, v7  }
0x45e: {  	v7 =	vld [tilespmem:s26+$0x1020];
	v14 =	vmin.f32 v13, v17;
	v10 =	vmax.f32 v13, v17;
	v18 =	vmin.f32 v16, v60  }
0x45f: {  	v20 =	vld [tilespmem:s26+$0x1030];
	v19 =	vmax.f32 v16, v60;
	v6 =	vmax.f32 v6, v60;
	v9 =	vmin.f32 v9, v10  }
0x460: {  	v12 =	vmin.f32 v14, v19;
	v10 =	vmax.f32 v14, v19;
	v22 =	vmax.f32 v18, v63  }
0x461: {  	v21 =	vmin.f32 v18, v63;
	v9 =	vmin.f32 v9, v10;
	v10 =	vmax.f32 v12, v22  }
0x462: {  	v6 =	vmax.f32 v6, v63;
	v23 =	vmin.f32 v12, v22;
	v9 =	vmin.f32 v9, v10  }
0x463: {  	v24 =	vmin.f32 v21, v7;
	v25 =	vmax.f32 v21, v7;
	v6 =	vmax.f32 v6, v7  }
0x464: {  	v7 =	vmin.f32 v23, v25;
	v8 =	vmax.f32 v23, v25;
	v26 =	vmin.f32 v24, v20  }
0x465: {  	v27 =	vmax.f32 v24, v20;
	v6 =	vmax.f32 v6, v20;
	v8 =	vmin.f32 v9, v8  }
0x466: {  	v28 =	vmin.f32 v7, v27;
	v7 =	vmax.f32 v7, v27;
	v29 =	vperm.xlane v26, v0  }
0x467: {  	v31 =	vperm.xlane v6, v0;
	v7 =	vmin.f32 v8, v7;
	v30 =	vperm.xlane v28, v0  }
0x468: {  	v32 =	vperm.xlane v7, v0;
	v33 =	vmin.f32 v26, v29;
	v9 =	vmax.f32 v26, v29  }
0x469: {  	v6 =	vmax.f32 v6, v31;
	v10 =	vmin.f32 v28, v9;
	v9 =	vmax.f32 v28, v9  }
0x46a: {  	v34 =	vmin.f32 v33, v30;
	v8 =	vmax.f32 v33, v30;
	v12 =	vperm.xlane v6, v1  }
0x46b: {  	v7 =	vmin.f32 v7, v9;
	v35 =	vmin.f32 v10, v8;
	v8 =	vmax.f32 v10, v8  }
0x46c: {  	v36 =	vmin.f32 v34, v32;
	v37 =	vmax.f32 v34, v32;
	v7 =	vmin.f32 v7, v8  }
0x46d: {  	v11 =	vmin.f32 v35, v37;
	v9 =	vmax.f32 v35, v37;
	v38 =	vperm.xlane v36, v1  }
0x46e: {  	v6 =	vmax.f32 v6, v12;
	v7 =	vmin.f32 v7, v9;
	v39 =	vperm.xlane v11, v1  }
0x46f: {  	v42 =	vperm.xlane v6, v2;
	v40 =	vperm.xlane v7, v1;
	v41 =	vmax.f32 v36, v38  }
0x470: {  	v8 =	vmin.f32 v36, v38;
	v43 =	vmin.f32 v11, v41;
	v11 =	vmax.f32 v11, v41  }
0x471: {  	v44 =	vmin.f32 v8, v39;
	v8 =	vmax.f32 v8, v39;
	v6 =	vmax.f32 v6, v42  }
0x472: {  	v7 =	vmin.f32 v7, v11;
	v9 =	vmin.f32 v43, v8;
	v8 =	vmax.f32 v43, v8  }
0x473: {  	v45 =	vmin.f32 v44, v40;
	v46 =	vmax.f32 v44, v40;
	v47 =	vperm.xlane v6, v3  }
0x474: {  	v7 =	vmin.f32 v7, v8;
	v48 =	vmax.f32 v9, v46;
	v49 =	vperm.xlane v45, v2  }
0x475: {  	v9 =	vmin.f32 v9, v46;
	v7 =	vmin.f32 v7, v48  }
0x476: {  	v50 =	vperm.xlane v9, v2;
	v6 =	vmax.f32 v6, v47;
	v51 =	vmax.f32 v45, v49  }
0x477: {  	v52 =	vperm.xlane v7, v2;
	v10 =	vmin.f32 v45, v49;
	v53 =	vmin.f32 v9, v51  }
0x478: {  	v9 =	vmax.f32 v9, v51;
	v54 =	vmin.f32 v10, v50;
	v8 =	vmax.f32 v10, v50  }
0x479: {  	v7 =	vmin.f32 v7, v9;
	v55 =	vmin.f32 v53, v8;
	v8 =	vmax.f32 v53, v8  }
0x47a: {  	v56 =	vmin.f32 v54, v52;
	v57 =	vmax.f32 v54, v52;
	v7 =	vmin.f32 v7, v8  }
0x47b: {  	v11 =	vmin.f32 v55, v57;
	v9 =	vmax.f32 v55, v57;
	v58 =	vperm.xlane v56, v3  }
0x47c: {  	v6 =	vmul.f32 $1.442695020e+00, v6;
	v7 =	vmin.f32 v7, v9;
	v59 =	vperm.xlane v11, v3  }
0x47d: {  	v60 =	vperm.xlane v7, v3;
	v61 =	vmin.f32 v56, v58;
	v8 =	vmax.f32 v56, v58  }
0x47e: {  	v10 =	vmin.f32 v11, v8;
	v62 =	vmin.f32 v61, v59;
	v9 =	vmax.f32 v61, v59  }
0x47f: {  	v13 =	vmin.f32 v10, v9;
	v12 =	vmax.f32 v62, v60  }
0x480: {  	(erf) = vpow2.f32 v6;
	v14 =	vmin.f32 v13, v12  }
0x481: {  	v6 =	vmul.f32 $1.442695020e+00, v14;
	_ =	sdelay $0x1  }
0x482: {  	(erf) = vpow2.f32 v6;
	_ =	sdelay $0x2  }
0x483: {  	v6 =	vmax.f32 v11, v8  }
0x484: {  	v6 =	vmin.f32 v7, v6;
	v7 =	vmax.f32 v10, v9  }
0x485: {  	v6 =	vmin.f32 v6, v7;
	v7 =	vmax.f32 v13, v12  }
0x486: {  	v63 =	vpop (erf);
	v6 =	vmin.f32 v6, v7  }
0x487: {  	v8 =	vadd.f32 v63, v63;
	(erf) = vrcp.f32 v6;
	_ =	sdelay $0x1  }
0x488: {  	v7 =	vadd.f32 $1.000000000e+00, v8;
	v6 =	vpop (erf)  }
0x489: {  	v6 =	vadd.f32 $1.000000000e+00, v6  }
0x48a: {  	(erf) = vrcp.f32 v7  }
0x48b: {  	(erf) = vrcp.f32 v6;
	_ =	sdelay $0x3  }
0x48c: {  	v6 =	vpop (erf)  }
0x48d: {  	v6 =	vmul.f32 v6, v14;
	_ =	sdelay $0x2  }
0x48e: {  	v7 =	vpop (erf)  }
0x48f: {  	vm0 =	vlt.f32 v6, $6.000000240e-01;
	v6 =	vpop (erf)  }
0x490: {  	v6 =	vsel vm0, v6, v7  }
0x491: {  	v7 =	vmov s24;
	v6 =	vadd.f32 v6, v6  }
0x492: {  	vm15 =	veq.s32 v7, v4  }
0x493: {  	v5 =	vsel vm15, v6, v5  }
0x494: {  	[tilespmem:$0x5200] =	vst v5  }
0x495: {  	[hbm4b:s12+s2] =	stream.linear.scatter [tilespmem:s21], [sflag:$0x3], $0x80, $0x38;
	[tilespmem:$0x5400] =	vst v63  }
0x496: {  	_ =	swait.ge [sflag:s22], $0x80  }
0x497: {  	[sflag:s22] =	ssyncset.done $0x0  }
0x498: {  	[sflag:s22] =	ssyncadd.s32 $0xFFFFFF80  }
0x499: {  	_ =	swait.ge [sflag:s22], $0x80  }
0x49a: {  	[sflag:s22] =	ssyncset.done $0x0  }
0x49b: {  	[sflag:s22] =	ssyncadd.s32 $0xFFFFFF80  }
0x49c: {  	_ =	swait.ge [sflag:s22], $0x80  }
0x49d: {  	[sflag:s22] =	ssyncset.done $0x0  }
0x49e: {  	s23 =	sadd.s32 $0x1, s23;
	[sflag:s22] =	ssyncadd.s32 $0xFFFFFF80  }
0x49f: {  	p0 =	sne.s32 s23, s13;
	_ =	swait.ge [sflag:s22], $0x80  }
.Ltmp5:
0x4a0: {  	[sflag:s22] =	ssyncset.done $0x0;
	(pc) =	sbr.rel @p0 .LBB2_1-.Ltmp5, $4  }
0x4a1: {  	[sflag:s22] =	ssyncadd.s32 $0xFFFFFF80  }
0x4a2: {  	_ =	swait.ge [sflag:s22], $0x80  }
0x4a3: {  	[sflag:s22] =	ssyncset.done $0x0  }
0x4a4: {  	[sflag:s22] =	ssyncadd.s32 $0xFFFFFF80  }
0x4a5: {  	_ =	sfence.sel $0x180000  }
0x4a6: {  	[bflag:$0x0] =	sbarrier.arrive $0xFFFF  }
0x4a7: {  	p0 =	sne.s32 s1, $0x0;
	_ =	strace $0x90000047  }
0x4a8: {  	s0 =	sadd.s32 @!p0 $0x100000, s0;
	[bflag:$0x2] =	sbarrier.arrive $0xFFFF  }
0x4a9: {  	[sflag:s0] =	ssyncadd.tile.s32 @!p0 $0x1;
	_ =	shalt  }
.Lfunc_end2:
_tile_overlayer_lowered:
.L_overlay_start_2:
0x4aa: {  	(tag) =	ssettag $0x2  }
0x4ab: {  	s0 =	rddreg [dreg:$0x0];
	s2 =	stileid.u32  }
0x4ac: {  	s1 =	rddreg [dreg:$0x1];
	p0 =	sne.s32 s2, $0x0  }
0x4ad: {  	s3 =	rddreg [dreg:$0x2];
	[bflag:$0x3] =	sbarrier.arrive $0xFFFF;
	s2 =	simm.s32 @!p0 $0x1C04  }
0x4ae: {  	[timem:s3], [sflag:s2] =	dma.local @!p0 [hbm:s0], s1  }
0x4af: {  	s0 =	simm.s32 @!p0 $0x4  }
0x4b0: {  	_ =	swait.ge @!p0 [sflag:s0], s1  }
0x4b1: {  	s1 =	ssub.s32 @!p0 $0x0, s1;
	[sflag:s0] =	ssyncset.done @!p0 $0x0  }
0x4b2: {  	[sflag:s0] =	ssyncadd.s32 @!p0 s1  }
0x4b3: {  	[bflag:$0x3] =	sbarrier.arrive $0xFFFF  }
0x4b4: {  	_ =	shalt  }

</sc_bundles>
